<compile_context>
chip_gen: v7x
topology: tpu7x:2x2x1
jax: 0.10.2.dev20260603
libtpu: 0.0.44.dev20260713+nightly
codegen_flags: <defaults>
</compile_context>

<pallas_src>
import functools

import jax
import jax.numpy as jnp
from jax import lax
from jax.experimental import pallas as pl
from jax.experimental.pallas import tpu as pltpu
from jax.experimental.pallas import tpu_sc as plsc

_MAX_CTX = 32768
_B, _L, _D = 4, 8192, 1024

_NC, _NS = 2, 16
_NW = _NC * _NS
_SC_BASE = 24576
_SC_ROWS = 8192
_ROWS_PER_W = _SC_ROWS // _NW
_SC_NBUF = 4
_SC_CHUNK = 16
_SC_NCHUNK = _ROWS_PER_W // _SC_CHUNK
assert _SC_NCHUNK % _SC_NBUF == 0

_TC_ROWS = _SC_BASE
_TC_NBUF = 4
_TC_CHUNK = 2048
_TC_NCHUNK = _TC_ROWS // _TC_CHUNK
assert _TC_NCHUNK % _TC_NBUF == 0

_mesh = plsc.VectorSubcoreMesh(core_axis_name="c", subcore_axis_name="s")


@functools.partial(
    pl.kernel,
    out_type=jax.ShapeDtypeStruct((8,), jnp.float32),
    mesh=_mesh,
    scratch_types=[
        pltpu.VMEM((_SC_NBUF, _SC_CHUNK, _D), jnp.float32),
        pltpu.SemaphoreType.DMA((_SC_NBUF,)),
        pltpu.SemaphoreType.DMA((_SC_NBUF,)),
        pltpu.SemaphoreType.DMA((_SC_NBUF,)),
    ],
    compiler_params=pltpu.CompilerParams(has_side_effects=True),
)
def _sc_copy(src_hbm, h_hbm, mem_hbm, _dummy, buf, rsem, w1sem, w2sem):
    wid = lax.axis_index("s") * _NC + lax.axis_index("c")
    base = _SC_BASE + wid * _ROWS_PER_W

    ngroups = _SC_NCHUNK // _SC_NBUF
    for g in range(ngroups):
        for b in range(_SC_NBUF):
            c = base + (g * _SC_NBUF + b) * _SC_CHUNK
            if g > 0:
                pc = c - _SC_NBUF * _SC_CHUNK
                pltpu.make_async_copy(
                    buf.at[b], mem_hbm.at[pl.ds(pc, _SC_CHUNK)], w1sem.at[b]
                ).wait()
                pltpu.make_async_copy(
                    buf.at[b], h_hbm.at[3, pl.ds(pc - _SC_BASE, _SC_CHUNK)], w2sem.at[b]
                ).wait()
            pltpu.make_async_copy(
                src_hbm.at[pl.ds(c, _SC_CHUNK)], buf.at[b], rsem.at[b]
            ).start()
        for b in range(_SC_NBUF):
            c = base + (g * _SC_NBUF + b) * _SC_CHUNK
            pltpu.make_async_copy(
                src_hbm.at[pl.ds(c, _SC_CHUNK)], buf.at[b], rsem.at[b]
            ).wait()
            pltpu.make_async_copy(
                buf.at[b], mem_hbm.at[pl.ds(c, _SC_CHUNK)], w1sem.at[b]
            ).start()
            pltpu.make_async_copy(
                buf.at[b], h_hbm.at[3, pl.ds(c - _SC_BASE, _SC_CHUNK)], w2sem.at[b]
            ).start()
    for b in range(_SC_NBUF):
        c = base + ((_SC_NCHUNK - _SC_NBUF) + b) * _SC_CHUNK
        pltpu.make_async_copy(
            buf.at[b], mem_hbm.at[pl.ds(c, _SC_CHUNK)], w1sem.at[b]
        ).wait()
        pltpu.make_async_copy(
            buf.at[b], h_hbm.at[3, pl.ds(c - _SC_BASE, _SC_CHUNK)], w2sem.at[b]
        ).wait()


def _alloc_h_kernel(dst_ref):
    pass


def _alloc_mem_kernel(dst_ref):
    pass


def _tc_copy_kernel(src_ref, h_ref, mem_ref, _dummy, buf, rsem, w1sem, w2sem):
    chunks_per_batch = _L // _TC_CHUNK

    def h_slot(c):
        return (c // chunks_per_batch, pl.ds((c % chunks_per_batch) * _TC_CHUNK, _TC_CHUNK))

    ngroups = _TC_NCHUNK // _TC_NBUF
    for g in range(ngroups):
        for b in range(_TC_NBUF):
            c = g * _TC_NBUF + b
            if g > 0:
                pc = c - _TC_NBUF
                pltpu.make_async_copy(
                    buf.at[b], mem_ref.at[pl.ds(pc * _TC_CHUNK, _TC_CHUNK), :], w1sem.at[b]
                ).wait()
                bi, rs = h_slot(pc)
                pltpu.make_async_copy(
                    buf.at[b], h_ref.at[bi, rs, :], w2sem.at[b]
                ).wait()
            pltpu.make_async_copy(
                src_ref.at[pl.ds(c * _TC_CHUNK, _TC_CHUNK), :], buf.at[b], rsem.at[b]
            ).start()
        for b in range(_TC_NBUF):
            c = g * _TC_NBUF + b
            pltpu.make_async_copy(
                src_ref.at[pl.ds(c * _TC_CHUNK, _TC_CHUNK), :], buf.at[b], rsem.at[b]
            ).wait()
            pltpu.make_async_copy(
                buf.at[b], mem_ref.at[pl.ds(c * _TC_CHUNK, _TC_CHUNK), :], w1sem.at[b]
            ).start()
            bi, rs = h_slot(c)
            pltpu.make_async_copy(
                buf.at[b], h_ref.at[bi, rs, :], w2sem.at[b]
            ).start()
    g = ngroups - 1
    for b in range(_TC_NBUF):
        c = g * _TC_NBUF + b
        pltpu.make_async_copy(
            buf.at[b], mem_ref.at[pl.ds(c * _TC_CHUNK, _TC_CHUNK), :], w1sem.at[b]
        ).wait()
        bi, rs = h_slot(c)
        pltpu.make_async_copy(
            buf.at[b], h_ref.at[bi, rs, :], w2sem.at[b]
        ).wait()


def kernel(h, mem):
    b, l, d = h.shape
    assert (b, l, d) == (_B, _L, _D)
    flat = h.reshape(b * l, d)

    out_h = pl.pallas_call(
        _alloc_h_kernel,
        out_specs=pl.BlockSpec(memory_space=pl.ANY),
        out_shape=jax.ShapeDtypeStruct((b, l, d), h.dtype),
    )()
    out_mem = pl.pallas_call(
        _alloc_mem_kernel,
        out_specs=pl.BlockSpec(memory_space=pl.ANY),
        out_shape=jax.ShapeDtypeStruct((b * l, d), h.dtype),
    )()

    tc_dummy = pl.pallas_call(
        _tc_copy_kernel,
        in_specs=[
            pl.BlockSpec(memory_space=pl.ANY),
            pl.BlockSpec(memory_space=pl.ANY),
            pl.BlockSpec(memory_space=pl.ANY),
        ],
        out_specs=pl.BlockSpec(memory_space=pl.ANY),
        out_shape=jax.ShapeDtypeStruct((8, 128), h.dtype),
        scratch_shapes=[
            pltpu.VMEM((_TC_NBUF, _TC_CHUNK, _D), h.dtype),
            pltpu.SemaphoreType.DMA((_TC_NBUF,)),
            pltpu.SemaphoreType.DMA((_TC_NBUF,)),
            pltpu.SemaphoreType.DMA((_TC_NBUF,)),
        ],
        compiler_params=pltpu.CompilerParams(
            has_side_effects=True,
            disable_bounds_checks=True,
            disable_semaphore_checks=True,
            skip_device_barrier=True,
        ),
    )(flat, out_h, out_mem)

    sc_dummy = _sc_copy(flat, out_h, out_mem)

    out_h, out_mem, _, _ = lax.optimization_barrier(
        (out_h, out_mem, tc_dummy, sc_dummy)
    )
    return (out_h, out_mem)

# --- scband reference (transcript-rebuilt; emitter-appended) ---
"""Pipeline reference for scband-replay-memory-stack-30709016167042 (READ-ONLY COPY).

The authoritative reference and input builder live on the scoring server;
editing this copy changes nothing except your own understanding.
"""

import jax, jax.numpy as jnp
import numpy as np

MAX_CTX = 32768
DIM = 1024
B, L = 4, 8192

def setup_inputs(seed: int = 0) -> dict:
    key = jax.random.key(seed)
    k1, k2 = jax.random.split(key)
    h = jax.random.normal(k1, (B, L, DIM), dtype=jnp.float32)
    # steady-state prior memory contents (torch buffer after earlier calls);
    # half-full so the concat + tail-slice eviction path is exercised
    mem = jax.random.normal(k2, (MAX_CTX // 2, DIM), dtype=jnp.float32)
    return {"h": h, "mem": mem}

def reference(h, mem):
    b, l, d = h.shape
    flat = h.reshape(b * l, d)
    combined = jnp.concatenate([mem, flat], axis=0)
    new_mem = combined[-MAX_CTX:]
    # torch forward returns h and updates self.mem as a side effect;
    # functional JAX translation returns both (output, new_state)
    return (h, new_mem)

if __name__ == "__main__":
    import jax
    _d = setup_inputs()
    print(jax.jit(kernel)(*tuple(_d.values())))

</pallas_src>

<mosaic_0001>
#map = affine_map<(d0, d1) -> (0, 0)>
#map1 = affine_map<(d0, d1) -> (0, 0, 0)>
#map2 = affine_map<(d0, d1) -> (0)>
module attributes {stable_mosaic.version = 14 : i64} {
  func.func @_sc_copy(%arg0: i32, %arg1: i32, %arg2: memref<32768x1024xf32, #tpu.memory_space<hbm>>, %arg3: memref<4x8192x1024xf32, #tpu.memory_space<hbm>>, %arg4: memref<32768x1024xf32, #tpu.memory_space<hbm>>, %arg5: memref<8xf32, #tpu.memory_space<hbm>>, %arg6: memref<4x16x1024xf32, #tpu.memory_space<vmem>>, %arg7: memref<4x!tpu.dma_semaphore, #tpu.memory_space<semaphore_mem>>, %arg8: memref<4x!tpu.dma_semaphore, #tpu.memory_space<semaphore_mem>>, %arg9: memref<4x!tpu.dma_semaphore, #tpu.memory_space<semaphore_mem>>) attributes {dimension_semantics = [#tpu.dimension_semantics<core_parallel>, #tpu.dimension_semantics<subcore_parallel>], iteration_bounds = array<i64: 2, 16>, scalar_prefetch = 0 : i64, scratch_operands = 4 : i64, tpu.core_type = #tpu.core_type<sc_vector_subcore>, window_params = [{transform_indices = #map}, {transform_indices = #map1}, {transform_indices = #map}, {transform_indices = #map2}]} {
    %mul3A = arith.constant 2 : i32
    %mul3A_0 = arith.muli %arg1, %mul3A : i32
    %add3A = arith.addi %mul3A_0, %arg0 : i32
    %mul3A_1 = arith.constant 256 : i32
    %mul3A_2 = arith.muli %add3A, %mul3A_1 : i32
    %add3A_3 = arith.constant 24576 : i32
    %add3A_4 = arith.addi %add3A_3, %mul3A_2 : i32
    %add3A_5 = arith.constant 0 : i32
    %add3A_6 = arith.addi %add3A_4, %add3A_5 : i32
    %dma_start3A = arith.constant 0 : i32
    %dma_start3A_7 = arith.constant 0 : i32
    %dma_start3A_8 = arith.constant 0 : i32
    %dma_start3A_9 = arith.constant 0 : i32
    %dma_start3A_10 = tpu.memref_slice %arg6[%dma_start3A, %dma_start3A_8, %dma_start3A_9] : memref<4x16x1024xf32, #tpu.memory_space<vmem>> -> memref<1x16x1024xf32, #tpu.memory_space<vmem>>
    %dma_start3A_11 = tpu.memref_squeeze %dma_start3A_10 : memref<1x16x1024xf32, #tpu.memory_space<vmem>> -> memref<16x1024xf32, #tpu.memory_space<vmem>>
    %dma_start3A_12 = arith.constant 0 : i32
    %dma_start3A_13 = tpu.memref_slice %arg2[%add3A_6, %dma_start3A_12] : memref<32768x1024xf32, #tpu.memory_space<hbm>> -> memref<16x1024xf32, #tpu.memory_space<hbm>>
    %dma_start3A_14 = tpu.memref_slice %arg7[%dma_start3A_7] : memref<4x!tpu.dma_semaphore, #tpu.memory_space<semaphore_mem>> -> memref<1x!tpu.dma_semaphore, #tpu.memory_space<semaphore_mem>>
    %dma_start3A_15 = tpu.memref_squeeze %dma_start3A_14 : memref<1x!tpu.dma_semaphore, #tpu.memory_space<semaphore_mem>> -> memref<!tpu.dma_semaphore, #tpu.memory_space<semaphore_mem>>
    %dma_start3A_16 = arith.constant 0 : i32
    %dma_start3A_17 = arith.constant 0 : i32
    %dma_start3A_18 = tpu.memref_slice %arg6[%dma_start3A, %dma_start3A_16, %dma_start3A_17] : memref<4x16x1024xf32, #tpu.memory_space<vmem>> -> memref<1x16x1024xf32, #tpu.memory_space<vmem>>
    %dma_start3A_19 = tpu.memref_squeeze %dma_start3A_18 : memref<1x16x1024xf32, #tpu.memory_space<vmem>> -> memref<16x1024xf32, #tpu.memory_space<vmem>>
    %dma_start3A_20 = arith.constant 0 : i32
    %dma_start3A_21 = tpu.memref_slice %arg2[%add3A_6, %dma_start3A_20] : memref<32768x1024xf32, #tpu.memory_space<hbm>> -> memref<16x1024xf32, #tpu.memory_space<hbm>>
    tpu.enqueue_dma source(%dma_start3A_21 : memref<16x1024xf32, #tpu.memory_space<hbm>>) target(%dma_start3A_19 : memref<16x1024xf32, #tpu.memory_space<vmem>>) target_semaphore(%dma_start3A_15 : memref<!tpu.dma_semaphore, #tpu.memory_space<semaphore_mem>>)
    %add3A_22 = arith.constant 16 : i32
    %add3A_23 = arith.addi %add3A_4, %add3A_22 : i32
    %dma_start3A_24 = arith.constant 1 : i32
    %dma_start3A_25 = arith.constant 1 : i32
    %dma_start3A_26 = arith.constant 0 : i32
    %dma_start3A_27 = arith.constant 0 : i32
    %dma_start3A_28 = tpu.memref_slice %arg6[%dma_start3A_24, %dma_start3A_26, %dma_start3A_27] : memref<4x16x1024xf32, #tpu.memory_space<vmem>> -> memref<1x16x1024xf32, #tpu.memory_space<vmem>>
    %dma_start3A_29 = tpu.memref_squeeze %dma_start3A_28 : memref<1x16x1024xf32, #tpu.memory_space<vmem>> -> memref<16x1024xf32, #tpu.memory_space<vmem>>
    %dma_start3A_30 = arith.constant 0 : i32
    %dma_start3A_31 = tpu.memref_slice %arg2[%add3A_23, %dma_start3A_30] : memref<32768x1024xf32, #tpu.memory_space<hbm>> -> memref<16x1024xf32, #tpu.memory_space<hbm>>
    %dma_start3A_32 = tpu.memref_slice %arg7[%dma_start3A_25] : memref<4x!tpu.dma_semaphore, #tpu.memory_space<semaphore_mem>> -> memref<1x!tpu.dma_semaphore, #tpu.memory_space<semaphore_mem>>
    %dma_start3A_33 = tpu.memref_squeeze %dma_start3A_32 : memref<1x!tpu.dma_semaphore, #tpu.memory_space<semaphore_mem>> -> memref<!tpu.dma_semaphore, #tpu.memory_space<semaphore_mem>>
    %dma_start3A_34 = arith.constant 0 : i32
    %dma_start3A_35 = arith.constant 0 : i32
    %dma_start3A_36 = tpu.memref_slice %arg6[%dma_start3A_24, %dma_start3A_34, %dma_start3A_35] : memref<4x16x1024xf32, #tpu.memory_space<vmem>> -> memref<1x16x1024xf32, #tpu.memory_space<vmem>>
    %dma_start3A_37 = tpu.memref_squeeze %dma_start3A_36 : memref<1x16x1024xf32, #tpu.memory_space<vmem>> -> memref<16x1024xf32, #tpu.memory_space<vmem>>
    %dma_start3A_38 = arith.constant 0 : i32
    %dma_start3A_39 = tpu.memref_slice %arg2[%add3A_23, %dma_start3A_38] : memref<32768x1024xf32, #tpu.memory_space<hbm>> -> memref<16x1024xf32, #tpu.memory_space<hbm>>
    tpu.enqueue_dma source(%dma_start3A_39 : memref<16x1024xf32, #tpu.memory_space<hbm>>) target(%dma_start3A_37 : memref<16x1024xf32, #tpu.memory_space<vmem>>) target_semaphore(%dma_start3A_33 : memref<!tpu.dma_semaphore, #tpu.memory_space<semaphore_mem>>)
    %add3A_40 = arith.constant 32 : i32
    %add3A_41 = arith.addi %add3A_4, %add3A_40 : i32
    %dma_start3A_42 = arith.constant 2 : i32
    %dma_start3A_43 = arith.constant 2 : i32
    %dma_start3A_44 = arith.constant 0 : i32
    %dma_start3A_45 = arith.constant 0 : i32
    %dma_start3A_46 = tpu.memref_slice %arg6[%dma_start3A_42, %dma_start3A_44, %dma_start3A_45] : memref<4x16x1024xf32, #tpu.memory_space<vmem>> -> memref<1x16x1024xf32, #tpu.memory_space<vmem>>
    %dma_start3A_47 = tpu.memref_squeeze %dma_start3A_46 : memref<1x16x1024xf32, #tpu.memory_space<vmem>> -> memref<16x1024xf32, #tpu.memory_space<vmem>>
    %dma_start3A_48 = arith.constant 0 : i32
    %dma_start3A_49 = tpu.memref_slice %arg2[%add3A_41, %dma_start3A_48] : memref<32768x1024xf32, #tpu.memory_space<hbm>> -> memref<16x1024xf32, #tpu.memory_space<hbm>>
    %dma_start3A_50 = tpu.memref_slice %arg7[%dma_start3A_43] : memref<4x!tpu.dma_semaphore, #tpu.memory_space<semaphore_mem>> -> memref<1x!tpu.dma_semaphore, #tpu.memory_space<semaphore_mem>>
    %dma_start3A_51 = tpu.memref_squeeze %dma_start3A_50 : memref<1x!tpu.dma_semaphore, #tpu.memory_space<semaphore_mem>> -> memref<!tpu.dma_semaphore, #tpu.memory_space<semaphore_mem>>
    %dma_start3A_52 = arith.constant 0 : i32
    %dma_start3A_53 = arith.constant 0 : i32
    %dma_start3A_54 = tpu.memref_slice %arg6[%dma_start3A_42, %dma_start3A_52, %dma_start3A_53] : memref<4x16x1024xf32, #tpu.memory_space<vmem>> -> memref<1x16x1024xf32, #tpu.memory_space<vmem>>
    %dma_start3A_55 = tpu.memref_squeeze %dma_start3A_54 : memref<1x16x1024xf32, #tpu.memory_space<vmem>> -> memref<16x1024xf32, #tpu.memory_space<vmem>>
    %dma_start3A_56 = arith.constant 0 : i32
    %dma_start3A_57 = tpu.memref_slice %arg2[%add3A_41, %dma_start3A_56] : memref<32768x1024xf32, #tpu.memory_space<hbm>> -> memref<16x1024xf32, #tpu.memory_space<hbm>>
    tpu.enqueue_dma source(%dma_start3A_57 : memref<16x1024xf32, #tpu.memory_space<hbm>>) target(%dma_start3A_55 : memref<16x1024xf32, #tpu.memory_space<vmem>>) target_semaphore(%dma_start3A_51 : memref<!tpu.dma_semaphore, #tpu.memory_space<semaphore_mem>>)
    %add3A_58 = arith.constant 48 : i32
    %add3A_59 = arith.addi %add3A_4, %add3A_58 : i32
    %dma_start3A_60 = arith.constant 3 : i32
    %dma_start3A_61 = arith.constant 3 : i32
    %dma_start3A_62 = arith.constant 0 : i32
    %dma_start3A_63 = arith.constant 0 : i32
    %dma_start3A_64 = tpu.memref_slice %arg6[%dma_start3A_60, %dma_start3A_62, %dma_start3A_63] : memref<4x16x1024xf32, #tpu.memory_space<vmem>> -> memref<1x16x1024xf32, #tpu.memory_space<vmem>>
    %dma_start3A_65 = tpu.memref_squeeze %dma_start3A_64 : memref<1x16x1024xf32, #tpu.memory_space<vmem>> -> memref<16x1024xf32, #tpu.memory_space<vmem>>
    %dma_start3A_66 = arith.constant 0 : i32
    %dma_start3A_67 = tpu.memref_slice %arg2[%add3A_59, %dma_start3A_66] : memref<32768x1024xf32, #tpu.memory_space<hbm>> -> memref<16x1024xf32, #tpu.memory_space<hbm>>
    %dma_start3A_68 = tpu.memref_slice %arg7[%dma_start3A_61] : memref<4x!tpu.dma_semaphore, #tpu.memory_space<semaphore_mem>> -> memref<1x!tpu.dma_semaphore, #tpu.memory_space<semaphore_mem>>
    %dma_start3A_69 = tpu.memref_squeeze %dma_start3A_68 : memref<1x!tpu.dma_semaphore, #tpu.memory_space<semaphore_mem>> -> memref<!tpu.dma_semaphore, #tpu.memory_space<semaphore_mem>>
    %dma_start3A_70 = arith.constant 0 : i32
    %dma_start3A_71 = arith.constant 0 : i32
    %dma_start3A_72 = tpu.memref_slice %arg6[%dma_start3A_60, %dma_start3A_70, %dma_start3A_71] : memref<4x16x1024xf32, #tpu.memory_space<vmem>> -> memref<1x16x1024xf32, #tpu.memory_space<vmem>>
    %dma_start3A_73 = tpu.memref_squeeze %dma_start3A_72 : memref<1x16x1024xf32, #tpu.memory_space<vmem>> -> memref<16x1024xf32, #tpu.memory_space<vmem>>
    %dma_start3A_74 = arith.constant 0 : i32
    %dma_start3A_75 = tpu.memref_slice %arg2[%add3A_59, %dma_start3A_74] : memref<32768x1024xf32, #tpu.memory_space<hbm>> -> memref<16x1024xf32, #tpu.memory_space<hbm>>
    tpu.enqueue_dma source(%dma_start3A_75 : memref<16x1024xf32, #tpu.memory_space<hbm>>) target(%dma_start3A_73 : memref<16x1024xf32, #tpu.memory_space<vmem>>) target_semaphore(%dma_start3A_69 : memref<!tpu.dma_semaphore, #tpu.memory_space<semaphore_mem>>)
    %add3A_76 = arith.constant 0 : i32
    %add3A_77 = arith.addi %add3A_4, %add3A_76 : i32
    %dma_wait3A = arith.constant 0 : i32
    %dma_wait3A_78 = arith.constant 0 : i32
    %dma_wait3A_79 = arith.constant 0 : i32
    %dma_wait3A_80 = arith.constant 0 : i32
    %dma_wait3A_81 = tpu.memref_slice %arg6[%dma_wait3A, %dma_wait3A_79, %dma_wait3A_80] : memref<4x16x1024xf32, #tpu.memory_space<vmem>> -> memref<1x16x1024xf32, #tpu.memory_space<vmem>>
    %dma_wait3A_82 = tpu.memref_squeeze %dma_wait3A_81 : memref<1x16x1024xf32, #tpu.memory_space<vmem>> -> memref<16x1024xf32, #tpu.memory_space<vmem>>
    %dma_wait3A_83 = arith.constant 0 : i32
    %dma_wait3A_84 = tpu.memref_slice %arg2[%add3A_77, %dma_wait3A_83] : memref<32768x1024xf32, #tpu.memory_space<hbm>> -> memref<16x1024xf32, #tpu.memory_space<hbm>>
    %dma_wait3A_85 = tpu.memref_slice %arg7[%dma_wait3A_78] : memref<4x!tpu.dma_semaphore, #tpu.memory_space<semaphore_mem>> -> memref<1x!tpu.dma_semaphore, #tpu.memory_space<semaphore_mem>>
    %dma_wait3A_86 = tpu.memref_squeeze %dma_wait3A_85 : memref<1x!tpu.dma_semaphore, #tpu.memory_space<semaphore_mem>> -> memref<!tpu.dma_semaphore, #tpu.memory_space<semaphore_mem>>
    %dma_wait3A_87 = arith.constant 0 : i32
    %dma_wait3A_88 = arith.constant 0 : i32
    %dma_wait3A_89 = tpu.memref_slice %arg6[%dma_wait3A, %dma_wait3A_87, %dma_wait3A_88] : memref<4x16x1024xf32, #tpu.memory_space<vmem>> -> memref<1x16x1024xf32, #tpu.memory_space<vmem>>
    %dma_wait3A_90 = tpu.memref_squeeze %dma_wait3A_89 : memref<1x16x1024xf32, #tpu.memory_space<vmem>> -> memref<16x1024xf32, #tpu.memory_space<vmem>>
    %dma_wait3A_91 = arith.constant 0 : i32
    %dma_wait3A_92 = tpu.memref_slice %arg2[%add3A_77, %dma_wait3A_91] : memref<32768x1024xf32, #tpu.memory_space<hbm>> -> memref<16x1024xf32, #tpu.memory_space<hbm>>
    tpu.wait_dma2 semaphore(%dma_wait3A_86 : memref<!tpu.dma_semaphore, #tpu.memory_space<semaphore_mem>>) src(%dma_wait3A_92 : memref<16x1024xf32, #tpu.memory_space<hbm>>) dst(%dma_wait3A_90 : memref<16x1024xf32, #tpu.memory_space<vmem>>)
    %dma_start3A_93 = arith.constant 0 : i32
    %dma_start3A_94 = arith.constant 0 : i32
    %dma_start3A_95 = arith.constant 0 : i32
    %dma_start3A_96 = arith.constant 0 : i32
    %dma_start3A_97 = tpu.memref_slice %arg6[%dma_start3A_93, %dma_start3A_95, %dma_start3A_96] : memref<4x16x1024xf32, #tpu.memory_space<vmem>> -> memref<1x16x1024xf32, #tpu.memory_space<vmem>>
    %dma_start3A_98 = tpu.memref_squeeze %dma_start3A_97 : memref<1x16x1024xf32, #tpu.memory_space<vmem>> -> memref<16x1024xf32, #tpu.memory_space<vmem>>
    %dma_start3A_99 = arith.constant 0 : i32
    %dma_start3A_100 = tpu.memref_slice %arg4[%add3A_77, %dma_start3A_99] : memref<32768x1024xf32, #tpu.memory_space<hbm>> -> memref<16x1024xf32, #tpu.memory_space<hbm>>
    %dma_start3A_101 = tpu.memref_slice %arg8[%dma_start3A_94] : memref<4x!tpu.dma_semaphore, #tpu.memory_space<semaphore_mem>> -> memref<1x!tpu.dma_semaphore, #tpu.memory_space<semaphore_mem>>
    %dma_start3A_102 = tpu.memref_squeeze %dma_start3A_101 : memref<1x!tpu.dma_semaphore, #tpu.memory_space<semaphore_mem>> -> memref<!tpu.dma_semaphore, #tpu.memory_space<semaphore_mem>>
    %dma_start3A_103 = arith.constant 0 : i32
    %dma_start3A_104 = tpu.memref_slice %arg4[%add3A_77, %dma_start3A_103] : memref<32768x1024xf32, #tpu.memory_space<hbm>> -> memref<16x1024xf32, #tpu.memory_space<hbm>>
    %dma_start3A_105 = arith.constant 0 : i32
    %dma_start3A_106 = arith.constant 0 : i32
    %dma_start3A_107 = tpu.memref_slice %arg6[%dma_start3A_93, %dma_start3A_105, %dma_start3A_106] : memref<4x16x1024xf32, #tpu.memory_space<vmem>> -> memref<1x16x1024xf32, #tpu.memory_space<vmem>>
    %dma_start3A_108 = tpu.memref_squeeze %dma_start3A_107 : memref<1x16x1024xf32, #tpu.memory_space<vmem>> -> memref<16x1024xf32, #tpu.memory_space<vmem>>
    tpu.enqueue_dma source(%dma_start3A_108 : memref<16x1024xf32, #tpu.memory_space<vmem>>) target(%dma_start3A_104 : memref<16x1024xf32, #tpu.memory_space<hbm>>) target_semaphore(%dma_start3A_102 : memref<!tpu.dma_semaphore, #tpu.memory_space<semaphore_mem>>)
    %sub3A = arith.constant 24576 : i32
    %sub3A_109 = arith.subi %add3A_77, %sub3A : i32
    %dma_start3A_110 = arith.constant 0 : i32
    %dma_start3A_111 = arith.constant 3 : i32
    %dma_start3A_112 = arith.constant 0 : i32
    %dma_start3A_113 = arith.constant 0 : i32
    %dma_start3A_114 = arith.constant 0 : i32
    %dma_start3A_115 = tpu.memref_slice %arg6[%dma_start3A_110, %dma_start3A_113, %dma_start3A_114] : memref<4x16x1024xf32, #tpu.memory_space<vmem>> -> memref<1x16x1024xf32, #tpu.memory_space<vmem>>
    %dma_start3A_116 = tpu.memref_squeeze %dma_start3A_115 : memref<1x16x1024xf32, #tpu.memory_space<vmem>> -> memref<16x1024xf32, #tpu.memory_space<vmem>>
    %dma_start3A_117 = arith.constant 0 : i32
    %dma_start3A_118 = tpu.memref_slice %arg3[%dma_start3A_111, %sub3A_109, %dma_start3A_117] : memref<4x8192x1024xf32, #tpu.memory_space<hbm>> -> memref<1x16x1024xf32, #tpu.memory_space<hbm>>
    %dma_start3A_119 = tpu.memref_squeeze %dma_start3A_118 : memref<1x16x1024xf32, #tpu.memory_space<hbm>> -> memref<16x1024xf32, #tpu.memory_space<hbm>>
    %dma_start3A_120 = tpu.memref_slice %arg9[%dma_start3A_112] : memref<4x!tpu.dma_semaphore, #tpu.memory_space<semaphore_mem>> -> memref<1x!tpu.dma_semaphore, #tpu.memory_space<semaphore_mem>>
    %dma_start3A_121 = tpu.memref_squeeze %dma_start3A_120 : memref<1x!tpu.dma_semaphore, #tpu.memory_space<semaphore_mem>> -> memref<!tpu.dma_semaphore, #tpu.memory_space<semaphore_mem>>
    %dma_start3A_122 = arith.constant 0 : i32
    %dma_start3A_123 = tpu.memref_slice %arg3[%dma_start3A_111, %sub3A_109, %dma_start3A_122] : memref<4x8192x1024xf32, #tpu.memory_space<hbm>> -> memref<1x16x1024xf32, #tpu.memory_space<hbm>>
    %dma_start3A_124 = tpu.memref_squeeze %dma_start3A_123 : memref<1x16x1024xf32, #tpu.memory_space<hbm>> -> memref<16x1024xf32, #tpu.memory_space<hbm>>
    %dma_start3A_125 = arith.constant 0 : i32
    %dma_start3A_126 = arith.constant 0 : i32
    %dma_start3A_127 = tpu.memref_slice %arg6[%dma_start3A_110, %dma_start3A_125, %dma_start3A_126] : memref<4x16x1024xf32, #tpu.memory_space<vmem>> -> memref<1x16x1024xf32, #tpu.memory_space<vmem>>
    %dma_start3A_128 = tpu.memref_squeeze %dma_start3A_127 : memref<1x16x1024xf32, #tpu.memory_space<vmem>> -> memref<16x1024xf32, #tpu.memory_space<vmem>>
    tpu.enqueue_dma source(%dma_start3A_128 : memref<16x1024xf32, #tpu.memory_space<vmem>>) target(%dma_start3A_124 : memref<16x1024xf32, #tpu.memory_space<hbm>>) target_semaphore(%dma_start3A_121 : memref<!tpu.dma_semaphore, #tpu.memory_space<semaphore_mem>>)
    %add3A_129 = arith.constant 16 : i32
    %add3A_130 = arith.addi %add3A_4, %add3A_129 : i32
    %dma_wait3A_131 = arith.constant 1 : i32
    %dma_wait3A_132 = arith.constant 1 : i32
    %dma_wait3A_133 = arith.constant 0 : i32
    %dma_wait3A_134 = arith.constant 0 : i32
    %dma_wait3A_135 = tpu.memref_slice %arg6[%dma_wait3A_131, %dma_wait3A_133, %dma_wait3A_134] : memref<4x16x1024xf32, #tpu.memory_space<vmem>> -> memref<1x16x1024xf32, #tpu.memory_space<vmem>>
    %dma_wait3A_136 = tpu.memref_squeeze %dma_wait3A_135 : memref<1x16x1024xf32, #tpu.memory_space<vmem>> -> memref<16x1024xf32, #tpu.memory_space<vmem>>
    %dma_wait3A_137 = arith.constant 0 : i32
    %dma_wait3A_138 = tpu.memref_slice %arg2[%add3A_130, %dma_wait3A_137] : memref<32768x1024xf32, #tpu.memory_space<hbm>> -> memref<16x1024xf32, #tpu.memory_space<hbm>>
    %dma_wait3A_139 = tpu.memref_slice %arg7[%dma_wait3A_132] : memref<4x!tpu.dma_semaphore, #tpu.memory_space<semaphore_mem>> -> memref<1x!tpu.dma_semaphore, #tpu.memory_space<semaphore_mem>>
    %dma_wait3A_140 = tpu.memref_squeeze %dma_wait3A_139 : memref<1x!tpu.dma_semaphore, #tpu.memory_space<semaphore_mem>> -> memref<!tpu.dma_semaphore, #tpu.memory_space<semaphore_mem>>
    %dma_wait3A_141 = arith.constant 0 : i32
    %dma_wait3A_142 = arith.constant 0 : i32
    %dma_wait3A_143 = tpu.memref_slice %arg6[%dma_wait3A_131, %dma_wait3A_141, %dma_wait3A_142] : memref<4x16x1024xf32, #tpu.memory_space<vmem>> -> memref<1x16x1024xf32, #tpu.memory_space<vmem>>
    %dma_wait3A_144 = tpu.memref_squeeze %dma_wait3A_143 : memref<1x16x1024xf32, #tpu.memory_space<vmem>> -> memref<16x1024xf32, #tpu.memory_space<vmem>>
    %dma_wait3A_145 = arith.constant 0 : i32
    %dma_wait3A_146 = tpu.memref_slice %arg2[%add3A_130, %dma_wait3A_145] : memref<32768x1024xf32, #tpu.memory_space<hbm>> -> memref<16x1024xf32, #tpu.memory_space<hbm>>
    tpu.wait_dma2 semaphore(%dma_wait3A_140 : memref<!tpu.dma_semaphore, #tpu.memory_space<semaphore_mem>>) src(%dma_wait3A_146 : memref<16x1024xf32, #tpu.memory_space<hbm>>) dst(%dma_wait3A_144 : memref<16x1024xf32, #tpu.memory_space<vmem>>)
    %dma_start3A_147 = arith.constant 1 : i32
    %dma_start3A_148 = arith.constant 1 : i32
    %dma_start3A_149 = arith.constant 0 : i32
    %dma_start3A_150 = arith.constant 0 : i32
    %dma_start3A_151 = tpu.memref_slice %arg6[%dma_start3A_147, %dma_start3A_149, %dma_start3A_150] : memref<4x16x1024xf32, #tpu.memory_space<vmem>> -> memref<1x16x1024xf32, #tpu.memory_space<vmem>>
    %dma_start3A_152 = tpu.memref_squeeze %dma_start3A_151 : memref<1x16x1024xf32, #tpu.memory_space<vmem>> -> memref<16x1024xf32, #tpu.memory_space<vmem>>
    %dma_start3A_153 = arith.constant 0 : i32
    %dma_start3A_154 = tpu.memref_slice %arg4[%add3A_130, %dma_start3A_153] : memref<32768x1024xf32, #tpu.memory_space<hbm>> -> memref<16x1024xf32, #tpu.memory_space<hbm>>
    %dma_start3A_155 = tpu.memref_slice %arg8[%dma_start3A_148] : memref<4x!tpu.dma_semaphore, #tpu.memory_space<semaphore_mem>> -> memref<1x!tpu.dma_semaphore, #tpu.memory_space<semaphore_mem>>
    %dma_start3A_156 = tpu.memref_squeeze %dma_start3A_155 : memref<1x!tpu.dma_semaphore, #tpu.memory_space<semaphore_mem>> -> memref<!tpu.dma_semaphore, #tpu.memory_space<semaphore_mem>>
    %dma_start3A_157 = arith.constant 0 : i32
    %dma_start3A_158 = tpu.memref_slice %arg4[%add3A_130, %dma_start3A_157] : memref<32768x1024xf32, #tpu.memory_space<hbm>> -> memref<16x1024xf32, #tpu.memory_space<hbm>>
    %dma_start3A_159 = arith.constant 0 : i32
    %dma_start3A_160 = arith.constant 0 : i32
    %dma_start3A_161 = tpu.memref_slice %arg6[%dma_start3A_147, %dma_start3A_159, %dma_start3A_160] : memref<4x16x1024xf32, #tpu.memory_space<vmem>> -> memref<1x16x1024xf32, #tpu.memory_space<vmem>>
    %dma_start3A_162 = tpu.memref_squeeze %dma_start3A_161 : memref<1x16x1024xf32, #tpu.memory_space<vmem>> -> memref<16x1024xf32, #tpu.memory_space<vmem>>
    tpu.enqueue_dma source(%dma_start3A_162 : memref<16x1024xf32, #tpu.memory_space<vmem>>) target(%dma_start3A_158 : memref<16x1024xf32, #tpu.memory_space<hbm>>) target_semaphore(%dma_start3A_156 : memref<!tpu.dma_semaphore, #tpu.memory_space<semaphore_mem>>)
    %sub3A_163 = arith.constant 24576 : i32
    %sub3A_164 = arith.subi %add3A_130, %sub3A_163 : i32
    %dma_start3A_165 = arith.constant 1 : i32
    %dma_start3A_166 = arith.constant 3 : i32
    %dma_start3A_167 = arith.constant 1 : i32
    %dma_start3A_168 = arith.constant 0 : i32
    %dma_start3A_169 = arith.constant 0 : i32
    %dma_start3A_170 = tpu.memref_slice %arg6[%dma_start3A_165, %dma_start3A_168, %dma_start3A_169] : memref<4x16x1024xf32, #tpu.memory_space<vmem>> -> memref<1x16x1024xf32, #tpu.memory_space<vmem>>
    %dma_start3A_171 = tpu.memref_squeeze %dma_start3A_170 : memref<1x16x1024xf32, #tpu.memory_space<vmem>> -> memref<16x1024xf32, #tpu.memory_space<vmem>>
    %dma_start3A_172 = arith.constant 0 : i32
    %dma_start3A_173 = tpu.memref_slice %arg3[%dma_start3A_166, %sub3A_164, %dma_start3A_172] : memref<4x8192x1024xf32, #tpu.memory_space<hbm>> -> memref<1x16x1024xf32, #tpu.memory_space<hbm>>
    %dma_start3A_174 = tpu.memref_squeeze %dma_start3A_173 : memref<1x16x1024xf32, #tpu.memory_space<hbm>> -> memref<16x1024xf32, #tpu.memory_space<hbm>>
    %dma_start3A_175 = tpu.memref_slice %arg9[%dma_start3A_167] : memref<4x!tpu.dma_semaphore, #tpu.memory_space<semaphore_mem>> -> memref<1x!tpu.dma_semaphore, #tpu.memory_space<semaphore_mem>>
    %dma_start3A_176 = tpu.memref_squeeze %dma_start3A_175 : memref<1x!tpu.dma_semaphore, #tpu.memory_space<semaphore_mem>> -> memref<!tpu.dma_semaphore, #tpu.memory_space<semaphore_mem>>
    %dma_start3A_177 = arith.constant 0 : i32
    %dma_start3A_178 = tpu.memref_slice %arg3[%dma_start3A_166, %sub3A_164, %dma_start3A_177] : memref<4x8192x1024xf32, #tpu.memory_space<hbm>> -> memref<1x16x1024xf32, #tpu.memory_space<hbm>>
    %dma_start3A_179 = tpu.memref_squeeze %dma_start3A_178 : memref<1x16x1024xf32, #tpu.memory_space<hbm>> -> memref<16x1024xf32, #tpu.memory_space<hbm>>
    %dma_start3A_180 = arith.constant 0 : i32
    %dma_start3A_181 = arith.constant 0 : i32
    %dma_start3A_182 = tpu.memref_slice %arg6[%dma_start3A_165, %dma_start3A_180, %dma_start3A_181] : memref<4x16x1024xf32, #tpu.memory_space<vmem>> -> memref<1x16x1024xf32, #tpu.memory_space<vmem>>
    %dma_start3A_183 = tpu.memref_squeeze %dma_start3A_182 : memref<1x16x1024xf32, #tpu.memory_space<vmem>> -> memref<16x1024xf32, #tpu.memory_space<vmem>>
    tpu.enqueue_dma source(%dma_start3A_183 : memref<16x1024xf32, #tpu.memory_space<vmem>>) target(%dma_start3A_179 : memref<16x1024xf32, #tpu.memory_space<hbm>>) target_semaphore(%dma_start3A_176 : memref<!tpu.dma_semaphore, #tpu.memory_space<semaphore_mem>>)
    %add3A_184 = arith.constant 32 : i32
    %add3A_185 = arith.addi %add3A_4, %add3A_184 : i32
    %dma_wait3A_186 = arith.constant 2 : i32
    %dma_wait3A_187 = arith.constant 2 : i32
    %dma_wait3A_188 = arith.constant 0 : i32
    %dma_wait3A_189 = arith.constant 0 : i32
    %dma_wait3A_190 = tpu.memref_slice %arg6[%dma_wait3A_186, %dma_wait3A_188, %dma_wait3A_189] : memref<4x16x1024xf32, #tpu.memory_space<vmem>> -> memref<1x16x1024xf32, #tpu.memory_space<vmem>>
    %dma_wait3A_191 = tpu.memref_squeeze %dma_wait3A_190 : memref<1x16x1024xf32, #tpu.memory_space<vmem>> -> memref<16x1024xf32, #tpu.memory_space<vmem>>
    %dma_wait3A_192 = arith.constant 0 : i32
    %dma_wait3A_193 = tpu.memref_slice %arg2[%add3A_185, %dma_wait3A_192] : memref<32768x1024xf32, #tpu.memory_space<hbm>> -> memref<16x1024xf32, #tpu.memory_space<hbm>>
    %dma_wait3A_194 = tpu.memref_slice %arg7[%dma_wait3A_187] : memref<4x!tpu.dma_semaphore, #tpu.memory_space<semaphore_mem>> -> memref<1x!tpu.dma_semaphore, #tpu.memory_space<semaphore_mem>>
    %dma_wait3A_195 = tpu.memref_squeeze %dma_wait3A_194 : memref<1x!tpu.dma_semaphore, #tpu.memory_space<semaphore_mem>> -> memref<!tpu.dma_semaphore, #tpu.memory_space<semaphore_mem>>
    %dma_wait3A_196 = arith.constant 0 : i32
    %dma_wait3A_197 = arith.constant 0 : i32
    %dma_wait3A_198 = tpu.memref_slice %arg6[%dma_wait3A_186, %dma_wait3A_196, %dma_wait3A_197] : memref<4x16x1024xf32, #tpu.memory_space<vmem>> -> memref<1x16x1024xf32, #tpu.memory_space<vmem>>
    %dma_wait3A_199 = tpu.memref_squeeze %dma_wait3A_198 : memref<1x16x1024xf32, #tpu.memory_space<vmem>> -> memref<16x1024xf32, #tpu.memory_space<vmem>>
    %dma_wait3A_200 = arith.constant 0 : i32
    %dma_wait3A_201 = tpu.memref_slice %arg2[%add3A_185, %dma_wait3A_200] : memref<32768x1024xf32, #tpu.memory_space<hbm>> -> memref<16x1024xf32, #tpu.memory_space<hbm>>
    tpu.wait_dma2 semaphore(%dma_wait3A_195 : memref<!tpu.dma_semaphore, #tpu.memory_space<semaphore_mem>>) src(%dma_wait3A_201 : memref<16x1024xf32, #tpu.memory_space<hbm>>) dst(%dma_wait3A_199 : memref<16x1024xf32, #tpu.memory_space<vmem>>)
    %dma_start3A_202 = arith.constant 2 : i32
    %dma_start3A_203 = arith.constant 2 : i32
    %dma_start3A_204 = arith.constant 0 : i32
    %dma_start3A_205 = arith.constant 0 : i32
    %dma_start3A_206 = tpu.memref_slice %arg6[%dma_start3A_202, %dma_start3A_204, %dma_start3A_205] : memref<4x16x1024xf32, #tpu.memory_space<vmem>> -> memref<1x16x1024xf32, #tpu.memory_space<vmem>>
    %dma_start3A_207 = tpu.memref_squeeze %dma_start3A_206 : memref<1x16x1024xf32, #tpu.memory_space<vmem>> -> memref<16x1024xf32, #tpu.memory_space<vmem>>
    %dma_start3A_208 = arith.constant 0 : i32
    %dma_start3A_209 = tpu.memref_slice %arg4[%add3A_185, %dma_start3A_208] : memref<32768x1024xf32, #tpu.memory_space<hbm>> -> memref<16x1024xf32, #tpu.memory_space<hbm>>
    %dma_start3A_210 = tpu.memref_slice %arg8[%dma_start3A_203] : memref<4x!tpu.dma_semaphore, #tpu.memory_space<semaphore_mem>> -> memref<1x!tpu.dma_semaphore, #tpu.memory_space<semaphore_mem>>
    %dma_start3A_211 = tpu.memref_squeeze %dma_start3A_210 : memref<1x!tpu.dma_semaphore, #tpu.memory_space<semaphore_mem>> -> memref<!tpu.dma_semaphore, #tpu.memory_space<semaphore_mem>>
    %dma_start3A_212 = arith.constant 0 : i32
    %dma_start3A_213 = tpu.memref_slice %arg4[%add3A_185, %dma_start3A_212] : memref<32768x1024xf32, #tpu.memory_space<hbm>> -> memref<16x1024xf32, #tpu.memory_space<hbm>>
    %dma_start3A_214 = arith.constant 0 : i32
    %dma_start3A_215 = arith.constant 0 : i32
    %dma_start3A_216 = tpu.memref_slice %arg6[%dma_start3A_202, %dma_start3A_214, %dma_start3A_215] : memref<4x16x1024xf32, #tpu.memory_space<vmem>> -> memref<1x16x1024xf32, #tpu.memory_space<vmem>>
    %dma_start3A_217 = tpu.memref_squeeze %dma_start3A_216 : memref<1x16x1024xf32, #tpu.memory_space<vmem>> -> memref<16x1024xf32, #tpu.memory_space<vmem>>
    tpu.enqueue_dma source(%dma_start3A_217 : memref<16x1024xf32, #tpu.memory_space<vmem>>) target(%dma_start3A_213 : memref<16x1024xf32, #tpu.memory_space<hbm>>) target_semaphore(%dma_start3A_211 : memref<!tpu.dma_semaphore, #tpu.memory_space<semaphore_mem>>)
    %sub3A_218 = arith.constant 24576 : i32
    %sub3A_219 = arith.subi %add3A_185, %sub3A_218 : i32
    %dma_start3A_220 = arith.constant 2 : i32
    %dma_start3A_221 = arith.constant 3 : i32
    %dma_start3A_222 = arith.constant 2 : i32
    %dma_start3A_223 = arith.constant 0 : i32
    %dma_start3A_224 = arith.constant 0 : i32
    %dma_start3A_225 = tpu.memref_slice %arg6[%dma_start3A_220, %dma_start3A_223, %dma_start3A_224] : memref<4x16x1024xf32, #tpu.memory_space<vmem>> -> memref<1x16x1024xf32, #tpu.memory_space<vmem>>
    %dma_start3A_226 = tpu.memref_squeeze %dma_start3A_225 : memref<1x16x1024xf32, #tpu.memory_space<vmem>> -> memref<16x1024xf32, #tpu.memory_space<vmem>>
    %dma_start3A_227 = arith.constant 0 : i32
    %dma_start3A_228 = tpu.memref_slice %arg3[%dma_start3A_221, %sub3A_219, %dma_start3A_227] : memref<4x8192x1024xf32, #tpu.memory_space<hbm>> -> memref<1x16x1024xf32, #tpu.memory_space<hbm>>
    %dma_start3A_229 = tpu.memref_squeeze %dma_start3A_228 : memref<1x16x1024xf32, #tpu.memory_space<hbm>> -> memref<16x1024xf32, #tpu.memory_space<hbm>>
    %dma_start3A_230 = tpu.memref_slice %arg9[%dma_start3A_222] : memref<4x!tpu.dma_semaphore, #tpu.memory_space<semaphore_mem>> -> memref<1x!tpu.dma_semaphore, #tpu.memory_space<semaphore_mem>>
    %dma_start3A_231 = tpu.memref_squeeze %dma_start3A_230 : memref<1x!tpu.dma_semaphore, #tpu.memory_space<semaphore_mem>> -> memref<!tpu.dma_semaphore, #tpu.memory_space<semaphore_mem>>
    %dma_start3A_232 = arith.constant 0 : i32
    %dma_start3A_233 = tpu.memref_slice %arg3[%dma_start3A_221, %sub3A_219, %dma_start3A_232] : memref<4x8192x1024xf32, #tpu.memory_space<hbm>> -> memref<1x16x1024xf32, #tpu.memory_space<hbm>>
    %dma_start3A_234 = tpu.memref_squeeze %dma_start3A_233 : memref<1x16x1024xf32, #tpu.memory_space<hbm>> -> memref<16x1024xf32, #tpu.memory_space<hbm>>
    %dma_start3A_235 = arith.constant 0 : i32
    %dma_start3A_236 = arith.constant 0 : i32
    %dma_start3A_237 = tpu.memref_slice %arg6[%dma_start3A_220, %dma_start3A_235, %dma_start3A_236] : memref<4x16x1024xf32, #tpu.memory_space<vmem>> -> memref<1x16x1024xf32, #tpu.memory_space<vmem>>
    %dma_start3A_238 = tpu.memref_squeeze %dma_start3A_237 : memref<1x16x1024xf32, #tpu.memory_space<vmem>> -> memref<16x1024xf32, #tpu.memory_space<vmem>>
    tpu.enqueue_dma source(%dma_start3A_238 : memref<16x1024xf32, #tpu.memory_space<vmem>>) target(%dma_start3A_234 : memref<16x1024xf32, #tpu.memory_space<hbm>>) target_semaphore(%dma_start3A_231 : memref<!tpu.dma_semaphore, #tpu.memory_space<semaphore_mem>>)
    %add3A_239 = arith.constant 48 : i32
    %add3A_240 = arith.addi %add3A_4, %add3A_239 : i32
    %dma_wait3A_241 = arith.constant 3 : i32
    %dma_wait3A_242 = arith.constant 3 : i32
    %dma_wait3A_243 = arith.constant 0 : i32
    %dma_wait3A_244 = arith.constant 0 : i32
    %dma_wait3A_245 = tpu.memref_slice %arg6[%dma_wait3A_241, %dma_wait3A_243, %dma_wait3A_244] : memref<4x16x1024xf32, #tpu.memory_space<vmem>> -> memref<1x16x1024xf32, #tpu.memory_space<vmem>>
    %dma_wait3A_246 = tpu.memref_squeeze %dma_wait3A_245 : memref<1x16x1024xf32, #tpu.memory_space<vmem>> -> memref<16x1024xf32, #tpu.memory_space<vmem>>
    %dma_wait3A_247 = arith.constant 0 : i32
    %dma_wait3A_248 = tpu.memref_slice %arg2[%add3A_240, %dma_wait3A_247] : memref<32768x1024xf32, #tpu.memory_space<hbm>> -> memref<16x1024xf32, #tpu.memory_space<hbm>>
    %dma_wait3A_249 = tpu.memref_slice %arg7[%dma_wait3A_242] : memref<4x!tpu.dma_semaphore, #tpu.memory_space<semaphore_mem>> -> memref<1x!tpu.dma_semaphore, #tpu.memory_space<semaphore_mem>>
    %dma_wait3A_250 = tpu.memref_squeeze %dma_wait3A_249 : memref<1x!tpu.dma_semaphore, #tpu.memory_space<semaphore_mem>> -> memref<!tpu.dma_semaphore, #tpu.memory_space<semaphore_mem>>
    %dma_wait3A_251 = arith.constant 0 : i32
    %dma_wait3A_252 = arith.constant 0 : i32
    %dma_wait3A_253 = tpu.memref_slice %arg6[%dma_wait3A_241, %dma_wait3A_251, %dma_wait3A_252] : memref<4x16x1024xf32, #tpu.memory_space<vmem>> -> memref<1x16x1024xf32, #tpu.memory_space<vmem>>
    %dma_wait3A_254 = tpu.memref_squeeze %dma_wait3A_253 : memref<1x16x1024xf32, #tpu.memory_space<vmem>> -> memref<16x1024xf32, #tpu.memory_space<vmem>>
    %dma_wait3A_255 = arith.constant 0 : i32
    %dma_wait3A_256 = tpu.memref_slice %arg2[%add3A_240, %dma_wait3A_255] : memref<32768x1024xf32, #tpu.memory_space<hbm>> -> memref<16x1024xf32, #tpu.memory_space<hbm>>
    tpu.wait_dma2 semaphore(%dma_wait3A_250 : memref<!tpu.dma_semaphore, #tpu.memory_space<semaphore_mem>>) src(%dma_wait3A_256 : memref<16x1024xf32, #tpu.memory_space<hbm>>) dst(%dma_wait3A_254 : memref<16x1024xf32, #tpu.memory_space<vmem>>)
    %dma_start3A_257 = arith.constant 3 : i32
    %dma_start3A_258 = arith.constant 3 : i32
    %dma_start3A_259 = arith.constant 0 : i32
    %dma_start3A_260 = arith.constant 0 : i32
    %dma_start3A_261 = tpu.memref_slice %arg6[%dma_start3A_257, %dma_start3A_259, %dma_start3A_260] : memref<4x16x1024xf32, #tpu.memory_space<vmem>> -> memref<1x16x1024xf32, #tpu.memory_space<vmem>>
    %dma_start3A_262 = tpu.memref_squeeze %dma_start3A_261 : memref<1x16x1024xf32, #tpu.memory_space<vmem>> -> memref<16x1024xf32, #tpu.memory_space<vmem>>
    %dma_start3A_263 = arith.constant 0 : i32
    %dma_start3A_264 = tpu.memref_slice %arg4[%add3A_240, %dma_start3A_263] : memref<32768x1024xf32, #tpu.memory_space<hbm>> -> memref<16x1024xf32, #tpu.memory_space<hbm>>
    %dma_start3A_265 = tpu.memref_slice %arg8[%dma_start3A_258] : memref<4x!tpu.dma_semaphore, #tpu.memory_space<semaphore_mem>> -> memref<1x!tpu.dma_semaphore, #tpu.memory_space<semaphore_mem>>
    %dma_start3A_266 = tpu.memref_squeeze %dma_start3A_265 : memref<1x!tpu.dma_semaphore, #tpu.memory_space<semaphore_mem>> -> memref<!tpu.dma_semaphore, #tpu.memory_space<semaphore_mem>>
    %dma_start3A_267 = arith.constant 0 : i32
    %dma_start3A_268 = tpu.memref_slice %arg4[%add3A_240, %dma_start3A_267] : memref<32768x1024xf32, #tpu.memory_space<hbm>> -> memref<16x1024xf32, #tpu.memory_space<hbm>>
    %dma_start3A_269 = arith.constant 0 : i32
    %dma_start3A_270 = arith.constant 0 : i32
    %dma_start3A_271 = tpu.memref_slice %arg6[%dma_start3A_257, %dma_start3A_269, %dma_start3A_270] : memref<4x16x1024xf32, #tpu.memory_space<vmem>> -> memref<1x16x1024xf32, #tpu.memory_space<vmem>>
    %dma_start3A_272 = tpu.memref_squeeze %dma_start3A_271 : memref<1x16x1024xf32, #tpu.memory_space<vmem>> -> memref<16x1024xf32, #tpu.memory_space<vmem>>
    tpu.enqueue_dma source(%dma_start3A_272 : memref<16x1024xf32, #tpu.memory_space<vmem>>) target(%dma_start3A_268 : memref<16x1024xf32, #tpu.memory_space<hbm>>) target_semaphore(%dma_start3A_266 : memref<!tpu.dma_semaphore, #tpu.memory_space<semaphore_mem>>)
    %sub3A_273 = arith.constant 24576 : i32
    %sub3A_274 = arith.subi %add3A_240, %sub3A_273 : i32
    %dma_start3A_275 = arith.constant 3 : i32
    %dma_start3A_276 = arith.constant 3 : i32
    %dma_start3A_277 = arith.constant 3 : i32
    %dma_start3A_278 = arith.constant 0 : i32
    %dma_start3A_279 = arith.constant 0 : i32
    %dma_start3A_280 = tpu.memref_slice %arg6[%dma_start3A_275, %dma_start3A_278, %dma_start3A_279] : memref<4x16x1024xf32, #tpu.memory_space<vmem>> -> memref<1x16x1024xf32, #tpu.memory_space<vmem>>
    %dma_start3A_281 = tpu.memref_squeeze %dma_start3A_280 : memref<1x16x1024xf32, #tpu.memory_space<vmem>> -> memref<16x1024xf32, #tpu.memory_space<vmem>>
    %dma_start3A_282 = arith.constant 0 : i32
    %dma_start3A_283 = tpu.memref_slice %arg3[%dma_start3A_276, %sub3A_274, %dma_start3A_282] : memref<4x8192x1024xf32, #tpu.memory_space<hbm>> -> memref<1x16x1024xf32, #tpu.memory_space<hbm>>
    %dma_start3A_284 = tpu.memref_squeeze %dma_start3A_283 : memref<1x16x1024xf32, #tpu.memory_space<hbm>> -> memref<16x1024xf32, #tpu.memory_space<hbm>>
    %dma_start3A_285 = tpu.memref_slice %arg9[%dma_start3A_277] : memref<4x!tpu.dma_semaphore, #tpu.memory_space<semaphore_mem>> -> memref<1x!tpu.dma_semaphore, #tpu.memory_space<semaphore_mem>>
    %dma_start3A_286 = tpu.memref_squeeze %dma_start3A_285 : memref<1x!tpu.dma_semaphore, #tpu.memory_space<semaphore_mem>> -> memref<!tpu.dma_semaphore, #tpu.memory_space<semaphore_mem>>
    %dma_start3A_287 = arith.constant 0 : i32
    %dma_start3A_288 = tpu.memref_slice %arg3[%dma_start3A_276, %sub3A_274, %dma_start3A_287] : memref<4x8192x1024xf32, #tpu.memory_space<hbm>> -> memref<1x16x1024xf32, #tpu.memory_space<hbm>>
    %dma_start3A_289 = tpu.memref_squeeze %dma_start3A_288 : memref<1x16x1024xf32, #tpu.memory_space<hbm>> -> memref<16x1024xf32, #tpu.memory_space<hbm>>
    %dma_start3A_290 = arith.constant 0 : i32
    %dma_start3A_291 = arith.constant 0 : i32
    %dma_start3A_292 = tpu.memref_slice %arg6[%dma_start3A_275, %dma_start3A_290, %dma_start3A_291] : memref<4x16x1024xf32, #tpu.memory_space<vmem>> -> memref<1x16x1024xf32, #tpu.memory_space<vmem>>
    %dma_start3A_293 = tpu.memref_squeeze %dma_start3A_292 : memref<1x16x1024xf32, #tpu.memory_space<vmem>> -> memref<16x1024xf32, #tpu.memory_space<vmem>>
    tpu.enqueue_dma source(%dma_start3A_293 : memref<16x1024xf32, #tpu.memory_space<vmem>>) target(%dma_start3A_289 : memref<16x1024xf32, #tpu.memory_space<hbm>>) target_semaphore(%dma_start3A_286 : memref<!tpu.dma_semaphore, #tpu.memory_space<semaphore_mem>>)
    %add3A_294 = arith.constant 64 : i32
    %add3A_295 = arith.addi %add3A_4, %add3A_294 : i32
    %sub3A_296 = arith.constant 64 : i32
    %sub3A_297 = arith.subi %add3A_295, %sub3A_296 : i32
    %dma_wait3A_298 = arith.constant 0 : i32
    %dma_wait3A_299 = arith.constant 0 : i32
    %dma_wait3A_300 = arith.constant 0 : i32
    %dma_wait3A_301 = arith.constant 0 : i32
    %dma_wait3A_302 = tpu.memref_slice %arg6[%dma_wait3A_298, %dma_wait3A_300, %dma_wait3A_301] : memref<4x16x1024xf32, #tpu.memory_space<vmem>> -> memref<1x16x1024xf32, #tpu.memory_space<vmem>>
    %dma_wait3A_303 = tpu.memref_squeeze %dma_wait3A_302 : memref<1x16x1024xf32, #tpu.memory_space<vmem>> -> memref<16x1024xf32, #tpu.memory_space<vmem>>
    %dma_wait3A_304 = arith.constant 0 : i32
    %dma_wait3A_305 = tpu.memref_slice %arg4[%sub3A_297, %dma_wait3A_304] : memref<32768x1024xf32, #tpu.memory_space<hbm>> -> memref<16x1024xf32, #tpu.memory_space<hbm>>
    %dma_wait3A_306 = tpu.memref_slice %arg8[%dma_wait3A_299] : memref<4x!tpu.dma_semaphore, #tpu.memory_space<semaphore_mem>> -> memref<1x!tpu.dma_semaphore, #tpu.memory_space<semaphore_mem>>
    %dma_wait3A_307 = tpu.memref_squeeze %dma_wait3A_306 : memref<1x!tpu.dma_semaphore, #tpu.memory_space<semaphore_mem>> -> memref<!tpu.dma_semaphore, #tpu.memory_space<semaphore_mem>>
    %dma_wait3A_308 = arith.constant 0 : i32
    %dma_wait3A_309 = tpu.memref_slice %arg4[%sub3A_297, %dma_wait3A_308] : memref<32768x1024xf32, #tpu.memory_space<hbm>> -> memref<16x1024xf32, #tpu.memory_space<hbm>>
    %dma_wait3A_310 = arith.constant 0 : i32
    %dma_wait3A_311 = arith.constant 0 : i32
    %dma_wait3A_312 = tpu.memref_slice %arg6[%dma_wait3A_298, %dma_wait3A_310, %dma_wait3A_311] : memref<4x16x1024xf32, #tpu.memory_space<vmem>> -> memref<1x16x1024xf32, #tpu.memory_space<vmem>>
    %dma_wait3A_313 = tpu.memref_squeeze %dma_wait3A_312 : memref<1x16x1024xf32, #tpu.memory_space<vmem>> -> memref<16x1024xf32, #tpu.memory_space<vmem>>
    tpu.wait_dma2 semaphore(%dma_wait3A_307 : memref<!tpu.dma_semaphore, #tpu.memory_space<semaphore_mem>>) src(%dma_wait3A_313 : memref<16x1024xf32, #tpu.memory_space<vmem>>) dst(%dma_wait3A_309 : memref<16x1024xf32, #tpu.memory_space<hbm>>)
    %sub3A_314 = arith.constant 24576 : i32
    %sub3A_315 = arith.subi %sub3A_297, %sub3A_314 : i32
    %dma_wait3A_316 = arith.constant 0 : i32
    %dma_wait3A_317 = arith.constant 3 : i32
    %dma_wait3A_318 = arith.constant 0 : i32
    %dma_wait3A_319 = arith.constant 0 : i32
    %dma_wait3A_320 = arith.constant 0 : i32
    %dma_wait3A_321 = tpu.memref_slice %arg6[%dma_wait3A_316, %dma_wait3A_319, %dma_wait3A_320] : memref<4x16x1024xf32, #tpu.memory_space<vmem>> -> memref<1x16x1024xf32, #tpu.memory_space<vmem>>
    %dma_wait3A_322 = tpu.memref_squeeze %dma_wait3A_321 : memref<1x16x1024xf32, #tpu.memory_space<vmem>> -> memref<16x1024xf32, #tpu.memory_space<vmem>>
    %dma_wait3A_323 = arith.constant 0 : i32
    %dma_wait3A_324 = tpu.memref_slice %arg3[%dma_wait3A_317, %sub3A_315, %dma_wait3A_323] : memref<4x8192x1024xf32, #tpu.memory_space<hbm>> -> memref<1x16x1024xf32, #tpu.memory_space<hbm>>
    %dma_wait3A_325 = tpu.memref_squeeze %dma_wait3A_324 : memref<1x16x1024xf32, #tpu.memory_space<hbm>> -> memref<16x1024xf32, #tpu.memory_space<hbm>>
    %dma_wait3A_326 = tpu.memref_slice %arg9[%dma_wait3A_318] : memref<4x!tpu.dma_semaphore, #tpu.memory_space<semaphore_mem>> -> memref<1x!tpu.dma_semaphore, #tpu.memory_space<semaphore_mem>>
    %dma_wait3A_327 = tpu.memref_squeeze %dma_wait3A_326 : memref<1x!tpu.dma_semaphore, #tpu.memory_space<semaphore_mem>> -> memref<!tpu.dma_semaphore, #tpu.memory_space<semaphore_mem>>
    %dma_wait3A_328 = arith.constant 0 : i32
    %dma_wait3A_329 = tpu.memref_slice %arg3[%dma_wait3A_317, %sub3A_315, %dma_wait3A_328] : memref<4x8192x1024xf32, #tpu.memory_space<hbm>> -> memref<1x16x1024xf32, #tpu.memory_space<hbm>>
    %dma_wait3A_330 = tpu.memref_squeeze %dma_wait3A_329 : memref<1x16x1024xf32, #tpu.memory_space<hbm>> -> memref<16x1024xf32, #tpu.memory_space<hbm>>
    %dma_wait3A_331 = arith.constant 0 : i32
    %dma_wait3A_332 = arith.constant 0 : i32
    %dma_wait3A_333 = tpu.memref_slice %arg6[%dma_wait3A_316, %dma_wait3A_331, %dma_wait3A_332] : memref<4x16x1024xf32, #tpu.memory_space<vmem>> -> memref<1x16x1024xf32, #tpu.memory_space<vmem>>
    %dma_wait3A_334 = tpu.memref_squeeze %dma_wait3A_333 : memref<1x16x1024xf32, #tpu.memory_space<vmem>> -> memref<16x1024xf32, #tpu.memory_space<vmem>>
    tpu.wait_dma2 semaphore(%dma_wait3A_327 : memref<!tpu.dma_semaphore, #tpu.memory_space<semaphore_mem>>) src(%dma_wait3A_334 : memref<16x1024xf32, #tpu.memory_space<vmem>>) dst(%dma_wait3A_330 : memref<16x1024xf32, #tpu.memory_space<hbm>>)
    %dma_start3A_335 = arith.constant 0 : i32
    %dma_start3A_336 = arith.constant 0 : i32
    %dma_start3A_337 = arith.constant 0 : i32
    %dma_start3A_338 = arith.constant 0 : i32
    %dma_start3A_339 = tpu.memref_slice %arg6[%dma_start3A_335, %dma_start3A_337, %dma_start3A_338] : memref<4x16x1024xf32, #tpu.memory_space<vmem>> -> memref<1x16x1024xf32, #tpu.memory_space<vmem>>
    %dma_start3A_340 = tpu.memref_squeeze %dma_start3A_339 : memref<1x16x1024xf32, #tpu.memory_space<vmem>> -> memref<16x1024xf32, #tpu.memory_space<vmem>>
    %dma_start3A_341 = arith.constant 0 : i32
    %dma_start3A_342 = tpu.memref_slice %arg2[%add3A_295, %dma_start3A_341] : memref<32768x1024xf32, #tpu.memory_space<hbm>> -> memref<16x1024xf32, #tpu.memory_space<hbm>>
    %dma_start3A_343 = tpu.memref_slice %arg7[%dma_start3A_336] : memref<4x!tpu.dma_semaphore, #tpu.memory_space<semaphore_mem>> -> memref<1x!tpu.dma_semaphore, #tpu.memory_space<semaphore_mem>>
    %dma_start3A_344 = tpu.memref_squeeze %dma_start3A_343 : memref<1x!tpu.dma_semaphore, #tpu.memory_space<semaphore_mem>> -> memref<!tpu.dma_semaphore, #tpu.memory_space<semaphore_mem>>
    %dma_start3A_345 = arith.constant 0 : i32
    %dma_start3A_346 = arith.constant 0 : i32
    %dma_start3A_347 = tpu.memref_slice %arg6[%dma_start3A_335, %dma_start3A_345, %dma_start3A_346] : memref<4x16x1024xf32, #tpu.memory_space<vmem>> -> memref<1x16x1024xf32, #tpu.memory_space<vmem>>
    %dma_start3A_348 = tpu.memref_squeeze %dma_start3A_347 : memref<1x16x1024xf32, #tpu.memory_space<vmem>> -> memref<16x1024xf32, #tpu.memory_space<vmem>>
    %dma_start3A_349 = arith.constant 0 : i32
    %dma_start3A_350 = tpu.memref_slice %arg2[%add3A_295, %dma_start3A_349] : memref<32768x1024xf32, #tpu.memory_space<hbm>> -> memref<16x1024xf32, #tpu.memory_space<hbm>>
    tpu.enqueue_dma source(%dma_start3A_350 : memref<16x1024xf32, #tpu.memory_space<hbm>>) target(%dma_start3A_348 : memref<16x1024xf32, #tpu.memory_space<vmem>>) target_semaphore(%dma_start3A_344 : memref<!tpu.dma_semaphore, #tpu.memory_space<semaphore_mem>>)
    %add3A_351 = arith.constant 80 : i32
    %add3A_352 = arith.addi %add3A_4, %add3A_351 : i32
    %sub3A_353 = arith.constant 64 : i32
    %sub3A_354 = arith.subi %add3A_352, %sub3A_353 : i32
    %dma_wait3A_355 = arith.constant 1 : i32
    %dma_wait3A_356 = arith.constant 1 : i32
    %dma_wait3A_357 = arith.constant 0 : i32
    %dma_wait3A_358 = arith.constant 0 : i32
    %dma_wait3A_359 = tpu.memref_slice %arg6[%dma_wait3A_355, %dma_wait3A_357, %dma_wait3A_358] : memref<4x16x1024xf32, #tpu.memory_space<vmem>> -> memref<1x16x1024xf32, #tpu.memory_space<vmem>>
    %dma_wait3A_360 = tpu.memref_squeeze %dma_wait3A_359 : memref<1x16x1024xf32, #tpu.memory_space<vmem>> -> memref<16x1024xf32, #tpu.memory_space<vmem>>
    %dma_wait3A_361 = arith.constant 0 : i32
    %dma_wait3A_362 = tpu.memref_slice %arg4[%sub3A_354, %dma_wait3A_361] : memref<32768x1024xf32, #tpu.memory_space<hbm>> -> memref<16x1024xf32, #tpu.memory_space<hbm>>
    %dma_wait3A_363 = tpu.memref_slice %arg8[%dma_wait3A_356] : memref<4x!tpu.dma_semaphore, #tpu.memory_space<semaphore_mem>> -> memref<1x!tpu.dma_semaphore, #tpu.memory_space<semaphore_mem>>
    %dma_wait3A_364 = tpu.memref_squeeze %dma_wait3A_363 : memref<1x!tpu.dma_semaphore, #tpu.memory_space<semaphore_mem>> -> memref<!tpu.dma_semaphore, #tpu.memory_space<semaphore_mem>>
    %dma_wait3A_365 = arith.constant 0 : i32
    %dma_wait3A_366 = tpu.memref_slice %arg4[%sub3A_354, %dma_wait3A_365] : memref<32768x1024xf32, #tpu.memory_space<hbm>> -> memref<16x1024xf32, #tpu.memory_space<hbm>>
    %dma_wait3A_367 = arith.constant 0 : i32
    %dma_wait3A_368 = arith.constant 0 : i32
    %dma_wait3A_369 = tpu.memref_slice %arg6[%dma_wait3A_355, %dma_wait3A_367, %dma_wait3A_368] : memref<4x16x1024xf32, #tpu.memory_space<vmem>> -> memref<1x16x1024xf32, #tpu.memory_space<vmem>>
    %dma_wait3A_370 = tpu.memref_squeeze %dma_wait3A_369 : memref<1x16x1024xf32, #tpu.memory_space<vmem>> -> memref<16x1024xf32, #tpu.memory_space<vmem>>
    tpu.wait_dma2 semaphore(%dma_wait3A_364 : memref<!tpu.dma_semaphore, #tpu.memory_space<semaphore_mem>>) src(%dma_wait3A_370 : memref<16x1024xf32, #tpu.memory_space<vmem>>) dst(%dma_wait3A_366 : memref<16x1024xf32, #tpu.memory_space<hbm>>)
    %sub3A_371 = arith.constant 24576 : i32
    %sub3A_372 = arith.subi %sub3A_354, %sub3A_371 : i32
    %dma_wait3A_373 = arith.constant 1 : i32
    %dma_wait3A_374 = arith.constant 3 : i32
    %dma_wait3A_375 = arith.constant 1 : i32
    %dma_wait3A_376 = arith.constant 0 : i32
    %dma_wait3A_377 = arith.constant 0 : i32
    %dma_wait3A_378 = tpu.memref_slice %arg6[%dma_wait3A_373, %dma_wait3A_376, %dma_wait3A_377] : memref<4x16x1024xf32, #tpu.memory_space<vmem>> -> memref<1x16x1024xf32, #tpu.memory_space<vmem>>
    %dma_wait3A_379 = tpu.memref_squeeze %dma_wait3A_378 : memref<1x16x1024xf32, #tpu.memory_space<vmem>> -> memref<16x1024xf32, #tpu.memory_space<vmem>>
    %dma_wait3A_380 = arith.constant 0 : i32
    %dma_wait3A_381 = tpu.memref_slice %arg3[%dma_wait3A_374, %sub3A_372, %dma_wait3A_380] : memref<4x8192x1024xf32, #tpu.memory_space<hbm>> -> memref<1x16x1024xf32, #tpu.memory_space<hbm>>
    %dma_wait3A_382 = tpu.memref_squeeze %dma_wait3A_381 : memref<1x16x1024xf32, #tpu.memory_space<hbm>> -> memref<16x1024xf32, #tpu.memory_space<hbm>>
    %dma_wait3A_383 = tpu.memref_slice %arg9[%dma_wait3A_375] : memref<4x!tpu.dma_semaphore, #tpu.memory_space<semaphore_mem>> -> memref<1x!tpu.dma_semaphore, #tpu.memory_space<semaphore_mem>>
    %dma_wait3A_384 = tpu.memref_squeeze %dma_wait3A_383 : memref<1x!tpu.dma_semaphore, #tpu.memory_space<semaphore_mem>> -> memref<!tpu.dma_semaphore, #tpu.memory_space<semaphore_mem>>
    %dma_wait3A_385 = arith.constant 0 : i32
    %dma_wait3A_386 = tpu.memref_slice %arg3[%dma_wait3A_374, %sub3A_372, %dma_wait3A_385] : memref<4x8192x1024xf32, #tpu.memory_space<hbm>> -> memref<1x16x1024xf32, #tpu.memory_space<hbm>>
    %dma_wait3A_387 = tpu.memref_squeeze %dma_wait3A_386 : memref<1x16x1024xf32, #tpu.memory_space<hbm>> -> memref<16x1024xf32, #tpu.memory_space<hbm>>
    %dma_wait3A_388 = arith.constant 0 : i32
    %dma_wait3A_389 = arith.constant 0 : i32
    %dma_wait3A_390 = tpu.memref_slice %arg6[%dma_wait3A_373, %dma_wait3A_388, %dma_wait3A_389] : memref<4x16x1024xf32, #tpu.memory_space<vmem>> -> memref<1x16x1024xf32, #tpu.memory_space<vmem>>
    %dma_wait3A_391 = tpu.memref_squeeze %dma_wait3A_390 : memref<1x16x1024xf32, #tpu.memory_space<vmem>> -> memref<16x1024xf32, #tpu.memory_space<vmem>>
    tpu.wait_dma2 semaphore(%dma_wait3A_384 : memref<!tpu.dma_semaphore, #tpu.memory_space<semaphore_mem>>) src(%dma_wait3A_391 : memref<16x1024xf32, #tpu.memory_space<vmem>>) dst(%dma_wait3A_387 : memref<16x1024xf32, #tpu.memory_space<hbm>>)
    %dma_start3A_392 = arith.constant 1 : i32
    %dma_start3A_393 = arith.constant 1 : i32
    %dma_start3A_394 = arith.constant 0 : i32
    %dma_start3A_395 = arith.constant 0 : i32
    %dma_start3A_396 = tpu.memref_slice %arg6[%dma_start3A_392, %dma_start3A_394, %dma_start3A_395] : memref<4x16x1024xf32, #tpu.memory_space<vmem>> -> memref<1x16x1024xf32, #tpu.memory_space<vmem>>
    %dma_start3A_397 = tpu.memref_squeeze %dma_start3A_396 : memref<1x16x1024xf32, #tpu.memory_space<vmem>> -> memref<16x1024xf32, #tpu.memory_space<vmem>>
    %dma_start3A_398 = arith.constant 0 : i32
    %dma_start3A_399 = tpu.memref_slice %arg2[%add3A_352, %dma_start3A_398] : memref<32768x1024xf32, #tpu.memory_space<hbm>> -> memref<16x1024xf32, #tpu.memory_space<hbm>>
    %dma_start3A_400 = tpu.memref_slice %arg7[%dma_start3A_393] : memref<4x!tpu.dma_semaphore, #tpu.memory_space<semaphore_mem>> -> memref<1x!tpu.dma_semaphore, #tpu.memory_space<semaphore_mem>>
    %dma_start3A_401 = tpu.memref_squeeze %dma_start3A_400 : memref<1x!tpu.dma_semaphore, #tpu.memory_space<semaphore_mem>> -> memref<!tpu.dma_semaphore, #tpu.memory_space<semaphore_mem>>
    %dma_start3A_402 = arith.constant 0 : i32
    %dma_start3A_403 = arith.constant 0 : i32
    %dma_start3A_404 = tpu.memref_slice %arg6[%dma_start3A_392, %dma_start3A_402, %dma_start3A_403] : memref<4x16x1024xf32, #tpu.memory_space<vmem>> -> memref<1x16x1024xf32, #tpu.memory_space<vmem>>
    %dma_start3A_405 = tpu.memref_squeeze %dma_start3A_404 : memref<1x16x1024xf32, #tpu.memory_space<vmem>> -> memref<16x1024xf32, #tpu.memory_space<vmem>>
    %dma_start3A_406 = arith.constant 0 : i32
    %dma_start3A_407 = tpu.memref_slice %arg2[%add3A_352, %dma_start3A_406] : memref<32768x1024xf32, #tpu.memory_space<hbm>> -> memref<16x1024xf32, #tpu.memory_space<hbm>>
    tpu.enqueue_dma source(%dma_start3A_407 : memref<16x1024xf32, #tpu.memory_space<hbm>>) target(%dma_start3A_405 : memref<16x1024xf32, #tpu.memory_space<vmem>>) target_semaphore(%dma_start3A_401 : memref<!tpu.dma_semaphore, #tpu.memory_space<semaphore_mem>>)
    %add3A_408 = arith.constant 96 : i32
    %add3A_409 = arith.addi %add3A_4, %add3A_408 : i32
    %sub3A_410 = arith.constant 64 : i32
    %sub3A_411 = arith.subi %add3A_409, %sub3A_410 : i32
    %dma_wait3A_412 = arith.constant 2 : i32
    %dma_wait3A_413 = arith.constant 2 : i32
    %dma_wait3A_414 = arith.constant 0 : i32
    %dma_wait3A_415 = arith.constant 0 : i32
    %dma_wait3A_416 = tpu.memref_slice %arg6[%dma_wait3A_412, %dma_wait3A_414, %dma_wait3A_415] : memref<4x16x1024xf32, #tpu.memory_space<vmem>> -> memref<1x16x1024xf32, #tpu.memory_space<vmem>>
    %dma_wait3A_417 = tpu.memref_squeeze %dma_wait3A_416 : memref<1x16x1024xf32, #tpu.memory_space<vmem>> -> memref<16x1024xf32, #tpu.memory_space<vmem>>
    %dma_wait3A_418 = arith.constant 0 : i32
    %dma_wait3A_419 = tpu.memref_slice %arg4[%sub3A_411, %dma_wait3A_418] : memref<32768x1024xf32, #tpu.memory_space<hbm>> -> memref<16x1024xf32, #tpu.memory_space<hbm>>
    %dma_wait3A_420 = tpu.memref_slice %arg8[%dma_wait3A_413] : memref<4x!tpu.dma_semaphore, #tpu.memory_space<semaphore_mem>> -> memref<1x!tpu.dma_semaphore, #tpu.memory_space<semaphore_mem>>
    %dma_wait3A_421 = tpu.memref_squeeze %dma_wait3A_420 : memref<1x!tpu.dma_semaphore, #tpu.memory_space<semaphore_mem>> -> memref<!tpu.dma_semaphore, #tpu.memory_space<semaphore_mem>>
    %dma_wait3A_422 = arith.constant 0 : i32
    %dma_wait3A_423 = tpu.memref_slice %arg4[%sub3A_411, %dma_wait3A_422] : memref<32768x1024xf32, #tpu.memory_space<hbm>> -> memref<16x1024xf32, #tpu.memory_space<hbm>>
    %dma_wait3A_424 = arith.constant 0 : i32
    %dma_wait3A_425 = arith.constant 0 : i32
    %dma_wait3A_426 = tpu.memref_slice %arg6[%dma_wait3A_412, %dma_wait3A_424, %dma_wait3A_425] : memref<4x16x1024xf32, #tpu.memory_space<vmem>> -> memref<1x16x1024xf32, #tpu.memory_space<vmem>>
    %dma_wait3A_427 = tpu.memref_squeeze %dma_wait3A_426 : memref<1x16x1024xf32, #tpu.memory_space<vmem>> -> memref<16x1024xf32, #tpu.memory_space<vmem>>
    tpu.wait_dma2 semaphore(%dma_wait3A_421 : memref<!tpu.dma_semaphore, #tpu.memory_space<semaphore_mem>>) src(%dma_wait3A_427 : memref<16x1024xf32, #tpu.memory_space<vmem>>) dst(%dma_wait3A_423 : memref<16x1024xf32, #tpu.memory_space<hbm>>)
    %sub3A_428 = arith.constant 24576 : i32
    %sub3A_429 = arith.subi %sub3A_411, %sub3A_428 : i32
    %dma_wait3A_430 = arith.constant 2 : i32
    %dma_wait3A_431 = arith.constant 3 : i32
    %dma_wait3A_432 = arith.constant 2 : i32
    %dma_wait3A_433 = arith.constant 0 : i32
    %dma_wait3A_434 = arith.constant 0 : i32
    %dma_wait3A_435 = tpu.memref_slice %arg6[%dma_wait3A_430, %dma_wait3A_433, %dma_wait3A_434] : memref<4x16x1024xf32, #tpu.memory_space<vmem>> -> memref<1x16x1024xf32, #tpu.memory_space<vmem>>
    %dma_wait3A_436 = tpu.memref_squeeze %dma_wait3A_435 : memref<1x16x1024xf32, #tpu.memory_space<vmem>> -> memref<16x1024xf32, #tpu.memory_space<vmem>>
    %dma_wait3A_437 = arith.constant 0 : i32
    %dma_wait3A_438 = tpu.memref_slice %arg3[%dma_wait3A_431, %sub3A_429, %dma_wait3A_437] : memref<4x8192x1024xf32, #tpu.memory_space<hbm>> -> memref<1x16x1024xf32, #tpu.memory_space<hbm>>
    %dma_wait3A_439 = tpu.memref_squeeze %dma_wait3A_438 : memref<1x16x1024xf32, #tpu.memory_space<hbm>> -> memref<16x1024xf32, #tpu.memory_space<hbm>>
    %dma_wait3A_440 = tpu.memref_slice %arg9[%dma_wait3A_432] : memref<4x!tpu.dma_semaphore, #tpu.memory_space<semaphore_mem>> -> memref<1x!tpu.dma_semaphore, #tpu.memory_space<semaphore_mem>>
    %dma_wait3A_441 = tpu.memref_squeeze %dma_wait3A_440 : memref<1x!tpu.dma_semaphore, #tpu.memory_space<semaphore_mem>> -> memref<!tpu.dma_semaphore, #tpu.memory_space<semaphore_mem>>
    %dma_wait3A_442 = arith.constant 0 : i32
    %dma_wait3A_443 = tpu.memref_slice %arg3[%dma_wait3A_431, %sub3A_429, %dma_wait3A_442] : memref<4x8192x1024xf32, #tpu.memory_space<hbm>> -> memref<1x16x1024xf32, #tpu.memory_space<hbm>>
    %dma_wait3A_444 = tpu.memref_squeeze %dma_wait3A_443 : memref<1x16x1024xf32, #tpu.memory_space<hbm>> -> memref<16x1024xf32, #tpu.memory_space<hbm>>
    %dma_wait3A_445 = arith.constant 0 : i32
    %dma_wait3A_446 = arith.constant 0 : i32
    %dma_wait3A_447 = tpu.memref_slice %arg6[%dma_wait3A_430, %dma_wait3A_445, %dma_wait3A_446] : memref<4x16x1024xf32, #tpu.memory_space<vmem>> -> memref<1x16x1024xf32, #tpu.memory_space<vmem>>
    %dma_wait3A_448 = tpu.memref_squeeze %dma_wait3A_447 : memref<1x16x1024xf32, #tpu.memory_space<vmem>> -> memref<16x1024xf32, #tpu.memory_space<vmem>>
    tpu.wait_dma2 semaphore(%dma_wait3A_441 : memref<!tpu.dma_semaphore, #tpu.memory_space<semaphore_mem>>) src(%dma_wait3A_448 : memref<16x1024xf32, #tpu.memory_space<vmem>>) dst(%dma_wait3A_444 : memref<16x1024xf32, #tpu.memory_space<hbm>>)
    %dma_start3A_449 = arith.constant 2 : i32
    %dma_start3A_450 = arith.constant 2 : i32
    %dma_start3A_451 = arith.constant 0 : i32
    %dma_start3A_452 = arith.constant 0 : i32
    %dma_start3A_453 = tpu.memref_slice %arg6[%dma_start3A_449, %dma_start3A_451, %dma_start3A_452] : memref<4x16x1024xf32, #tpu.memory_space<vmem>> -> memref<1x16x1024xf32, #tpu.memory_space<vmem>>
    %dma_start3A_454 = tpu.memref_squeeze %dma_start3A_453 : memref<1x16x1024xf32, #tpu.memory_space<vmem>> -> memref<16x1024xf32, #tpu.memory_space<vmem>>
    %dma_start3A_455 = arith.constant 0 : i32
    %dma_start3A_456 = tpu.memref_slice %arg2[%add3A_409, %dma_start3A_455] : memref<32768x1024xf32, #tpu.memory_space<hbm>> -> memref<16x1024xf32, #tpu.memory_space<hbm>>
    %dma_start3A_457 = tpu.memref_slice %arg7[%dma_start3A_450] : memref<4x!tpu.dma_semaphore, #tpu.memory_space<semaphore_mem>> -> memref<1x!tpu.dma_semaphore, #tpu.memory_space<semaphore_mem>>
    %dma_start3A_458 = tpu.memref_squeeze %dma_start3A_457 : memref<1x!tpu.dma_semaphore, #tpu.memory_space<semaphore_mem>> -> memref<!tpu.dma_semaphore, #tpu.memory_space<semaphore_mem>>
    %dma_start3A_459 = arith.constant 0 : i32
    %dma_start3A_460 = arith.constant 0 : i32
    %dma_start3A_461 = tpu.memref_slice %arg6[%dma_start3A_449, %dma_start3A_459, %dma_start3A_460] : memref<4x16x1024xf32, #tpu.memory_space<vmem>> -> memref<1x16x1024xf32, #tpu.memory_space<vmem>>
    %dma_start3A_462 = tpu.memref_squeeze %dma_start3A_461 : memref<1x16x1024xf32, #tpu.memory_space<vmem>> -> memref<16x1024xf32, #tpu.memory_space<vmem>>
    %dma_start3A_463 = arith.constant 0 : i32
    %dma_start3A_464 = tpu.memref_slice %arg2[%add3A_409, %dma_start3A_463] : memref<32768x1024xf32, #tpu.memory_space<hbm>> -> memref<16x1024xf32, #tpu.memory_space<hbm>>
    tpu.enqueue_dma source(%dma_start3A_464 : memref<16x1024xf32, #tpu.memory_space<hbm>>) target(%dma_start3A_462 : memref<16x1024xf32, #tpu.memory_space<vmem>>) target_semaphore(%dma_start3A_458 : memref<!tpu.dma_semaphore, #tpu.memory_space<semaphore_mem>>)
    %add3A_465 = arith.constant 112 : i32
    %add3A_466 = arith.addi %add3A_4, %add3A_465 : i32
    %sub3A_467 = arith.constant 64 : i32
    %sub3A_468 = arith.subi %add3A_466, %sub3A_467 : i32
    %dma_wait3A_469 = arith.constant 3 : i32
    %dma_wait3A_470 = arith.constant 3 : i32
    %dma_wait3A_471 = arith.constant 0 : i32
    %dma_wait3A_472 = arith.constant 0 : i32
    %dma_wait3A_473 = tpu.memref_slice %arg6[%dma_wait3A_469, %dma_wait3A_471, %dma_wait3A_472] : memref<4x16x1024xf32, #tpu.memory_space<vmem>> -> memref<1x16x1024xf32, #tpu.memory_space<vmem>>
    %dma_wait3A_474 = tpu.memref_squeeze %dma_wait3A_473 : memref<1x16x1024xf32, #tpu.memory_space<vmem>> -> memref<16x1024xf32, #tpu.memory_space<vmem>>
    %dma_wait3A_475 = arith.constant 0 : i32
    %dma_wait3A_476 = tpu.memref_slice %arg4[%sub3A_468, %dma_wait3A_475] : memref<32768x1024xf32, #tpu.memory_space<hbm>> -> memref<16x1024xf32, #tpu.memory_space<hbm>>
    %dma_wait3A_477 = tpu.memref_slice %arg8[%dma_wait3A_470] : memref<4x!tpu.dma_semaphore, #tpu.memory_space<semaphore_mem>> -> memref<1x!tpu.dma_semaphore, #tpu.memory_space<semaphore_mem>>
    %dma_wait3A_478 = tpu.memref_squeeze %dma_wait3A_477 : memref<1x!tpu.dma_semaphore, #tpu.memory_space<semaphore_mem>> -> memref<!tpu.dma_semaphore, #tpu.memory_space<semaphore_mem>>
    %dma_wait3A_479 = arith.constant 0 : i32
    %dma_wait3A_480 = tpu.memref_slice %arg4[%sub3A_468, %dma_wait3A_479] : memref<32768x1024xf32, #tpu.memory_space<hbm>> -> memref<16x1024xf32, #tpu.memory_space<hbm>>
    %dma_wait3A_481 = arith.constant 0 : i32
    %dma_wait3A_482 = arith.constant 0 : i32
    %dma_wait3A_483 = tpu.memref_slice %arg6[%dma_wait3A_469, %dma_wait3A_481, %dma_wait3A_482] : memref<4x16x1024xf32, #tpu.memory_space<vmem>> -> memref<1x16x1024xf32, #tpu.memory_space<vmem>>
    %dma_wait3A_484 = tpu.memref_squeeze %dma_wait3A_483 : memref<1x16x1024xf32, #tpu.memory_space<vmem>> -> memref<16x1024xf32, #tpu.memory_space<vmem>>
    tpu.wait_dma2 semaphore(%dma_wait3A_478 : memref<!tpu.dma_semaphore, #tpu.memory_space<semaphore_mem>>) src(%dma_wait3A_484 : memref<16x1024xf32, #tpu.memory_space<vmem>>) dst(%dma_wait3A_480 : memref<16x1024xf32, #tpu.memory_space<hbm>>)
    %sub3A_485 = arith.constant 24576 : i32
    %sub3A_486 = arith.subi %sub3A_468, %sub3A_485 : i32
    %dma_wait3A_487 = arith.constant 3 : i32
    %dma_wait3A_488 = arith.constant 3 : i32
    %dma_wait3A_489 = arith.constant 3 : i32
    %dma_wait3A_490 = arith.constant 0 : i32
    %dma_wait3A_491 = arith.constant 0 : i32
    %dma_wait3A_492 = tpu.memref_slice %arg6[%dma_wait3A_487, %dma_wait3A_490, %dma_wait3A_491] : memref<4x16x1024xf32, #tpu.memory_space<vmem>> -> memref<1x16x1024xf32, #tpu.memory_space<vmem>>
    %dma_wait3A_493 = tpu.memref_squeeze %dma_wait3A_492 : memref<1x16x1024xf32, #tpu.memory_space<vmem>> -> memref<16x1024xf32, #tpu.memory_space<vmem>>
    %dma_wait3A_494 = arith.constant 0 : i32
    %dma_wait3A_495 = tpu.memref_slice %arg3[%dma_wait3A_488, %sub3A_486, %dma_wait3A_494] : memref<4x8192x1024xf32, #tpu.memory_space<hbm>> -> memref<1x16x1024xf32, #tpu.memory_space<hbm>>
    %dma_wait3A_496 = tpu.memref_squeeze %dma_wait3A_495 : memref<1x16x1024xf32, #tpu.memory_space<hbm>> -> memref<16x1024xf32, #tpu.memory_space<hbm>>
    %dma_wait3A_497 = tpu.memref_slice %arg9[%dma_wait3A_489] : memref<4x!tpu.dma_semaphore, #tpu.memory_space<semaphore_mem>> -> memref<1x!tpu.dma_semaphore, #tpu.memory_space<semaphore_mem>>
    %dma_wait3A_498 = tpu.memref_squeeze %dma_wait3A_497 : memref<1x!tpu.dma_semaphore, #tpu.memory_space<semaphore_mem>> -> memref<!tpu.dma_semaphore, #tpu.memory_space<semaphore_mem>>
    %dma_wait3A_499 = arith.constant 0 : i32
    %dma_wait3A_500 = tpu.memref_slice %arg3[%dma_wait3A_488, %sub3A_486, %dma_wait3A_499] : memref<4x8192x1024xf32, #tpu.memory_space<hbm>> -> memref<1x16x1024xf32, #tpu.memory_space<hbm>>
    %dma_wait3A_501 = tpu.memref_squeeze %dma_wait3A_500 : memref<1x16x1024xf32, #tpu.memory_space<hbm>> -> memref<16x1024xf32, #tpu.memory_space<hbm>>
    %dma_wait3A_502 = arith.constant 0 : i32
    %dma_wait3A_503 = arith.constant 0 : i32
    %dma_wait3A_504 = tpu.memref_slice %arg6[%dma_wait3A_487, %dma_wait3A_502, %dma_wait3A_503] : memref<4x16x1024xf32, #tpu.memory_space<vmem>> -> memref<1x16x1024xf32, #tpu.memory_space<vmem>>
    %dma_wait3A_505 = tpu.memref_squeeze %dma_wait3A_504 : memref<1x16x1024xf32, #tpu.memory_space<vmem>> -> memref<16x1024xf32, #tpu.memory_space<vmem>>
    tpu.wait_dma2 semaphore(%dma_wait3A_498 : memref<!tpu.dma_semaphore, #tpu.memory_space<semaphore_mem>>) src(%dma_wait3A_505 : memref<16x1024xf32, #tpu.memory_space<vmem>>) dst(%dma_wait3A_501 : memref<16x1024xf32, #tpu.memory_space<hbm>>)
    %dma_start3A_506 = arith.constant 3 : i32
    %dma_start3A_507 = arith.constant 3 : i32
    %dma_start3A_508 = arith.constant 0 : i32
    %dma_start3A_509 = arith.constant 0 : i32
    %dma_start3A_510 = tpu.memref_slice %arg6[%dma_start3A_506, %dma_start3A_508, %dma_start3A_509] : memref<4x16x1024xf32, #tpu.memory_space<vmem>> -> memref<1x16x1024xf32, #tpu.memory_space<vmem>>
    %dma_start3A_511 = tpu.memref_squeeze %dma_start3A_510 : memref<1x16x1024xf32, #tpu.memory_space<vmem>> -> memref<16x1024xf32, #tpu.memory_space<vmem>>
    %dma_start3A_512 = arith.constant 0 : i32
    %dma_start3A_513 = tpu.memref_slice %arg2[%add3A_466, %dma_start3A_512] : memref<32768x1024xf32, #tpu.memory_space<hbm>> -> memref<16x1024xf32, #tpu.memory_space<hbm>>
    %dma_start3A_514 = tpu.memref_slice %arg7[%dma_start3A_507] : memref<4x!tpu.dma_semaphore, #tpu.memory_space<semaphore_mem>> -> memref<1x!tpu.dma_semaphore, #tpu.memory_space<semaphore_mem>>
    %dma_start3A_515 = tpu.memref_squeeze %dma_start3A_514 : memref<1x!tpu.dma_semaphore, #tpu.memory_space<semaphore_mem>> -> memref<!tpu.dma_semaphore, #tpu.memory_space<semaphore_mem>>
    %dma_start3A_516 = arith.constant 0 : i32
    %dma_start3A_517 = arith.constant 0 : i32
    %dma_start3A_518 = tpu.memref_slice %arg6[%dma_start3A_506, %dma_start3A_516, %dma_start3A_517] : memref<4x16x1024xf32, #tpu.memory_space<vmem>> -> memref<1x16x1024xf32, #tpu.memory_space<vmem>>
    %dma_start3A_519 = tpu.memref_squeeze %dma_start3A_518 : memref<1x16x1024xf32, #tpu.memory_space<vmem>> -> memref<16x1024xf32, #tpu.memory_space<vmem>>
    %dma_start3A_520 = arith.constant 0 : i32
    %dma_start3A_521 = tpu.memref_slice %arg2[%add3A_466, %dma_start3A_520] : memref<32768x1024xf32, #tpu.memory_space<hbm>> -> memref<16x1024xf32, #tpu.memory_space<hbm>>
    tpu.enqueue_dma source(%dma_start3A_521 : memref<16x1024xf32, #tpu.memory_space<hbm>>) target(%dma_start3A_519 : memref<16x1024xf32, #tpu.memory_space<vmem>>) target_semaphore(%dma_start3A_515 : memref<!tpu.dma_semaphore, #tpu.memory_space<semaphore_mem>>)
    %add3A_522 = arith.constant 64 : i32
    %add3A_523 = arith.addi %add3A_4, %add3A_522 : i32
    %dma_wait3A_524 = arith.constant 0 : i32
    %dma_wait3A_525 = arith.constant 0 : i32
    %dma_wait3A_526 = arith.constant 0 : i32
    %dma_wait3A_527 = arith.constant 0 : i32
    %dma_wait3A_528 = tpu.memref_slice %arg6[%dma_wait3A_524, %dma_wait3A_526, %dma_wait3A_527] : memref<4x16x1024xf32, #tpu.memory_space<vmem>> -> memref<1x16x1024xf32, #tpu.memory_space<vmem>>
    %dma_wait3A_529 = tpu.memref_squeeze %dma_wait3A_528 : memref<1x16x1024xf32, #tpu.memory_space<vmem>> -> memref<16x1024xf32, #tpu.memory_space<vmem>>
    %dma_wait3A_530 = arith.constant 0 : i32
    %dma_wait3A_531 = tpu.memref_slice %arg2[%add3A_523, %dma_wait3A_530] : memref<32768x1024xf32, #tpu.memory_space<hbm>> -> memref<16x1024xf32, #tpu.memory_space<hbm>>
    %dma_wait3A_532 = tpu.memref_slice %arg7[%dma_wait3A_525] : memref<4x!tpu.dma_semaphore, #tpu.memory_space<semaphore_mem>> -> memref<1x!tpu.dma_semaphore, #tpu.memory_space<semaphore_mem>>
    %dma_wait3A_533 = tpu.memref_squeeze %dma_wait3A_532 : memref<1x!tpu.dma_semaphore, #tpu.memory_space<semaphore_mem>> -> memref<!tpu.dma_semaphore, #tpu.memory_space<semaphore_mem>>
    %dma_wait3A_534 = arith.constant 0 : i32
    %dma_wait3A_535 = arith.constant 0 : i32
    %dma_wait3A_536 = tpu.memref_slice %arg6[%dma_wait3A_524, %dma_wait3A_534, %dma_wait3A_535] : memref<4x16x1024xf32, #tpu.memory_space<vmem>> -> memref<1x16x1024xf32, #tpu.memory_space<vmem>>
    %dma_wait3A_537 = tpu.memref_squeeze %dma_wait3A_536 : memref<1x16x1024xf32, #tpu.memory_space<vmem>> -> memref<16x1024xf32, #tpu.memory_space<vmem>>
    %dma_wait3A_538 = arith.constant 0 : i32
    %dma_wait3A_539 = tpu.memref_slice %arg2[%add3A_523, %dma_wait3A_538] : memref<32768x1024xf32, #tpu.memory_space<hbm>> -> memref<16x1024xf32, #tpu.memory_space<hbm>>
    tpu.wait_dma2 semaphore(%dma_wait3A_533 : memref<!tpu.dma_semaphore, #tpu.memory_space<semaphore_mem>>) src(%dma_wait3A_539 : memref<16x1024xf32, #tpu.memory_space<hbm>>) dst(%dma_wait3A_537 : memref<16x1024xf32, #tpu.memory_space<vmem>>)
    %dma_start3A_540 = arith.constant 0 : i32
    %dma_start3A_541 = arith.constant 0 : i32
    %dma_start3A_542 = arith.constant 0 : i32
    %dma_start3A_543 = arith.constant 0 : i32
    %dma_start3A_544 = tpu.memref_slice %arg6[%dma_start3A_540, %dma_start3A_542, %dma_start3A_543] : memref<4x16x1024xf32, #tpu.memory_space<vmem>> -> memref<1x16x1024xf32, #tpu.memory_space<vmem>>
    %dma_start3A_545 = tpu.memref_squeeze %dma_start3A_544 : memref<1x16x1024xf32, #tpu.memory_space<vmem>> -> memref<16x1024xf32, #tpu.memory_space<vmem>>
    %dma_start3A_546 = arith.constant 0 : i32
    %dma_start3A_547 = tpu.memref_slice %arg4[%add3A_523, %dma_start3A_546] : memref<32768x1024xf32, #tpu.memory_space<hbm>> -> memref<16x1024xf32, #tpu.memory_space<hbm>>
    %dma_start3A_548 = tpu.memref_slice %arg8[%dma_start3A_541] : memref<4x!tpu.dma_semaphore, #tpu.memory_space<semaphore_mem>> -> memref<1x!tpu.dma_semaphore, #tpu.memory_space<semaphore_mem>>
    %dma_start3A_549 = tpu.memref_squeeze %dma_start3A_548 : memref<1x!tpu.dma_semaphore, #tpu.memory_space<semaphore_mem>> -> memref<!tpu.dma_semaphore, #tpu.memory_space<semaphore_mem>>
    %dma_start3A_550 = arith.constant 0 : i32
    %dma_start3A_551 = tpu.memref_slice %arg4[%add3A_523, %dma_start3A_550] : memref<32768x1024xf32, #tpu.memory_space<hbm>> -> memref<16x1024xf32, #tpu.memory_space<hbm>>
    %dma_start3A_552 = arith.constant 0 : i32
    %dma_start3A_553 = arith.constant 0 : i32
    %dma_start3A_554 = tpu.memref_slice %arg6[%dma_start3A_540, %dma_start3A_552, %dma_start3A_553] : memref<4x16x1024xf32, #tpu.memory_space<vmem>> -> memref<1x16x1024xf32, #tpu.memory_space<vmem>>
    %dma_start3A_555 = tpu.memref_squeeze %dma_start3A_554 : memref<1x16x1024xf32, #tpu.memory_space<vmem>> -> memref<16x1024xf32, #tpu.memory_space<vmem>>
    tpu.enqueue_dma source(%dma_start3A_555 : memref<16x1024xf32, #tpu.memory_space<vmem>>) target(%dma_start3A_551 : memref<16x1024xf32, #tpu.memory_space<hbm>>) target_semaphore(%dma_start3A_549 : memref<!tpu.dma_semaphore, #tpu.memory_space<semaphore_mem>>)
    %sub3A_556 = arith.constant 24576 : i32
    %sub3A_557 = arith.subi %add3A_523, %sub3A_556 : i32
    %dma_start3A_558 = arith.constant 0 : i32
    %dma_start3A_559 = arith.constant 3 : i32
    %dma_start3A_560 = arith.constant 0 : i32
    %dma_start3A_561 = arith.constant 0 : i32
    %dma_start3A_562 = arith.constant 0 : i32
    %dma_start3A_563 = tpu.memref_slice %arg6[%dma_start3A_558, %dma_start3A_561, %dma_start3A_562] : memref<4x16x1024xf32, #tpu.memory_space<vmem>> -> memref<1x16x1024xf32, #tpu.memory_space<vmem>>
    %dma_start3A_564 = tpu.memref_squeeze %dma_start3A_563 : memref<1x16x1024xf32, #tpu.memory_space<vmem>> -> memref<16x1024xf32, #tpu.memory_space<vmem>>
    %dma_start3A_565 = arith.constant 0 : i32
    %dma_start3A_566 = tpu.memref_slice %arg3[%dma_start3A_559, %sub3A_557, %dma_start3A_565] : memref<4x8192x1024xf32, #tpu.memory_space<hbm>> -> memref<1x16x1024xf32, #tpu.memory_space<hbm>>
    %dma_start3A_567 = tpu.memref_squeeze %dma_start3A_566 : memref<1x16x1024xf32, #tpu.memory_space<hbm>> -> memref<16x1024xf32, #tpu.memory_space<hbm>>
    %dma_start3A_568 = tpu.memref_slice %arg9[%dma_start3A_560] : memref<4x!tpu.dma_semaphore, #tpu.memory_space<semaphore_mem>> -> memref<1x!tpu.dma_semaphore, #tpu.memory_space<semaphore_mem>>
    %dma_start3A_569 = tpu.memref_squeeze %dma_start3A_568 : memref<1x!tpu.dma_semaphore, #tpu.memory_space<semaphore_mem>> -> memref<!tpu.dma_semaphore, #tpu.memory_space<semaphore_mem>>
    %dma_start3A_570 = arith.constant 0 : i32
    %dma_start3A_571 = tpu.memref_slice %arg3[%dma_start3A_559, %sub3A_557, %dma_start3A_570] : memref<4x8192x1024xf32, #tpu.memory_space<hbm>> -> memref<1x16x1024xf32, #tpu.memory_space<hbm>>
    %dma_start3A_572 = tpu.memref_squeeze %dma_start3A_571 : memref<1x16x1024xf32, #tpu.memory_space<hbm>> -> memref<16x1024xf32, #tpu.memory_space<hbm>>
    %dma_start3A_573 = arith.constant 0 : i32
    %dma_start3A_574 = arith.constant 0 : i32
    %dma_start3A_575 = tpu.memref_slice %arg6[%dma_start3A_558, %dma_start3A_573, %dma_start3A_574] : memref<4x16x1024xf32, #tpu.memory_space<vmem>> -> memref<1x16x1024xf32, #tpu.memory_space<vmem>>
    %dma_start3A_576 = tpu.memref_squeeze %dma_start3A_575 : memref<1x16x1024xf32, #tpu.memory_space<vmem>> -> memref<16x1024xf32, #tpu.memory_space<vmem>>
    tpu.enqueue_dma source(%dma_start3A_576 : memref<16x1024xf32, #tpu.memory_space<vmem>>) target(%dma_start3A_572 : memref<16x1024xf32, #tpu.memory_space<hbm>>) target_semaphore(%dma_start3A_569 : memref<!tpu.dma_semaphore, #tpu.memory_space<semaphore_mem>>)
    %add3A_577 = arith.constant 80 : i32
    %add3A_578 = arith.addi %add3A_4, %add3A_577 : i32
    %dma_wait3A_579 = arith.constant 1 : i32
    %dma_wait3A_580 = arith.constant 1 : i32
    %dma_wait3A_581 = arith.constant 0 : i32
    %dma_wait3A_582 = arith.constant 0 : i32
    %dma_wait3A_583 = tpu.memref_slice %arg6[%dma_wait3A_579, %dma_wait3A_581, %dma_wait3A_582] : memref<4x16x1024xf32, #tpu.memory_space<vmem>> -> memref<1x16x1024xf32, #tpu.memory_space<vmem>>
    %dma_wait3A_584 = tpu.memref_squeeze %dma_wait3A_583 : memref<1x16x1024xf32, #tpu.memory_space<vmem>> -> memref<16x1024xf32, #tpu.memory_space<vmem>>
    %dma_wait3A_585 = arith.constant 0 : i32
    %dma_wait3A_586 = tpu.memref_slice %arg2[%add3A_578, %dma_wait3A_585] : memref<32768x1024xf32, #tpu.memory_space<hbm>> -> memref<16x1024xf32, #tpu.memory_space<hbm>>
    %dma_wait3A_587 = tpu.memref_slice %arg7[%dma_wait3A_580] : memref<4x!tpu.dma_semaphore, #tpu.memory_space<semaphore_mem>> -> memref<1x!tpu.dma_semaphore, #tpu.memory_space<semaphore_mem>>
    %dma_wait3A_588 = tpu.memref_squeeze %dma_wait3A_587 : memref<1x!tpu.dma_semaphore, #tpu.memory_space<semaphore_mem>> -> memref<!tpu.dma_semaphore, #tpu.memory_space<semaphore_mem>>
    %dma_wait3A_589 = arith.constant 0 : i32
    %dma_wait3A_590 = arith.constant 0 : i32
    %dma_wait3A_591 = tpu.memref_slice %arg6[%dma_wait3A_579, %dma_wait3A_589, %dma_wait3A_590] : memref<4x16x1024xf32, #tpu.memory_space<vmem>> -> memref<1x16x1024xf32, #tpu.memory_space<vmem>>
    %dma_wait3A_592 = tpu.memref_squeeze %dma_wait3A_591 : memref<1x16x1024xf32, #tpu.memory_space<vmem>> -> memref<16x1024xf32, #tpu.memory_space<vmem>>
    %dma_wait3A_593 = arith.constant 0 : i32
    %dma_wait3A_594 = tpu.memref_slice %arg2[%add3A_578, %dma_wait3A_593] : memref<32768x1024xf32, #tpu.memory_space<hbm>> -> memref<16x1024xf32, #tpu.memory_space<hbm>>
    tpu.wait_dma2 semaphore(%dma_wait3A_588 : memref<!tpu.dma_semaphore, #tpu.memory_space<semaphore_mem>>) src(%dma_wait3A_594 : memref<16x1024xf32, #tpu.memory_space<hbm>>) dst(%dma_wait3A_592 : memref<16x1024xf32, #tpu.memory_space<vmem>>)
    %dma_start3A_595 = arith.constant 1 : i32
    %dma_start3A_596 = arith.constant 1 : i32
    %dma_start3A_597 = arith.constant 0 : i32
    %dma_start3A_598 = arith.constant 0 : i32
    %dma_start3A_599 = tpu.memref_slice %arg6[%dma_start3A_595, %dma_start3A_597, %dma_start3A_598] : memref<4x16x1024xf32, #tpu.memory_space<vmem>> -> memref<1x16x1024xf32, #tpu.memory_space<vmem>>
    %dma_start3A_600 = tpu.memref_squeeze %dma_start3A_599 : memref<1x16x1024xf32, #tpu.memory_space<vmem>> -> memref<16x1024xf32, #tpu.memory_space<vmem>>
    %dma_start3A_601 = arith.constant 0 : i32
    %dma_start3A_602 = tpu.memref_slice %arg4[%add3A_578, %dma_start3A_601] : memref<32768x1024xf32, #tpu.memory_space<hbm>> -> memref<16x1024xf32, #tpu.memory_space<hbm>>
    %dma_start3A_603 = tpu.memref_slice %arg8[%dma_start3A_596] : memref<4x!tpu.dma_semaphore, #tpu.memory_space<semaphore_mem>> -> memref<1x!tpu.dma_semaphore, #tpu.memory_space<semaphore_mem>>
    %dma_start3A_604 = tpu.memref_squeeze %dma_start3A_603 : memref<1x!tpu.dma_semaphore, #tpu.memory_space<semaphore_mem>> -> memref<!tpu.dma_semaphore, #tpu.memory_space<semaphore_mem>>
    %dma_start3A_605 = arith.constant 0 : i32
    %dma_start3A_606 = tpu.memref_slice %arg4[%add3A_578, %dma_start3A_605] : memref<32768x1024xf32, #tpu.memory_space<hbm>> -> memref<16x1024xf32, #tpu.memory_space<hbm>>
    %dma_start3A_607 = arith.constant 0 : i32
    %dma_start3A_608 = arith.constant 0 : i32
    %dma_start3A_609 = tpu.memref_slice %arg6[%dma_start3A_595, %dma_start3A_607, %dma_start3A_608] : memref<4x16x1024xf32, #tpu.memory_space<vmem>> -> memref<1x16x1024xf32, #tpu.memory_space<vmem>>
    %dma_start3A_610 = tpu.memref_squeeze %dma_start3A_609 : memref<1x16x1024xf32, #tpu.memory_space<vmem>> -> memref<16x1024xf32, #tpu.memory_space<vmem>>
    tpu.enqueue_dma source(%dma_start3A_610 : memref<16x1024xf32, #tpu.memory_space<vmem>>) target(%dma_start3A_606 : memref<16x1024xf32, #tpu.memory_space<hbm>>) target_semaphore(%dma_start3A_604 : memref<!tpu.dma_semaphore, #tpu.memory_space<semaphore_mem>>)
    %sub3A_611 = arith.constant 24576 : i32
    %sub3A_612 = arith.subi %add3A_578, %sub3A_611 : i32
    %dma_start3A_613 = arith.constant 1 : i32
    %dma_start3A_614 = arith.constant 3 : i32
    %dma_start3A_615 = arith.constant 1 : i32
    %dma_start3A_616 = arith.constant 0 : i32
    %dma_start3A_617 = arith.constant 0 : i32
    %dma_start3A_618 = tpu.memref_slice %arg6[%dma_start3A_613, %dma_start3A_616, %dma_start3A_617] : memref<4x16x1024xf32, #tpu.memory_space<vmem>> -> memref<1x16x1024xf32, #tpu.memory_space<vmem>>
    %dma_start3A_619 = tpu.memref_squeeze %dma_start3A_618 : memref<1x16x1024xf32, #tpu.memory_space<vmem>> -> memref<16x1024xf32, #tpu.memory_space<vmem>>
    %dma_start3A_620 = arith.constant 0 : i32
    %dma_start3A_621 = tpu.memref_slice %arg3[%dma_start3A_614, %sub3A_612, %dma_start3A_620] : memref<4x8192x1024xf32, #tpu.memory_space<hbm>> -> memref<1x16x1024xf32, #tpu.memory_space<hbm>>
    %dma_start3A_622 = tpu.memref_squeeze %dma_start3A_621 : memref<1x16x1024xf32, #tpu.memory_space<hbm>> -> memref<16x1024xf32, #tpu.memory_space<hbm>>
    %dma_start3A_623 = tpu.memref_slice %arg9[%dma_start3A_615] : memref<4x!tpu.dma_semaphore, #tpu.memory_space<semaphore_mem>> -> memref<1x!tpu.dma_semaphore, #tpu.memory_space<semaphore_mem>>
    %dma_start3A_624 = tpu.memref_squeeze %dma_start3A_623 : memref<1x!tpu.dma_semaphore, #tpu.memory_space<semaphore_mem>> -> memref<!tpu.dma_semaphore, #tpu.memory_space<semaphore_mem>>
    %dma_start3A_625 = arith.constant 0 : i32
    %dma_start3A_626 = tpu.memref_slice %arg3[%dma_start3A_614, %sub3A_612, %dma_start3A_625] : memref<4x8192x1024xf32, #tpu.memory_space<hbm>> -> memref<1x16x1024xf32, #tpu.memory_space<hbm>>
    %dma_start3A_627 = tpu.memref_squeeze %dma_start3A_626 : memref<1x16x1024xf32, #tpu.memory_space<hbm>> -> memref<16x1024xf32, #tpu.memory_space<hbm>>
    %dma_start3A_628 = arith.constant 0 : i32
    %dma_start3A_629 = arith.constant 0 : i32
    %dma_start3A_630 = tpu.memref_slice %arg6[%dma_start3A_613, %dma_start3A_628, %dma_start3A_629] : memref<4x16x1024xf32, #tpu.memory_space<vmem>> -> memref<1x16x1024xf32, #tpu.memory_space<vmem>>
    %dma_start3A_631 = tpu.memref_squeeze %dma_start3A_630 : memref<1x16x1024xf32, #tpu.memory_space<vmem>> -> memref<16x1024xf32, #tpu.memory_space<vmem>>
    tpu.enqueue_dma source(%dma_start3A_631 : memref<16x1024xf32, #tpu.memory_space<vmem>>) target(%dma_start3A_627 : memref<16x1024xf32, #tpu.memory_space<hbm>>) target_semaphore(%dma_start3A_624 : memref<!tpu.dma_semaphore, #tpu.memory_space<semaphore_mem>>)
    %add3A_632 = arith.constant 96 : i32
    %add3A_633 = arith.addi %add3A_4, %add3A_632 : i32
    %dma_wait3A_634 = arith.constant 2 : i32
    %dma_wait3A_635 = arith.constant 2 : i32
    %dma_wait3A_636 = arith.constant 0 : i32
    %dma_wait3A_637 = arith.constant 0 : i32
    %dma_wait3A_638 = tpu.memref_slice %arg6[%dma_wait3A_634, %dma_wait3A_636, %dma_wait3A_637] : memref<4x16x1024xf32, #tpu.memory_space<vmem>> -> memref<1x16x1024xf32, #tpu.memory_space<vmem>>
    %dma_wait3A_639 = tpu.memref_squeeze %dma_wait3A_638 : memref<1x16x1024xf32, #tpu.memory_space<vmem>> -> memref<16x1024xf32, #tpu.memory_space<vmem>>
    %dma_wait3A_640 = arith.constant 0 : i32
    %dma_wait3A_641 = tpu.memref_slice %arg2[%add3A_633, %dma_wait3A_640] : memref<32768x1024xf32, #tpu.memory_space<hbm>> -> memref<16x1024xf32, #tpu.memory_space<hbm>>
    %dma_wait3A_642 = tpu.memref_slice %arg7[%dma_wait3A_635] : memref<4x!tpu.dma_semaphore, #tpu.memory_space<semaphore_mem>> -> memref<1x!tpu.dma_semaphore, #tpu.memory_space<semaphore_mem>>
    %dma_wait3A_643 = tpu.memref_squeeze %dma_wait3A_642 : memref<1x!tpu.dma_semaphore, #tpu.memory_space<semaphore_mem>> -> memref<!tpu.dma_semaphore, #tpu.memory_space<semaphore_mem>>
    %dma_wait3A_644 = arith.constant 0 : i32
    %dma_wait3A_645 = arith.constant 0 : i32
    %dma_wait3A_646 = tpu.memref_slice %arg6[%dma_wait3A_634, %dma_wait3A_644, %dma_wait3A_645] : memref<4x16x1024xf32, #tpu.memory_space<vmem>> -> memref<1x16x1024xf32, #tpu.memory_space<vmem>>
    %dma_wait3A_647 = tpu.memref_squeeze %dma_wait3A_646 : memref<1x16x1024xf32, #tpu.memory_space<vmem>> -> memref<16x1024xf32, #tpu.memory_space<vmem>>
    %dma_wait3A_648 = arith.constant 0 : i32
    %dma_wait3A_649 = tpu.memref_slice %arg2[%add3A_633, %dma_wait3A_648] : memref<32768x1024xf32, #tpu.memory_space<hbm>> -> memref<16x1024xf32, #tpu.memory_space<hbm>>
    tpu.wait_dma2 semaphore(%dma_wait3A_643 : memref<!tpu.dma_semaphore, #tpu.memory_space<semaphore_mem>>) src(%dma_wait3A_649 : memref<16x1024xf32, #tpu.memory_space<hbm>>) dst(%dma_wait3A_647 : memref<16x1024xf32, #tpu.memory_space<vmem>>)
    %dma_start3A_650 = arith.constant 2 : i32
    %dma_start3A_651 = arith.constant 2 : i32
    %dma_start3A_652 = arith.constant 0 : i32
    %dma_start3A_653 = arith.constant 0 : i32
    %dma_start3A_654 = tpu.memref_slice %arg6[%dma_start3A_650, %dma_start3A_652, %dma_start3A_653] : memref<4x16x1024xf32, #tpu.memory_space<vmem>> -> memref<1x16x1024xf32, #tpu.memory_space<vmem>>
    %dma_start3A_655 = tpu.memref_squeeze %dma_start3A_654 : memref<1x16x1024xf32, #tpu.memory_space<vmem>> -> memref<16x1024xf32, #tpu.memory_space<vmem>>
    %dma_start3A_656 = arith.constant 0 : i32
    %dma_start3A_657 = tpu.memref_slice %arg4[%add3A_633, %dma_start3A_656] : memref<32768x1024xf32, #tpu.memory_space<hbm>> -> memref<16x1024xf32, #tpu.memory_space<hbm>>
    %dma_start3A_658 = tpu.memref_slice %arg8[%dma_start3A_651] : memref<4x!tpu.dma_semaphore, #tpu.memory_space<semaphore_mem>> -> memref<1x!tpu.dma_semaphore, #tpu.memory_space<semaphore_mem>>
    %dma_start3A_659 = tpu.memref_squeeze %dma_start3A_658 : memref<1x!tpu.dma_semaphore, #tpu.memory_space<semaphore_mem>> -> memref<!tpu.dma_semaphore, #tpu.memory_space<semaphore_mem>>
    %dma_start3A_660 = arith.constant 0 : i32
    %dma_start3A_661 = tpu.memref_slice %arg4[%add3A_633, %dma_start3A_660] : memref<32768x1024xf32, #tpu.memory_space<hbm>> -> memref<16x1024xf32, #tpu.memory_space<hbm>>
    %dma_start3A_662 = arith.constant 0 : i32
    %dma_start3A_663 = arith.constant 0 : i32
    %dma_start3A_664 = tpu.memref_slice %arg6[%dma_start3A_650, %dma_start3A_662, %dma_start3A_663] : memref<4x16x1024xf32, #tpu.memory_space<vmem>> -> memref<1x16x1024xf32, #tpu.memory_space<vmem>>
    %dma_start3A_665 = tpu.memref_squeeze %dma_start3A_664 : memref<1x16x1024xf32, #tpu.memory_space<vmem>> -> memref<16x1024xf32, #tpu.memory_space<vmem>>
    tpu.enqueue_dma source(%dma_start3A_665 : memref<16x1024xf32, #tpu.memory_space<vmem>>) target(%dma_start3A_661 : memref<16x1024xf32, #tpu.memory_space<hbm>>) target_semaphore(%dma_start3A_659 : memref<!tpu.dma_semaphore, #tpu.memory_space<semaphore_mem>>)
    %sub3A_666 = arith.constant 24576 : i32
    %sub3A_667 = arith.subi %add3A_633, %sub3A_666 : i32
    %dma_start3A_668 = arith.constant 2 : i32
    %dma_start3A_669 = arith.constant 3 : i32
    %dma_start3A_670 = arith.constant 2 : i32
    %dma_start3A_671 = arith.constant 0 : i32
    %dma_start3A_672 = arith.constant 0 : i32
    %dma_start3A_673 = tpu.memref_slice %arg6[%dma_start3A_668, %dma_start3A_671, %dma_start3A_672] : memref<4x16x1024xf32, #tpu.memory_space<vmem>> -> memref<1x16x1024xf32, #tpu.memory_space<vmem>>
    %dma_start3A_674 = tpu.memref_squeeze %dma_start3A_673 : memref<1x16x1024xf32, #tpu.memory_space<vmem>> -> memref<16x1024xf32, #tpu.memory_space<vmem>>
    %dma_start3A_675 = arith.constant 0 : i32
    %dma_start3A_676 = tpu.memref_slice %arg3[%dma_start3A_669, %sub3A_667, %dma_start3A_675] : memref<4x8192x1024xf32, #tpu.memory_space<hbm>> -> memref<1x16x1024xf32, #tpu.memory_space<hbm>>
    %dma_start3A_677 = tpu.memref_squeeze %dma_start3A_676 : memref<1x16x1024xf32, #tpu.memory_space<hbm>> -> memref<16x1024xf32, #tpu.memory_space<hbm>>
    %dma_start3A_678 = tpu.memref_slice %arg9[%dma_start3A_670] : memref<4x!tpu.dma_semaphore, #tpu.memory_space<semaphore_mem>> -> memref<1x!tpu.dma_semaphore, #tpu.memory_space<semaphore_mem>>
    %dma_start3A_679 = tpu.memref_squeeze %dma_start3A_678 : memref<1x!tpu.dma_semaphore, #tpu.memory_space<semaphore_mem>> -> memref<!tpu.dma_semaphore, #tpu.memory_space<semaphore_mem>>
    %dma_start3A_680 = arith.constant 0 : i32
    %dma_start3A_681 = tpu.memref_slice %arg3[%dma_start3A_669, %sub3A_667, %dma_start3A_680] : memref<4x8192x1024xf32, #tpu.memory_space<hbm>> -> memref<1x16x1024xf32, #tpu.memory_space<hbm>>
    %dma_start3A_682 = tpu.memref_squeeze %dma_start3A_681 : memref<1x16x1024xf32, #tpu.memory_space<hbm>> -> memref<16x1024xf32, #tpu.memory_space<hbm>>
    %dma_start3A_683 = arith.constant 0 : i32
    %dma_start3A_684 = arith.constant 0 : i32
    %dma_start3A_685 = tpu.memref_slice %arg6[%dma_start3A_668, %dma_start3A_683, %dma_start3A_684] : memref<4x16x1024xf32, #tpu.memory_space<vmem>> -> memref<1x16x1024xf32, #tpu.memory_space<vmem>>
    %dma_start3A_686 = tpu.memref_squeeze %dma_start3A_685 : memref<1x16x1024xf32, #tpu.memory_space<vmem>> -> memref<16x1024xf32, #tpu.memory_space<vmem>>
    tpu.enqueue_dma source(%dma_start3A_686 : memref<16x1024xf32, #tpu.memory_space<vmem>>) target(%dma_start3A_682 : memref<16x1024xf32, #tpu.memory_space<hbm>>) target_semaphore(%dma_start3A_679 : memref<!tpu.dma_semaphore, #tpu.memory_space<semaphore_mem>>)
    %add3A_687 = arith.constant 112 : i32
    %add3A_688 = arith.addi %add3A_4, %add3A_687 : i32
    %dma_wait3A_689 = arith.constant 3 : i32
    %dma_wait3A_690 = arith.constant 3 : i32
    %dma_wait3A_691 = arith.constant 0 : i32
    %dma_wait3A_692 = arith.constant 0 : i32
    %dma_wait3A_693 = tpu.memref_slice %arg6[%dma_wait3A_689, %dma_wait3A_691, %dma_wait3A_692] : memref<4x16x1024xf32, #tpu.memory_space<vmem>> -> memref<1x16x1024xf32, #tpu.memory_space<vmem>>
    %dma_wait3A_694 = tpu.memref_squeeze %dma_wait3A_693 : memref<1x16x1024xf32, #tpu.memory_space<vmem>> -> memref<16x1024xf32, #tpu.memory_space<vmem>>
    %dma_wait3A_695 = arith.constant 0 : i32
    %dma_wait3A_696 = tpu.memref_slice %arg2[%add3A_688, %dma_wait3A_695] : memref<32768x1024xf32, #tpu.memory_space<hbm>> -> memref<16x1024xf32, #tpu.memory_space<hbm>>
    %dma_wait3A_697 = tpu.memref_slice %arg7[%dma_wait3A_690] : memref<4x!tpu.dma_semaphore, #tpu.memory_space<semaphore_mem>> -> memref<1x!tpu.dma_semaphore, #tpu.memory_space<semaphore_mem>>
    %dma_wait3A_698 = tpu.memref_squeeze %dma_wait3A_697 : memref<1x!tpu.dma_semaphore, #tpu.memory_space<semaphore_mem>> -> memref<!tpu.dma_semaphore, #tpu.memory_space<semaphore_mem>>
    %dma_wait3A_699 = arith.constant 0 : i32
    %dma_wait3A_700 = arith.constant 0 : i32
    %dma_wait3A_701 = tpu.memref_slice %arg6[%dma_wait3A_689, %dma_wait3A_699, %dma_wait3A_700] : memref<4x16x1024xf32, #tpu.memory_space<vmem>> -> memref<1x16x1024xf32, #tpu.memory_space<vmem>>
    %dma_wait3A_702 = tpu.memref_squeeze %dma_wait3A_701 : memref<1x16x1024xf32, #tpu.memory_space<vmem>> -> memref<16x1024xf32, #tpu.memory_space<vmem>>
    %dma_wait3A_703 = arith.constant 0 : i32
    %dma_wait3A_704 = tpu.memref_slice %arg2[%add3A_688, %dma_wait3A_703] : memref<32768x1024xf32, #tpu.memory_space<hbm>> -> memref<16x1024xf32, #tpu.memory_space<hbm>>
    tpu.wait_dma2 semaphore(%dma_wait3A_698 : memref<!tpu.dma_semaphore, #tpu.memory_space<semaphore_mem>>) src(%dma_wait3A_704 : memref<16x1024xf32, #tpu.memory_space<hbm>>) dst(%dma_wait3A_702 : memref<16x1024xf32, #tpu.memory_space<vmem>>)
    %dma_start3A_705 = arith.constant 3 : i32
    %dma_start3A_706 = arith.constant 3 : i32
    %dma_start3A_707 = arith.constant 0 : i32
    %dma_start3A_708 = arith.constant 0 : i32
    %dma_start3A_709 = tpu.memref_slice %arg6[%dma_start3A_705, %dma_start3A_707, %dma_start3A_708] : memref<4x16x1024xf32, #tpu.memory_space<vmem>> -> memref<1x16x1024xf32, #tpu.memory_space<vmem>>
    %dma_start3A_710 = tpu.memref_squeeze %dma_start3A_709 : memref<1x16x1024xf32, #tpu.memory_space<vmem>> -> memref<16x1024xf32, #tpu.memory_space<vmem>>
    %dma_start3A_711 = arith.constant 0 : i32
    %dma_start3A_712 = tpu.memref_slice %arg4[%add3A_688, %dma_start3A_711] : memref<32768x1024xf32, #tpu.memory_space<hbm>> -> memref<16x1024xf32, #tpu.memory_space<hbm>>
    %dma_start3A_713 = tpu.memref_slice %arg8[%dma_start3A_706] : memref<4x!tpu.dma_semaphore, #tpu.memory_space<semaphore_mem>> -> memref<1x!tpu.dma_semaphore, #tpu.memory_space<semaphore_mem>>
    %dma_start3A_714 = tpu.memref_squeeze %dma_start3A_713 : memref<1x!tpu.dma_semaphore, #tpu.memory_space<semaphore_mem>> -> memref<!tpu.dma_semaphore, #tpu.memory_space<semaphore_mem>>
    %dma_start3A_715 = arith.constant 0 : i32
    %dma_start3A_716 = tpu.memref_slice %arg4[%add3A_688, %dma_start3A_715] : memref<32768x1024xf32, #tpu.memory_space<hbm>> -> memref<16x1024xf32, #tpu.memory_space<hbm>>
    %dma_start3A_717 = arith.constant 0 : i32
    %dma_start3A_718 = arith.constant 0 : i32
    %dma_start3A_719 = tpu.memref_slice %arg6[%dma_start3A_705, %dma_start3A_717, %dma_start3A_718] : memref<4x16x1024xf32, #tpu.memory_space<vmem>> -> memref<1x16x1024xf32, #tpu.memory_space<vmem>>
    %dma_start3A_720 = tpu.memref_squeeze %dma_start3A_719 : memref<1x16x1024xf32, #tpu.memory_space<vmem>> -> memref<16x1024xf32, #tpu.memory_space<vmem>>
    tpu.enqueue_dma source(%dma_start3A_720 : memref<16x1024xf32, #tpu.memory_space<vmem>>) target(%dma_start3A_716 : memref<16x1024xf32, #tpu.memory_space<hbm>>) target_semaphore(%dma_start3A_714 : memref<!tpu.dma_semaphore, #tpu.memory_space<semaphore_mem>>)
    %sub3A_721 = arith.constant 24576 : i32
    %sub3A_722 = arith.subi %add3A_688, %sub3A_721 : i32
    %dma_start3A_723 = arith.constant 3 : i32
    %dma_start3A_724 = arith.constant 3 : i32
    %dma_start3A_725 = arith.constant 3 : i32
    %dma_start3A_726 = arith.constant 0 : i32
    %dma_start3A_727 = arith.constant 0 : i32
    %dma_start3A_728 = tpu.memref_slice %arg6[%dma_start3A_723, %dma_start3A_726, %dma_start3A_727] : memref<4x16x1024xf32, #tpu.memory_space<vmem>> -> memref<1x16x1024xf32, #tpu.memory_space<vmem>>
    %dma_start3A_729 = tpu.memref_squeeze %dma_start3A_728 : memref<1x16x1024xf32, #tpu.memory_space<vmem>> -> memref<16x1024xf32, #tpu.memory_space<vmem>>
    %dma_start3A_730 = arith.constant 0 : i32
    %dma_start3A_731 = tpu.memref_slice %arg3[%dma_start3A_724, %sub3A_722, %dma_start3A_730] : memref<4x8192x1024xf32, #tpu.memory_space<hbm>> -> memref<1x16x1024xf32, #tpu.memory_space<hbm>>
    %dma_start3A_732 = tpu.memref_squeeze %dma_start3A_731 : memref<1x16x1024xf32, #tpu.memory_space<hbm>> -> memref<16x1024xf32, #tpu.memory_space<hbm>>
    %dma_start3A_733 = tpu.memref_slice %arg9[%dma_start3A_725] : memref<4x!tpu.dma_semaphore, #tpu.memory_space<semaphore_mem>> -> memref<1x!tpu.dma_semaphore, #tpu.memory_space<semaphore_mem>>
    %dma_start3A_734 = tpu.memref_squeeze %dma_start3A_733 : memref<1x!tpu.dma_semaphore, #tpu.memory_space<semaphore_mem>> -> memref<!tpu.dma_semaphore, #tpu.memory_space<semaphore_mem>>
    %dma_start3A_735 = arith.constant 0 : i32
    %dma_start3A_736 = tpu.memref_slice %arg3[%dma_start3A_724, %sub3A_722, %dma_start3A_735] : memref<4x8192x1024xf32, #tpu.memory_space<hbm>> -> memref<1x16x1024xf32, #tpu.memory_space<hbm>>
    %dma_start3A_737 = tpu.memref_squeeze %dma_start3A_736 : memref<1x16x1024xf32, #tpu.memory_space<hbm>> -> memref<16x1024xf32, #tpu.memory_space<hbm>>
    %dma_start3A_738 = arith.constant 0 : i32
    %dma_start3A_739 = arith.constant 0 : i32
    %dma_start3A_740 = tpu.memref_slice %arg6[%dma_start3A_723, %dma_start3A_738, %dma_start3A_739] : memref<4x16x1024xf32, #tpu.memory_space<vmem>> -> memref<1x16x1024xf32, #tpu.memory_space<vmem>>
    %dma_start3A_741 = tpu.memref_squeeze %dma_start3A_740 : memref<1x16x1024xf32, #tpu.memory_space<vmem>> -> memref<16x1024xf32, #tpu.memory_space<vmem>>
    tpu.enqueue_dma source(%dma_start3A_741 : memref<16x1024xf32, #tpu.memory_space<vmem>>) target(%dma_start3A_737 : memref<16x1024xf32, #tpu.memory_space<hbm>>) target_semaphore(%dma_start3A_734 : memref<!tpu.dma_semaphore, #tpu.memory_space<semaphore_mem>>)
    %add3A_742 = arith.constant 128 : i32
    %add3A_743 = arith.addi %add3A_4, %add3A_742 : i32
    %sub3A_744 = arith.constant 64 : i32
    %sub3A_745 = arith.subi %add3A_743, %sub3A_744 : i32
    %dma_wait3A_746 = arith.constant 0 : i32
    %dma_wait3A_747 = arith.constant 0 : i32
    %dma_wait3A_748 = arith.constant 0 : i32
    %dma_wait3A_749 = arith.constant 0 : i32
    %dma_wait3A_750 = tpu.memref_slice %arg6[%dma_wait3A_746, %dma_wait3A_748, %dma_wait3A_749] : memref<4x16x1024xf32, #tpu.memory_space<vmem>> -> memref<1x16x1024xf32, #tpu.memory_space<vmem>>
    %dma_wait3A_751 = tpu.memref_squeeze %dma_wait3A_750 : memref<1x16x1024xf32, #tpu.memory_space<vmem>> -> memref<16x1024xf32, #tpu.memory_space<vmem>>
    %dma_wait3A_752 = arith.constant 0 : i32
    %dma_wait3A_753 = tpu.memref_slice %arg4[%sub3A_745, %dma_wait3A_752] : memref<32768x1024xf32, #tpu.memory_space<hbm>> -> memref<16x1024xf32, #tpu.memory_space<hbm>>
    %dma_wait3A_754 = tpu.memref_slice %arg8[%dma_wait3A_747] : memref<4x!tpu.dma_semaphore, #tpu.memory_space<semaphore_mem>> -> memref<1x!tpu.dma_semaphore, #tpu.memory_space<semaphore_mem>>
    %dma_wait3A_755 = tpu.memref_squeeze %dma_wait3A_754 : memref<1x!tpu.dma_semaphore, #tpu.memory_space<semaphore_mem>> -> memref<!tpu.dma_semaphore, #tpu.memory_space<semaphore_mem>>
    %dma_wait3A_756 = arith.constant 0 : i32
    %dma_wait3A_757 = tpu.memref_slice %arg4[%sub3A_745, %dma_wait3A_756] : memref<32768x1024xf32, #tpu.memory_space<hbm>> -> memref<16x1024xf32, #tpu.memory_space<hbm>>
    %dma_wait3A_758 = arith.constant 0 : i32
    %dma_wait3A_759 = arith.constant 0 : i32
    %dma_wait3A_760 = tpu.memref_slice %arg6[%dma_wait3A_746, %dma_wait3A_758, %dma_wait3A_759] : memref<4x16x1024xf32, #tpu.memory_space<vmem>> -> memref<1x16x1024xf32, #tpu.memory_space<vmem>>
    %dma_wait3A_761 = tpu.memref_squeeze %dma_wait3A_760 : memref<1x16x1024xf32, #tpu.memory_space<vmem>> -> memref<16x1024xf32, #tpu.memory_space<vmem>>
    tpu.wait_dma2 semaphore(%dma_wait3A_755 : memref<!tpu.dma_semaphore, #tpu.memory_space<semaphore_mem>>) src(%dma_wait3A_761 : memref<16x1024xf32, #tpu.memory_space<vmem>>) dst(%dma_wait3A_757 : memref<16x1024xf32, #tpu.memory_space<hbm>>)
    %sub3A_762 = arith.constant 24576 : i32
    %sub3A_763 = arith.subi %sub3A_745, %sub3A_762 : i32
    %dma_wait3A_764 = arith.constant 0 : i32
    %dma_wait3A_765 = arith.constant 3 : i32
    %dma_wait3A_766 = arith.constant 0 : i32
    %dma_wait3A_767 = arith.constant 0 : i32
    %dma_wait3A_768 = arith.constant 0 : i32
    %dma_wait3A_769 = tpu.memref_slice %arg6[%dma_wait3A_764, %dma_wait3A_767, %dma_wait3A_768] : memref<4x16x1024xf32, #tpu.memory_space<vmem>> -> memref<1x16x1024xf32, #tpu.memory_space<vmem>>
    %dma_wait3A_770 = tpu.memref_squeeze %dma_wait3A_769 : memref<1x16x1024xf32, #tpu.memory_space<vmem>> -> memref<16x1024xf32, #tpu.memory_space<vmem>>
    %dma_wait3A_771 = arith.constant 0 : i32
    %dma_wait3A_772 = tpu.memref_slice %arg3[%dma_wait3A_765, %sub3A_763, %dma_wait3A_771] : memref<4x8192x1024xf32, #tpu.memory_space<hbm>> -> memref<1x16x1024xf32, #tpu.memory_space<hbm>>
    %dma_wait3A_773 = tpu.memref_squeeze %dma_wait3A_772 : memref<1x16x1024xf32, #tpu.memory_space<hbm>> -> memref<16x1024xf32, #tpu.memory_space<hbm>>
    %dma_wait3A_774 = tpu.memref_slice %arg9[%dma_wait3A_766] : memref<4x!tpu.dma_semaphore, #tpu.memory_space<semaphore_mem>> -> memref<1x!tpu.dma_semaphore, #tpu.memory_space<semaphore_mem>>
    %dma_wait3A_775 = tpu.memref_squeeze %dma_wait3A_774 : memref<1x!tpu.dma_semaphore, #tpu.memory_space<semaphore_mem>> -> memref<!tpu.dma_semaphore, #tpu.memory_space<semaphore_mem>>
    %dma_wait3A_776 = arith.constant 0 : i32
    %dma_wait3A_777 = tpu.memref_slice %arg3[%dma_wait3A_765, %sub3A_763, %dma_wait3A_776] : memref<4x8192x1024xf32, #tpu.memory_space<hbm>> -> memref<1x16x1024xf32, #tpu.memory_space<hbm>>
    %dma_wait3A_778 = tpu.memref_squeeze %dma_wait3A_777 : memref<1x16x1024xf32, #tpu.memory_space<hbm>> -> memref<16x1024xf32, #tpu.memory_space<hbm>>
    %dma_wait3A_779 = arith.constant 0 : i32
    %dma_wait3A_780 = arith.constant 0 : i32
    %dma_wait3A_781 = tpu.memref_slice %arg6[%dma_wait3A_764, %dma_wait3A_779, %dma_wait3A_780] : memref<4x16x1024xf32, #tpu.memory_space<vmem>> -> memref<1x16x1024xf32, #tpu.memory_space<vmem>>
    %dma_wait3A_782 = tpu.memref_squeeze %dma_wait3A_781 : memref<1x16x1024xf32, #tpu.memory_space<vmem>> -> memref<16x1024xf32, #tpu.memory_space<vmem>>
    tpu.wait_dma2 semaphore(%dma_wait3A_775 : memref<!tpu.dma_semaphore, #tpu.memory_space<semaphore_mem>>) src(%dma_wait3A_782 : memref<16x1024xf32, #tpu.memory_space<vmem>>) dst(%dma_wait3A_778 : memref<16x1024xf32, #tpu.memory_space<hbm>>)
    %dma_start3A_783 = arith.constant 0 : i32
    %dma_start3A_784 = arith.constant 0 : i32
    %dma_start3A_785 = arith.constant 0 : i32
    %dma_start3A_786 = arith.constant 0 : i32
    %dma_start3A_787 = tpu.memref_slice %arg6[%dma_start3A_783, %dma_start3A_785, %dma_start3A_786] : memref<4x16x1024xf32, #tpu.memory_space<vmem>> -> memref<1x16x1024xf32, #tpu.memory_space<vmem>>
    %dma_start3A_788 = tpu.memref_squeeze %dma_start3A_787 : memref<1x16x1024xf32, #tpu.memory_space<vmem>> -> memref<16x1024xf32, #tpu.memory_space<vmem>>
    %dma_start3A_789 = arith.constant 0 : i32
    %dma_start3A_790 = tpu.memref_slice %arg2[%add3A_743, %dma_start3A_789] : memref<32768x1024xf32, #tpu.memory_space<hbm>> -> memref<16x1024xf32, #tpu.memory_space<hbm>>
    %dma_start3A_791 = tpu.memref_slice %arg7[%dma_start3A_784] : memref<4x!tpu.dma_semaphore, #tpu.memory_space<semaphore_mem>> -> memref<1x!tpu.dma_semaphore, #tpu.memory_space<semaphore_mem>>
    %dma_start3A_792 = tpu.memref_squeeze %dma_start3A_791 : memref<1x!tpu.dma_semaphore, #tpu.memory_space<semaphore_mem>> -> memref<!tpu.dma_semaphore, #tpu.memory_space<semaphore_mem>>
    %dma_start3A_793 = arith.constant 0 : i32
    %dma_start3A_794 = arith.constant 0 : i32
    %dma_start3A_795 = tpu.memref_slice %arg6[%dma_start3A_783, %dma_start3A_793, %dma_start3A_794] : memref<4x16x1024xf32, #tpu.memory_space<vmem>> -> memref<1x16x1024xf32, #tpu.memory_space<vmem>>
    %dma_start3A_796 = tpu.memref_squeeze %dma_start3A_795 : memref<1x16x1024xf32, #tpu.memory_space<vmem>> -> memref<16x1024xf32, #tpu.memory_space<vmem>>
    %dma_start3A_797 = arith.constant 0 : i32
    %dma_start3A_798 = tpu.memref_slice %arg2[%add3A_743, %dma_start3A_797] : memref<32768x1024xf32, #tpu.memory_space<hbm>> -> memref<16x1024xf32, #tpu.memory_space<hbm>>
    tpu.enqueue_dma source(%dma_start3A_798 : memref<16x1024xf32, #tpu.memory_space<hbm>>) target(%dma_start3A_796 : memref<16x1024xf32, #tpu.memory_space<vmem>>) target_semaphore(%dma_start3A_792 : memref<!tpu.dma_semaphore, #tpu.memory_space<semaphore_mem>>)
    %add3A_799 = arith.constant 144 : i32
    %add3A_800 = arith.addi %add3A_4, %add3A_799 : i32
    %sub3A_801 = arith.constant 64 : i32
    %sub3A_802 = arith.subi %add3A_800, %sub3A_801 : i32
    %dma_wait3A_803 = arith.constant 1 : i32
    %dma_wait3A_804 = arith.constant 1 : i32
    %dma_wait3A_805 = arith.constant 0 : i32
    %dma_wait3A_806 = arith.constant 0 : i32
    %dma_wait3A_807 = tpu.memref_slice %arg6[%dma_wait3A_803, %dma_wait3A_805, %dma_wait3A_806] : memref<4x16x1024xf32, #tpu.memory_space<vmem>> -> memref<1x16x1024xf32, #tpu.memory_space<vmem>>
    %dma_wait3A_808 = tpu.memref_squeeze %dma_wait3A_807 : memref<1x16x1024xf32, #tpu.memory_space<vmem>> -> memref<16x1024xf32, #tpu.memory_space<vmem>>
    %dma_wait3A_809 = arith.constant 0 : i32
    %dma_wait3A_810 = tpu.memref_slice %arg4[%sub3A_802, %dma_wait3A_809] : memref<32768x1024xf32, #tpu.memory_space<hbm>> -> memref<16x1024xf32, #tpu.memory_space<hbm>>
    %dma_wait3A_811 = tpu.memref_slice %arg8[%dma_wait3A_804] : memref<4x!tpu.dma_semaphore, #tpu.memory_space<semaphore_mem>> -> memref<1x!tpu.dma_semaphore, #tpu.memory_space<semaphore_mem>>
    %dma_wait3A_812 = tpu.memref_squeeze %dma_wait3A_811 : memref<1x!tpu.dma_semaphore, #tpu.memory_space<semaphore_mem>> -> memref<!tpu.dma_semaphore, #tpu.memory_space<semaphore_mem>>
    %dma_wait3A_813 = arith.constant 0 : i32
    %dma_wait3A_814 = tpu.memref_slice %arg4[%sub3A_802, %dma_wait3A_813] : memref<32768x1024xf32, #tpu.memory_space<hbm>> -> memref<16x1024xf32, #tpu.memory_space<hbm>>
    %dma_wait3A_815 = arith.constant 0 : i32
    %dma_wait3A_816 = arith.constant 0 : i32
    %dma_wait3A_817 = tpu.memref_slice %arg6[%dma_wait3A_803, %dma_wait3A_815, %dma_wait3A_816] : memref<4x16x1024xf32, #tpu.memory_space<vmem>> -> memref<1x16x1024xf32, #tpu.memory_space<vmem>>
    %dma_wait3A_818 = tpu.memref_squeeze %dma_wait3A_817 : memref<1x16x1024xf32, #tpu.memory_space<vmem>> -> memref<16x1024xf32, #tpu.memory_space<vmem>>
    tpu.wait_dma2 semaphore(%dma_wait3A_812 : memref<!tpu.dma_semaphore, #tpu.memory_space<semaphore_mem>>) src(%dma_wait3A_818 : memref<16x1024xf32, #tpu.memory_space<vmem>>) dst(%dma_wait3A_814 : memref<16x1024xf32, #tpu.memory_space<hbm>>)
    %sub3A_819 = arith.constant 24576 : i32
    %sub3A_820 = arith.subi %sub3A_802, %sub3A_819 : i32
    %dma_wait3A_821 = arith.constant 1 : i32
    %dma_wait3A_822 = arith.constant 3 : i32
    %dma_wait3A_823 = arith.constant 1 : i32
    %dma_wait3A_824 = arith.constant 0 : i32
    %dma_wait3A_825 = arith.constant 0 : i32
    %dma_wait3A_826 = tpu.memref_slice %arg6[%dma_wait3A_821, %dma_wait3A_824, %dma_wait3A_825] : memref<4x16x1024xf32, #tpu.memory_space<vmem>> -> memref<1x16x1024xf32, #tpu.memory_space<vmem>>
    %dma_wait3A_827 = tpu.memref_squeeze %dma_wait3A_826 : memref<1x16x1024xf32, #tpu.memory_space<vmem>> -> memref<16x1024xf32, #tpu.memory_space<vmem>>
    %dma_wait3A_828 = arith.constant 0 : i32
    %dma_wait3A_829 = tpu.memref_slice %arg3[%dma_wait3A_822, %sub3A_820, %dma_wait3A_828] : memref<4x8192x1024xf32, #tpu.memory_space<hbm>> -> memref<1x16x1024xf32, #tpu.memory_space<hbm>>
    %dma_wait3A_830 = tpu.memref_squeeze %dma_wait3A_829 : memref<1x16x1024xf32, #tpu.memory_space<hbm>> -> memref<16x1024xf32, #tpu.memory_space<hbm>>
    %dma_wait3A_831 = tpu.memref_slice %arg9[%dma_wait3A_823] : memref<4x!tpu.dma_semaphore, #tpu.memory_space<semaphore_mem>> -> memref<1x!tpu.dma_semaphore, #tpu.memory_space<semaphore_mem>>
    %dma_wait3A_832 = tpu.memref_squeeze %dma_wait3A_831 : memref<1x!tpu.dma_semaphore, #tpu.memory_space<semaphore_mem>> -> memref<!tpu.dma_semaphore, #tpu.memory_space<semaphore_mem>>
    %dma_wait3A_833 = arith.constant 0 : i32
    %dma_wait3A_834 = tpu.memref_slice %arg3[%dma_wait3A_822, %sub3A_820, %dma_wait3A_833] : memref<4x8192x1024xf32, #tpu.memory_space<hbm>> -> memref<1x16x1024xf32, #tpu.memory_space<hbm>>
    %dma_wait3A_835 = tpu.memref_squeeze %dma_wait3A_834 : memref<1x16x1024xf32, #tpu.memory_space<hbm>> -> memref<16x1024xf32, #tpu.memory_space<hbm>>
    %dma_wait3A_836 = arith.constant 0 : i32
    %dma_wait3A_837 = arith.constant 0 : i32
    %dma_wait3A_838 = tpu.memref_slice %arg6[%dma_wait3A_821, %dma_wait3A_836, %dma_wait3A_837] : memref<4x16x1024xf32, #tpu.memory_space<vmem>> -> memref<1x16x1024xf32, #tpu.memory_space<vmem>>
    %dma_wait3A_839 = tpu.memref_squeeze %dma_wait3A_838 : memref<1x16x1024xf32, #tpu.memory_space<vmem>> -> memref<16x1024xf32, #tpu.memory_space<vmem>>
    tpu.wait_dma2 semaphore(%dma_wait3A_832 : memref<!tpu.dma_semaphore, #tpu.memory_space<semaphore_mem>>) src(%dma_wait3A_839 : memref<16x1024xf32, #tpu.memory_space<vmem>>) dst(%dma_wait3A_835 : memref<16x1024xf32, #tpu.memory_space<hbm>>)
    %dma_start3A_840 = arith.constant 1 : i32
    %dma_start3A_841 = arith.constant 1 : i32
    %dma_start3A_842 = arith.constant 0 : i32
    %dma_start3A_843 = arith.constant 0 : i32
    %dma_start3A_844 = tpu.memref_slice %arg6[%dma_start3A_840, %dma_start3A_842, %dma_start3A_843] : memref<4x16x1024xf32, #tpu.memory_space<vmem>> -> memref<1x16x1024xf32, #tpu.memory_space<vmem>>
    %dma_start3A_845 = tpu.memref_squeeze %dma_start3A_844 : memref<1x16x1024xf32, #tpu.memory_space<vmem>> -> memref<16x1024xf32, #tpu.memory_space<vmem>>
    %dma_start3A_846 = arith.constant 0 : i32
    %dma_start3A_847 = tpu.memref_slice %arg2[%add3A_800, %dma_start3A_846] : memref<32768x1024xf32, #tpu.memory_space<hbm>> -> memref<16x1024xf32, #tpu.memory_space<hbm>>
    %dma_start3A_848 = tpu.memref_slice %arg7[%dma_start3A_841] : memref<4x!tpu.dma_semaphore, #tpu.memory_space<semaphore_mem>> -> memref<1x!tpu.dma_semaphore, #tpu.memory_space<semaphore_mem>>
    %dma_start3A_849 = tpu.memref_squeeze %dma_start3A_848 : memref<1x!tpu.dma_semaphore, #tpu.memory_space<semaphore_mem>> -> memref<!tpu.dma_semaphore, #tpu.memory_space<semaphore_mem>>
    %dma_start3A_850 = arith.constant 0 : i32
    %dma_start3A_851 = arith.constant 0 : i32
    %dma_start3A_852 = tpu.memref_slice %arg6[%dma_start3A_840, %dma_start3A_850, %dma_start3A_851] : memref<4x16x1024xf32, #tpu.memory_space<vmem>> -> memref<1x16x1024xf32, #tpu.memory_space<vmem>>
    %dma_start3A_853 = tpu.memref_squeeze %dma_start3A_852 : memref<1x16x1024xf32, #tpu.memory_space<vmem>> -> memref<16x1024xf32, #tpu.memory_space<vmem>>
    %dma_start3A_854 = arith.constant 0 : i32
    %dma_start3A_855 = tpu.memref_slice %arg2[%add3A_800, %dma_start3A_854] : memref<32768x1024xf32, #tpu.memory_space<hbm>> -> memref<16x1024xf32, #tpu.memory_space<hbm>>
    tpu.enqueue_dma source(%dma_start3A_855 : memref<16x1024xf32, #tpu.memory_space<hbm>>) target(%dma_start3A_853 : memref<16x1024xf32, #tpu.memory_space<vmem>>) target_semaphore(%dma_start3A_849 : memref<!tpu.dma_semaphore, #tpu.memory_space<semaphore_mem>>)
    %add3A_856 = arith.constant 160 : i32
    %add3A_857 = arith.addi %add3A_4, %add3A_856 : i32
    %sub3A_858 = arith.constant 64 : i32
    %sub3A_859 = arith.subi %add3A_857, %sub3A_858 : i32
    %dma_wait3A_860 = arith.constant 2 : i32
    %dma_wait3A_861 = arith.constant 2 : i32
    %dma_wait3A_862 = arith.constant 0 : i32
    %dma_wait3A_863 = arith.constant 0 : i32
    %dma_wait3A_864 = tpu.memref_slice %arg6[%dma_wait3A_860, %dma_wait3A_862, %dma_wait3A_863] : memref<4x16x1024xf32, #tpu.memory_space<vmem>> -> memref<1x16x1024xf32, #tpu.memory_space<vmem>>
    %dma_wait3A_865 = tpu.memref_squeeze %dma_wait3A_864 : memref<1x16x1024xf32, #tpu.memory_space<vmem>> -> memref<16x1024xf32, #tpu.memory_space<vmem>>
    %dma_wait3A_866 = arith.constant 0 : i32
    %dma_wait3A_867 = tpu.memref_slice %arg4[%sub3A_859, %dma_wait3A_866] : memref<32768x1024xf32, #tpu.memory_space<hbm>> -> memref<16x1024xf32, #tpu.memory_space<hbm>>
    %dma_wait3A_868 = tpu.memref_slice %arg8[%dma_wait3A_861] : memref<4x!tpu.dma_semaphore, #tpu.memory_space<semaphore_mem>> -> memref<1x!tpu.dma_semaphore, #tpu.memory_space<semaphore_mem>>
    %dma_wait3A_869 = tpu.memref_squeeze %dma_wait3A_868 : memref<1x!tpu.dma_semaphore, #tpu.memory_space<semaphore_mem>> -> memref<!tpu.dma_semaphore, #tpu.memory_space<semaphore_mem>>
    %dma_wait3A_870 = arith.constant 0 : i32
    %dma_wait3A_871 = tpu.memref_slice %arg4[%sub3A_859, %dma_wait3A_870] : memref<32768x1024xf32, #tpu.memory_space<hbm>> -> memref<16x1024xf32, #tpu.memory_space<hbm>>
    %dma_wait3A_872 = arith.constant 0 : i32
    %dma_wait3A_873 = arith.constant 0 : i32
    %dma_wait3A_874 = tpu.memref_slice %arg6[%dma_wait3A_860, %dma_wait3A_872, %dma_wait3A_873] : memref<4x16x1024xf32, #tpu.memory_space<vmem>> -> memref<1x16x1024xf32, #tpu.memory_space<vmem>>
    %dma_wait3A_875 = tpu.memref_squeeze %dma_wait3A_874 : memref<1x16x1024xf32, #tpu.memory_space<vmem>> -> memref<16x1024xf32, #tpu.memory_space<vmem>>
    tpu.wait_dma2 semaphore(%dma_wait3A_869 : memref<!tpu.dma_semaphore, #tpu.memory_space<semaphore_mem>>) src(%dma_wait3A_875 : memref<16x1024xf32, #tpu.memory_space<vmem>>) dst(%dma_wait3A_871 : memref<16x1024xf32, #tpu.memory_space<hbm>>)
    %sub3A_876 = arith.constant 24576 : i32
    %sub3A_877 = arith.subi %sub3A_859, %sub3A_876 : i32
    %dma_wait3A_878 = arith.constant 2 : i32
    %dma_wait3A_879 = arith.constant 3 : i32
    %dma_wait3A_880 = arith.constant 2 : i32
    %dma_wait3A_881 = arith.constant 0 : i32
    %dma_wait3A_882 = arith.constant 0 : i32
    %dma_wait3A_883 = tpu.memref_slice %arg6[%dma_wait3A_878, %dma_wait3A_881, %dma_wait3A_882] : memref<4x16x1024xf32, #tpu.memory_space<vmem>> -> memref<1x16x1024xf32, #tpu.memory_space<vmem>>
    %dma_wait3A_884 = tpu.memref_squeeze %dma_wait3A_883 : memref<1x16x1024xf32, #tpu.memory_space<vmem>> -> memref<16x1024xf32, #tpu.memory_space<vmem>>
    %dma_wait3A_885 = arith.constant 0 : i32
    %dma_wait3A_886 = tpu.memref_slice %arg3[%dma_wait3A_879, %sub3A_877, %dma_wait3A_885] : memref<4x8192x1024xf32, #tpu.memory_space<hbm>> -> memref<1x16x1024xf32, #tpu.memory_space<hbm>>
    %dma_wait3A_887 = tpu.memref_squeeze %dma_wait3A_886 : memref<1x16x1024xf32, #tpu.memory_space<hbm>> -> memref<16x1024xf32, #tpu.memory_space<hbm>>
    %dma_wait3A_888 = tpu.memref_slice %arg9[%dma_wait3A_880] : memref<4x!tpu.dma_semaphore, #tpu.memory_space<semaphore_mem>> -> memref<1x!tpu.dma_semaphore, #tpu.memory_space<semaphore_mem>>
    %dma_wait3A_889 = tpu.memref_squeeze %dma_wait3A_888 : memref<1x!tpu.dma_semaphore, #tpu.memory_space<semaphore_mem>> -> memref<!tpu.dma_semaphore, #tpu.memory_space<semaphore_mem>>
    %dma_wait3A_890 = arith.constant 0 : i32
    %dma_wait3A_891 = tpu.memref_slice %arg3[%dma_wait3A_879, %sub3A_877, %dma_wait3A_890] : memref<4x8192x1024xf32, #tpu.memory_space<hbm>> -> memref<1x16x1024xf32, #tpu.memory_space<hbm>>
    %dma_wait3A_892 = tpu.memref_squeeze %dma_wait3A_891 : memref<1x16x1024xf32, #tpu.memory_space<hbm>> -> memref<16x1024xf32, #tpu.memory_space<hbm>>
    %dma_wait3A_893 = arith.constant 0 : i32
    %dma_wait3A_894 = arith.constant 0 : i32
    %dma_wait3A_895 = tpu.memref_slice %arg6[%dma_wait3A_878, %dma_wait3A_893, %dma_wait3A_894] : memref<4x16x1024xf32, #tpu.memory_space<vmem>> -> memref<1x16x1024xf32, #tpu.memory_space<vmem>>
    %dma_wait3A_896 = tpu.memref_squeeze %dma_wait3A_895 : memref<1x16x1024xf32, #tpu.memory_space<vmem>> -> memref<16x1024xf32, #tpu.memory_space<vmem>>
    tpu.wait_dma2 semaphore(%dma_wait3A_889 : memref<!tpu.dma_semaphore, #tpu.memory_space<semaphore_mem>>) src(%dma_wait3A_896 : memref<16x1024xf32, #tpu.memory_space<vmem>>) dst(%dma_wait3A_892 : memref<16x1024xf32, #tpu.memory_space<hbm>>)
    %dma_start3A_897 = arith.constant 2 : i32
    %dma_start3A_898 = arith.constant 2 : i32
    %dma_start3A_899 = arith.constant 0 : i32
    %dma_start3A_900 = arith.constant 0 : i32
    %dma_start3A_901 = tpu.memref_slice %arg6[%dma_start3A_897, %dma_start3A_899, %dma_start3A_900] : memref<4x16x1024xf32, #tpu.memory_space<vmem>> -> memref<1x16x1024xf32, #tpu.memory_space<vmem>>
    %dma_start3A_902 = tpu.memref_squeeze %dma_start3A_901 : memref<1x16x1024xf32, #tpu.memory_space<vmem>> -> memref<16x1024xf32, #tpu.memory_space<vmem>>
    %dma_start3A_903 = arith.constant 0 : i32
    %dma_start3A_904 = tpu.memref_slice %arg2[%add3A_857, %dma_start3A_903] : memref<32768x1024xf32, #tpu.memory_space<hbm>> -> memref<16x1024xf32, #tpu.memory_space<hbm>>
    %dma_start3A_905 = tpu.memref_slice %arg7[%dma_start3A_898] : memref<4x!tpu.dma_semaphore, #tpu.memory_space<semaphore_mem>> -> memref<1x!tpu.dma_semaphore, #tpu.memory_space<semaphore_mem>>
    %dma_start3A_906 = tpu.memref_squeeze %dma_start3A_905 : memref<1x!tpu.dma_semaphore, #tpu.memory_space<semaphore_mem>> -> memref<!tpu.dma_semaphore, #tpu.memory_space<semaphore_mem>>
    %dma_start3A_907 = arith.constant 0 : i32
    %dma_start3A_908 = arith.constant 0 : i32
    %dma_start3A_909 = tpu.memref_slice %arg6[%dma_start3A_897, %dma_start3A_907, %dma_start3A_908] : memref<4x16x1024xf32, #tpu.memory_space<vmem>> -> memref<1x16x1024xf32, #tpu.memory_space<vmem>>
    %dma_start3A_910 = tpu.memref_squeeze %dma_start3A_909 : memref<1x16x1024xf32, #tpu.memory_space<vmem>> -> memref<16x1024xf32, #tpu.memory_space<vmem>>
    %dma_start3A_911 = arith.constant 0 : i32
    %dma_start3A_912 = tpu.memref_slice %arg2[%add3A_857, %dma_start3A_911] : memref<32768x1024xf32, #tpu.memory_space<hbm>> -> memref<16x1024xf32, #tpu.memory_space<hbm>>
    tpu.enqueue_dma source(%dma_start3A_912 : memref<16x1024xf32, #tpu.memory_space<hbm>>) target(%dma_start3A_910 : memref<16x1024xf32, #tpu.memory_space<vmem>>) target_semaphore(%dma_start3A_906 : memref<!tpu.dma_semaphore, #tpu.memory_space<semaphore_mem>>)
    %add3A_913 = arith.constant 176 : i32
    %add3A_914 = arith.addi %add3A_4, %add3A_913 : i32
    %sub3A_915 = arith.constant 64 : i32
    %sub3A_916 = arith.subi %add3A_914, %sub3A_915 : i32
    %dma_wait3A_917 = arith.constant 3 : i32
    %dma_wait3A_918 = arith.constant 3 : i32
    %dma_wait3A_919 = arith.constant 0 : i32
    %dma_wait3A_920 = arith.constant 0 : i32
    %dma_wait3A_921 = tpu.memref_slice %arg6[%dma_wait3A_917, %dma_wait3A_919, %dma_wait3A_920] : memref<4x16x1024xf32, #tpu.memory_space<vmem>> -> memref<1x16x1024xf32, #tpu.memory_space<vmem>>
    %dma_wait3A_922 = tpu.memref_squeeze %dma_wait3A_921 : memref<1x16x1024xf32, #tpu.memory_space<vmem>> -> memref<16x1024xf32, #tpu.memory_space<vmem>>
    %dma_wait3A_923 = arith.constant 0 : i32
    %dma_wait3A_924 = tpu.memref_slice %arg4[%sub3A_916, %dma_wait3A_923] : memref<32768x1024xf32, #tpu.memory_space<hbm>> -> memref<16x1024xf32, #tpu.memory_space<hbm>>
    %dma_wait3A_925 = tpu.memref_slice %arg8[%dma_wait3A_918] : memref<4x!tpu.dma_semaphore, #tpu.memory_space<semaphore_mem>> -> memref<1x!tpu.dma_semaphore, #tpu.memory_space<semaphore_mem>>
    %dma_wait3A_926 = tpu.memref_squeeze %dma_wait3A_925 : memref<1x!tpu.dma_semaphore, #tpu.memory_space<semaphore_mem>> -> memref<!tpu.dma_semaphore, #tpu.memory_space<semaphore_mem>>
    %dma_wait3A_927 = arith.constant 0 : i32
    %dma_wait3A_928 = tpu.memref_slice %arg4[%sub3A_916, %dma_wait3A_927] : memref<32768x1024xf32, #tpu.memory_space<hbm>> -> memref<16x1024xf32, #tpu.memory_space<hbm>>
    %dma_wait3A_929 = arith.constant 0 : i32
    %dma_wait3A_930 = arith.constant 0 : i32
    %dma_wait3A_931 = tpu.memref_slice %arg6[%dma_wait3A_917, %dma_wait3A_929, %dma_wait3A_930] : memref<4x16x1024xf32, #tpu.memory_space<vmem>> -> memref<1x16x1024xf32, #tpu.memory_space<vmem>>
    %dma_wait3A_932 = tpu.memref_squeeze %dma_wait3A_931 : memref<1x16x1024xf32, #tpu.memory_space<vmem>> -> memref<16x1024xf32, #tpu.memory_space<vmem>>
    tpu.wait_dma2 semaphore(%dma_wait3A_926 : memref<!tpu.dma_semaphore, #tpu.memory_space<semaphore_mem>>) src(%dma_wait3A_932 : memref<16x1024xf32, #tpu.memory_space<vmem>>) dst(%dma_wait3A_928 : memref<16x1024xf32, #tpu.memory_space<hbm>>)
    %sub3A_933 = arith.constant 24576 : i32
    %sub3A_934 = arith.subi %sub3A_916, %sub3A_933 : i32
    %dma_wait3A_935 = arith.constant 3 : i32
    %dma_wait3A_936 = arith.constant 3 : i32
    %dma_wait3A_937 = arith.constant 3 : i32
    %dma_wait3A_938 = arith.constant 0 : i32
    %dma_wait3A_939 = arith.constant 0 : i32
    %dma_wait3A_940 = tpu.memref_slice %arg6[%dma_wait3A_935, %dma_wait3A_938, %dma_wait3A_939] : memref<4x16x1024xf32, #tpu.memory_space<vmem>> -> memref<1x16x1024xf32, #tpu.memory_space<vmem>>
    %dma_wait3A_941 = tpu.memref_squeeze %dma_wait3A_940 : memref<1x16x1024xf32, #tpu.memory_space<vmem>> -> memref<16x1024xf32, #tpu.memory_space<vmem>>
    %dma_wait3A_942 = arith.constant 0 : i32
    %dma_wait3A_943 = tpu.memref_slice %arg3[%dma_wait3A_936, %sub3A_934, %dma_wait3A_942] : memref<4x8192x1024xf32, #tpu.memory_space<hbm>> -> memref<1x16x1024xf32, #tpu.memory_space<hbm>>
    %dma_wait3A_944 = tpu.memref_squeeze %dma_wait3A_943 : memref<1x16x1024xf32, #tpu.memory_space<hbm>> -> memref<16x1024xf32, #tpu.memory_space<hbm>>
    %dma_wait3A_945 = tpu.memref_slice %arg9[%dma_wait3A_937] : memref<4x!tpu.dma_semaphore, #tpu.memory_space<semaphore_mem>> -> memref<1x!tpu.dma_semaphore, #tpu.memory_space<semaphore_mem>>
    %dma_wait3A_946 = tpu.memref_squeeze %dma_wait3A_945 : memref<1x!tpu.dma_semaphore, #tpu.memory_space<semaphore_mem>> -> memref<!tpu.dma_semaphore, #tpu.memory_space<semaphore_mem>>
    %dma_wait3A_947 = arith.constant 0 : i32
    %dma_wait3A_948 = tpu.memref_slice %arg3[%dma_wait3A_936, %sub3A_934, %dma_wait3A_947] : memref<4x8192x1024xf32, #tpu.memory_space<hbm>> -> memref<1x16x1024xf32, #tpu.memory_space<hbm>>
    %dma_wait3A_949 = tpu.memref_squeeze %dma_wait3A_948 : memref<1x16x1024xf32, #tpu.memory_space<hbm>> -> memref<16x1024xf32, #tpu.memory_space<hbm>>
    %dma_wait3A_950 = arith.constant 0 : i32
    %dma_wait3A_951 = arith.constant 0 : i32
    %dma_wait3A_952 = tpu.memref_slice %arg6[%dma_wait3A_935, %dma_wait3A_950, %dma_wait3A_951] : memref<4x16x1024xf32, #tpu.memory_space<vmem>> -> memref<1x16x1024xf32, #tpu.memory_space<vmem>>
    %dma_wait3A_953 = tpu.memref_squeeze %dma_wait3A_952 : memref<1x16x1024xf32, #tpu.memory_space<vmem>> -> memref<16x1024xf32, #tpu.memory_space<vmem>>
    tpu.wait_dma2 semaphore(%dma_wait3A_946 : memref<!tpu.dma_semaphore, #tpu.memory_space<semaphore_mem>>) src(%dma_wait3A_953 : memref<16x1024xf32, #tpu.memory_space<vmem>>) dst(%dma_wait3A_949 : memref<16x1024xf32, #tpu.memory_space<hbm>>)
    %dma_start3A_954 = arith.constant 3 : i32
    %dma_start3A_955 = arith.constant 3 : i32
    %dma_start3A_956 = arith.constant 0 : i32
    %dma_start3A_957 = arith.constant 0 : i32
    %dma_start3A_958 = tpu.memref_slice %arg6[%dma_start3A_954, %dma_start3A_956, %dma_start3A_957] : memref<4x16x1024xf32, #tpu.memory_space<vmem>> -> memref<1x16x1024xf32, #tpu.memory_space<vmem>>
    %dma_start3A_959 = tpu.memref_squeeze %dma_start3A_958 : memref<1x16x1024xf32, #tpu.memory_space<vmem>> -> memref<16x1024xf32, #tpu.memory_space<vmem>>
    %dma_start3A_960 = arith.constant 0 : i32
    %dma_start3A_961 = tpu.memref_slice %arg2[%add3A_914, %dma_start3A_960] : memref<32768x1024xf32, #tpu.memory_space<hbm>> -> memref<16x1024xf32, #tpu.memory_space<hbm>>
    %dma_start3A_962 = tpu.memref_slice %arg7[%dma_start3A_955] : memref<4x!tpu.dma_semaphore, #tpu.memory_space<semaphore_mem>> -> memref<1x!tpu.dma_semaphore, #tpu.memory_space<semaphore_mem>>
    %dma_start3A_963 = tpu.memref_squeeze %dma_start3A_962 : memref<1x!tpu.dma_semaphore, #tpu.memory_space<semaphore_mem>> -> memref<!tpu.dma_semaphore, #tpu.memory_space<semaphore_mem>>
    %dma_start3A_964 = arith.constant 0 : i32
    %dma_start3A_965 = arith.constant 0 : i32
    %dma_start3A_966 = tpu.memref_slice %arg6[%dma_start3A_954, %dma_start3A_964, %dma_start3A_965] : memref<4x16x1024xf32, #tpu.memory_space<vmem>> -> memref<1x16x1024xf32, #tpu.memory_space<vmem>>
    %dma_start3A_967 = tpu.memref_squeeze %dma_start3A_966 : memref<1x16x1024xf32, #tpu.memory_space<vmem>> -> memref<16x1024xf32, #tpu.memory_space<vmem>>
    %dma_start3A_968 = arith.constant 0 : i32
    %dma_start3A_969 = tpu.memref_slice %arg2[%add3A_914, %dma_start3A_968] : memref<32768x1024xf32, #tpu.memory_space<hbm>> -> memref<16x1024xf32, #tpu.memory_space<hbm>>
    tpu.enqueue_dma source(%dma_start3A_969 : memref<16x1024xf32, #tpu.memory_space<hbm>>) target(%dma_start3A_967 : memref<16x1024xf32, #tpu.memory_space<vmem>>) target_semaphore(%dma_start3A_963 : memref<!tpu.dma_semaphore, #tpu.memory_space<semaphore_mem>>)
    %add3A_970 = arith.constant 128 : i32
    %add3A_971 = arith.addi %add3A_4, %add3A_970 : i32
    %dma_wait3A_972 = arith.constant 0 : i32
    %dma_wait3A_973 = arith.constant 0 : i32
    %dma_wait3A_974 = arith.constant 0 : i32
    %dma_wait3A_975 = arith.constant 0 : i32
    %dma_wait3A_976 = tpu.memref_slice %arg6[%dma_wait3A_972, %dma_wait3A_974, %dma_wait3A_975] : memref<4x16x1024xf32, #tpu.memory_space<vmem>> -> memref<1x16x1024xf32, #tpu.memory_space<vmem>>
    %dma_wait3A_977 = tpu.memref_squeeze %dma_wait3A_976 : memref<1x16x1024xf32, #tpu.memory_space<vmem>> -> memref<16x1024xf32, #tpu.memory_space<vmem>>
    %dma_wait3A_978 = arith.constant 0 : i32
    %dma_wait3A_979 = tpu.memref_slice %arg2[%add3A_971, %dma_wait3A_978] : memref<32768x1024xf32, #tpu.memory_space<hbm>> -> memref<16x1024xf32, #tpu.memory_space<hbm>>
    %dma_wait3A_980 = tpu.memref_slice %arg7[%dma_wait3A_973] : memref<4x!tpu.dma_semaphore, #tpu.memory_space<semaphore_mem>> -> memref<1x!tpu.dma_semaphore, #tpu.memory_space<semaphore_mem>>
    %dma_wait3A_981 = tpu.memref_squeeze %dma_wait3A_980 : memref<1x!tpu.dma_semaphore, #tpu.memory_space<semaphore_mem>> -> memref<!tpu.dma_semaphore, #tpu.memory_space<semaphore_mem>>
    %dma_wait3A_982 = arith.constant 0 : i32
    %dma_wait3A_983 = arith.constant 0 : i32
    %dma_wait3A_984 = tpu.memref_slice %arg6[%dma_wait3A_972, %dma_wait3A_982, %dma_wait3A_983] : memref<4x16x1024xf32, #tpu.memory_space<vmem>> -> memref<1x16x1024xf32, #tpu.memory_space<vmem>>
    %dma_wait3A_985 = tpu.memref_squeeze %dma_wait3A_984 : memref<1x16x1024xf32, #tpu.memory_space<vmem>> -> memref<16x1024xf32, #tpu.memory_space<vmem>>
    %dma_wait3A_986 = arith.constant 0 : i32
    %dma_wait3A_987 = tpu.memref_slice %arg2[%add3A_971, %dma_wait3A_986] : memref<32768x1024xf32, #tpu.memory_space<hbm>> -> memref<16x1024xf32, #tpu.memory_space<hbm>>
    tpu.wait_dma2 semaphore(%dma_wait3A_981 : memref<!tpu.dma_semaphore, #tpu.memory_space<semaphore_mem>>) src(%dma_wait3A_987 : memref<16x1024xf32, #tpu.memory_space<hbm>>) dst(%dma_wait3A_985 : memref<16x1024xf32, #tpu.memory_space<vmem>>)
    %dma_start3A_988 = arith.constant 0 : i32
    %dma_start3A_989 = arith.constant 0 : i32
    %dma_start3A_990 = arith.constant 0 : i32
    %dma_start3A_991 = arith.constant 0 : i32
    %dma_start3A_992 = tpu.memref_slice %arg6[%dma_start3A_988, %dma_start3A_990, %dma_start3A_991] : memref<4x16x1024xf32, #tpu.memory_space<vmem>> -> memref<1x16x1024xf32, #tpu.memory_space<vmem>>
    %dma_start3A_993 = tpu.memref_squeeze %dma_start3A_992 : memref<1x16x1024xf32, #tpu.memory_space<vmem>> -> memref<16x1024xf32, #tpu.memory_space<vmem>>
    %dma_start3A_994 = arith.constant 0 : i32
    %dma_start3A_995 = tpu.memref_slice %arg4[%add3A_971, %dma_start3A_994] : memref<32768x1024xf32, #tpu.memory_space<hbm>> -> memref<16x1024xf32, #tpu.memory_space<hbm>>
    %dma_start3A_996 = tpu.memref_slice %arg8[%dma_start3A_989] : memref<4x!tpu.dma_semaphore, #tpu.memory_space<semaphore_mem>> -> memref<1x!tpu.dma_semaphore, #tpu.memory_space<semaphore_mem>>
    %dma_start3A_997 = tpu.memref_squeeze %dma_start3A_996 : memref<1x!tpu.dma_semaphore, #tpu.memory_space<semaphore_mem>> -> memref<!tpu.dma_semaphore, #tpu.memory_space<semaphore_mem>>
    %dma_start3A_998 = arith.constant 0 : i32
    %dma_start3A_999 = tpu.memref_slice %arg4[%add3A_971, %dma_start3A_998] : memref<32768x1024xf32, #tpu.memory_space<hbm>> -> memref<16x1024xf32, #tpu.memory_space<hbm>>
    %dma_start3A_1000 = arith.constant 0 : i32
    %dma_start3A_1001 = arith.constant 0 : i32
    %dma_start3A_1002 = tpu.memref_slice %arg6[%dma_start3A_988, %dma_start3A_1000, %dma_start3A_1001] : memref<4x16x1024xf32, #tpu.memory_space<vmem>> -> memref<1x16x1024xf32, #tpu.memory_space<vmem>>
    %dma_start3A_1003 = tpu.memref_squeeze %dma_start3A_1002 : memref<1x16x1024xf32, #tpu.memory_space<vmem>> -> memref<16x1024xf32, #tpu.memory_space<vmem>>
    tpu.enqueue_dma source(%dma_start3A_1003 : memref<16x1024xf32, #tpu.memory_space<vmem>>) target(%dma_start3A_999 : memref<16x1024xf32, #tpu.memory_space<hbm>>) target_semaphore(%dma_start3A_997 : memref<!tpu.dma_semaphore, #tpu.memory_space<semaphore_mem>>)
    %sub3A_1004 = arith.constant 24576 : i32
    %sub3A_1005 = arith.subi %add3A_971, %sub3A_1004 : i32
    %dma_start3A_1006 = arith.constant 0 : i32
    %dma_start3A_1007 = arith.constant 3 : i32
    %dma_start3A_1008 = arith.constant 0 : i32
    %dma_start3A_1009 = arith.constant 0 : i32
    %dma_start3A_1010 = arith.constant 0 : i32
    %dma_start3A_1011 = tpu.memref_slice %arg6[%dma_start3A_1006, %dma_start3A_1009, %dma_start3A_1010] : memref<4x16x1024xf32, #tpu.memory_space<vmem>> -> memref<1x16x1024xf32, #tpu.memory_space<vmem>>
    %dma_start3A_1012 = tpu.memref_squeeze %dma_start3A_1011 : memref<1x16x1024xf32, #tpu.memory_space<vmem>> -> memref<16x1024xf32, #tpu.memory_space<vmem>>
    %dma_start3A_1013 = arith.constant 0 : i32
    %dma_start3A_1014 = tpu.memref_slice %arg3[%dma_start3A_1007, %sub3A_1005, %dma_start3A_1013] : memref<4x8192x1024xf32, #tpu.memory_space<hbm>> -> memref<1x16x1024xf32, #tpu.memory_space<hbm>>
    %dma_start3A_1015 = tpu.memref_squeeze %dma_start3A_1014 : memref<1x16x1024xf32, #tpu.memory_space<hbm>> -> memref<16x1024xf32, #tpu.memory_space<hbm>>
    %dma_start3A_1016 = tpu.memref_slice %arg9[%dma_start3A_1008] : memref<4x!tpu.dma_semaphore, #tpu.memory_space<semaphore_mem>> -> memref<1x!tpu.dma_semaphore, #tpu.memory_space<semaphore_mem>>
    %dma_start3A_1017 = tpu.memref_squeeze %dma_start3A_1016 : memref<1x!tpu.dma_semaphore, #tpu.memory_space<semaphore_mem>> -> memref<!tpu.dma_semaphore, #tpu.memory_space<semaphore_mem>>
    %dma_start3A_1018 = arith.constant 0 : i32
    %dma_start3A_1019 = tpu.memref_slice %arg3[%dma_start3A_1007, %sub3A_1005, %dma_start3A_1018] : memref<4x8192x1024xf32, #tpu.memory_space<hbm>> -> memref<1x16x1024xf32, #tpu.memory_space<hbm>>
    %dma_start3A_1020 = tpu.memref_squeeze %dma_start3A_1019 : memref<1x16x1024xf32, #tpu.memory_space<hbm>> -> memref<16x1024xf32, #tpu.memory_space<hbm>>
    %dma_start3A_1021 = arith.constant 0 : i32
    %dma_start3A_1022 = arith.constant 0 : i32
    %dma_start3A_1023 = tpu.memref_slice %arg6[%dma_start3A_1006, %dma_start3A_1021, %dma_start3A_1022] : memref<4x16x1024xf32, #tpu.memory_space<vmem>> -> memref<1x16x1024xf32, #tpu.memory_space<vmem>>
    %dma_start3A_1024 = tpu.memref_squeeze %dma_start3A_1023 : memref<1x16x1024xf32, #tpu.memory_space<vmem>> -> memref<16x1024xf32, #tpu.memory_space<vmem>>
    tpu.enqueue_dma source(%dma_start3A_1024 : memref<16x1024xf32, #tpu.memory_space<vmem>>) target(%dma_start3A_1020 : memref<16x1024xf32, #tpu.memory_space<hbm>>) target_semaphore(%dma_start3A_1017 : memref<!tpu.dma_semaphore, #tpu.memory_space<semaphore_mem>>)
    %add3A_1025 = arith.constant 144 : i32
    %add3A_1026 = arith.addi %add3A_4, %add3A_1025 : i32
    %dma_wait3A_1027 = arith.constant 1 : i32
    %dma_wait3A_1028 = arith.constant 1 : i32
    %dma_wait3A_1029 = arith.constant 0 : i32
    %dma_wait3A_1030 = arith.constant 0 : i32
    %dma_wait3A_1031 = tpu.memref_slice %arg6[%dma_wait3A_1027, %dma_wait3A_1029, %dma_wait3A_1030] : memref<4x16x1024xf32, #tpu.memory_space<vmem>> -> memref<1x16x1024xf32, #tpu.memory_space<vmem>>
    %dma_wait3A_1032 = tpu.memref_squeeze %dma_wait3A_1031 : memref<1x16x1024xf32, #tpu.memory_space<vmem>> -> memref<16x1024xf32, #tpu.memory_space<vmem>>
    %dma_wait3A_1033 = arith.constant 0 : i32
    %dma_wait3A_1034 = tpu.memref_slice %arg2[%add3A_1026, %dma_wait3A_1033] : memref<32768x1024xf32, #tpu.memory_space<hbm>> -> memref<16x1024xf32, #tpu.memory_space<hbm>>
    %dma_wait3A_1035 = tpu.memref_slice %arg7[%dma_wait3A_1028] : memref<4x!tpu.dma_semaphore, #tpu.memory_space<semaphore_mem>> -> memref<1x!tpu.dma_semaphore, #tpu.memory_space<semaphore_mem>>
    %dma_wait3A_1036 = tpu.memref_squeeze %dma_wait3A_1035 : memref<1x!tpu.dma_semaphore, #tpu.memory_space<semaphore_mem>> -> memref<!tpu.dma_semaphore, #tpu.memory_space<semaphore_mem>>
    %dma_wait3A_1037 = arith.constant 0 : i32
    %dma_wait3A_1038 = arith.constant 0 : i32
    %dma_wait3A_1039 = tpu.memref_slice %arg6[%dma_wait3A_1027, %dma_wait3A_1037, %dma_wait3A_1038] : memref<4x16x1024xf32, #tpu.memory_space<vmem>> -> memref<1x16x1024xf32, #tpu.memory_space<vmem>>
    %dma_wait3A_1040 = tpu.memref_squeeze %dma_wait3A_1039 : memref<1x16x1024xf32, #tpu.memory_space<vmem>> -> memref<16x1024xf32, #tpu.memory_space<vmem>>
    %dma_wait3A_1041 = arith.constant 0 : i32
    %dma_wait3A_1042 = tpu.memref_slice %arg2[%add3A_1026, %dma_wait3A_1041] : memref<32768x1024xf32, #tpu.memory_space<hbm>> -> memref<16x1024xf32, #tpu.memory_space<hbm>>
    tpu.wait_dma2 semaphore(%dma_wait3A_1036 : memref<!tpu.dma_semaphore, #tpu.memory_space<semaphore_mem>>) src(%dma_wait3A_1042 : memref<16x1024xf32, #tpu.memory_space<hbm>>) dst(%dma_wait3A_1040 : memref<16x1024xf32, #tpu.memory_space<vmem>>)
    %dma_start3A_1043 = arith.constant 1 : i32
    %dma_start3A_1044 = arith.constant 1 : i32
    %dma_start3A_1045 = arith.constant 0 : i32
    %dma_start3A_1046 = arith.constant 0 : i32
    %dma_start3A_1047 = tpu.memref_slice %arg6[%dma_start3A_1043, %dma_start3A_1045, %dma_start3A_1046] : memref<4x16x1024xf32, #tpu.memory_space<vmem>> -> memref<1x16x1024xf32, #tpu.memory_space<vmem>>
    %dma_start3A_1048 = tpu.memref_squeeze %dma_start3A_1047 : memref<1x16x1024xf32, #tpu.memory_space<vmem>> -> memref<16x1024xf32, #tpu.memory_space<vmem>>
    %dma_start3A_1049 = arith.constant 0 : i32
    %dma_start3A_1050 = tpu.memref_slice %arg4[%add3A_1026, %dma_start3A_1049] : memref<32768x1024xf32, #tpu.memory_space<hbm>> -> memref<16x1024xf32, #tpu.memory_space<hbm>>
    %dma_start3A_1051 = tpu.memref_slice %arg8[%dma_start3A_1044] : memref<4x!tpu.dma_semaphore, #tpu.memory_space<semaphore_mem>> -> memref<1x!tpu.dma_semaphore, #tpu.memory_space<semaphore_mem>>
    %dma_start3A_1052 = tpu.memref_squeeze %dma_start3A_1051 : memref<1x!tpu.dma_semaphore, #tpu.memory_space<semaphore_mem>> -> memref<!tpu.dma_semaphore, #tpu.memory_space<semaphore_mem>>
    %dma_start3A_1053 = arith.constant 0 : i32
    %dma_start3A_1054 = tpu.memref_slice %arg4[%add3A_1026, %dma_start3A_1053] : memref<32768x1024xf32, #tpu.memory_space<hbm>> -> memref<16x1024xf32, #tpu.memory_space<hbm>>
    %dma_start3A_1055 = arith.constant 0 : i32
    %dma_start3A_1056 = arith.constant 0 : i32
    %dma_start3A_1057 = tpu.memref_slice %arg6[%dma_start3A_1043, %dma_start3A_1055, %dma_start3A_1056] : memref<4x16x1024xf32, #tpu.memory_space<vmem>> -> memref<1x16x1024xf32, #tpu.memory_space<vmem>>
    %dma_start3A_1058 = tpu.memref_squeeze %dma_start3A_1057 : memref<1x16x1024xf32, #tpu.memory_space<vmem>> -> memref<16x1024xf32, #tpu.memory_space<vmem>>
    tpu.enqueue_dma source(%dma_start3A_1058 : memref<16x1024xf32, #tpu.memory_space<vmem>>) target(%dma_start3A_1054 : memref<16x1024xf32, #tpu.memory_space<hbm>>) target_semaphore(%dma_start3A_1052 : memref<!tpu.dma_semaphore, #tpu.memory_space<semaphore_mem>>)
    %sub3A_1059 = arith.constant 24576 : i32
    %sub3A_1060 = arith.subi %add3A_1026, %sub3A_1059 : i32
    %dma_start3A_1061 = arith.constant 1 : i32
    %dma_start3A_1062 = arith.constant 3 : i32
    %dma_start3A_1063 = arith.constant 1 : i32
    %dma_start3A_1064 = arith.constant 0 : i32
    %dma_start3A_1065 = arith.constant 0 : i32
    %dma_start3A_1066 = tpu.memref_slice %arg6[%dma_start3A_1061, %dma_start3A_1064, %dma_start3A_1065] : memref<4x16x1024xf32, #tpu.memory_space<vmem>> -> memref<1x16x1024xf32, #tpu.memory_space<vmem>>
    %dma_start3A_1067 = tpu.memref_squeeze %dma_start3A_1066 : memref<1x16x1024xf32, #tpu.memory_space<vmem>> -> memref<16x1024xf32, #tpu.memory_space<vmem>>
    %dma_start3A_1068 = arith.constant 0 : i32
    %dma_start3A_1069 = tpu.memref_slice %arg3[%dma_start3A_1062, %sub3A_1060, %dma_start3A_1068] : memref<4x8192x1024xf32, #tpu.memory_space<hbm>> -> memref<1x16x1024xf32, #tpu.memory_space<hbm>>
    %dma_start3A_1070 = tpu.memref_squeeze %dma_start3A_1069 : memref<1x16x1024xf32, #tpu.memory_space<hbm>> -> memref<16x1024xf32, #tpu.memory_space<hbm>>
    %dma_start3A_1071 = tpu.memref_slice %arg9[%dma_start3A_1063] : memref<4x!tpu.dma_semaphore, #tpu.memory_space<semaphore_mem>> -> memref<1x!tpu.dma_semaphore, #tpu.memory_space<semaphore_mem>>
    %dma_start3A_1072 = tpu.memref_squeeze %dma_start3A_1071 : memref<1x!tpu.dma_semaphore, #tpu.memory_space<semaphore_mem>> -> memref<!tpu.dma_semaphore, #tpu.memory_space<semaphore_mem>>
    %dma_start3A_1073 = arith.constant 0 : i32
    %dma_start3A_1074 = tpu.memref_slice %arg3[%dma_start3A_1062, %sub3A_1060, %dma_start3A_1073] : memref<4x8192x1024xf32, #tpu.memory_space<hbm>> -> memref<1x16x1024xf32, #tpu.memory_space<hbm>>
    %dma_start3A_1075 = tpu.memref_squeeze %dma_start3A_1074 : memref<1x16x1024xf32, #tpu.memory_space<hbm>> -> memref<16x1024xf32, #tpu.memory_space<hbm>>
    %dma_start3A_1076 = arith.constant 0 : i32
    %dma_start3A_1077 = arith.constant 0 : i32
    %dma_start3A_1078 = tpu.memref_slice %arg6[%dma_start3A_1061, %dma_start3A_1076, %dma_start3A_1077] : memref<4x16x1024xf32, #tpu.memory_space<vmem>> -> memref<1x16x1024xf32, #tpu.memory_space<vmem>>
    %dma_start3A_1079 = tpu.memref_squeeze %dma_start3A_1078 : memref<1x16x1024xf32, #tpu.memory_space<vmem>> -> memref<16x1024xf32, #tpu.memory_space<vmem>>
    tpu.enqueue_dma source(%dma_start3A_1079 : memref<16x1024xf32, #tpu.memory_space<vmem>>) target(%dma_start3A_1075 : memref<16x1024xf32, #tpu.memory_space<hbm>>) target_semaphore(%dma_start3A_1072 : memref<!tpu.dma_semaphore, #tpu.memory_space<semaphore_mem>>)
    %add3A_1080 = arith.constant 160 : i32
    %add3A_1081 = arith.addi %add3A_4, %add3A_1080 : i32
    %dma_wait3A_1082 = arith.constant 2 : i32
    %dma_wait3A_1083 = arith.constant 2 : i32
    %dma_wait3A_1084 = arith.constant 0 : i32
    %dma_wait3A_1085 = arith.constant 0 : i32
    %dma_wait3A_1086 = tpu.memref_slice %arg6[%dma_wait3A_1082, %dma_wait3A_1084, %dma_wait3A_1085] : memref<4x16x1024xf32, #tpu.memory_space<vmem>> -> memref<1x16x1024xf32, #tpu.memory_space<vmem>>
    %dma_wait3A_1087 = tpu.memref_squeeze %dma_wait3A_1086 : memref<1x16x1024xf32, #tpu.memory_space<vmem>> -> memref<16x1024xf32, #tpu.memory_space<vmem>>
    %dma_wait3A_1088 = arith.constant 0 : i32
    %dma_wait3A_1089 = tpu.memref_slice %arg2[%add3A_1081, %dma_wait3A_1088] : memref<32768x1024xf32, #tpu.memory_space<hbm>> -> memref<16x1024xf32, #tpu.memory_space<hbm>>
    %dma_wait3A_1090 = tpu.memref_slice %arg7[%dma_wait3A_1083] : memref<4x!tpu.dma_semaphore, #tpu.memory_space<semaphore_mem>> -> memref<1x!tpu.dma_semaphore, #tpu.memory_space<semaphore_mem>>
    %dma_wait3A_1091 = tpu.memref_squeeze %dma_wait3A_1090 : memref<1x!tpu.dma_semaphore, #tpu.memory_space<semaphore_mem>> -> memref<!tpu.dma_semaphore, #tpu.memory_space<semaphore_mem>>
    %dma_wait3A_1092 = arith.constant 0 : i32
    %dma_wait3A_1093 = arith.constant 0 : i32
    %dma_wait3A_1094 = tpu.memref_slice %arg6[%dma_wait3A_1082, %dma_wait3A_1092, %dma_wait3A_1093] : memref<4x16x1024xf32, #tpu.memory_space<vmem>> -> memref<1x16x1024xf32, #tpu.memory_space<vmem>>
    %dma_wait3A_1095 = tpu.memref_squeeze %dma_wait3A_1094 : memref<1x16x1024xf32, #tpu.memory_space<vmem>> -> memref<16x1024xf32, #tpu.memory_space<vmem>>
    %dma_wait3A_1096 = arith.constant 0 : i32
    %dma_wait3A_1097 = tpu.memref_slice %arg2[%add3A_1081, %dma_wait3A_1096] : memref<32768x1024xf32, #tpu.memory_space<hbm>> -> memref<16x1024xf32, #tpu.memory_space<hbm>>
    tpu.wait_dma2 semaphore(%dma_wait3A_1091 : memref<!tpu.dma_semaphore, #tpu.memory_space<semaphore_mem>>) src(%dma_wait3A_1097 : memref<16x1024xf32, #tpu.memory_space<hbm>>) dst(%dma_wait3A_1095 : memref<16x1024xf32, #tpu.memory_space<vmem>>)
    %dma_start3A_1098 = arith.constant 2 : i32
    %dma_start3A_1099 = arith.constant 2 : i32
    %dma_start3A_1100 = arith.constant 0 : i32
    %dma_start3A_1101 = arith.constant 0 : i32
    %dma_start3A_1102 = tpu.memref_slice %arg6[%dma_start3A_1098, %dma_start3A_1100, %dma_start3A_1101] : memref<4x16x1024xf32, #tpu.memory_space<vmem>> -> memref<1x16x1024xf32, #tpu.memory_space<vmem>>
    %dma_start3A_1103 = tpu.memref_squeeze %dma_start3A_1102 : memref<1x16x1024xf32, #tpu.memory_space<vmem>> -> memref<16x1024xf32, #tpu.memory_space<vmem>>
    %dma_start3A_1104 = arith.constant 0 : i32
    %dma_start3A_1105 = tpu.memref_slice %arg4[%add3A_1081, %dma_start3A_1104] : memref<32768x1024xf32, #tpu.memory_space<hbm>> -> memref<16x1024xf32, #tpu.memory_space<hbm>>
    %dma_start3A_1106 = tpu.memref_slice %arg8[%dma_start3A_1099] : memref<4x!tpu.dma_semaphore, #tpu.memory_space<semaphore_mem>> -> memref<1x!tpu.dma_semaphore, #tpu.memory_space<semaphore_mem>>
    %dma_start3A_1107 = tpu.memref_squeeze %dma_start3A_1106 : memref<1x!tpu.dma_semaphore, #tpu.memory_space<semaphore_mem>> -> memref<!tpu.dma_semaphore, #tpu.memory_space<semaphore_mem>>
    %dma_start3A_1108 = arith.constant 0 : i32
    %dma_start3A_1109 = tpu.memref_slice %arg4[%add3A_1081, %dma_start3A_1108] : memref<32768x1024xf32, #tpu.memory_space<hbm>> -> memref<16x1024xf32, #tpu.memory_space<hbm>>
    %dma_start3A_1110 = arith.constant 0 : i32
    %dma_start3A_1111 = arith.constant 0 : i32
    %dma_start3A_1112 = tpu.memref_slice %arg6[%dma_start3A_1098, %dma_start3A_1110, %dma_start3A_1111] : memref<4x16x1024xf32, #tpu.memory_space<vmem>> -> memref<1x16x1024xf32, #tpu.memory_space<vmem>>
    %dma_start3A_1113 = tpu.memref_squeeze %dma_start3A_1112 : memref<1x16x1024xf32, #tpu.memory_space<vmem>> -> memref<16x1024xf32, #tpu.memory_space<vmem>>
    tpu.enqueue_dma source(%dma_start3A_1113 : memref<16x1024xf32, #tpu.memory_space<vmem>>) target(%dma_start3A_1109 : memref<16x1024xf32, #tpu.memory_space<hbm>>) target_semaphore(%dma_start3A_1107 : memref<!tpu.dma_semaphore, #tpu.memory_space<semaphore_mem>>)
    %sub3A_1114 = arith.constant 24576 : i32
    %sub3A_1115 = arith.subi %add3A_1081, %sub3A_1114 : i32
    %dma_start3A_1116 = arith.constant 2 : i32
    %dma_start3A_1117 = arith.constant 3 : i32
    %dma_start3A_1118 = arith.constant 2 : i32
    %dma_start3A_1119 = arith.constant 0 : i32
    %dma_start3A_1120 = arith.constant 0 : i32
    %dma_start3A_1121 = tpu.memref_slice %arg6[%dma_start3A_1116, %dma_start3A_1119, %dma_start3A_1120] : memref<4x16x1024xf32, #tpu.memory_space<vmem>> -> memref<1x16x1024xf32, #tpu.memory_space<vmem>>
    %dma_start3A_1122 = tpu.memref_squeeze %dma_start3A_1121 : memref<1x16x1024xf32, #tpu.memory_space<vmem>> -> memref<16x1024xf32, #tpu.memory_space<vmem>>
    %dma_start3A_1123 = arith.constant 0 : i32
    %dma_start3A_1124 = tpu.memref_slice %arg3[%dma_start3A_1117, %sub3A_1115, %dma_start3A_1123] : memref<4x8192x1024xf32, #tpu.memory_space<hbm>> -> memref<1x16x1024xf32, #tpu.memory_space<hbm>>
    %dma_start3A_1125 = tpu.memref_squeeze %dma_start3A_1124 : memref<1x16x1024xf32, #tpu.memory_space<hbm>> -> memref<16x1024xf32, #tpu.memory_space<hbm>>
    %dma_start3A_1126 = tpu.memref_slice %arg9[%dma_start3A_1118] : memref<4x!tpu.dma_semaphore, #tpu.memory_space<semaphore_mem>> -> memref<1x!tpu.dma_semaphore, #tpu.memory_space<semaphore_mem>>
    %dma_start3A_1127 = tpu.memref_squeeze %dma_start3A_1126 : memref<1x!tpu.dma_semaphore, #tpu.memory_space<semaphore_mem>> -> memref<!tpu.dma_semaphore, #tpu.memory_space<semaphore_mem>>
    %dma_start3A_1128 = arith.constant 0 : i32
    %dma_start3A_1129 = tpu.memref_slice %arg3[%dma_start3A_1117, %sub3A_1115, %dma_start3A_1128] : memref<4x8192x1024xf32, #tpu.memory_space<hbm>> -> memref<1x16x1024xf32, #tpu.memory_space<hbm>>
    %dma_start3A_1130 = tpu.memref_squeeze %dma_start3A_1129 : memref<1x16x1024xf32, #tpu.memory_space<hbm>> -> memref<16x1024xf32, #tpu.memory_space<hbm>>
    %dma_start3A_1131 = arith.constant 0 : i32
    %dma_start3A_1132 = arith.constant 0 : i32
    %dma_start3A_1133 = tpu.memref_slice %arg6[%dma_start3A_1116, %dma_start3A_1131, %dma_start3A_1132] : memref<4x16x1024xf32, #tpu.memory_space<vmem>> -> memref<1x16x1024xf32, #tpu.memory_space<vmem>>
    %dma_start3A_1134 = tpu.memref_squeeze %dma_start3A_1133 : memref<1x16x1024xf32, #tpu.memory_space<vmem>> -> memref<16x1024xf32, #tpu.memory_space<vmem>>
    tpu.enqueue_dma source(%dma_start3A_1134 : memref<16x1024xf32, #tpu.memory_space<vmem>>) target(%dma_start3A_1130 : memref<16x1024xf32, #tpu.memory_space<hbm>>) target_semaphore(%dma_start3A_1127 : memref<!tpu.dma_semaphore, #tpu.memory_space<semaphore_mem>>)
    %add3A_1135 = arith.constant 176 : i32
    %add3A_1136 = arith.addi %add3A_4, %add3A_1135 : i32
    %dma_wait3A_1137 = arith.constant 3 : i32
    %dma_wait3A_1138 = arith.constant 3 : i32
    %dma_wait3A_1139 = arith.constant 0 : i32
    %dma_wait3A_1140 = arith.constant 0 : i32
    %dma_wait3A_1141 = tpu.memref_slice %arg6[%dma_wait3A_1137, %dma_wait3A_1139, %dma_wait3A_1140] : memref<4x16x1024xf32, #tpu.memory_space<vmem>> -> memref<1x16x1024xf32, #tpu.memory_space<vmem>>
    %dma_wait3A_1142 = tpu.memref_squeeze %dma_wait3A_1141 : memref<1x16x1024xf32, #tpu.memory_space<vmem>> -> memref<16x1024xf32, #tpu.memory_space<vmem>>
    %dma_wait3A_1143 = arith.constant 0 : i32
    %dma_wait3A_1144 = tpu.memref_slice %arg2[%add3A_1136, %dma_wait3A_1143] : memref<32768x1024xf32, #tpu.memory_space<hbm>> -> memref<16x1024xf32, #tpu.memory_space<hbm>>
    %dma_wait3A_1145 = tpu.memref_slice %arg7[%dma_wait3A_1138] : memref<4x!tpu.dma_semaphore, #tpu.memory_space<semaphore_mem>> -> memref<1x!tpu.dma_semaphore, #tpu.memory_space<semaphore_mem>>
    %dma_wait3A_1146 = tpu.memref_squeeze %dma_wait3A_1145 : memref<1x!tpu.dma_semaphore, #tpu.memory_space<semaphore_mem>> -> memref<!tpu.dma_semaphore, #tpu.memory_space<semaphore_mem>>
    %dma_wait3A_1147 = arith.constant 0 : i32
    %dma_wait3A_1148 = arith.constant 0 : i32
    %dma_wait3A_1149 = tpu.memref_slice %arg6[%dma_wait3A_1137, %dma_wait3A_1147, %dma_wait3A_1148] : memref<4x16x1024xf32, #tpu.memory_space<vmem>> -> memref<1x16x1024xf32, #tpu.memory_space<vmem>>
    %dma_wait3A_1150 = tpu.memref_squeeze %dma_wait3A_1149 : memref<1x16x1024xf32, #tpu.memory_space<vmem>> -> memref<16x1024xf32, #tpu.memory_space<vmem>>
    %dma_wait3A_1151 = arith.constant 0 : i32
    %dma_wait3A_1152 = tpu.memref_slice %arg2[%add3A_1136, %dma_wait3A_1151] : memref<32768x1024xf32, #tpu.memory_space<hbm>> -> memref<16x1024xf32, #tpu.memory_space<hbm>>
    tpu.wait_dma2 semaphore(%dma_wait3A_1146 : memref<!tpu.dma_semaphore, #tpu.memory_space<semaphore_mem>>) src(%dma_wait3A_1152 : memref<16x1024xf32, #tpu.memory_space<hbm>>) dst(%dma_wait3A_1150 : memref<16x1024xf32, #tpu.memory_space<vmem>>)
    %dma_start3A_1153 = arith.constant 3 : i32
    %dma_start3A_1154 = arith.constant 3 : i32
    %dma_start3A_1155 = arith.constant 0 : i32
    %dma_start3A_1156 = arith.constant 0 : i32
    %dma_start3A_1157 = tpu.memref_slice %arg6[%dma_start3A_1153, %dma_start3A_1155, %dma_start3A_1156] : memref<4x16x1024xf32, #tpu.memory_space<vmem>> -> memref<1x16x1024xf32, #tpu.memory_space<vmem>>
    %dma_start3A_1158 = tpu.memref_squeeze %dma_start3A_1157 : memref<1x16x1024xf32, #tpu.memory_space<vmem>> -> memref<16x1024xf32, #tpu.memory_space<vmem>>
    %dma_start3A_1159 = arith.constant 0 : i32
    %dma_start3A_1160 = tpu.memref_slice %arg4[%add3A_1136, %dma_start3A_1159] : memref<32768x1024xf32, #tpu.memory_space<hbm>> -> memref<16x1024xf32, #tpu.memory_space<hbm>>
    %dma_start3A_1161 = tpu.memref_slice %arg8[%dma_start3A_1154] : memref<4x!tpu.dma_semaphore, #tpu.memory_space<semaphore_mem>> -> memref<1x!tpu.dma_semaphore, #tpu.memory_space<semaphore_mem>>
    %dma_start3A_1162 = tpu.memref_squeeze %dma_start3A_1161 : memref<1x!tpu.dma_semaphore, #tpu.memory_space<semaphore_mem>> -> memref<!tpu.dma_semaphore, #tpu.memory_space<semaphore_mem>>
    %dma_start3A_1163 = arith.constant 0 : i32
    %dma_start3A_1164 = tpu.memref_slice %arg4[%add3A_1136, %dma_start3A_1163] : memref<32768x1024xf32, #tpu.memory_space<hbm>> -> memref<16x1024xf32, #tpu.memory_space<hbm>>
    %dma_start3A_1165 = arith.constant 0 : i32
    %dma_start3A_1166 = arith.constant 0 : i32
    %dma_start3A_1167 = tpu.memref_slice %arg6[%dma_start3A_1153, %dma_start3A_1165, %dma_start3A_1166] : memref<4x16x1024xf32, #tpu.memory_space<vmem>> -> memref<1x16x1024xf32, #tpu.memory_space<vmem>>
    %dma_start3A_1168 = tpu.memref_squeeze %dma_start3A_1167 : memref<1x16x1024xf32, #tpu.memory_space<vmem>> -> memref<16x1024xf32, #tpu.memory_space<vmem>>
    tpu.enqueue_dma source(%dma_start3A_1168 : memref<16x1024xf32, #tpu.memory_space<vmem>>) target(%dma_start3A_1164 : memref<16x1024xf32, #tpu.memory_space<hbm>>) target_semaphore(%dma_start3A_1162 : memref<!tpu.dma_semaphore, #tpu.memory_space<semaphore_mem>>)
    %sub3A_1169 = arith.constant 24576 : i32
    %sub3A_1170 = arith.subi %add3A_1136, %sub3A_1169 : i32
    %dma_start3A_1171 = arith.constant 3 : i32
    %dma_start3A_1172 = arith.constant 3 : i32
    %dma_start3A_1173 = arith.constant 3 : i32
    %dma_start3A_1174 = arith.constant 0 : i32
    %dma_start3A_1175 = arith.constant 0 : i32
    %dma_start3A_1176 = tpu.memref_slice %arg6[%dma_start3A_1171, %dma_start3A_1174, %dma_start3A_1175] : memref<4x16x1024xf32, #tpu.memory_space<vmem>> -> memref<1x16x1024xf32, #tpu.memory_space<vmem>>
    %dma_start3A_1177 = tpu.memref_squeeze %dma_start3A_1176 : memref<1x16x1024xf32, #tpu.memory_space<vmem>> -> memref<16x1024xf32, #tpu.memory_space<vmem>>
    %dma_start3A_1178 = arith.constant 0 : i32
    %dma_start3A_1179 = tpu.memref_slice %arg3[%dma_start3A_1172, %sub3A_1170, %dma_start3A_1178] : memref<4x8192x1024xf32, #tpu.memory_space<hbm>> -> memref<1x16x1024xf32, #tpu.memory_space<hbm>>
    %dma_start3A_1180 = tpu.memref_squeeze %dma_start3A_1179 : memref<1x16x1024xf32, #tpu.memory_space<hbm>> -> memref<16x1024xf32, #tpu.memory_space<hbm>>
    %dma_start3A_1181 = tpu.memref_slice %arg9[%dma_start3A_1173] : memref<4x!tpu.dma_semaphore, #tpu.memory_space<semaphore_mem>> -> memref<1x!tpu.dma_semaphore, #tpu.memory_space<semaphore_mem>>
    %dma_start3A_1182 = tpu.memref_squeeze %dma_start3A_1181 : memref<1x!tpu.dma_semaphore, #tpu.memory_space<semaphore_mem>> -> memref<!tpu.dma_semaphore, #tpu.memory_space<semaphore_mem>>
    %dma_start3A_1183 = arith.constant 0 : i32
    %dma_start3A_1184 = tpu.memref_slice %arg3[%dma_start3A_1172, %sub3A_1170, %dma_start3A_1183] : memref<4x8192x1024xf32, #tpu.memory_space<hbm>> -> memref<1x16x1024xf32, #tpu.memory_space<hbm>>
    %dma_start3A_1185 = tpu.memref_squeeze %dma_start3A_1184 : memref<1x16x1024xf32, #tpu.memory_space<hbm>> -> memref<16x1024xf32, #tpu.memory_space<hbm>>
    %dma_start3A_1186 = arith.constant 0 : i32
    %dma_start3A_1187 = arith.constant 0 : i32
    %dma_start3A_1188 = tpu.memref_slice %arg6[%dma_start3A_1171, %dma_start3A_1186, %dma_start3A_1187] : memref<4x16x1024xf32, #tpu.memory_space<vmem>> -> memref<1x16x1024xf32, #tpu.memory_space<vmem>>
    %dma_start3A_1189 = tpu.memref_squeeze %dma_start3A_1188 : memref<1x16x1024xf32, #tpu.memory_space<vmem>> -> memref<16x1024xf32, #tpu.memory_space<vmem>>
    tpu.enqueue_dma source(%dma_start3A_1189 : memref<16x1024xf32, #tpu.memory_space<vmem>>) target(%dma_start3A_1185 : memref<16x1024xf32, #tpu.memory_space<hbm>>) target_semaphore(%dma_start3A_1182 : memref<!tpu.dma_semaphore, #tpu.memory_space<semaphore_mem>>)
    %add3A_1190 = arith.constant 192 : i32
    %add3A_1191 = arith.addi %add3A_4, %add3A_1190 : i32
    %sub3A_1192 = arith.constant 64 : i32
    %sub3A_1193 = arith.subi %add3A_1191, %sub3A_1192 : i32
    %dma_wait3A_1194 = arith.constant 0 : i32
    %dma_wait3A_1195 = arith.constant 0 : i32
    %dma_wait3A_1196 = arith.constant 0 : i32
    %dma_wait3A_1197 = arith.constant 0 : i32
    %dma_wait3A_1198 = tpu.memref_slice %arg6[%dma_wait3A_1194, %dma_wait3A_1196, %dma_wait3A_1197] : memref<4x16x1024xf32, #tpu.memory_space<vmem>> -> memref<1x16x1024xf32, #tpu.memory_space<vmem>>
    %dma_wait3A_1199 = tpu.memref_squeeze %dma_wait3A_1198 : memref<1x16x1024xf32, #tpu.memory_space<vmem>> -> memref<16x1024xf32, #tpu.memory_space<vmem>>
    %dma_wait3A_1200 = arith.constant 0 : i32
    %dma_wait3A_1201 = tpu.memref_slice %arg4[%sub3A_1193, %dma_wait3A_1200] : memref<32768x1024xf32, #tpu.memory_space<hbm>> -> memref<16x1024xf32, #tpu.memory_space<hbm>>
    %dma_wait3A_1202 = tpu.memref_slice %arg8[%dma_wait3A_1195] : memref<4x!tpu.dma_semaphore, #tpu.memory_space<semaphore_mem>> -> memref<1x!tpu.dma_semaphore, #tpu.memory_space<semaphore_mem>>
    %dma_wait3A_1203 = tpu.memref_squeeze %dma_wait3A_1202 : memref<1x!tpu.dma_semaphore, #tpu.memory_space<semaphore_mem>> -> memref<!tpu.dma_semaphore, #tpu.memory_space<semaphore_mem>>
    %dma_wait3A_1204 = arith.constant 0 : i32
    %dma_wait3A_1205 = tpu.memref_slice %arg4[%sub3A_1193, %dma_wait3A_1204] : memref<32768x1024xf32, #tpu.memory_space<hbm>> -> memref<16x1024xf32, #tpu.memory_space<hbm>>
    %dma_wait3A_1206 = arith.constant 0 : i32
    %dma_wait3A_1207 = arith.constant 0 : i32
    %dma_wait3A_1208 = tpu.memref_slice %arg6[%dma_wait3A_1194, %dma_wait3A_1206, %dma_wait3A_1207] : memref<4x16x1024xf32, #tpu.memory_space<vmem>> -> memref<1x16x1024xf32, #tpu.memory_space<vmem>>
    %dma_wait3A_1209 = tpu.memref_squeeze %dma_wait3A_1208 : memref<1x16x1024xf32, #tpu.memory_space<vmem>> -> memref<16x1024xf32, #tpu.memory_space<vmem>>
    tpu.wait_dma2 semaphore(%dma_wait3A_1203 : memref<!tpu.dma_semaphore, #tpu.memory_space<semaphore_mem>>) src(%dma_wait3A_1209 : memref<16x1024xf32, #tpu.memory_space<vmem>>) dst(%dma_wait3A_1205 : memref<16x1024xf32, #tpu.memory_space<hbm>>)
    %sub3A_1210 = arith.constant 24576 : i32
    %sub3A_1211 = arith.subi %sub3A_1193, %sub3A_1210 : i32
    %dma_wait3A_1212 = arith.constant 0 : i32
    %dma_wait3A_1213 = arith.constant 3 : i32
    %dma_wait3A_1214 = arith.constant 0 : i32
    %dma_wait3A_1215 = arith.constant 0 : i32
    %dma_wait3A_1216 = arith.constant 0 : i32
    %dma_wait3A_1217 = tpu.memref_slice %arg6[%dma_wait3A_1212, %dma_wait3A_1215, %dma_wait3A_1216] : memref<4x16x1024xf32, #tpu.memory_space<vmem>> -> memref<1x16x1024xf32, #tpu.memory_space<vmem>>
    %dma_wait3A_1218 = tpu.memref_squeeze %dma_wait3A_1217 : memref<1x16x1024xf32, #tpu.memory_space<vmem>> -> memref<16x1024xf32, #tpu.memory_space<vmem>>
    %dma_wait3A_1219 = arith.constant 0 : i32
    %dma_wait3A_1220 = tpu.memref_slice %arg3[%dma_wait3A_1213, %sub3A_1211, %dma_wait3A_1219] : memref<4x8192x1024xf32, #tpu.memory_space<hbm>> -> memref<1x16x1024xf32, #tpu.memory_space<hbm>>
    %dma_wait3A_1221 = tpu.memref_squeeze %dma_wait3A_1220 : memref<1x16x1024xf32, #tpu.memory_space<hbm>> -> memref<16x1024xf32, #tpu.memory_space<hbm>>
    %dma_wait3A_1222 = tpu.memref_slice %arg9[%dma_wait3A_1214] : memref<4x!tpu.dma_semaphore, #tpu.memory_space<semaphore_mem>> -> memref<1x!tpu.dma_semaphore, #tpu.memory_space<semaphore_mem>>
    %dma_wait3A_1223 = tpu.memref_squeeze %dma_wait3A_1222 : memref<1x!tpu.dma_semaphore, #tpu.memory_space<semaphore_mem>> -> memref<!tpu.dma_semaphore, #tpu.memory_space<semaphore_mem>>
    %dma_wait3A_1224 = arith.constant 0 : i32
    %dma_wait3A_1225 = tpu.memref_slice %arg3[%dma_wait3A_1213, %sub3A_1211, %dma_wait3A_1224] : memref<4x8192x1024xf32, #tpu.memory_space<hbm>> -> memref<1x16x1024xf32, #tpu.memory_space<hbm>>
    %dma_wait3A_1226 = tpu.memref_squeeze %dma_wait3A_1225 : memref<1x16x1024xf32, #tpu.memory_space<hbm>> -> memref<16x1024xf32, #tpu.memory_space<hbm>>
    %dma_wait3A_1227 = arith.constant 0 : i32
    %dma_wait3A_1228 = arith.constant 0 : i32
    %dma_wait3A_1229 = tpu.memref_slice %arg6[%dma_wait3A_1212, %dma_wait3A_1227, %dma_wait3A_1228] : memref<4x16x1024xf32, #tpu.memory_space<vmem>> -> memref<1x16x1024xf32, #tpu.memory_space<vmem>>
    %dma_wait3A_1230 = tpu.memref_squeeze %dma_wait3A_1229 : memref<1x16x1024xf32, #tpu.memory_space<vmem>> -> memref<16x1024xf32, #tpu.memory_space<vmem>>
    tpu.wait_dma2 semaphore(%dma_wait3A_1223 : memref<!tpu.dma_semaphore, #tpu.memory_space<semaphore_mem>>) src(%dma_wait3A_1230 : memref<16x1024xf32, #tpu.memory_space<vmem>>) dst(%dma_wait3A_1226 : memref<16x1024xf32, #tpu.memory_space<hbm>>)
    %dma_start3A_1231 = arith.constant 0 : i32
    %dma_start3A_1232 = arith.constant 0 : i32
    %dma_start3A_1233 = arith.constant 0 : i32
    %dma_start3A_1234 = arith.constant 0 : i32
    %dma_start3A_1235 = tpu.memref_slice %arg6[%dma_start3A_1231, %dma_start3A_1233, %dma_start3A_1234] : memref<4x16x1024xf32, #tpu.memory_space<vmem>> -> memref<1x16x1024xf32, #tpu.memory_space<vmem>>
    %dma_start3A_1236 = tpu.memref_squeeze %dma_start3A_1235 : memref<1x16x1024xf32, #tpu.memory_space<vmem>> -> memref<16x1024xf32, #tpu.memory_space<vmem>>
    %dma_start3A_1237 = arith.constant 0 : i32
    %dma_start3A_1238 = tpu.memref_slice %arg2[%add3A_1191, %dma_start3A_1237] : memref<32768x1024xf32, #tpu.memory_space<hbm>> -> memref<16x1024xf32, #tpu.memory_space<hbm>>
    %dma_start3A_1239 = tpu.memref_slice %arg7[%dma_start3A_1232] : memref<4x!tpu.dma_semaphore, #tpu.memory_space<semaphore_mem>> -> memref<1x!tpu.dma_semaphore, #tpu.memory_space<semaphore_mem>>
    %dma_start3A_1240 = tpu.memref_squeeze %dma_start3A_1239 : memref<1x!tpu.dma_semaphore, #tpu.memory_space<semaphore_mem>> -> memref<!tpu.dma_semaphore, #tpu.memory_space<semaphore_mem>>
    %dma_start3A_1241 = arith.constant 0 : i32
    %dma_start3A_1242 = arith.constant 0 : i32
    %dma_start3A_1243 = tpu.memref_slice %arg6[%dma_start3A_1231, %dma_start3A_1241, %dma_start3A_1242] : memref<4x16x1024xf32, #tpu.memory_space<vmem>> -> memref<1x16x1024xf32, #tpu.memory_space<vmem>>
    %dma_start3A_1244 = tpu.memref_squeeze %dma_start3A_1243 : memref<1x16x1024xf32, #tpu.memory_space<vmem>> -> memref<16x1024xf32, #tpu.memory_space<vmem>>
    %dma_start3A_1245 = arith.constant 0 : i32
    %dma_start3A_1246 = tpu.memref_slice %arg2[%add3A_1191, %dma_start3A_1245] : memref<32768x1024xf32, #tpu.memory_space<hbm>> -> memref<16x1024xf32, #tpu.memory_space<hbm>>
    tpu.enqueue_dma source(%dma_start3A_1246 : memref<16x1024xf32, #tpu.memory_space<hbm>>) target(%dma_start3A_1244 : memref<16x1024xf32, #tpu.memory_space<vmem>>) target_semaphore(%dma_start3A_1240 : memref<!tpu.dma_semaphore, #tpu.memory_space<semaphore_mem>>)
    %add3A_1247 = arith.constant 208 : i32
    %add3A_1248 = arith.addi %add3A_4, %add3A_1247 : i32
    %sub3A_1249 = arith.constant 64 : i32
    %sub3A_1250 = arith.subi %add3A_1248, %sub3A_1249 : i32
    %dma_wait3A_1251 = arith.constant 1 : i32
    %dma_wait3A_1252 = arith.constant 1 : i32
    %dma_wait3A_1253 = arith.constant 0 : i32
    %dma_wait3A_1254 = arith.constant 0 : i32
    %dma_wait3A_1255 = tpu.memref_slice %arg6[%dma_wait3A_1251, %dma_wait3A_1253, %dma_wait3A_1254] : memref<4x16x1024xf32, #tpu.memory_space<vmem>> -> memref<1x16x1024xf32, #tpu.memory_space<vmem>>
    %dma_wait3A_1256 = tpu.memref_squeeze %dma_wait3A_1255 : memref<1x16x1024xf32, #tpu.memory_space<vmem>> -> memref<16x1024xf32, #tpu.memory_space<vmem>>
    %dma_wait3A_1257 = arith.constant 0 : i32
    %dma_wait3A_1258 = tpu.memref_slice %arg4[%sub3A_1250, %dma_wait3A_1257] : memref<32768x1024xf32, #tpu.memory_space<hbm>> -> memref<16x1024xf32, #tpu.memory_space<hbm>>
    %dma_wait3A_1259 = tpu.memref_slice %arg8[%dma_wait3A_1252] : memref<4x!tpu.dma_semaphore, #tpu.memory_space<semaphore_mem>> -> memref<1x!tpu.dma_semaphore, #tpu.memory_space<semaphore_mem>>
    %dma_wait3A_1260 = tpu.memref_squeeze %dma_wait3A_1259 : memref<1x!tpu.dma_semaphore, #tpu.memory_space<semaphore_mem>> -> memref<!tpu.dma_semaphore, #tpu.memory_space<semaphore_mem>>
    %dma_wait3A_1261 = arith.constant 0 : i32
    %dma_wait3A_1262 = tpu.memref_slice %arg4[%sub3A_1250, %dma_wait3A_1261] : memref<32768x1024xf32, #tpu.memory_space<hbm>> -> memref<16x1024xf32, #tpu.memory_space<hbm>>
    %dma_wait3A_1263 = arith.constant 0 : i32
    %dma_wait3A_1264 = arith.constant 0 : i32
    %dma_wait3A_1265 = tpu.memref_slice %arg6[%dma_wait3A_1251, %dma_wait3A_1263, %dma_wait3A_1264] : memref<4x16x1024xf32, #tpu.memory_space<vmem>> -> memref<1x16x1024xf32, #tpu.memory_space<vmem>>
    %dma_wait3A_1266 = tpu.memref_squeeze %dma_wait3A_1265 : memref<1x16x1024xf32, #tpu.memory_space<vmem>> -> memref<16x1024xf32, #tpu.memory_space<vmem>>
    tpu.wait_dma2 semaphore(%dma_wait3A_1260 : memref<!tpu.dma_semaphore, #tpu.memory_space<semaphore_mem>>) src(%dma_wait3A_1266 : memref<16x1024xf32, #tpu.memory_space<vmem>>) dst(%dma_wait3A_1262 : memref<16x1024xf32, #tpu.memory_space<hbm>>)
    %sub3A_1267 = arith.constant 24576 : i32
    %sub3A_1268 = arith.subi %sub3A_1250, %sub3A_1267 : i32
    %dma_wait3A_1269 = arith.constant 1 : i32
    %dma_wait3A_1270 = arith.constant 3 : i32
    %dma_wait3A_1271 = arith.constant 1 : i32
    %dma_wait3A_1272 = arith.constant 0 : i32
    %dma_wait3A_1273 = arith.constant 0 : i32
    %dma_wait3A_1274 = tpu.memref_slice %arg6[%dma_wait3A_1269, %dma_wait3A_1272, %dma_wait3A_1273] : memref<4x16x1024xf32, #tpu.memory_space<vmem>> -> memref<1x16x1024xf32, #tpu.memory_space<vmem>>
    %dma_wait3A_1275 = tpu.memref_squeeze %dma_wait3A_1274 : memref<1x16x1024xf32, #tpu.memory_space<vmem>> -> memref<16x1024xf32, #tpu.memory_space<vmem>>
    %dma_wait3A_1276 = arith.constant 0 : i32
    %dma_wait3A_1277 = tpu.memref_slice %arg3[%dma_wait3A_1270, %sub3A_1268, %dma_wait3A_1276] : memref<4x8192x1024xf32, #tpu.memory_space<hbm>> -> memref<1x16x1024xf32, #tpu.memory_space<hbm>>
    %dma_wait3A_1278 = tpu.memref_squeeze %dma_wait3A_1277 : memref<1x16x1024xf32, #tpu.memory_space<hbm>> -> memref<16x1024xf32, #tpu.memory_space<hbm>>
    %dma_wait3A_1279 = tpu.memref_slice %arg9[%dma_wait3A_1271] : memref<4x!tpu.dma_semaphore, #tpu.memory_space<semaphore_mem>> -> memref<1x!tpu.dma_semaphore, #tpu.memory_space<semaphore_mem>>
    %dma_wait3A_1280 = tpu.memref_squeeze %dma_wait3A_1279 : memref<1x!tpu.dma_semaphore, #tpu.memory_space<semaphore_mem>> -> memref<!tpu.dma_semaphore, #tpu.memory_space<semaphore_mem>>
    %dma_wait3A_1281 = arith.constant 0 : i32
    %dma_wait3A_1282 = tpu.memref_slice %arg3[%dma_wait3A_1270, %sub3A_1268, %dma_wait3A_1281] : memref<4x8192x1024xf32, #tpu.memory_space<hbm>> -> memref<1x16x1024xf32, #tpu.memory_space<hbm>>
    %dma_wait3A_1283 = tpu.memref_squeeze %dma_wait3A_1282 : memref<1x16x1024xf32, #tpu.memory_space<hbm>> -> memref<16x1024xf32, #tpu.memory_space<hbm>>
    %dma_wait3A_1284 = arith.constant 0 : i32
    %dma_wait3A_1285 = arith.constant 0 : i32
    %dma_wait3A_1286 = tpu.memref_slice %arg6[%dma_wait3A_1269, %dma_wait3A_1284, %dma_wait3A_1285] : memref<4x16x1024xf32, #tpu.memory_space<vmem>> -> memref<1x16x1024xf32, #tpu.memory_space<vmem>>
    %dma_wait3A_1287 = tpu.memref_squeeze %dma_wait3A_1286 : memref<1x16x1024xf32, #tpu.memory_space<vmem>> -> memref<16x1024xf32, #tpu.memory_space<vmem>>
    tpu.wait_dma2 semaphore(%dma_wait3A_1280 : memref<!tpu.dma_semaphore, #tpu.memory_space<semaphore_mem>>) src(%dma_wait3A_1287 : memref<16x1024xf32, #tpu.memory_space<vmem>>) dst(%dma_wait3A_1283 : memref<16x1024xf32, #tpu.memory_space<hbm>>)
    %dma_start3A_1288 = arith.constant 1 : i32
    %dma_start3A_1289 = arith.constant 1 : i32
    %dma_start3A_1290 = arith.constant 0 : i32
    %dma_start3A_1291 = arith.constant 0 : i32
    %dma_start3A_1292 = tpu.memref_slice %arg6[%dma_start3A_1288, %dma_start3A_1290, %dma_start3A_1291] : memref<4x16x1024xf32, #tpu.memory_space<vmem>> -> memref<1x16x1024xf32, #tpu.memory_space<vmem>>
    %dma_start3A_1293 = tpu.memref_squeeze %dma_start3A_1292 : memref<1x16x1024xf32, #tpu.memory_space<vmem>> -> memref<16x1024xf32, #tpu.memory_space<vmem>>
    %dma_start3A_1294 = arith.constant 0 : i32
    %dma_start3A_1295 = tpu.memref_slice %arg2[%add3A_1248, %dma_start3A_1294] : memref<32768x1024xf32, #tpu.memory_space<hbm>> -> memref<16x1024xf32, #tpu.memory_space<hbm>>
    %dma_start3A_1296 = tpu.memref_slice %arg7[%dma_start3A_1289] : memref<4x!tpu.dma_semaphore, #tpu.memory_space<semaphore_mem>> -> memref<1x!tpu.dma_semaphore, #tpu.memory_space<semaphore_mem>>
    %dma_start3A_1297 = tpu.memref_squeeze %dma_start3A_1296 : memref<1x!tpu.dma_semaphore, #tpu.memory_space<semaphore_mem>> -> memref<!tpu.dma_semaphore, #tpu.memory_space<semaphore_mem>>
    %dma_start3A_1298 = arith.constant 0 : i32
    %dma_start3A_1299 = arith.constant 0 : i32
    %dma_start3A_1300 = tpu.memref_slice %arg6[%dma_start3A_1288, %dma_start3A_1298, %dma_start3A_1299] : memref<4x16x1024xf32, #tpu.memory_space<vmem>> -> memref<1x16x1024xf32, #tpu.memory_space<vmem>>
    %dma_start3A_1301 = tpu.memref_squeeze %dma_start3A_1300 : memref<1x16x1024xf32, #tpu.memory_space<vmem>> -> memref<16x1024xf32, #tpu.memory_space<vmem>>
    %dma_start3A_1302 = arith.constant 0 : i32
    %dma_start3A_1303 = tpu.memref_slice %arg2[%add3A_1248, %dma_start3A_1302] : memref<32768x1024xf32, #tpu.memory_space<hbm>> -> memref<16x1024xf32, #tpu.memory_space<hbm>>
    tpu.enqueue_dma source(%dma_start3A_1303 : memref<16x1024xf32, #tpu.memory_space<hbm>>) target(%dma_start3A_1301 : memref<16x1024xf32, #tpu.memory_space<vmem>>) target_semaphore(%dma_start3A_1297 : memref<!tpu.dma_semaphore, #tpu.memory_space<semaphore_mem>>)
    %add3A_1304 = arith.constant 224 : i32
    %add3A_1305 = arith.addi %add3A_4, %add3A_1304 : i32
    %sub3A_1306 = arith.constant 64 : i32
    %sub3A_1307 = arith.subi %add3A_1305, %sub3A_1306 : i32
    %dma_wait3A_1308 = arith.constant 2 : i32
    %dma_wait3A_1309 = arith.constant 2 : i32
    %dma_wait3A_1310 = arith.constant 0 : i32
    %dma_wait3A_1311 = arith.constant 0 : i32
    %dma_wait3A_1312 = tpu.memref_slice %arg6[%dma_wait3A_1308, %dma_wait3A_1310, %dma_wait3A_1311] : memref<4x16x1024xf32, #tpu.memory_space<vmem>> -> memref<1x16x1024xf32, #tpu.memory_space<vmem>>
    %dma_wait3A_1313 = tpu.memref_squeeze %dma_wait3A_1312 : memref<1x16x1024xf32, #tpu.memory_space<vmem>> -> memref<16x1024xf32, #tpu.memory_space<vmem>>
    %dma_wait3A_1314 = arith.constant 0 : i32
    %dma_wait3A_1315 = tpu.memref_slice %arg4[%sub3A_1307, %dma_wait3A_1314] : memref<32768x1024xf32, #tpu.memory_space<hbm>> -> memref<16x1024xf32, #tpu.memory_space<hbm>>
    %dma_wait3A_1316 = tpu.memref_slice %arg8[%dma_wait3A_1309] : memref<4x!tpu.dma_semaphore, #tpu.memory_space<semaphore_mem>> -> memref<1x!tpu.dma_semaphore, #tpu.memory_space<semaphore_mem>>
    %dma_wait3A_1317 = tpu.memref_squeeze %dma_wait3A_1316 : memref<1x!tpu.dma_semaphore, #tpu.memory_space<semaphore_mem>> -> memref<!tpu.dma_semaphore, #tpu.memory_space<semaphore_mem>>
    %dma_wait3A_1318 = arith.constant 0 : i32
    %dma_wait3A_1319 = tpu.memref_slice %arg4[%sub3A_1307, %dma_wait3A_1318] : memref<32768x1024xf32, #tpu.memory_space<hbm>> -> memref<16x1024xf32, #tpu.memory_space<hbm>>
    %dma_wait3A_1320 = arith.constant 0 : i32
    %dma_wait3A_1321 = arith.constant 0 : i32
    %dma_wait3A_1322 = tpu.memref_slice %arg6[%dma_wait3A_1308, %dma_wait3A_1320, %dma_wait3A_1321] : memref<4x16x1024xf32, #tpu.memory_space<vmem>> -> memref<1x16x1024xf32, #tpu.memory_space<vmem>>
    %dma_wait3A_1323 = tpu.memref_squeeze %dma_wait3A_1322 : memref<1x16x1024xf32, #tpu.memory_space<vmem>> -> memref<16x1024xf32, #tpu.memory_space<vmem>>
    tpu.wait_dma2 semaphore(%dma_wait3A_1317 : memref<!tpu.dma_semaphore, #tpu.memory_space<semaphore_mem>>) src(%dma_wait3A_1323 : memref<16x1024xf32, #tpu.memory_space<vmem>>) dst(%dma_wait3A_1319 : memref<16x1024xf32, #tpu.memory_space<hbm>>)
    %sub3A_1324 = arith.constant 24576 : i32
    %sub3A_1325 = arith.subi %sub3A_1307, %sub3A_1324 : i32
    %dma_wait3A_1326 = arith.constant 2 : i32
    %dma_wait3A_1327 = arith.constant 3 : i32
    %dma_wait3A_1328 = arith.constant 2 : i32
    %dma_wait3A_1329 = arith.constant 0 : i32
    %dma_wait3A_1330 = arith.constant 0 : i32
    %dma_wait3A_1331 = tpu.memref_slice %arg6[%dma_wait3A_1326, %dma_wait3A_1329, %dma_wait3A_1330] : memref<4x16x1024xf32, #tpu.memory_space<vmem>> -> memref<1x16x1024xf32, #tpu.memory_space<vmem>>
    %dma_wait3A_1332 = tpu.memref_squeeze %dma_wait3A_1331 : memref<1x16x1024xf32, #tpu.memory_space<vmem>> -> memref<16x1024xf32, #tpu.memory_space<vmem>>
    %dma_wait3A_1333 = arith.constant 0 : i32
    %dma_wait3A_1334 = tpu.memref_slice %arg3[%dma_wait3A_1327, %sub3A_1325, %dma_wait3A_1333] : memref<4x8192x1024xf32, #tpu.memory_space<hbm>> -> memref<1x16x1024xf32, #tpu.memory_space<hbm>>
    %dma_wait3A_1335 = tpu.memref_squeeze %dma_wait3A_1334 : memref<1x16x1024xf32, #tpu.memory_space<hbm>> -> memref<16x1024xf32, #tpu.memory_space<hbm>>
    %dma_wait3A_1336 = tpu.memref_slice %arg9[%dma_wait3A_1328] : memref<4x!tpu.dma_semaphore, #tpu.memory_space<semaphore_mem>> -> memref<1x!tpu.dma_semaphore, #tpu.memory_space<semaphore_mem>>
    %dma_wait3A_1337 = tpu.memref_squeeze %dma_wait3A_1336 : memref<1x!tpu.dma_semaphore, #tpu.memory_space<semaphore_mem>> -> memref<!tpu.dma_semaphore, #tpu.memory_space<semaphore_mem>>
    %dma_wait3A_1338 = arith.constant 0 : i32
    %dma_wait3A_1339 = tpu.memref_slice %arg3[%dma_wait3A_1327, %sub3A_1325, %dma_wait3A_1338] : memref<4x8192x1024xf32, #tpu.memory_space<hbm>> -> memref<1x16x1024xf32, #tpu.memory_space<hbm>>
    %dma_wait3A_1340 = tpu.memref_squeeze %dma_wait3A_1339 : memref<1x16x1024xf32, #tpu.memory_space<hbm>> -> memref<16x1024xf32, #tpu.memory_space<hbm>>
    %dma_wait3A_1341 = arith.constant 0 : i32
    %dma_wait3A_1342 = arith.constant 0 : i32
    %dma_wait3A_1343 = tpu.memref_slice %arg6[%dma_wait3A_1326, %dma_wait3A_1341, %dma_wait3A_1342] : memref<4x16x1024xf32, #tpu.memory_space<vmem>> -> memref<1x16x1024xf32, #tpu.memory_space<vmem>>
    %dma_wait3A_1344 = tpu.memref_squeeze %dma_wait3A_1343 : memref<1x16x1024xf32, #tpu.memory_space<vmem>> -> memref<16x1024xf32, #tpu.memory_space<vmem>>
    tpu.wait_dma2 semaphore(%dma_wait3A_1337 : memref<!tpu.dma_semaphore, #tpu.memory_space<semaphore_mem>>) src(%dma_wait3A_1344 : memref<16x1024xf32, #tpu.memory_space<vmem>>) dst(%dma_wait3A_1340 : memref<16x1024xf32, #tpu.memory_space<hbm>>)
    %dma_start3A_1345 = arith.constant 2 : i32
    %dma_start3A_1346 = arith.constant 2 : i32
    %dma_start3A_1347 = arith.constant 0 : i32
    %dma_start3A_1348 = arith.constant 0 : i32
    %dma_start3A_1349 = tpu.memref_slice %arg6[%dma_start3A_1345, %dma_start3A_1347, %dma_start3A_1348] : memref<4x16x1024xf32, #tpu.memory_space<vmem>> -> memref<1x16x1024xf32, #tpu.memory_space<vmem>>
    %dma_start3A_1350 = tpu.memref_squeeze %dma_start3A_1349 : memref<1x16x1024xf32, #tpu.memory_space<vmem>> -> memref<16x1024xf32, #tpu.memory_space<vmem>>
    %dma_start3A_1351 = arith.constant 0 : i32
    %dma_start3A_1352 = tpu.memref_slice %arg2[%add3A_1305, %dma_start3A_1351] : memref<32768x1024xf32, #tpu.memory_space<hbm>> -> memref<16x1024xf32, #tpu.memory_space<hbm>>
    %dma_start3A_1353 = tpu.memref_slice %arg7[%dma_start3A_1346] : memref<4x!tpu.dma_semaphore, #tpu.memory_space<semaphore_mem>> -> memref<1x!tpu.dma_semaphore, #tpu.memory_space<semaphore_mem>>
    %dma_start3A_1354 = tpu.memref_squeeze %dma_start3A_1353 : memref<1x!tpu.dma_semaphore, #tpu.memory_space<semaphore_mem>> -> memref<!tpu.dma_semaphore, #tpu.memory_space<semaphore_mem>>
    %dma_start3A_1355 = arith.constant 0 : i32
    %dma_start3A_1356 = arith.constant 0 : i32
    %dma_start3A_1357 = tpu.memref_slice %arg6[%dma_start3A_1345, %dma_start3A_1355, %dma_start3A_1356] : memref<4x16x1024xf32, #tpu.memory_space<vmem>> -> memref<1x16x1024xf32, #tpu.memory_space<vmem>>
    %dma_start3A_1358 = tpu.memref_squeeze %dma_start3A_1357 : memref<1x16x1024xf32, #tpu.memory_space<vmem>> -> memref<16x1024xf32, #tpu.memory_space<vmem>>
    %dma_start3A_1359 = arith.constant 0 : i32
    %dma_start3A_1360 = tpu.memref_slice %arg2[%add3A_1305, %dma_start3A_1359] : memref<32768x1024xf32, #tpu.memory_space<hbm>> -> memref<16x1024xf32, #tpu.memory_space<hbm>>
    tpu.enqueue_dma source(%dma_start3A_1360 : memref<16x1024xf32, #tpu.memory_space<hbm>>) target(%dma_start3A_1358 : memref<16x1024xf32, #tpu.memory_space<vmem>>) target_semaphore(%dma_start3A_1354 : memref<!tpu.dma_semaphore, #tpu.memory_space<semaphore_mem>>)
    %add3A_1361 = arith.constant 240 : i32
    %add3A_1362 = arith.addi %add3A_4, %add3A_1361 : i32
    %sub3A_1363 = arith.constant 64 : i32
    %sub3A_1364 = arith.subi %add3A_1362, %sub3A_1363 : i32
    %dma_wait3A_1365 = arith.constant 3 : i32
    %dma_wait3A_1366 = arith.constant 3 : i32
    %dma_wait3A_1367 = arith.constant 0 : i32
    %dma_wait3A_1368 = arith.constant 0 : i32
    %dma_wait3A_1369 = tpu.memref_slice %arg6[%dma_wait3A_1365, %dma_wait3A_1367, %dma_wait3A_1368] : memref<4x16x1024xf32, #tpu.memory_space<vmem>> -> memref<1x16x1024xf32, #tpu.memory_space<vmem>>
    %dma_wait3A_1370 = tpu.memref_squeeze %dma_wait3A_1369 : memref<1x16x1024xf32, #tpu.memory_space<vmem>> -> memref<16x1024xf32, #tpu.memory_space<vmem>>
    %dma_wait3A_1371 = arith.constant 0 : i32
    %dma_wait3A_1372 = tpu.memref_slice %arg4[%sub3A_1364, %dma_wait3A_1371] : memref<32768x1024xf32, #tpu.memory_space<hbm>> -> memref<16x1024xf32, #tpu.memory_space<hbm>>
    %dma_wait3A_1373 = tpu.memref_slice %arg8[%dma_wait3A_1366] : memref<4x!tpu.dma_semaphore, #tpu.memory_space<semaphore_mem>> -> memref<1x!tpu.dma_semaphore, #tpu.memory_space<semaphore_mem>>
    %dma_wait3A_1374 = tpu.memref_squeeze %dma_wait3A_1373 : memref<1x!tpu.dma_semaphore, #tpu.memory_space<semaphore_mem>> -> memref<!tpu.dma_semaphore, #tpu.memory_space<semaphore_mem>>
    %dma_wait3A_1375 = arith.constant 0 : i32
    %dma_wait3A_1376 = tpu.memref_slice %arg4[%sub3A_1364, %dma_wait3A_1375] : memref<32768x1024xf32, #tpu.memory_space<hbm>> -> memref<16x1024xf32, #tpu.memory_space<hbm>>
    %dma_wait3A_1377 = arith.constant 0 : i32
    %dma_wait3A_1378 = arith.constant 0 : i32
    %dma_wait3A_1379 = tpu.memref_slice %arg6[%dma_wait3A_1365, %dma_wait3A_1377, %dma_wait3A_1378] : memref<4x16x1024xf32, #tpu.memory_space<vmem>> -> memref<1x16x1024xf32, #tpu.memory_space<vmem>>
    %dma_wait3A_1380 = tpu.memref_squeeze %dma_wait3A_1379 : memref<1x16x1024xf32, #tpu.memory_space<vmem>> -> memref<16x1024xf32, #tpu.memory_space<vmem>>
    tpu.wait_dma2 semaphore(%dma_wait3A_1374 : memref<!tpu.dma_semaphore, #tpu.memory_space<semaphore_mem>>) src(%dma_wait3A_1380 : memref<16x1024xf32, #tpu.memory_space<vmem>>) dst(%dma_wait3A_1376 : memref<16x1024xf32, #tpu.memory_space<hbm>>)
    %sub3A_1381 = arith.constant 24576 : i32
    %sub3A_1382 = arith.subi %sub3A_1364, %sub3A_1381 : i32
    %dma_wait3A_1383 = arith.constant 3 : i32
    %dma_wait3A_1384 = arith.constant 3 : i32
    %dma_wait3A_1385 = arith.constant 3 : i32
    %dma_wait3A_1386 = arith.constant 0 : i32
    %dma_wait3A_1387 = arith.constant 0 : i32
    %dma_wait3A_1388 = tpu.memref_slice %arg6[%dma_wait3A_1383, %dma_wait3A_1386, %dma_wait3A_1387] : memref<4x16x1024xf32, #tpu.memory_space<vmem>> -> memref<1x16x1024xf32, #tpu.memory_space<vmem>>
    %dma_wait3A_1389 = tpu.memref_squeeze %dma_wait3A_1388 : memref<1x16x1024xf32, #tpu.memory_space<vmem>> -> memref<16x1024xf32, #tpu.memory_space<vmem>>
    %dma_wait3A_1390 = arith.constant 0 : i32
    %dma_wait3A_1391 = tpu.memref_slice %arg3[%dma_wait3A_1384, %sub3A_1382, %dma_wait3A_1390] : memref<4x8192x1024xf32, #tpu.memory_space<hbm>> -> memref<1x16x1024xf32, #tpu.memory_space<hbm>>
    %dma_wait3A_1392 = tpu.memref_squeeze %dma_wait3A_1391 : memref<1x16x1024xf32, #tpu.memory_space<hbm>> -> memref<16x1024xf32, #tpu.memory_space<hbm>>
    %dma_wait3A_1393 = tpu.memref_slice %arg9[%dma_wait3A_1385] : memref<4x!tpu.dma_semaphore, #tpu.memory_space<semaphore_mem>> -> memref<1x!tpu.dma_semaphore, #tpu.memory_space<semaphore_mem>>
    %dma_wait3A_1394 = tpu.memref_squeeze %dma_wait3A_1393 : memref<1x!tpu.dma_semaphore, #tpu.memory_space<semaphore_mem>> -> memref<!tpu.dma_semaphore, #tpu.memory_space<semaphore_mem>>
    %dma_wait3A_1395 = arith.constant 0 : i32
    %dma_wait3A_1396 = tpu.memref_slice %arg3[%dma_wait3A_1384, %sub3A_1382, %dma_wait3A_1395] : memref<4x8192x1024xf32, #tpu.memory_space<hbm>> -> memref<1x16x1024xf32, #tpu.memory_space<hbm>>
    %dma_wait3A_1397 = tpu.memref_squeeze %dma_wait3A_1396 : memref<1x16x1024xf32, #tpu.memory_space<hbm>> -> memref<16x1024xf32, #tpu.memory_space<hbm>>
    %dma_wait3A_1398 = arith.constant 0 : i32
    %dma_wait3A_1399 = arith.constant 0 : i32
    %dma_wait3A_1400 = tpu.memref_slice %arg6[%dma_wait3A_1383, %dma_wait3A_1398, %dma_wait3A_1399] : memref<4x16x1024xf32, #tpu.memory_space<vmem>> -> memref<1x16x1024xf32, #tpu.memory_space<vmem>>
    %dma_wait3A_1401 = tpu.memref_squeeze %dma_wait3A_1400 : memref<1x16x1024xf32, #tpu.memory_space<vmem>> -> memref<16x1024xf32, #tpu.memory_space<vmem>>
    tpu.wait_dma2 semaphore(%dma_wait3A_1394 : memref<!tpu.dma_semaphore, #tpu.memory_space<semaphore_mem>>) src(%dma_wait3A_1401 : memref<16x1024xf32, #tpu.memory_space<vmem>>) dst(%dma_wait3A_1397 : memref<16x1024xf32, #tpu.memory_space<hbm>>)
    %dma_start3A_1402 = arith.constant 3 : i32
    %dma_start3A_1403 = arith.constant 3 : i32
    %dma_start3A_1404 = arith.constant 0 : i32
    %dma_start3A_1405 = arith.constant 0 : i32
    %dma_start3A_1406 = tpu.memref_slice %arg6[%dma_start3A_1402, %dma_start3A_1404, %dma_start3A_1405] : memref<4x16x1024xf32, #tpu.memory_space<vmem>> -> memref<1x16x1024xf32, #tpu.memory_space<vmem>>
    %dma_start3A_1407 = tpu.memref_squeeze %dma_start3A_1406 : memref<1x16x1024xf32, #tpu.memory_space<vmem>> -> memref<16x1024xf32, #tpu.memory_space<vmem>>
    %dma_start3A_1408 = arith.constant 0 : i32
    %dma_start3A_1409 = tpu.memref_slice %arg2[%add3A_1362, %dma_start3A_1408] : memref<32768x1024xf32, #tpu.memory_space<hbm>> -> memref<16x1024xf32, #tpu.memory_space<hbm>>
    %dma_start3A_1410 = tpu.memref_slice %arg7[%dma_start3A_1403] : memref<4x!tpu.dma_semaphore, #tpu.memory_space<semaphore_mem>> -> memref<1x!tpu.dma_semaphore, #tpu.memory_space<semaphore_mem>>
    %dma_start3A_1411 = tpu.memref_squeeze %dma_start3A_1410 : memref<1x!tpu.dma_semaphore, #tpu.memory_space<semaphore_mem>> -> memref<!tpu.dma_semaphore, #tpu.memory_space<semaphore_mem>>
    %dma_start3A_1412 = arith.constant 0 : i32
    %dma_start3A_1413 = arith.constant 0 : i32
    %dma_start3A_1414 = tpu.memref_slice %arg6[%dma_start3A_1402, %dma_start3A_1412, %dma_start3A_1413] : memref<4x16x1024xf32, #tpu.memory_space<vmem>> -> memref<1x16x1024xf32, #tpu.memory_space<vmem>>
    %dma_start3A_1415 = tpu.memref_squeeze %dma_start3A_1414 : memref<1x16x1024xf32, #tpu.memory_space<vmem>> -> memref<16x1024xf32, #tpu.memory_space<vmem>>
    %dma_start3A_1416 = arith.constant 0 : i32
    %dma_start3A_1417 = tpu.memref_slice %arg2[%add3A_1362, %dma_start3A_1416] : memref<32768x1024xf32, #tpu.memory_space<hbm>> -> memref<16x1024xf32, #tpu.memory_space<hbm>>
    tpu.enqueue_dma source(%dma_start3A_1417 : memref<16x1024xf32, #tpu.memory_space<hbm>>) target(%dma_start3A_1415 : memref<16x1024xf32, #tpu.memory_space<vmem>>) target_semaphore(%dma_start3A_1411 : memref<!tpu.dma_semaphore, #tpu.memory_space<semaphore_mem>>)
    %add3A_1418 = arith.constant 192 : i32
    %add3A_1419 = arith.addi %add3A_4, %add3A_1418 : i32
    %dma_wait3A_1420 = arith.constant 0 : i32
    %dma_wait3A_1421 = arith.constant 0 : i32
    %dma_wait3A_1422 = arith.constant 0 : i32
    %dma_wait3A_1423 = arith.constant 0 : i32
    %dma_wait3A_1424 = tpu.memref_slice %arg6[%dma_wait3A_1420, %dma_wait3A_1422, %dma_wait3A_1423] : memref<4x16x1024xf32, #tpu.memory_space<vmem>> -> memref<1x16x1024xf32, #tpu.memory_space<vmem>>
    %dma_wait3A_1425 = tpu.memref_squeeze %dma_wait3A_1424 : memref<1x16x1024xf32, #tpu.memory_space<vmem>> -> memref<16x1024xf32, #tpu.memory_space<vmem>>
    %dma_wait3A_1426 = arith.constant 0 : i32
    %dma_wait3A_1427 = tpu.memref_slice %arg2[%add3A_1419, %dma_wait3A_1426] : memref<32768x1024xf32, #tpu.memory_space<hbm>> -> memref<16x1024xf32, #tpu.memory_space<hbm>>
    %dma_wait3A_1428 = tpu.memref_slice %arg7[%dma_wait3A_1421] : memref<4x!tpu.dma_semaphore, #tpu.memory_space<semaphore_mem>> -> memref<1x!tpu.dma_semaphore, #tpu.memory_space<semaphore_mem>>
    %dma_wait3A_1429 = tpu.memref_squeeze %dma_wait3A_1428 : memref<1x!tpu.dma_semaphore, #tpu.memory_space<semaphore_mem>> -> memref<!tpu.dma_semaphore, #tpu.memory_space<semaphore_mem>>
    %dma_wait3A_1430 = arith.constant 0 : i32
    %dma_wait3A_1431 = arith.constant 0 : i32
    %dma_wait3A_1432 = tpu.memref_slice %arg6[%dma_wait3A_1420, %dma_wait3A_1430, %dma_wait3A_1431] : memref<4x16x1024xf32, #tpu.memory_space<vmem>> -> memref<1x16x1024xf32, #tpu.memory_space<vmem>>
    %dma_wait3A_1433 = tpu.memref_squeeze %dma_wait3A_1432 : memref<1x16x1024xf32, #tpu.memory_space<vmem>> -> memref<16x1024xf32, #tpu.memory_space<vmem>>
    %dma_wait3A_1434 = arith.constant 0 : i32
    %dma_wait3A_1435 = tpu.memref_slice %arg2[%add3A_1419, %dma_wait3A_1434] : memref<32768x1024xf32, #tpu.memory_space<hbm>> -> memref<16x1024xf32, #tpu.memory_space<hbm>>
    tpu.wait_dma2 semaphore(%dma_wait3A_1429 : memref<!tpu.dma_semaphore, #tpu.memory_space<semaphore_mem>>) src(%dma_wait3A_1435 : memref<16x1024xf32, #tpu.memory_space<hbm>>) dst(%dma_wait3A_1433 : memref<16x1024xf32, #tpu.memory_space<vmem>>)
    %dma_start3A_1436 = arith.constant 0 : i32
    %dma_start3A_1437 = arith.constant 0 : i32
    %dma_start3A_1438 = arith.constant 0 : i32
    %dma_start3A_1439 = arith.constant 0 : i32
    %dma_start3A_1440 = tpu.memref_slice %arg6[%dma_start3A_1436, %dma_start3A_1438, %dma_start3A_1439] : memref<4x16x1024xf32, #tpu.memory_space<vmem>> -> memref<1x16x1024xf32, #tpu.memory_space<vmem>>
    %dma_start3A_1441 = tpu.memref_squeeze %dma_start3A_1440 : memref<1x16x1024xf32, #tpu.memory_space<vmem>> -> memref<16x1024xf32, #tpu.memory_space<vmem>>
    %dma_start3A_1442 = arith.constant 0 : i32
    %dma_start3A_1443 = tpu.memref_slice %arg4[%add3A_1419, %dma_start3A_1442] : memref<32768x1024xf32, #tpu.memory_space<hbm>> -> memref<16x1024xf32, #tpu.memory_space<hbm>>
    %dma_start3A_1444 = tpu.memref_slice %arg8[%dma_start3A_1437] : memref<4x!tpu.dma_semaphore, #tpu.memory_space<semaphore_mem>> -> memref<1x!tpu.dma_semaphore, #tpu.memory_space<semaphore_mem>>
    %dma_start3A_1445 = tpu.memref_squeeze %dma_start3A_1444 : memref<1x!tpu.dma_semaphore, #tpu.memory_space<semaphore_mem>> -> memref<!tpu.dma_semaphore, #tpu.memory_space<semaphore_mem>>
    %dma_start3A_1446 = arith.constant 0 : i32
    %dma_start3A_1447 = tpu.memref_slice %arg4[%add3A_1419, %dma_start3A_1446] : memref<32768x1024xf32, #tpu.memory_space<hbm>> -> memref<16x1024xf32, #tpu.memory_space<hbm>>
    %dma_start3A_1448 = arith.constant 0 : i32
    %dma_start3A_1449 = arith.constant 0 : i32
    %dma_start3A_1450 = tpu.memref_slice %arg6[%dma_start3A_1436, %dma_start3A_1448, %dma_start3A_1449] : memref<4x16x1024xf32, #tpu.memory_space<vmem>> -> memref<1x16x1024xf32, #tpu.memory_space<vmem>>
    %dma_start3A_1451 = tpu.memref_squeeze %dma_start3A_1450 : memref<1x16x1024xf32, #tpu.memory_space<vmem>> -> memref<16x1024xf32, #tpu.memory_space<vmem>>
    tpu.enqueue_dma source(%dma_start3A_1451 : memref<16x1024xf32, #tpu.memory_space<vmem>>) target(%dma_start3A_1447 : memref<16x1024xf32, #tpu.memory_space<hbm>>) target_semaphore(%dma_start3A_1445 : memref<!tpu.dma_semaphore, #tpu.memory_space<semaphore_mem>>)
    %sub3A_1452 = arith.constant 24576 : i32
    %sub3A_1453 = arith.subi %add3A_1419, %sub3A_1452 : i32
    %dma_start3A_1454 = arith.constant 0 : i32
    %dma_start3A_1455 = arith.constant 3 : i32
    %dma_start3A_1456 = arith.constant 0 : i32
    %dma_start3A_1457 = arith.constant 0 : i32
    %dma_start3A_1458 = arith.constant 0 : i32
    %dma_start3A_1459 = tpu.memref_slice %arg6[%dma_start3A_1454, %dma_start3A_1457, %dma_start3A_1458] : memref<4x16x1024xf32, #tpu.memory_space<vmem>> -> memref<1x16x1024xf32, #tpu.memory_space<vmem>>
    %dma_start3A_1460 = tpu.memref_squeeze %dma_start3A_1459 : memref<1x16x1024xf32, #tpu.memory_space<vmem>> -> memref<16x1024xf32, #tpu.memory_space<vmem>>
    %dma_start3A_1461 = arith.constant 0 : i32
    %dma_start3A_1462 = tpu.memref_slice %arg3[%dma_start3A_1455, %sub3A_1453, %dma_start3A_1461] : memref<4x8192x1024xf32, #tpu.memory_space<hbm>> -> memref<1x16x1024xf32, #tpu.memory_space<hbm>>
    %dma_start3A_1463 = tpu.memref_squeeze %dma_start3A_1462 : memref<1x16x1024xf32, #tpu.memory_space<hbm>> -> memref<16x1024xf32, #tpu.memory_space<hbm>>
    %dma_start3A_1464 = tpu.memref_slice %arg9[%dma_start3A_1456] : memref<4x!tpu.dma_semaphore, #tpu.memory_space<semaphore_mem>> -> memref<1x!tpu.dma_semaphore, #tpu.memory_space<semaphore_mem>>
    %dma_start3A_1465 = tpu.memref_squeeze %dma_start3A_1464 : memref<1x!tpu.dma_semaphore, #tpu.memory_space<semaphore_mem>> -> memref<!tpu.dma_semaphore, #tpu.memory_space<semaphore_mem>>
    %dma_start3A_1466 = arith.constant 0 : i32
    %dma_start3A_1467 = tpu.memref_slice %arg3[%dma_start3A_1455, %sub3A_1453, %dma_start3A_1466] : memref<4x8192x1024xf32, #tpu.memory_space<hbm>> -> memref<1x16x1024xf32, #tpu.memory_space<hbm>>
    %dma_start3A_1468 = tpu.memref_squeeze %dma_start3A_1467 : memref<1x16x1024xf32, #tpu.memory_space<hbm>> -> memref<16x1024xf32, #tpu.memory_space<hbm>>
    %dma_start3A_1469 = arith.constant 0 : i32
    %dma_start3A_1470 = arith.constant 0 : i32
    %dma_start3A_1471 = tpu.memref_slice %arg6[%dma_start3A_1454, %dma_start3A_1469, %dma_start3A_1470] : memref<4x16x1024xf32, #tpu.memory_space<vmem>> -> memref<1x16x1024xf32, #tpu.memory_space<vmem>>
    %dma_start3A_1472 = tpu.memref_squeeze %dma_start3A_1471 : memref<1x16x1024xf32, #tpu.memory_space<vmem>> -> memref<16x1024xf32, #tpu.memory_space<vmem>>
    tpu.enqueue_dma source(%dma_start3A_1472 : memref<16x1024xf32, #tpu.memory_space<vmem>>) target(%dma_start3A_1468 : memref<16x1024xf32, #tpu.memory_space<hbm>>) target_semaphore(%dma_start3A_1465 : memref<!tpu.dma_semaphore, #tpu.memory_space<semaphore_mem>>)
    %add3A_1473 = arith.constant 208 : i32
    %add3A_1474 = arith.addi %add3A_4, %add3A_1473 : i32
    %dma_wait3A_1475 = arith.constant 1 : i32
    %dma_wait3A_1476 = arith.constant 1 : i32
    %dma_wait3A_1477 = arith.constant 0 : i32
    %dma_wait3A_1478 = arith.constant 0 : i32
    %dma_wait3A_1479 = tpu.memref_slice %arg6[%dma_wait3A_1475, %dma_wait3A_1477, %dma_wait3A_1478] : memref<4x16x1024xf32, #tpu.memory_space<vmem>> -> memref<1x16x1024xf32, #tpu.memory_space<vmem>>
    %dma_wait3A_1480 = tpu.memref_squeeze %dma_wait3A_1479 : memref<1x16x1024xf32, #tpu.memory_space<vmem>> -> memref<16x1024xf32, #tpu.memory_space<vmem>>
    %dma_wait3A_1481 = arith.constant 0 : i32
    %dma_wait3A_1482 = tpu.memref_slice %arg2[%add3A_1474, %dma_wait3A_1481] : memref<32768x1024xf32, #tpu.memory_space<hbm>> -> memref<16x1024xf32, #tpu.memory_space<hbm>>
    %dma_wait3A_1483 = tpu.memref_slice %arg7[%dma_wait3A_1476] : memref<4x!tpu.dma_semaphore, #tpu.memory_space<semaphore_mem>> -> memref<1x!tpu.dma_semaphore, #tpu.memory_space<semaphore_mem>>
    %dma_wait3A_1484 = tpu.memref_squeeze %dma_wait3A_1483 : memref<1x!tpu.dma_semaphore, #tpu.memory_space<semaphore_mem>> -> memref<!tpu.dma_semaphore, #tpu.memory_space<semaphore_mem>>
    %dma_wait3A_1485 = arith.constant 0 : i32
    %dma_wait3A_1486 = arith.constant 0 : i32
    %dma_wait3A_1487 = tpu.memref_slice %arg6[%dma_wait3A_1475, %dma_wait3A_1485, %dma_wait3A_1486] : memref<4x16x1024xf32, #tpu.memory_space<vmem>> -> memref<1x16x1024xf32, #tpu.memory_space<vmem>>
    %dma_wait3A_1488 = tpu.memref_squeeze %dma_wait3A_1487 : memref<1x16x1024xf32, #tpu.memory_space<vmem>> -> memref<16x1024xf32, #tpu.memory_space<vmem>>
    %dma_wait3A_1489 = arith.constant 0 : i32
    %dma_wait3A_1490 = tpu.memref_slice %arg2[%add3A_1474, %dma_wait3A_1489] : memref<32768x1024xf32, #tpu.memory_space<hbm>> -> memref<16x1024xf32, #tpu.memory_space<hbm>>
    tpu.wait_dma2 semaphore(%dma_wait3A_1484 : memref<!tpu.dma_semaphore, #tpu.memory_space<semaphore_mem>>) src(%dma_wait3A_1490 : memref<16x1024xf32, #tpu.memory_space<hbm>>) dst(%dma_wait3A_1488 : memref<16x1024xf32, #tpu.memory_space<vmem>>)
    %dma_start3A_1491 = arith.constant 1 : i32
    %dma_start3A_1492 = arith.constant 1 : i32
    %dma_start3A_1493 = arith.constant 0 : i32
    %dma_start3A_1494 = arith.constant 0 : i32
    %dma_start3A_1495 = tpu.memref_slice %arg6[%dma_start3A_1491, %dma_start3A_1493, %dma_start3A_1494] : memref<4x16x1024xf32, #tpu.memory_space<vmem>> -> memref<1x16x1024xf32, #tpu.memory_space<vmem>>
    %dma_start3A_1496 = tpu.memref_squeeze %dma_start3A_1495 : memref<1x16x1024xf32, #tpu.memory_space<vmem>> -> memref<16x1024xf32, #tpu.memory_space<vmem>>
    %dma_start3A_1497 = arith.constant 0 : i32
    %dma_start3A_1498 = tpu.memref_slice %arg4[%add3A_1474, %dma_start3A_1497] : memref<32768x1024xf32, #tpu.memory_space<hbm>> -> memref<16x1024xf32, #tpu.memory_space<hbm>>
    %dma_start3A_1499 = tpu.memref_slice %arg8[%dma_start3A_1492] : memref<4x!tpu.dma_semaphore, #tpu.memory_space<semaphore_mem>> -> memref<1x!tpu.dma_semaphore, #tpu.memory_space<semaphore_mem>>
    %dma_start3A_1500 = tpu.memref_squeeze %dma_start3A_1499 : memref<1x!tpu.dma_semaphore, #tpu.memory_space<semaphore_mem>> -> memref<!tpu.dma_semaphore, #tpu.memory_space<semaphore_mem>>
    %dma_start3A_1501 = arith.constant 0 : i32
    %dma_start3A_1502 = tpu.memref_slice %arg4[%add3A_1474, %dma_start3A_1501] : memref<32768x1024xf32, #tpu.memory_space<hbm>> -> memref<16x1024xf32, #tpu.memory_space<hbm>>
    %dma_start3A_1503 = arith.constant 0 : i32
    %dma_start3A_1504 = arith.constant 0 : i32
    %dma_start3A_1505 = tpu.memref_slice %arg6[%dma_start3A_1491, %dma_start3A_1503, %dma_start3A_1504] : memref<4x16x1024xf32, #tpu.memory_space<vmem>> -> memref<1x16x1024xf32, #tpu.memory_space<vmem>>
    %dma_start3A_1506 = tpu.memref_squeeze %dma_start3A_1505 : memref<1x16x1024xf32, #tpu.memory_space<vmem>> -> memref<16x1024xf32, #tpu.memory_space<vmem>>
    tpu.enqueue_dma source(%dma_start3A_1506 : memref<16x1024xf32, #tpu.memory_space<vmem>>) target(%dma_start3A_1502 : memref<16x1024xf32, #tpu.memory_space<hbm>>) target_semaphore(%dma_start3A_1500 : memref<!tpu.dma_semaphore, #tpu.memory_space<semaphore_mem>>)
    %sub3A_1507 = arith.constant 24576 : i32
    %sub3A_1508 = arith.subi %add3A_1474, %sub3A_1507 : i32
    %dma_start3A_1509 = arith.constant 1 : i32
    %dma_start3A_1510 = arith.constant 3 : i32
    %dma_start3A_1511 = arith.constant 1 : i32
    %dma_start3A_1512 = arith.constant 0 : i32
    %dma_start3A_1513 = arith.constant 0 : i32
    %dma_start3A_1514 = tpu.memref_slice %arg6[%dma_start3A_1509, %dma_start3A_1512, %dma_start3A_1513] : memref<4x16x1024xf32, #tpu.memory_space<vmem>> -> memref<1x16x1024xf32, #tpu.memory_space<vmem>>
    %dma_start3A_1515 = tpu.memref_squeeze %dma_start3A_1514 : memref<1x16x1024xf32, #tpu.memory_space<vmem>> -> memref<16x1024xf32, #tpu.memory_space<vmem>>
    %dma_start3A_1516 = arith.constant 0 : i32
    %dma_start3A_1517 = tpu.memref_slice %arg3[%dma_start3A_1510, %sub3A_1508, %dma_start3A_1516] : memref<4x8192x1024xf32, #tpu.memory_space<hbm>> -> memref<1x16x1024xf32, #tpu.memory_space<hbm>>
    %dma_start3A_1518 = tpu.memref_squeeze %dma_start3A_1517 : memref<1x16x1024xf32, #tpu.memory_space<hbm>> -> memref<16x1024xf32, #tpu.memory_space<hbm>>
    %dma_start3A_1519 = tpu.memref_slice %arg9[%dma_start3A_1511] : memref<4x!tpu.dma_semaphore, #tpu.memory_space<semaphore_mem>> -> memref<1x!tpu.dma_semaphore, #tpu.memory_space<semaphore_mem>>
    %dma_start3A_1520 = tpu.memref_squeeze %dma_start3A_1519 : memref<1x!tpu.dma_semaphore, #tpu.memory_space<semaphore_mem>> -> memref<!tpu.dma_semaphore, #tpu.memory_space<semaphore_mem>>
    %dma_start3A_1521 = arith.constant 0 : i32
    %dma_start3A_1522 = tpu.memref_slice %arg3[%dma_start3A_1510, %sub3A_1508, %dma_start3A_1521] : memref<4x8192x1024xf32, #tpu.memory_space<hbm>> -> memref<1x16x1024xf32, #tpu.memory_space<hbm>>
    %dma_start3A_1523 = tpu.memref_squeeze %dma_start3A_1522 : memref<1x16x1024xf32, #tpu.memory_space<hbm>> -> memref<16x1024xf32, #tpu.memory_space<hbm>>
    %dma_start3A_1524 = arith.constant 0 : i32
    %dma_start3A_1525 = arith.constant 0 : i32
    %dma_start3A_1526 = tpu.memref_slice %arg6[%dma_start3A_1509, %dma_start3A_1524, %dma_start3A_1525] : memref<4x16x1024xf32, #tpu.memory_space<vmem>> -> memref<1x16x1024xf32, #tpu.memory_space<vmem>>
    %dma_start3A_1527 = tpu.memref_squeeze %dma_start3A_1526 : memref<1x16x1024xf32, #tpu.memory_space<vmem>> -> memref<16x1024xf32, #tpu.memory_space<vmem>>
    tpu.enqueue_dma source(%dma_start3A_1527 : memref<16x1024xf32, #tpu.memory_space<vmem>>) target(%dma_start3A_1523 : memref<16x1024xf32, #tpu.memory_space<hbm>>) target_semaphore(%dma_start3A_1520 : memref<!tpu.dma_semaphore, #tpu.memory_space<semaphore_mem>>)
    %add3A_1528 = arith.constant 224 : i32
    %add3A_1529 = arith.addi %add3A_4, %add3A_1528 : i32
    %dma_wait3A_1530 = arith.constant 2 : i32
    %dma_wait3A_1531 = arith.constant 2 : i32
    %dma_wait3A_1532 = arith.constant 0 : i32
    %dma_wait3A_1533 = arith.constant 0 : i32
    %dma_wait3A_1534 = tpu.memref_slice %arg6[%dma_wait3A_1530, %dma_wait3A_1532, %dma_wait3A_1533] : memref<4x16x1024xf32, #tpu.memory_space<vmem>> -> memref<1x16x1024xf32, #tpu.memory_space<vmem>>
    %dma_wait3A_1535 = tpu.memref_squeeze %dma_wait3A_1534 : memref<1x16x1024xf32, #tpu.memory_space<vmem>> -> memref<16x1024xf32, #tpu.memory_space<vmem>>
    %dma_wait3A_1536 = arith.constant 0 : i32
    %dma_wait3A_1537 = tpu.memref_slice %arg2[%add3A_1529, %dma_wait3A_1536] : memref<32768x1024xf32, #tpu.memory_space<hbm>> -> memref<16x1024xf32, #tpu.memory_space<hbm>>
    %dma_wait3A_1538 = tpu.memref_slice %arg7[%dma_wait3A_1531] : memref<4x!tpu.dma_semaphore, #tpu.memory_space<semaphore_mem>> -> memref<1x!tpu.dma_semaphore, #tpu.memory_space<semaphore_mem>>
    %dma_wait3A_1539 = tpu.memref_squeeze %dma_wait3A_1538 : memref<1x!tpu.dma_semaphore, #tpu.memory_space<semaphore_mem>> -> memref<!tpu.dma_semaphore, #tpu.memory_space<semaphore_mem>>
    %dma_wait3A_1540 = arith.constant 0 : i32
    %dma_wait3A_1541 = arith.constant 0 : i32
    %dma_wait3A_1542 = tpu.memref_slice %arg6[%dma_wait3A_1530, %dma_wait3A_1540, %dma_wait3A_1541] : memref<4x16x1024xf32, #tpu.memory_space<vmem>> -> memref<1x16x1024xf32, #tpu.memory_space<vmem>>
    %dma_wait3A_1543 = tpu.memref_squeeze %dma_wait3A_1542 : memref<1x16x1024xf32, #tpu.memory_space<vmem>> -> memref<16x1024xf32, #tpu.memory_space<vmem>>
    %dma_wait3A_1544 = arith.constant 0 : i32
    %dma_wait3A_1545 = tpu.memref_slice %arg2[%add3A_1529, %dma_wait3A_1544] : memref<32768x1024xf32, #tpu.memory_space<hbm>> -> memref<16x1024xf32, #tpu.memory_space<hbm>>
    tpu.wait_dma2 semaphore(%dma_wait3A_1539 : memref<!tpu.dma_semaphore, #tpu.memory_space<semaphore_mem>>) src(%dma_wait3A_1545 : memref<16x1024xf32, #tpu.memory_space<hbm>>) dst(%dma_wait3A_1543 : memref<16x1024xf32, #tpu.memory_space<vmem>>)
    %dma_start3A_1546 = arith.constant 2 : i32
    %dma_start3A_1547 = arith.constant 2 : i32
    %dma_start3A_1548 = arith.constant 0 : i32
    %dma_start3A_1549 = arith.constant 0 : i32
    %dma_start3A_1550 = tpu.memref_slice %arg6[%dma_start3A_1546, %dma_start3A_1548, %dma_start3A_1549] : memref<4x16x1024xf32, #tpu.memory_space<vmem>> -> memref<1x16x1024xf32, #tpu.memory_space<vmem>>
    %dma_start3A_1551 = tpu.memref_squeeze %dma_start3A_1550 : memref<1x16x1024xf32, #tpu.memory_space<vmem>> -> memref<16x1024xf32, #tpu.memory_space<vmem>>
    %dma_start3A_1552 = arith.constant 0 : i32
    %dma_start3A_1553 = tpu.memref_slice %arg4[%add3A_1529, %dma_start3A_1552] : memref<32768x1024xf32, #tpu.memory_space<hbm>> -> memref<16x1024xf32, #tpu.memory_space<hbm>>
    %dma_start3A_1554 = tpu.memref_slice %arg8[%dma_start3A_1547] : memref<4x!tpu.dma_semaphore, #tpu.memory_space<semaphore_mem>> -> memref<1x!tpu.dma_semaphore, #tpu.memory_space<semaphore_mem>>
    %dma_start3A_1555 = tpu.memref_squeeze %dma_start3A_1554 : memref<1x!tpu.dma_semaphore, #tpu.memory_space<semaphore_mem>> -> memref<!tpu.dma_semaphore, #tpu.memory_space<semaphore_mem>>
    %dma_start3A_1556 = arith.constant 0 : i32
    %dma_start3A_1557 = tpu.memref_slice %arg4[%add3A_1529, %dma_start3A_1556] : memref<32768x1024xf32, #tpu.memory_space<hbm>> -> memref<16x1024xf32, #tpu.memory_space<hbm>>
    %dma_start3A_1558 = arith.constant 0 : i32
    %dma_start3A_1559 = arith.constant 0 : i32
    %dma_start3A_1560 = tpu.memref_slice %arg6[%dma_start3A_1546, %dma_start3A_1558, %dma_start3A_1559] : memref<4x16x1024xf32, #tpu.memory_space<vmem>> -> memref<1x16x1024xf32, #tpu.memory_space<vmem>>
    %dma_start3A_1561 = tpu.memref_squeeze %dma_start3A_1560 : memref<1x16x1024xf32, #tpu.memory_space<vmem>> -> memref<16x1024xf32, #tpu.memory_space<vmem>>
    tpu.enqueue_dma source(%dma_start3A_1561 : memref<16x1024xf32, #tpu.memory_space<vmem>>) target(%dma_start3A_1557 : memref<16x1024xf32, #tpu.memory_space<hbm>>) target_semaphore(%dma_start3A_1555 : memref<!tpu.dma_semaphore, #tpu.memory_space<semaphore_mem>>)
    %sub3A_1562 = arith.constant 24576 : i32
    %sub3A_1563 = arith.subi %add3A_1529, %sub3A_1562 : i32
    %dma_start3A_1564 = arith.constant 2 : i32
    %dma_start3A_1565 = arith.constant 3 : i32
    %dma_start3A_1566 = arith.constant 2 : i32
    %dma_start3A_1567 = arith.constant 0 : i32
    %dma_start3A_1568 = arith.constant 0 : i32
    %dma_start3A_1569 = tpu.memref_slice %arg6[%dma_start3A_1564, %dma_start3A_1567, %dma_start3A_1568] : memref<4x16x1024xf32, #tpu.memory_space<vmem>> -> memref<1x16x1024xf32, #tpu.memory_space<vmem>>
    %dma_start3A_1570 = tpu.memref_squeeze %dma_start3A_1569 : memref<1x16x1024xf32, #tpu.memory_space<vmem>> -> memref<16x1024xf32, #tpu.memory_space<vmem>>
    %dma_start3A_1571 = arith.constant 0 : i32
    %dma_start3A_1572 = tpu.memref_slice %arg3[%dma_start3A_1565, %sub3A_1563, %dma_start3A_1571] : memref<4x8192x1024xf32, #tpu.memory_space<hbm>> -> memref<1x16x1024xf32, #tpu.memory_space<hbm>>
    %dma_start3A_1573 = tpu.memref_squeeze %dma_start3A_1572 : memref<1x16x1024xf32, #tpu.memory_space<hbm>> -> memref<16x1024xf32, #tpu.memory_space<hbm>>
    %dma_start3A_1574 = tpu.memref_slice %arg9[%dma_start3A_1566] : memref<4x!tpu.dma_semaphore, #tpu.memory_space<semaphore_mem>> -> memref<1x!tpu.dma_semaphore, #tpu.memory_space<semaphore_mem>>
    %dma_start3A_1575 = tpu.memref_squeeze %dma_start3A_1574 : memref<1x!tpu.dma_semaphore, #tpu.memory_space<semaphore_mem>> -> memref<!tpu.dma_semaphore, #tpu.memory_space<semaphore_mem>>
    %dma_start3A_1576 = arith.constant 0 : i32
    %dma_start3A_1577 = tpu.memref_slice %arg3[%dma_start3A_1565, %sub3A_1563, %dma_start3A_1576] : memref<4x8192x1024xf32, #tpu.memory_space<hbm>> -> memref<1x16x1024xf32, #tpu.memory_space<hbm>>
    %dma_start3A_1578 = tpu.memref_squeeze %dma_start3A_1577 : memref<1x16x1024xf32, #tpu.memory_space<hbm>> -> memref<16x1024xf32, #tpu.memory_space<hbm>>
    %dma_start3A_1579 = arith.constant 0 : i32
    %dma_start3A_1580 = arith.constant 0 : i32
    %dma_start3A_1581 = tpu.memref_slice %arg6[%dma_start3A_1564, %dma_start3A_1579, %dma_start3A_1580] : memref<4x16x1024xf32, #tpu.memory_space<vmem>> -> memref<1x16x1024xf32, #tpu.memory_space<vmem>>
    %dma_start3A_1582 = tpu.memref_squeeze %dma_start3A_1581 : memref<1x16x1024xf32, #tpu.memory_space<vmem>> -> memref<16x1024xf32, #tpu.memory_space<vmem>>
    tpu.enqueue_dma source(%dma_start3A_1582 : memref<16x1024xf32, #tpu.memory_space<vmem>>) target(%dma_start3A_1578 : memref<16x1024xf32, #tpu.memory_space<hbm>>) target_semaphore(%dma_start3A_1575 : memref<!tpu.dma_semaphore, #tpu.memory_space<semaphore_mem>>)
    %add3A_1583 = arith.constant 240 : i32
    %add3A_1584 = arith.addi %add3A_4, %add3A_1583 : i32
    %dma_wait3A_1585 = arith.constant 3 : i32
    %dma_wait3A_1586 = arith.constant 3 : i32
    %dma_wait3A_1587 = arith.constant 0 : i32
    %dma_wait3A_1588 = arith.constant 0 : i32
    %dma_wait3A_1589 = tpu.memref_slice %arg6[%dma_wait3A_1585, %dma_wait3A_1587, %dma_wait3A_1588] : memref<4x16x1024xf32, #tpu.memory_space<vmem>> -> memref<1x16x1024xf32, #tpu.memory_space<vmem>>
    %dma_wait3A_1590 = tpu.memref_squeeze %dma_wait3A_1589 : memref<1x16x1024xf32, #tpu.memory_space<vmem>> -> memref<16x1024xf32, #tpu.memory_space<vmem>>
    %dma_wait3A_1591 = arith.constant 0 : i32
    %dma_wait3A_1592 = tpu.memref_slice %arg2[%add3A_1584, %dma_wait3A_1591] : memref<32768x1024xf32, #tpu.memory_space<hbm>> -> memref<16x1024xf32, #tpu.memory_space<hbm>>
    %dma_wait3A_1593 = tpu.memref_slice %arg7[%dma_wait3A_1586] : memref<4x!tpu.dma_semaphore, #tpu.memory_space<semaphore_mem>> -> memref<1x!tpu.dma_semaphore, #tpu.memory_space<semaphore_mem>>
    %dma_wait3A_1594 = tpu.memref_squeeze %dma_wait3A_1593 : memref<1x!tpu.dma_semaphore, #tpu.memory_space<semaphore_mem>> -> memref<!tpu.dma_semaphore, #tpu.memory_space<semaphore_mem>>
    %dma_wait3A_1595 = arith.constant 0 : i32
    %dma_wait3A_1596 = arith.constant 0 : i32
    %dma_wait3A_1597 = tpu.memref_slice %arg6[%dma_wait3A_1585, %dma_wait3A_1595, %dma_wait3A_1596] : memref<4x16x1024xf32, #tpu.memory_space<vmem>> -> memref<1x16x1024xf32, #tpu.memory_space<vmem>>
    %dma_wait3A_1598 = tpu.memref_squeeze %dma_wait3A_1597 : memref<1x16x1024xf32, #tpu.memory_space<vmem>> -> memref<16x1024xf32, #tpu.memory_space<vmem>>
    %dma_wait3A_1599 = arith.constant 0 : i32
    %dma_wait3A_1600 = tpu.memref_slice %arg2[%add3A_1584, %dma_wait3A_1599] : memref<32768x1024xf32, #tpu.memory_space<hbm>> -> memref<16x1024xf32, #tpu.memory_space<hbm>>
    tpu.wait_dma2 semaphore(%dma_wait3A_1594 : memref<!tpu.dma_semaphore, #tpu.memory_space<semaphore_mem>>) src(%dma_wait3A_1600 : memref<16x1024xf32, #tpu.memory_space<hbm>>) dst(%dma_wait3A_1598 : memref<16x1024xf32, #tpu.memory_space<vmem>>)
    %dma_start3A_1601 = arith.constant 3 : i32
    %dma_start3A_1602 = arith.constant 3 : i32
    %dma_start3A_1603 = arith.constant 0 : i32
    %dma_start3A_1604 = arith.constant 0 : i32
    %dma_start3A_1605 = tpu.memref_slice %arg6[%dma_start3A_1601, %dma_start3A_1603, %dma_start3A_1604] : memref<4x16x1024xf32, #tpu.memory_space<vmem>> -> memref<1x16x1024xf32, #tpu.memory_space<vmem>>
    %dma_start3A_1606 = tpu.memref_squeeze %dma_start3A_1605 : memref<1x16x1024xf32, #tpu.memory_space<vmem>> -> memref<16x1024xf32, #tpu.memory_space<vmem>>
    %dma_start3A_1607 = arith.constant 0 : i32
    %dma_start3A_1608 = tpu.memref_slice %arg4[%add3A_1584, %dma_start3A_1607] : memref<32768x1024xf32, #tpu.memory_space<hbm>> -> memref<16x1024xf32, #tpu.memory_space<hbm>>
    %dma_start3A_1609 = tpu.memref_slice %arg8[%dma_start3A_1602] : memref<4x!tpu.dma_semaphore, #tpu.memory_space<semaphore_mem>> -> memref<1x!tpu.dma_semaphore, #tpu.memory_space<semaphore_mem>>
    %dma_start3A_1610 = tpu.memref_squeeze %dma_start3A_1609 : memref<1x!tpu.dma_semaphore, #tpu.memory_space<semaphore_mem>> -> memref<!tpu.dma_semaphore, #tpu.memory_space<semaphore_mem>>
    %dma_start3A_1611 = arith.constant 0 : i32
    %dma_start3A_1612 = tpu.memref_slice %arg4[%add3A_1584, %dma_start3A_1611] : memref<32768x1024xf32, #tpu.memory_space<hbm>> -> memref<16x1024xf32, #tpu.memory_space<hbm>>
    %dma_start3A_1613 = arith.constant 0 : i32
    %dma_start3A_1614 = arith.constant 0 : i32
    %dma_start3A_1615 = tpu.memref_slice %arg6[%dma_start3A_1601, %dma_start3A_1613, %dma_start3A_1614] : memref<4x16x1024xf32, #tpu.memory_space<vmem>> -> memref<1x16x1024xf32, #tpu.memory_space<vmem>>
    %dma_start3A_1616 = tpu.memref_squeeze %dma_start3A_1615 : memref<1x16x1024xf32, #tpu.memory_space<vmem>> -> memref<16x1024xf32, #tpu.memory_space<vmem>>
    tpu.enqueue_dma source(%dma_start3A_1616 : memref<16x1024xf32, #tpu.memory_space<vmem>>) target(%dma_start3A_1612 : memref<16x1024xf32, #tpu.memory_space<hbm>>) target_semaphore(%dma_start3A_1610 : memref<!tpu.dma_semaphore, #tpu.memory_space<semaphore_mem>>)
    %sub3A_1617 = arith.constant 24576 : i32
    %sub3A_1618 = arith.subi %add3A_1584, %sub3A_1617 : i32
    %dma_start3A_1619 = arith.constant 3 : i32
    %dma_start3A_1620 = arith.constant 3 : i32
    %dma_start3A_1621 = arith.constant 3 : i32
    %dma_start3A_1622 = arith.constant 0 : i32
    %dma_start3A_1623 = arith.constant 0 : i32
    %dma_start3A_1624 = tpu.memref_slice %arg6[%dma_start3A_1619, %dma_start3A_1622, %dma_start3A_1623] : memref<4x16x1024xf32, #tpu.memory_space<vmem>> -> memref<1x16x1024xf32, #tpu.memory_space<vmem>>
    %dma_start3A_1625 = tpu.memref_squeeze %dma_start3A_1624 : memref<1x16x1024xf32, #tpu.memory_space<vmem>> -> memref<16x1024xf32, #tpu.memory_space<vmem>>
    %dma_start3A_1626 = arith.constant 0 : i32
    %dma_start3A_1627 = tpu.memref_slice %arg3[%dma_start3A_1620, %sub3A_1618, %dma_start3A_1626] : memref<4x8192x1024xf32, #tpu.memory_space<hbm>> -> memref<1x16x1024xf32, #tpu.memory_space<hbm>>
    %dma_start3A_1628 = tpu.memref_squeeze %dma_start3A_1627 : memref<1x16x1024xf32, #tpu.memory_space<hbm>> -> memref<16x1024xf32, #tpu.memory_space<hbm>>
    %dma_start3A_1629 = tpu.memref_slice %arg9[%dma_start3A_1621] : memref<4x!tpu.dma_semaphore, #tpu.memory_space<semaphore_mem>> -> memref<1x!tpu.dma_semaphore, #tpu.memory_space<semaphore_mem>>
    %dma_start3A_1630 = tpu.memref_squeeze %dma_start3A_1629 : memref<1x!tpu.dma_semaphore, #tpu.memory_space<semaphore_mem>> -> memref<!tpu.dma_semaphore, #tpu.memory_space<semaphore_mem>>
    %dma_start3A_1631 = arith.constant 0 : i32
    %dma_start3A_1632 = tpu.memref_slice %arg3[%dma_start3A_1620, %sub3A_1618, %dma_start3A_1631] : memref<4x8192x1024xf32, #tpu.memory_space<hbm>> -> memref<1x16x1024xf32, #tpu.memory_space<hbm>>
    %dma_start3A_1633 = tpu.memref_squeeze %dma_start3A_1632 : memref<1x16x1024xf32, #tpu.memory_space<hbm>> -> memref<16x1024xf32, #tpu.memory_space<hbm>>
    %dma_start3A_1634 = arith.constant 0 : i32
    %dma_start3A_1635 = arith.constant 0 : i32
    %dma_start3A_1636 = tpu.memref_slice %arg6[%dma_start3A_1619, %dma_start3A_1634, %dma_start3A_1635] : memref<4x16x1024xf32, #tpu.memory_space<vmem>> -> memref<1x16x1024xf32, #tpu.memory_space<vmem>>
    %dma_start3A_1637 = tpu.memref_squeeze %dma_start3A_1636 : memref<1x16x1024xf32, #tpu.memory_space<vmem>> -> memref<16x1024xf32, #tpu.memory_space<vmem>>
    tpu.enqueue_dma source(%dma_start3A_1637 : memref<16x1024xf32, #tpu.memory_space<vmem>>) target(%dma_start3A_1633 : memref<16x1024xf32, #tpu.memory_space<hbm>>) target_semaphore(%dma_start3A_1630 : memref<!tpu.dma_semaphore, #tpu.memory_space<semaphore_mem>>)
    %add3A_1638 = arith.constant 192 : i32
    %add3A_1639 = arith.addi %add3A_4, %add3A_1638 : i32
    %dma_wait3A_1640 = arith.constant 0 : i32
    %dma_wait3A_1641 = arith.constant 0 : i32
    %dma_wait3A_1642 = arith.constant 0 : i32
    %dma_wait3A_1643 = arith.constant 0 : i32
    %dma_wait3A_1644 = tpu.memref_slice %arg6[%dma_wait3A_1640, %dma_wait3A_1642, %dma_wait3A_1643] : memref<4x16x1024xf32, #tpu.memory_space<vmem>> -> memref<1x16x1024xf32, #tpu.memory_space<vmem>>
    %dma_wait3A_1645 = tpu.memref_squeeze %dma_wait3A_1644 : memref<1x16x1024xf32, #tpu.memory_space<vmem>> -> memref<16x1024xf32, #tpu.memory_space<vmem>>
    %dma_wait3A_1646 = arith.constant 0 : i32
    %dma_wait3A_1647 = tpu.memref_slice %arg4[%add3A_1639, %dma_wait3A_1646] : memref<32768x1024xf32, #tpu.memory_space<hbm>> -> memref<16x1024xf32, #tpu.memory_space<hbm>>
    %dma_wait3A_1648 = tpu.memref_slice %arg8[%dma_wait3A_1641] : memref<4x!tpu.dma_semaphore, #tpu.memory_space<semaphore_mem>> -> memref<1x!tpu.dma_semaphore, #tpu.memory_space<semaphore_mem>>
    %dma_wait3A_1649 = tpu.memref_squeeze %dma_wait3A_1648 : memref<1x!tpu.dma_semaphore, #tpu.memory_space<semaphore_mem>> -> memref<!tpu.dma_semaphore, #tpu.memory_space<semaphore_mem>>
    %dma_wait3A_1650 = arith.constant 0 : i32
    %dma_wait3A_1651 = tpu.memref_slice %arg4[%add3A_1639, %dma_wait3A_1650] : memref<32768x1024xf32, #tpu.memory_space<hbm>> -> memref<16x1024xf32, #tpu.memory_space<hbm>>
    %dma_wait3A_1652 = arith.constant 0 : i32
    %dma_wait3A_1653 = arith.constant 0 : i32
    %dma_wait3A_1654 = tpu.memref_slice %arg6[%dma_wait3A_1640, %dma_wait3A_1652, %dma_wait3A_1653] : memref<4x16x1024xf32, #tpu.memory_space<vmem>> -> memref<1x16x1024xf32, #tpu.memory_space<vmem>>
    %dma_wait3A_1655 = tpu.memref_squeeze %dma_wait3A_1654 : memref<1x16x1024xf32, #tpu.memory_space<vmem>> -> memref<16x1024xf32, #tpu.memory_space<vmem>>
    tpu.wait_dma2 semaphore(%dma_wait3A_1649 : memref<!tpu.dma_semaphore, #tpu.memory_space<semaphore_mem>>) src(%dma_wait3A_1655 : memref<16x1024xf32, #tpu.memory_space<vmem>>) dst(%dma_wait3A_1651 : memref<16x1024xf32, #tpu.memory_space<hbm>>)
    %sub3A_1656 = arith.constant 24576 : i32
    %sub3A_1657 = arith.subi %add3A_1639, %sub3A_1656 : i32
    %dma_wait3A_1658 = arith.constant 0 : i32
    %dma_wait3A_1659 = arith.constant 3 : i32
    %dma_wait3A_1660 = arith.constant 0 : i32
    %dma_wait3A_1661 = arith.constant 0 : i32
    %dma_wait3A_1662 = arith.constant 0 : i32
    %dma_wait3A_1663 = tpu.memref_slice %arg6[%dma_wait3A_1658, %dma_wait3A_1661, %dma_wait3A_1662] : memref<4x16x1024xf32, #tpu.memory_space<vmem>> -> memref<1x16x1024xf32, #tpu.memory_space<vmem>>
    %dma_wait3A_1664 = tpu.memref_squeeze %dma_wait3A_1663 : memref<1x16x1024xf32, #tpu.memory_space<vmem>> -> memref<16x1024xf32, #tpu.memory_space<vmem>>
    %dma_wait3A_1665 = arith.constant 0 : i32
    %dma_wait3A_1666 = tpu.memref_slice %arg3[%dma_wait3A_1659, %sub3A_1657, %dma_wait3A_1665] : memref<4x8192x1024xf32, #tpu.memory_space<hbm>> -> memref<1x16x1024xf32, #tpu.memory_space<hbm>>
    %dma_wait3A_1667 = tpu.memref_squeeze %dma_wait3A_1666 : memref<1x16x1024xf32, #tpu.memory_space<hbm>> -> memref<16x1024xf32, #tpu.memory_space<hbm>>
    %dma_wait3A_1668 = tpu.memref_slice %arg9[%dma_wait3A_1660] : memref<4x!tpu.dma_semaphore, #tpu.memory_space<semaphore_mem>> -> memref<1x!tpu.dma_semaphore, #tpu.memory_space<semaphore_mem>>
    %dma_wait3A_1669 = tpu.memref_squeeze %dma_wait3A_1668 : memref<1x!tpu.dma_semaphore, #tpu.memory_space<semaphore_mem>> -> memref<!tpu.dma_semaphore, #tpu.memory_space<semaphore_mem>>
    %dma_wait3A_1670 = arith.constant 0 : i32
    %dma_wait3A_1671 = tpu.memref_slice %arg3[%dma_wait3A_1659, %sub3A_1657, %dma_wait3A_1670] : memref<4x8192x1024xf32, #tpu.memory_space<hbm>> -> memref<1x16x1024xf32, #tpu.memory_space<hbm>>
    %dma_wait3A_1672 = tpu.memref_squeeze %dma_wait3A_1671 : memref<1x16x1024xf32, #tpu.memory_space<hbm>> -> memref<16x1024xf32, #tpu.memory_space<hbm>>
    %dma_wait3A_1673 = arith.constant 0 : i32
    %dma_wait3A_1674 = arith.constant 0 : i32
    %dma_wait3A_1675 = tpu.memref_slice %arg6[%dma_wait3A_1658, %dma_wait3A_1673, %dma_wait3A_1674] : memref<4x16x1024xf32, #tpu.memory_space<vmem>> -> memref<1x16x1024xf32, #tpu.memory_space<vmem>>
    %dma_wait3A_1676 = tpu.memref_squeeze %dma_wait3A_1675 : memref<1x16x1024xf32, #tpu.memory_space<vmem>> -> memref<16x1024xf32, #tpu.memory_space<vmem>>
    tpu.wait_dma2 semaphore(%dma_wait3A_1669 : memref<!tpu.dma_semaphore, #tpu.memory_space<semaphore_mem>>) src(%dma_wait3A_1676 : memref<16x1024xf32, #tpu.memory_space<vmem>>) dst(%dma_wait3A_1672 : memref<16x1024xf32, #tpu.memory_space<hbm>>)
    %add3A_1677 = arith.constant 208 : i32
    %add3A_1678 = arith.addi %add3A_4, %add3A_1677 : i32
    %dma_wait3A_1679 = arith.constant 1 : i32
    %dma_wait3A_1680 = arith.constant 1 : i32
    %dma_wait3A_1681 = arith.constant 0 : i32
    %dma_wait3A_1682 = arith.constant 0 : i32
    %dma_wait3A_1683 = tpu.memref_slice %arg6[%dma_wait3A_1679, %dma_wait3A_1681, %dma_wait3A_1682] : memref<4x16x1024xf32, #tpu.memory_space<vmem>> -> memref<1x16x1024xf32, #tpu.memory_space<vmem>>
    %dma_wait3A_1684 = tpu.memref_squeeze %dma_wait3A_1683 : memref<1x16x1024xf32, #tpu.memory_space<vmem>> -> memref<16x1024xf32, #tpu.memory_space<vmem>>
    %dma_wait3A_1685 = arith.constant 0 : i32
    %dma_wait3A_1686 = tpu.memref_slice %arg4[%add3A_1678, %dma_wait3A_1685] : memref<32768x1024xf32, #tpu.memory_space<hbm>> -> memref<16x1024xf32, #tpu.memory_space<hbm>>
    %dma_wait3A_1687 = tpu.memref_slice %arg8[%dma_wait3A_1680] : memref<4x!tpu.dma_semaphore, #tpu.memory_space<semaphore_mem>> -> memref<1x!tpu.dma_semaphore, #tpu.memory_space<semaphore_mem>>
    %dma_wait3A_1688 = tpu.memref_squeeze %dma_wait3A_1687 : memref<1x!tpu.dma_semaphore, #tpu.memory_space<semaphore_mem>> -> memref<!tpu.dma_semaphore, #tpu.memory_space<semaphore_mem>>
    %dma_wait3A_1689 = arith.constant 0 : i32
    %dma_wait3A_1690 = tpu.memref_slice %arg4[%add3A_1678, %dma_wait3A_1689] : memref<32768x1024xf32, #tpu.memory_space<hbm>> -> memref<16x1024xf32, #tpu.memory_space<hbm>>
    %dma_wait3A_1691 = arith.constant 0 : i32
    %dma_wait3A_1692 = arith.constant 0 : i32
    %dma_wait3A_1693 = tpu.memref_slice %arg6[%dma_wait3A_1679, %dma_wait3A_1691, %dma_wait3A_1692] : memref<4x16x1024xf32, #tpu.memory_space<vmem>> -> memref<1x16x1024xf32, #tpu.memory_space<vmem>>
    %dma_wait3A_1694 = tpu.memref_squeeze %dma_wait3A_1693 : memref<1x16x1024xf32, #tpu.memory_space<vmem>> -> memref<16x1024xf32, #tpu.memory_space<vmem>>
    tpu.wait_dma2 semaphore(%dma_wait3A_1688 : memref<!tpu.dma_semaphore, #tpu.memory_space<semaphore_mem>>) src(%dma_wait3A_1694 : memref<16x1024xf32, #tpu.memory_space<vmem>>) dst(%dma_wait3A_1690 : memref<16x1024xf32, #tpu.memory_space<hbm>>)
    %sub3A_1695 = arith.constant 24576 : i32
    %sub3A_1696 = arith.subi %add3A_1678, %sub3A_1695 : i32
    %dma_wait3A_1697 = arith.constant 1 : i32
    %dma_wait3A_1698 = arith.constant 3 : i32
    %dma_wait3A_1699 = arith.constant 1 : i32
    %dma_wait3A_1700 = arith.constant 0 : i32
    %dma_wait3A_1701 = arith.constant 0 : i32
    %dma_wait3A_1702 = tpu.memref_slice %arg6[%dma_wait3A_1697, %dma_wait3A_1700, %dma_wait3A_1701] : memref<4x16x1024xf32, #tpu.memory_space<vmem>> -> memref<1x16x1024xf32, #tpu.memory_space<vmem>>
    %dma_wait3A_1703 = tpu.memref_squeeze %dma_wait3A_1702 : memref<1x16x1024xf32, #tpu.memory_space<vmem>> -> memref<16x1024xf32, #tpu.memory_space<vmem>>
    %dma_wait3A_1704 = arith.constant 0 : i32
    %dma_wait3A_1705 = tpu.memref_slice %arg3[%dma_wait3A_1698, %sub3A_1696, %dma_wait3A_1704] : memref<4x8192x1024xf32, #tpu.memory_space<hbm>> -> memref<1x16x1024xf32, #tpu.memory_space<hbm>>
    %dma_wait3A_1706 = tpu.memref_squeeze %dma_wait3A_1705 : memref<1x16x1024xf32, #tpu.memory_space<hbm>> -> memref<16x1024xf32, #tpu.memory_space<hbm>>
    %dma_wait3A_1707 = tpu.memref_slice %arg9[%dma_wait3A_1699] : memref<4x!tpu.dma_semaphore, #tpu.memory_space<semaphore_mem>> -> memref<1x!tpu.dma_semaphore, #tpu.memory_space<semaphore_mem>>
    %dma_wait3A_1708 = tpu.memref_squeeze %dma_wait3A_1707 : memref<1x!tpu.dma_semaphore, #tpu.memory_space<semaphore_mem>> -> memref<!tpu.dma_semaphore, #tpu.memory_space<semaphore_mem>>
    %dma_wait3A_1709 = arith.constant 0 : i32
    %dma_wait3A_1710 = tpu.memref_slice %arg3[%dma_wait3A_1698, %sub3A_1696, %dma_wait3A_1709] : memref<4x8192x1024xf32, #tpu.memory_space<hbm>> -> memref<1x16x1024xf32, #tpu.memory_space<hbm>>
    %dma_wait3A_1711 = tpu.memref_squeeze %dma_wait3A_1710 : memref<1x16x1024xf32, #tpu.memory_space<hbm>> -> memref<16x1024xf32, #tpu.memory_space<hbm>>
    %dma_wait3A_1712 = arith.constant 0 : i32
    %dma_wait3A_1713 = arith.constant 0 : i32
    %dma_wait3A_1714 = tpu.memref_slice %arg6[%dma_wait3A_1697, %dma_wait3A_1712, %dma_wait3A_1713] : memref<4x16x1024xf32, #tpu.memory_space<vmem>> -> memref<1x16x1024xf32, #tpu.memory_space<vmem>>
    %dma_wait3A_1715 = tpu.memref_squeeze %dma_wait3A_1714 : memref<1x16x1024xf32, #tpu.memory_space<vmem>> -> memref<16x1024xf32, #tpu.memory_space<vmem>>
    tpu.wait_dma2 semaphore(%dma_wait3A_1708 : memref<!tpu.dma_semaphore, #tpu.memory_space<semaphore_mem>>) src(%dma_wait3A_1715 : memref<16x1024xf32, #tpu.memory_space<vmem>>) dst(%dma_wait3A_1711 : memref<16x1024xf32, #tpu.memory_space<hbm>>)
    %add3A_1716 = arith.constant 224 : i32
    %add3A_1717 = arith.addi %add3A_4, %add3A_1716 : i32
    %dma_wait3A_1718 = arith.constant 2 : i32
    %dma_wait3A_1719 = arith.constant 2 : i32
    %dma_wait3A_1720 = arith.constant 0 : i32
    %dma_wait3A_1721 = arith.constant 0 : i32
    %dma_wait3A_1722 = tpu.memref_slice %arg6[%dma_wait3A_1718, %dma_wait3A_1720, %dma_wait3A_1721] : memref<4x16x1024xf32, #tpu.memory_space<vmem>> -> memref<1x16x1024xf32, #tpu.memory_space<vmem>>
    %dma_wait3A_1723 = tpu.memref_squeeze %dma_wait3A_1722 : memref<1x16x1024xf32, #tpu.memory_space<vmem>> -> memref<16x1024xf32, #tpu.memory_space<vmem>>
    %dma_wait3A_1724 = arith.constant 0 : i32
    %dma_wait3A_1725 = tpu.memref_slice %arg4[%add3A_1717, %dma_wait3A_1724] : memref<32768x1024xf32, #tpu.memory_space<hbm>> -> memref<16x1024xf32, #tpu.memory_space<hbm>>
    %dma_wait3A_1726 = tpu.memref_slice %arg8[%dma_wait3A_1719] : memref<4x!tpu.dma_semaphore, #tpu.memory_space<semaphore_mem>> -> memref<1x!tpu.dma_semaphore, #tpu.memory_space<semaphore_mem>>
    %dma_wait3A_1727 = tpu.memref_squeeze %dma_wait3A_1726 : memref<1x!tpu.dma_semaphore, #tpu.memory_space<semaphore_mem>> -> memref<!tpu.dma_semaphore, #tpu.memory_space<semaphore_mem>>
    %dma_wait3A_1728 = arith.constant 0 : i32
    %dma_wait3A_1729 = tpu.memref_slice %arg4[%add3A_1717, %dma_wait3A_1728] : memref<32768x1024xf32, #tpu.memory_space<hbm>> -> memref<16x1024xf32, #tpu.memory_space<hbm>>
    %dma_wait3A_1730 = arith.constant 0 : i32
    %dma_wait3A_1731 = arith.constant 0 : i32
    %dma_wait3A_1732 = tpu.memref_slice %arg6[%dma_wait3A_1718, %dma_wait3A_1730, %dma_wait3A_1731] : memref<4x16x1024xf32, #tpu.memory_space<vmem>> -> memref<1x16x1024xf32, #tpu.memory_space<vmem>>
    %dma_wait3A_1733 = tpu.memref_squeeze %dma_wait3A_1732 : memref<1x16x1024xf32, #tpu.memory_space<vmem>> -> memref<16x1024xf32, #tpu.memory_space<vmem>>
    tpu.wait_dma2 semaphore(%dma_wait3A_1727 : memref<!tpu.dma_semaphore, #tpu.memory_space<semaphore_mem>>) src(%dma_wait3A_1733 : memref<16x1024xf32, #tpu.memory_space<vmem>>) dst(%dma_wait3A_1729 : memref<16x1024xf32, #tpu.memory_space<hbm>>)
    %sub3A_1734 = arith.constant 24576 : i32
    %sub3A_1735 = arith.subi %add3A_1717, %sub3A_1734 : i32
    %dma_wait3A_1736 = arith.constant 2 : i32
    %dma_wait3A_1737 = arith.constant 3 : i32
    %dma_wait3A_1738 = arith.constant 2 : i32
    %dma_wait3A_1739 = arith.constant 0 : i32
    %dma_wait3A_1740 = arith.constant 0 : i32
    %dma_wait3A_1741 = tpu.memref_slice %arg6[%dma_wait3A_1736, %dma_wait3A_1739, %dma_wait3A_1740] : memref<4x16x1024xf32, #tpu.memory_space<vmem>> -> memref<1x16x1024xf32, #tpu.memory_space<vmem>>
    %dma_wait3A_1742 = tpu.memref_squeeze %dma_wait3A_1741 : memref<1x16x1024xf32, #tpu.memory_space<vmem>> -> memref<16x1024xf32, #tpu.memory_space<vmem>>
    %dma_wait3A_1743 = arith.constant 0 : i32
    %dma_wait3A_1744 = tpu.memref_slice %arg3[%dma_wait3A_1737, %sub3A_1735, %dma_wait3A_1743] : memref<4x8192x1024xf32, #tpu.memory_space<hbm>> -> memref<1x16x1024xf32, #tpu.memory_space<hbm>>
    %dma_wait3A_1745 = tpu.memref_squeeze %dma_wait3A_1744 : memref<1x16x1024xf32, #tpu.memory_space<hbm>> -> memref<16x1024xf32, #tpu.memory_space<hbm>>
    %dma_wait3A_1746 = tpu.memref_slice %arg9[%dma_wait3A_1738] : memref<4x!tpu.dma_semaphore, #tpu.memory_space<semaphore_mem>> -> memref<1x!tpu.dma_semaphore, #tpu.memory_space<semaphore_mem>>
    %dma_wait3A_1747 = tpu.memref_squeeze %dma_wait3A_1746 : memref<1x!tpu.dma_semaphore, #tpu.memory_space<semaphore_mem>> -> memref<!tpu.dma_semaphore, #tpu.memory_space<semaphore_mem>>
    %dma_wait3A_1748 = arith.constant 0 : i32
    %dma_wait3A_1749 = tpu.memref_slice %arg3[%dma_wait3A_1737, %sub3A_1735, %dma_wait3A_1748] : memref<4x8192x1024xf32, #tpu.memory_space<hbm>> -> memref<1x16x1024xf32, #tpu.memory_space<hbm>>
    %dma_wait3A_1750 = tpu.memref_squeeze %dma_wait3A_1749 : memref<1x16x1024xf32, #tpu.memory_space<hbm>> -> memref<16x1024xf32, #tpu.memory_space<hbm>>
    %dma_wait3A_1751 = arith.constant 0 : i32
    %dma_wait3A_1752 = arith.constant 0 : i32
    %dma_wait3A_1753 = tpu.memref_slice %arg6[%dma_wait3A_1736, %dma_wait3A_1751, %dma_wait3A_1752] : memref<4x16x1024xf32, #tpu.memory_space<vmem>> -> memref<1x16x1024xf32, #tpu.memory_space<vmem>>
    %dma_wait3A_1754 = tpu.memref_squeeze %dma_wait3A_1753 : memref<1x16x1024xf32, #tpu.memory_space<vmem>> -> memref<16x1024xf32, #tpu.memory_space<vmem>>
    tpu.wait_dma2 semaphore(%dma_wait3A_1747 : memref<!tpu.dma_semaphore, #tpu.memory_space<semaphore_mem>>) src(%dma_wait3A_1754 : memref<16x1024xf32, #tpu.memory_space<vmem>>) dst(%dma_wait3A_1750 : memref<16x1024xf32, #tpu.memory_space<hbm>>)
    %add3A_1755 = arith.constant 240 : i32
    %add3A_1756 = arith.addi %add3A_4, %add3A_1755 : i32
    %dma_wait3A_1757 = arith.constant 3 : i32
    %dma_wait3A_1758 = arith.constant 3 : i32
    %dma_wait3A_1759 = arith.constant 0 : i32
    %dma_wait3A_1760 = arith.constant 0 : i32
    %dma_wait3A_1761 = tpu.memref_slice %arg6[%dma_wait3A_1757, %dma_wait3A_1759, %dma_wait3A_1760] : memref<4x16x1024xf32, #tpu.memory_space<vmem>> -> memref<1x16x1024xf32, #tpu.memory_space<vmem>>
    %dma_wait3A_1762 = tpu.memref_squeeze %dma_wait3A_1761 : memref<1x16x1024xf32, #tpu.memory_space<vmem>> -> memref<16x1024xf32, #tpu.memory_space<vmem>>
    %dma_wait3A_1763 = arith.constant 0 : i32
    %dma_wait3A_1764 = tpu.memref_slice %arg4[%add3A_1756, %dma_wait3A_1763] : memref<32768x1024xf32, #tpu.memory_space<hbm>> -> memref<16x1024xf32, #tpu.memory_space<hbm>>
    %dma_wait3A_1765 = tpu.memref_slice %arg8[%dma_wait3A_1758] : memref<4x!tpu.dma_semaphore, #tpu.memory_space<semaphore_mem>> -> memref<1x!tpu.dma_semaphore, #tpu.memory_space<semaphore_mem>>
    %dma_wait3A_1766 = tpu.memref_squeeze %dma_wait3A_1765 : memref<1x!tpu.dma_semaphore, #tpu.memory_space<semaphore_mem>> -> memref<!tpu.dma_semaphore, #tpu.memory_space<semaphore_mem>>
    %dma_wait3A_1767 = arith.constant 0 : i32
    %dma_wait3A_1768 = tpu.memref_slice %arg4[%add3A_1756, %dma_wait3A_1767] : memref<32768x1024xf32, #tpu.memory_space<hbm>> -> memref<16x1024xf32, #tpu.memory_space<hbm>>
    %dma_wait3A_1769 = arith.constant 0 : i32
    %dma_wait3A_1770 = arith.constant 0 : i32
    %dma_wait3A_1771 = tpu.memref_slice %arg6[%dma_wait3A_1757, %dma_wait3A_1769, %dma_wait3A_1770] : memref<4x16x1024xf32, #tpu.memory_space<vmem>> -> memref<1x16x1024xf32, #tpu.memory_space<vmem>>
    %dma_wait3A_1772 = tpu.memref_squeeze %dma_wait3A_1771 : memref<1x16x1024xf32, #tpu.memory_space<vmem>> -> memref<16x1024xf32, #tpu.memory_space<vmem>>
    tpu.wait_dma2 semaphore(%dma_wait3A_1766 : memref<!tpu.dma_semaphore, #tpu.memory_space<semaphore_mem>>) src(%dma_wait3A_1772 : memref<16x1024xf32, #tpu.memory_space<vmem>>) dst(%dma_wait3A_1768 : memref<16x1024xf32, #tpu.memory_space<hbm>>)
    %sub3A_1773 = arith.constant 24576 : i32
    %sub3A_1774 = arith.subi %add3A_1756, %sub3A_1773 : i32
    %dma_wait3A_1775 = arith.constant 3 : i32
    %dma_wait3A_1776 = arith.constant 3 : i32
    %dma_wait3A_1777 = arith.constant 3 : i32
    %dma_wait3A_1778 = arith.constant 0 : i32
    %dma_wait3A_1779 = arith.constant 0 : i32
    %dma_wait3A_1780 = tpu.memref_slice %arg6[%dma_wait3A_1775, %dma_wait3A_1778, %dma_wait3A_1779] : memref<4x16x1024xf32, #tpu.memory_space<vmem>> -> memref<1x16x1024xf32, #tpu.memory_space<vmem>>
    %dma_wait3A_1781 = tpu.memref_squeeze %dma_wait3A_1780 : memref<1x16x1024xf32, #tpu.memory_space<vmem>> -> memref<16x1024xf32, #tpu.memory_space<vmem>>
    %dma_wait3A_1782 = arith.constant 0 : i32
    %dma_wait3A_1783 = tpu.memref_slice %arg3[%dma_wait3A_1776, %sub3A_1774, %dma_wait3A_1782] : memref<4x8192x1024xf32, #tpu.memory_space<hbm>> -> memref<1x16x1024xf32, #tpu.memory_space<hbm>>
    %dma_wait3A_1784 = tpu.memref_squeeze %dma_wait3A_1783 : memref<1x16x1024xf32, #tpu.memory_space<hbm>> -> memref<16x1024xf32, #tpu.memory_space<hbm>>
    %dma_wait3A_1785 = tpu.memref_slice %arg9[%dma_wait3A_1777] : memref<4x!tpu.dma_semaphore, #tpu.memory_space<semaphore_mem>> -> memref<1x!tpu.dma_semaphore, #tpu.memory_space<semaphore_mem>>
    %dma_wait3A_1786 = tpu.memref_squeeze %dma_wait3A_1785 : memref<1x!tpu.dma_semaphore, #tpu.memory_space<semaphore_mem>> -> memref<!tpu.dma_semaphore, #tpu.memory_space<semaphore_mem>>
    %dma_wait3A_1787 = arith.constant 0 : i32
    %dma_wait3A_1788 = tpu.memref_slice %arg3[%dma_wait3A_1776, %sub3A_1774, %dma_wait3A_1787] : memref<4x8192x1024xf32, #tpu.memory_space<hbm>> -> memref<1x16x1024xf32, #tpu.memory_space<hbm>>
    %dma_wait3A_1789 = tpu.memref_squeeze %dma_wait3A_1788 : memref<1x16x1024xf32, #tpu.memory_space<hbm>> -> memref<16x1024xf32, #tpu.memory_space<hbm>>
    %dma_wait3A_1790 = arith.constant 0 : i32
    %dma_wait3A_1791 = arith.constant 0 : i32
    %dma_wait3A_1792 = tpu.memref_slice %arg6[%dma_wait3A_1775, %dma_wait3A_1790, %dma_wait3A_1791] : memref<4x16x1024xf32, #tpu.memory_space<vmem>> -> memref<1x16x1024xf32, #tpu.memory_space<vmem>>
    %dma_wait3A_1793 = tpu.memref_squeeze %dma_wait3A_1792 : memref<1x16x1024xf32, #tpu.memory_space<vmem>> -> memref<16x1024xf32, #tpu.memory_space<vmem>>
    tpu.wait_dma2 semaphore(%dma_wait3A_1786 : memref<!tpu.dma_semaphore, #tpu.memory_space<semaphore_mem>>) src(%dma_wait3A_1793 : memref<16x1024xf32, #tpu.memory_space<vmem>>) dst(%dma_wait3A_1789 : memref<16x1024xf32, #tpu.memory_space<hbm>>)
    return
  }
}

module attributes {stable_mosaic.version = 14 : i64} {
  func.func @_alloc_mem_kernel(%arg0: memref<32768x1024xf32, #tpu.memory_space<any>>) attributes {dimension_semantics = [], scalar_prefetch = 0 : i64, scratch_operands = 0 : i64, tpu.core_type = #tpu.core_type<tc>} {
    return
  }
}

module attributes {stable_mosaic.version = 14 : i64} {
  func.func @_alloc_h_kernel(%arg0: memref<4x8192x1024xf32, #tpu.memory_space<any>>) attributes {dimension_semantics = [], scalar_prefetch = 0 : i64, scratch_operands = 0 : i64, tpu.core_type = #tpu.core_type<tc>} {
    return
  }
}

module attributes {stable_mosaic.version = 14 : i64} {
  func.func @_tc_copy_kernel(%arg0: memref<32768x1024xf32, #tpu.memory_space<any>>, %arg1: memref<4x8192x1024xf32, #tpu.memory_space<any>>, %arg2: memref<32768x1024xf32, #tpu.memory_space<any>>, %arg3: memref<8x128xf32, #tpu.memory_space<any>>, %arg4: memref<4x2048x1024xf32, #tpu.memory_space<vmem>>, %arg5: memref<4x!tpu.dma_semaphore, #tpu.memory_space<semaphore_mem>>, %arg6: memref<4x!tpu.dma_semaphore, #tpu.memory_space<semaphore_mem>>, %arg7: memref<4x!tpu.dma_semaphore, #tpu.memory_space<semaphore_mem>>) attributes {dimension_semantics = [], scalar_prefetch = 0 : i64, scratch_operands = 4 : i64, tpu.core_type = #tpu.core_type<tc>} {
    %dma_start3A = arith.constant 0 : i32
    %dma_start3A_0 = arith.constant 0 : i32
    %dma_start3A_1 = tpu.memref_slice %arg5[%dma_start3A_0] : memref<4x!tpu.dma_semaphore, #tpu.memory_space<semaphore_mem>> -> memref<1x!tpu.dma_semaphore, #tpu.memory_space<semaphore_mem>>
    %dma_start3A_2 = tpu.memref_squeeze %dma_start3A_1 : memref<1x!tpu.dma_semaphore, #tpu.memory_space<semaphore_mem>> -> memref<!tpu.dma_semaphore, #tpu.memory_space<semaphore_mem>>
    %dma_start3A_3 = arith.constant 0 : i32
    %dma_start3A_4 = arith.constant 0 : i32
    %dma_start3A_5 = tpu.memref_slice %arg4[%dma_start3A, %dma_start3A_3, %dma_start3A_4] : memref<4x2048x1024xf32, #tpu.memory_space<vmem>> -> memref<1x2048x1024xf32, #tpu.memory_space<vmem>>
    %dma_start3A_6 = tpu.memref_squeeze %dma_start3A_5 : memref<1x2048x1024xf32, #tpu.memory_space<vmem>> -> memref<2048x1024xf32, #tpu.memory_space<vmem>>
    %dma_start3A_7 = arith.constant 0 : i32
    %dma_start3A_8 = arith.constant 0 : i32
    %dma_start3A_9 = tpu.memref_slice %arg0[%dma_start3A_7, %dma_start3A_8] : memref<32768x1024xf32, #tpu.memory_space<any>> -> memref<2048x1024xf32, #tpu.memory_space<any>>
    tpu.enqueue_dma source(%dma_start3A_9 : memref<2048x1024xf32, #tpu.memory_space<any>>) target(%dma_start3A_6 : memref<2048x1024xf32, #tpu.memory_space<vmem>>) target_semaphore(%dma_start3A_2 : memref<!tpu.dma_semaphore, #tpu.memory_space<semaphore_mem>>)
    %dma_start3A_10 = arith.constant 1 : i32
    %dma_start3A_11 = arith.constant 1 : i32
    %dma_start3A_12 = tpu.memref_slice %arg5[%dma_start3A_11] : memref<4x!tpu.dma_semaphore, #tpu.memory_space<semaphore_mem>> -> memref<1x!tpu.dma_semaphore, #tpu.memory_space<semaphore_mem>>
    %dma_start3A_13 = tpu.memref_squeeze %dma_start3A_12 : memref<1x!tpu.dma_semaphore, #tpu.memory_space<semaphore_mem>> -> memref<!tpu.dma_semaphore, #tpu.memory_space<semaphore_mem>>
    %dma_start3A_14 = arith.constant 0 : i32
    %dma_start3A_15 = arith.constant 0 : i32
    %dma_start3A_16 = tpu.memref_slice %arg4[%dma_start3A_10, %dma_start3A_14, %dma_start3A_15] : memref<4x2048x1024xf32, #tpu.memory_space<vmem>> -> memref<1x2048x1024xf32, #tpu.memory_space<vmem>>
    %dma_start3A_17 = tpu.memref_squeeze %dma_start3A_16 : memref<1x2048x1024xf32, #tpu.memory_space<vmem>> -> memref<2048x1024xf32, #tpu.memory_space<vmem>>
    %dma_start3A_18 = arith.constant 2048 : i32
    %dma_start3A_19 = arith.constant 0 : i32
    %dma_start3A_20 = tpu.memref_slice %arg0[%dma_start3A_18, %dma_start3A_19] : memref<32768x1024xf32, #tpu.memory_space<any>> -> memref<2048x1024xf32, #tpu.memory_space<any>>
    tpu.enqueue_dma source(%dma_start3A_20 : memref<2048x1024xf32, #tpu.memory_space<any>>) target(%dma_start3A_17 : memref<2048x1024xf32, #tpu.memory_space<vmem>>) target_semaphore(%dma_start3A_13 : memref<!tpu.dma_semaphore, #tpu.memory_space<semaphore_mem>>)
    %dma_start3A_21 = arith.constant 2 : i32
    %dma_start3A_22 = arith.constant 2 : i32
    %dma_start3A_23 = tpu.memref_slice %arg5[%dma_start3A_22] : memref<4x!tpu.dma_semaphore, #tpu.memory_space<semaphore_mem>> -> memref<1x!tpu.dma_semaphore, #tpu.memory_space<semaphore_mem>>
    %dma_start3A_24 = tpu.memref_squeeze %dma_start3A_23 : memref<1x!tpu.dma_semaphore, #tpu.memory_space<semaphore_mem>> -> memref<!tpu.dma_semaphore, #tpu.memory_space<semaphore_mem>>
    %dma_start3A_25 = arith.constant 0 : i32
    %dma_start3A_26 = arith.constant 0 : i32
    %dma_start3A_27 = tpu.memref_slice %arg4[%dma_start3A_21, %dma_start3A_25, %dma_start3A_26] : memref<4x2048x1024xf32, #tpu.memory_space<vmem>> -> memref<1x2048x1024xf32, #tpu.memory_space<vmem>>
    %dma_start3A_28 = tpu.memref_squeeze %dma_start3A_27 : memref<1x2048x1024xf32, #tpu.memory_space<vmem>> -> memref<2048x1024xf32, #tpu.memory_space<vmem>>
    %dma_start3A_29 = arith.constant 4096 : i32
    %dma_start3A_30 = arith.constant 0 : i32
    %dma_start3A_31 = tpu.memref_slice %arg0[%dma_start3A_29, %dma_start3A_30] : memref<32768x1024xf32, #tpu.memory_space<any>> -> memref<2048x1024xf32, #tpu.memory_space<any>>
    tpu.enqueue_dma source(%dma_start3A_31 : memref<2048x1024xf32, #tpu.memory_space<any>>) target(%dma_start3A_28 : memref<2048x1024xf32, #tpu.memory_space<vmem>>) target_semaphore(%dma_start3A_24 : memref<!tpu.dma_semaphore, #tpu.memory_space<semaphore_mem>>)
    %dma_start3A_32 = arith.constant 3 : i32
    %dma_start3A_33 = arith.constant 3 : i32
    %dma_start3A_34 = tpu.memref_slice %arg5[%dma_start3A_33] : memref<4x!tpu.dma_semaphore, #tpu.memory_space<semaphore_mem>> -> memref<1x!tpu.dma_semaphore, #tpu.memory_space<semaphore_mem>>
    %dma_start3A_35 = tpu.memref_squeeze %dma_start3A_34 : memref<1x!tpu.dma_semaphore, #tpu.memory_space<semaphore_mem>> -> memref<!tpu.dma_semaphore, #tpu.memory_space<semaphore_mem>>
    %dma_start3A_36 = arith.constant 0 : i32
    %dma_start3A_37 = arith.constant 0 : i32
    %dma_start3A_38 = tpu.memref_slice %arg4[%dma_start3A_32, %dma_start3A_36, %dma_start3A_37] : memref<4x2048x1024xf32, #tpu.memory_space<vmem>> -> memref<1x2048x1024xf32, #tpu.memory_space<vmem>>
    %dma_start3A_39 = tpu.memref_squeeze %dma_start3A_38 : memref<1x2048x1024xf32, #tpu.memory_space<vmem>> -> memref<2048x1024xf32, #tpu.memory_space<vmem>>
    %dma_start3A_40 = arith.constant 6144 : i32
    %dma_start3A_41 = arith.constant 0 : i32
    %dma_start3A_42 = tpu.memref_slice %arg0[%dma_start3A_40, %dma_start3A_41] : memref<32768x1024xf32, #tpu.memory_space<any>> -> memref<2048x1024xf32, #tpu.memory_space<any>>
    tpu.enqueue_dma source(%dma_start3A_42 : memref<2048x1024xf32, #tpu.memory_space<any>>) target(%dma_start3A_39 : memref<2048x1024xf32, #tpu.memory_space<vmem>>) target_semaphore(%dma_start3A_35 : memref<!tpu.dma_semaphore, #tpu.memory_space<semaphore_mem>>)
    %dma_wait3A = arith.constant 0 : i32
    %dma_wait3A_43 = arith.constant 0 : i32
    %dma_wait3A_44 = tpu.memref_slice %arg5[%dma_wait3A_43] : memref<4x!tpu.dma_semaphore, #tpu.memory_space<semaphore_mem>> -> memref<1x!tpu.dma_semaphore, #tpu.memory_space<semaphore_mem>>
    %dma_wait3A_45 = tpu.memref_squeeze %dma_wait3A_44 : memref<1x!tpu.dma_semaphore, #tpu.memory_space<semaphore_mem>> -> memref<!tpu.dma_semaphore, #tpu.memory_space<semaphore_mem>>
    %dma_wait3A_46 = arith.constant 0 : i32
    %dma_wait3A_47 = arith.constant 0 : i32
    %dma_wait3A_48 = tpu.memref_slice %arg4[%dma_wait3A, %dma_wait3A_46, %dma_wait3A_47] : memref<4x2048x1024xf32, #tpu.memory_space<vmem>> -> memref<1x2048x1024xf32, #tpu.memory_space<vmem>>
    %dma_wait3A_49 = tpu.memref_squeeze %dma_wait3A_48 : memref<1x2048x1024xf32, #tpu.memory_space<vmem>> -> memref<2048x1024xf32, #tpu.memory_space<vmem>>
    %dma_wait3A_50 = arith.constant 0 : i32
    %dma_wait3A_51 = arith.constant 0 : i32
    %dma_wait3A_52 = tpu.memref_slice %arg0[%dma_wait3A_50, %dma_wait3A_51] : memref<32768x1024xf32, #tpu.memory_space<any>> -> memref<2048x1024xf32, #tpu.memory_space<any>>
    tpu.wait_dma2 semaphore(%dma_wait3A_45 : memref<!tpu.dma_semaphore, #tpu.memory_space<semaphore_mem>>) src(%dma_wait3A_52 : memref<2048x1024xf32, #tpu.memory_space<any>>) dst(%dma_wait3A_49 : memref<2048x1024xf32, #tpu.memory_space<vmem>>)
    %dma_start3A_53 = arith.constant 0 : i32
    %dma_start3A_54 = arith.constant 0 : i32
    %dma_start3A_55 = tpu.memref_slice %arg6[%dma_start3A_54] : memref<4x!tpu.dma_semaphore, #tpu.memory_space<semaphore_mem>> -> memref<1x!tpu.dma_semaphore, #tpu.memory_space<semaphore_mem>>
    %dma_start3A_56 = tpu.memref_squeeze %dma_start3A_55 : memref<1x!tpu.dma_semaphore, #tpu.memory_space<semaphore_mem>> -> memref<!tpu.dma_semaphore, #tpu.memory_space<semaphore_mem>>
    %dma_start3A_57 = arith.constant 0 : i32
    %dma_start3A_58 = arith.constant 0 : i32
    %dma_start3A_59 = tpu.memref_slice %arg2[%dma_start3A_57, %dma_start3A_58] : memref<32768x1024xf32, #tpu.memory_space<any>> -> memref<2048x1024xf32, #tpu.memory_space<any>>
    %dma_start3A_60 = arith.constant 0 : i32
    %dma_start3A_61 = arith.constant 0 : i32
    %dma_start3A_62 = tpu.memref_slice %arg4[%dma_start3A_53, %dma_start3A_60, %dma_start3A_61] : memref<4x2048x1024xf32, #tpu.memory_space<vmem>> -> memref<1x2048x1024xf32, #tpu.memory_space<vmem>>
    %dma_start3A_63 = tpu.memref_squeeze %dma_start3A_62 : memref<1x2048x1024xf32, #tpu.memory_space<vmem>> -> memref<2048x1024xf32, #tpu.memory_space<vmem>>
    tpu.enqueue_dma source(%dma_start3A_63 : memref<2048x1024xf32, #tpu.memory_space<vmem>>) target(%dma_start3A_59 : memref<2048x1024xf32, #tpu.memory_space<any>>) target_semaphore(%dma_start3A_56 : memref<!tpu.dma_semaphore, #tpu.memory_space<semaphore_mem>>)
    %dma_start3A_64 = arith.constant 0 : i32
    %dma_start3A_65 = arith.constant 0 : i32
    %dma_start3A_66 = arith.constant 0 : i32
    %dma_start3A_67 = tpu.memref_slice %arg7[%dma_start3A_66] : memref<4x!tpu.dma_semaphore, #tpu.memory_space<semaphore_mem>> -> memref<1x!tpu.dma_semaphore, #tpu.memory_space<semaphore_mem>>
    %dma_start3A_68 = tpu.memref_squeeze %dma_start3A_67 : memref<1x!tpu.dma_semaphore, #tpu.memory_space<semaphore_mem>> -> memref<!tpu.dma_semaphore, #tpu.memory_space<semaphore_mem>>
    %dma_start3A_69 = arith.constant 0 : i32
    %dma_start3A_70 = arith.constant 0 : i32
    %dma_start3A_71 = tpu.memref_slice %arg1[%dma_start3A_65, %dma_start3A_69, %dma_start3A_70] : memref<4x8192x1024xf32, #tpu.memory_space<any>> -> memref<1x2048x1024xf32, #tpu.memory_space<any>>
    %dma_start3A_72 = tpu.memref_squeeze %dma_start3A_71 : memref<1x2048x1024xf32, #tpu.memory_space<any>> -> memref<2048x1024xf32, #tpu.memory_space<any>>
    %dma_start3A_73 = arith.constant 0 : i32
    %dma_start3A_74 = arith.constant 0 : i32
    %dma_start3A_75 = tpu.memref_slice %arg4[%dma_start3A_64, %dma_start3A_73, %dma_start3A_74] : memref<4x2048x1024xf32, #tpu.memory_space<vmem>> -> memref<1x2048x1024xf32, #tpu.memory_space<vmem>>
    %dma_start3A_76 = tpu.memref_squeeze %dma_start3A_75 : memref<1x2048x1024xf32, #tpu.memory_space<vmem>> -> memref<2048x1024xf32, #tpu.memory_space<vmem>>
    tpu.enqueue_dma source(%dma_start3A_76 : memref<2048x1024xf32, #tpu.memory_space<vmem>>) target(%dma_start3A_72 : memref<2048x1024xf32, #tpu.memory_space<any>>) target_semaphore(%dma_start3A_68 : memref<!tpu.dma_semaphore, #tpu.memory_space<semaphore_mem>>)
    %dma_wait3A_77 = arith.constant 1 : i32
    %dma_wait3A_78 = arith.constant 1 : i32
    %dma_wait3A_79 = tpu.memref_slice %arg5[%dma_wait3A_78] : memref<4x!tpu.dma_semaphore, #tpu.memory_space<semaphore_mem>> -> memref<1x!tpu.dma_semaphore, #tpu.memory_space<semaphore_mem>>
    %dma_wait3A_80 = tpu.memref_squeeze %dma_wait3A_79 : memref<1x!tpu.dma_semaphore, #tpu.memory_space<semaphore_mem>> -> memref<!tpu.dma_semaphore, #tpu.memory_space<semaphore_mem>>
    %dma_wait3A_81 = arith.constant 0 : i32
    %dma_wait3A_82 = arith.constant 0 : i32
    %dma_wait3A_83 = tpu.memref_slice %arg4[%dma_wait3A_77, %dma_wait3A_81, %dma_wait3A_82] : memref<4x2048x1024xf32, #tpu.memory_space<vmem>> -> memref<1x2048x1024xf32, #tpu.memory_space<vmem>>
    %dma_wait3A_84 = tpu.memref_squeeze %dma_wait3A_83 : memref<1x2048x1024xf32, #tpu.memory_space<vmem>> -> memref<2048x1024xf32, #tpu.memory_space<vmem>>
    %dma_wait3A_85 = arith.constant 2048 : i32
    %dma_wait3A_86 = arith.constant 0 : i32
    %dma_wait3A_87 = tpu.memref_slice %arg0[%dma_wait3A_85, %dma_wait3A_86] : memref<32768x1024xf32, #tpu.memory_space<any>> -> memref<2048x1024xf32, #tpu.memory_space<any>>
    tpu.wait_dma2 semaphore(%dma_wait3A_80 : memref<!tpu.dma_semaphore, #tpu.memory_space<semaphore_mem>>) src(%dma_wait3A_87 : memref<2048x1024xf32, #tpu.memory_space<any>>) dst(%dma_wait3A_84 : memref<2048x1024xf32, #tpu.memory_space<vmem>>)
    %dma_start3A_88 = arith.constant 1 : i32
    %dma_start3A_89 = arith.constant 1 : i32
    %dma_start3A_90 = tpu.memref_slice %arg6[%dma_start3A_89] : memref<4x!tpu.dma_semaphore, #tpu.memory_space<semaphore_mem>> -> memref<1x!tpu.dma_semaphore, #tpu.memory_space<semaphore_mem>>
    %dma_start3A_91 = tpu.memref_squeeze %dma_start3A_90 : memref<1x!tpu.dma_semaphore, #tpu.memory_space<semaphore_mem>> -> memref<!tpu.dma_semaphore, #tpu.memory_space<semaphore_mem>>
    %dma_start3A_92 = arith.constant 2048 : i32
    %dma_start3A_93 = arith.constant 0 : i32
    %dma_start3A_94 = tpu.memref_slice %arg2[%dma_start3A_92, %dma_start3A_93] : memref<32768x1024xf32, #tpu.memory_space<any>> -> memref<2048x1024xf32, #tpu.memory_space<any>>
    %dma_start3A_95 = arith.constant 0 : i32
    %dma_start3A_96 = arith.constant 0 : i32
    %dma_start3A_97 = tpu.memref_slice %arg4[%dma_start3A_88, %dma_start3A_95, %dma_start3A_96] : memref<4x2048x1024xf32, #tpu.memory_space<vmem>> -> memref<1x2048x1024xf32, #tpu.memory_space<vmem>>
    %dma_start3A_98 = tpu.memref_squeeze %dma_start3A_97 : memref<1x2048x1024xf32, #tpu.memory_space<vmem>> -> memref<2048x1024xf32, #tpu.memory_space<vmem>>
    tpu.enqueue_dma source(%dma_start3A_98 : memref<2048x1024xf32, #tpu.memory_space<vmem>>) target(%dma_start3A_94 : memref<2048x1024xf32, #tpu.memory_space<any>>) target_semaphore(%dma_start3A_91 : memref<!tpu.dma_semaphore, #tpu.memory_space<semaphore_mem>>)
    %dma_start3A_99 = arith.constant 1 : i32
    %dma_start3A_100 = arith.constant 0 : i32
    %dma_start3A_101 = arith.constant 1 : i32
    %dma_start3A_102 = tpu.memref_slice %arg7[%dma_start3A_101] : memref<4x!tpu.dma_semaphore, #tpu.memory_space<semaphore_mem>> -> memref<1x!tpu.dma_semaphore, #tpu.memory_space<semaphore_mem>>
    %dma_start3A_103 = tpu.memref_squeeze %dma_start3A_102 : memref<1x!tpu.dma_semaphore, #tpu.memory_space<semaphore_mem>> -> memref<!tpu.dma_semaphore, #tpu.memory_space<semaphore_mem>>
    %dma_start3A_104 = arith.constant 2048 : i32
    %dma_start3A_105 = arith.constant 0 : i32
    %dma_start3A_106 = tpu.memref_slice %arg1[%dma_start3A_100, %dma_start3A_104, %dma_start3A_105] : memref<4x8192x1024xf32, #tpu.memory_space<any>> -> memref<1x2048x1024xf32, #tpu.memory_space<any>>
    %dma_start3A_107 = tpu.memref_squeeze %dma_start3A_106 : memref<1x2048x1024xf32, #tpu.memory_space<any>> -> memref<2048x1024xf32, #tpu.memory_space<any>>
    %dma_start3A_108 = arith.constant 0 : i32
    %dma_start3A_109 = arith.constant 0 : i32
    %dma_start3A_110 = tpu.memref_slice %arg4[%dma_start3A_99, %dma_start3A_108, %dma_start3A_109] : memref<4x2048x1024xf32, #tpu.memory_space<vmem>> -> memref<1x2048x1024xf32, #tpu.memory_space<vmem>>
    %dma_start3A_111 = tpu.memref_squeeze %dma_start3A_110 : memref<1x2048x1024xf32, #tpu.memory_space<vmem>> -> memref<2048x1024xf32, #tpu.memory_space<vmem>>
    tpu.enqueue_dma source(%dma_start3A_111 : memref<2048x1024xf32, #tpu.memory_space<vmem>>) target(%dma_start3A_107 : memref<2048x1024xf32, #tpu.memory_space<any>>) target_semaphore(%dma_start3A_103 : memref<!tpu.dma_semaphore, #tpu.memory_space<semaphore_mem>>)
    %dma_wait3A_112 = arith.constant 2 : i32
    %dma_wait3A_113 = arith.constant 2 : i32
    %dma_wait3A_114 = tpu.memref_slice %arg5[%dma_wait3A_113] : memref<4x!tpu.dma_semaphore, #tpu.memory_space<semaphore_mem>> -> memref<1x!tpu.dma_semaphore, #tpu.memory_space<semaphore_mem>>
    %dma_wait3A_115 = tpu.memref_squeeze %dma_wait3A_114 : memref<1x!tpu.dma_semaphore, #tpu.memory_space<semaphore_mem>> -> memref<!tpu.dma_semaphore, #tpu.memory_space<semaphore_mem>>
    %dma_wait3A_116 = arith.constant 0 : i32
    %dma_wait3A_117 = arith.constant 0 : i32
    %dma_wait3A_118 = tpu.memref_slice %arg4[%dma_wait3A_112, %dma_wait3A_116, %dma_wait3A_117] : memref<4x2048x1024xf32, #tpu.memory_space<vmem>> -> memref<1x2048x1024xf32, #tpu.memory_space<vmem>>
    %dma_wait3A_119 = tpu.memref_squeeze %dma_wait3A_118 : memref<1x2048x1024xf32, #tpu.memory_space<vmem>> -> memref<2048x1024xf32, #tpu.memory_space<vmem>>
    %dma_wait3A_120 = arith.constant 4096 : i32
    %dma_wait3A_121 = arith.constant 0 : i32
    %dma_wait3A_122 = tpu.memref_slice %arg0[%dma_wait3A_120, %dma_wait3A_121] : memref<32768x1024xf32, #tpu.memory_space<any>> -> memref<2048x1024xf32, #tpu.memory_space<any>>
    tpu.wait_dma2 semaphore(%dma_wait3A_115 : memref<!tpu.dma_semaphore, #tpu.memory_space<semaphore_mem>>) src(%dma_wait3A_122 : memref<2048x1024xf32, #tpu.memory_space<any>>) dst(%dma_wait3A_119 : memref<2048x1024xf32, #tpu.memory_space<vmem>>)
    %dma_start3A_123 = arith.constant 2 : i32
    %dma_start3A_124 = arith.constant 2 : i32
    %dma_start3A_125 = tpu.memref_slice %arg6[%dma_start3A_124] : memref<4x!tpu.dma_semaphore, #tpu.memory_space<semaphore_mem>> -> memref<1x!tpu.dma_semaphore, #tpu.memory_space<semaphore_mem>>
    %dma_start3A_126 = tpu.memref_squeeze %dma_start3A_125 : memref<1x!tpu.dma_semaphore, #tpu.memory_space<semaphore_mem>> -> memref<!tpu.dma_semaphore, #tpu.memory_space<semaphore_mem>>
    %dma_start3A_127 = arith.constant 4096 : i32
    %dma_start3A_128 = arith.constant 0 : i32
    %dma_start3A_129 = tpu.memref_slice %arg2[%dma_start3A_127, %dma_start3A_128] : memref<32768x1024xf32, #tpu.memory_space<any>> -> memref<2048x1024xf32, #tpu.memory_space<any>>
    %dma_start3A_130 = arith.constant 0 : i32
    %dma_start3A_131 = arith.constant 0 : i32
    %dma_start3A_132 = tpu.memref_slice %arg4[%dma_start3A_123, %dma_start3A_130, %dma_start3A_131] : memref<4x2048x1024xf32, #tpu.memory_space<vmem>> -> memref<1x2048x1024xf32, #tpu.memory_space<vmem>>
    %dma_start3A_133 = tpu.memref_squeeze %dma_start3A_132 : memref<1x2048x1024xf32, #tpu.memory_space<vmem>> -> memref<2048x1024xf32, #tpu.memory_space<vmem>>
    tpu.enqueue_dma source(%dma_start3A_133 : memref<2048x1024xf32, #tpu.memory_space<vmem>>) target(%dma_start3A_129 : memref<2048x1024xf32, #tpu.memory_space<any>>) target_semaphore(%dma_start3A_126 : memref<!tpu.dma_semaphore, #tpu.memory_space<semaphore_mem>>)
    %dma_start3A_134 = arith.constant 2 : i32
    %dma_start3A_135 = arith.constant 0 : i32
    %dma_start3A_136 = arith.constant 2 : i32
    %dma_start3A_137 = tpu.memref_slice %arg7[%dma_start3A_136] : memref<4x!tpu.dma_semaphore, #tpu.memory_space<semaphore_mem>> -> memref<1x!tpu.dma_semaphore, #tpu.memory_space<semaphore_mem>>
    %dma_start3A_138 = tpu.memref_squeeze %dma_start3A_137 : memref<1x!tpu.dma_semaphore, #tpu.memory_space<semaphore_mem>> -> memref<!tpu.dma_semaphore, #tpu.memory_space<semaphore_mem>>
    %dma_start3A_139 = arith.constant 4096 : i32
    %dma_start3A_140 = arith.constant 0 : i32
    %dma_start3A_141 = tpu.memref_slice %arg1[%dma_start3A_135, %dma_start3A_139, %dma_start3A_140] : memref<4x8192x1024xf32, #tpu.memory_space<any>> -> memref<1x2048x1024xf32, #tpu.memory_space<any>>
    %dma_start3A_142 = tpu.memref_squeeze %dma_start3A_141 : memref<1x2048x1024xf32, #tpu.memory_space<any>> -> memref<2048x1024xf32, #tpu.memory_space<any>>
    %dma_start3A_143 = arith.constant 0 : i32
    %dma_start3A_144 = arith.constant 0 : i32
    %dma_start3A_145 = tpu.memref_slice %arg4[%dma_start3A_134, %dma_start3A_143, %dma_start3A_144] : memref<4x2048x1024xf32, #tpu.memory_space<vmem>> -> memref<1x2048x1024xf32, #tpu.memory_space<vmem>>
    %dma_start3A_146 = tpu.memref_squeeze %dma_start3A_145 : memref<1x2048x1024xf32, #tpu.memory_space<vmem>> -> memref<2048x1024xf32, #tpu.memory_space<vmem>>
    tpu.enqueue_dma source(%dma_start3A_146 : memref<2048x1024xf32, #tpu.memory_space<vmem>>) target(%dma_start3A_142 : memref<2048x1024xf32, #tpu.memory_space<any>>) target_semaphore(%dma_start3A_138 : memref<!tpu.dma_semaphore, #tpu.memory_space<semaphore_mem>>)
    %dma_wait3A_147 = arith.constant 3 : i32
    %dma_wait3A_148 = arith.constant 3 : i32
    %dma_wait3A_149 = tpu.memref_slice %arg5[%dma_wait3A_148] : memref<4x!tpu.dma_semaphore, #tpu.memory_space<semaphore_mem>> -> memref<1x!tpu.dma_semaphore, #tpu.memory_space<semaphore_mem>>
    %dma_wait3A_150 = tpu.memref_squeeze %dma_wait3A_149 : memref<1x!tpu.dma_semaphore, #tpu.memory_space<semaphore_mem>> -> memref<!tpu.dma_semaphore, #tpu.memory_space<semaphore_mem>>
    %dma_wait3A_151 = arith.constant 0 : i32
    %dma_wait3A_152 = arith.constant 0 : i32
    %dma_wait3A_153 = tpu.memref_slice %arg4[%dma_wait3A_147, %dma_wait3A_151, %dma_wait3A_152] : memref<4x2048x1024xf32, #tpu.memory_space<vmem>> -> memref<1x2048x1024xf32, #tpu.memory_space<vmem>>
    %dma_wait3A_154 = tpu.memref_squeeze %dma_wait3A_153 : memref<1x2048x1024xf32, #tpu.memory_space<vmem>> -> memref<2048x1024xf32, #tpu.memory_space<vmem>>
    %dma_wait3A_155 = arith.constant 6144 : i32
    %dma_wait3A_156 = arith.constant 0 : i32
    %dma_wait3A_157 = tpu.memref_slice %arg0[%dma_wait3A_155, %dma_wait3A_156] : memref<32768x1024xf32, #tpu.memory_space<any>> -> memref<2048x1024xf32, #tpu.memory_space<any>>
    tpu.wait_dma2 semaphore(%dma_wait3A_150 : memref<!tpu.dma_semaphore, #tpu.memory_space<semaphore_mem>>) src(%dma_wait3A_157 : memref<2048x1024xf32, #tpu.memory_space<any>>) dst(%dma_wait3A_154 : memref<2048x1024xf32, #tpu.memory_space<vmem>>)
    %dma_start3A_158 = arith.constant 3 : i32
    %dma_start3A_159 = arith.constant 3 : i32
    %dma_start3A_160 = tpu.memref_slice %arg6[%dma_start3A_159] : memref<4x!tpu.dma_semaphore, #tpu.memory_space<semaphore_mem>> -> memref<1x!tpu.dma_semaphore, #tpu.memory_space<semaphore_mem>>
    %dma_start3A_161 = tpu.memref_squeeze %dma_start3A_160 : memref<1x!tpu.dma_semaphore, #tpu.memory_space<semaphore_mem>> -> memref<!tpu.dma_semaphore, #tpu.memory_space<semaphore_mem>>
    %dma_start3A_162 = arith.constant 6144 : i32
    %dma_start3A_163 = arith.constant 0 : i32
    %dma_start3A_164 = tpu.memref_slice %arg2[%dma_start3A_162, %dma_start3A_163] : memref<32768x1024xf32, #tpu.memory_space<any>> -> memref<2048x1024xf32, #tpu.memory_space<any>>
    %dma_start3A_165 = arith.constant 0 : i32
    %dma_start3A_166 = arith.constant 0 : i32
    %dma_start3A_167 = tpu.memref_slice %arg4[%dma_start3A_158, %dma_start3A_165, %dma_start3A_166] : memref<4x2048x1024xf32, #tpu.memory_space<vmem>> -> memref<1x2048x1024xf32, #tpu.memory_space<vmem>>
    %dma_start3A_168 = tpu.memref_squeeze %dma_start3A_167 : memref<1x2048x1024xf32, #tpu.memory_space<vmem>> -> memref<2048x1024xf32, #tpu.memory_space<vmem>>
    tpu.enqueue_dma source(%dma_start3A_168 : memref<2048x1024xf32, #tpu.memory_space<vmem>>) target(%dma_start3A_164 : memref<2048x1024xf32, #tpu.memory_space<any>>) target_semaphore(%dma_start3A_161 : memref<!tpu.dma_semaphore, #tpu.memory_space<semaphore_mem>>)
    %dma_start3A_169 = arith.constant 3 : i32
    %dma_start3A_170 = arith.constant 0 : i32
    %dma_start3A_171 = arith.constant 3 : i32
    %dma_start3A_172 = tpu.memref_slice %arg7[%dma_start3A_171] : memref<4x!tpu.dma_semaphore, #tpu.memory_space<semaphore_mem>> -> memref<1x!tpu.dma_semaphore, #tpu.memory_space<semaphore_mem>>
    %dma_start3A_173 = tpu.memref_squeeze %dma_start3A_172 : memref<1x!tpu.dma_semaphore, #tpu.memory_space<semaphore_mem>> -> memref<!tpu.dma_semaphore, #tpu.memory_space<semaphore_mem>>
    %dma_start3A_174 = arith.constant 6144 : i32
    %dma_start3A_175 = arith.constant 0 : i32
    %dma_start3A_176 = tpu.memref_slice %arg1[%dma_start3A_170, %dma_start3A_174, %dma_start3A_175] : memref<4x8192x1024xf32, #tpu.memory_space<any>> -> memref<1x2048x1024xf32, #tpu.memory_space<any>>
    %dma_start3A_177 = tpu.memref_squeeze %dma_start3A_176 : memref<1x2048x1024xf32, #tpu.memory_space<any>> -> memref<2048x1024xf32, #tpu.memory_space<any>>
    %dma_start3A_178 = arith.constant 0 : i32
    %dma_start3A_179 = arith.constant 0 : i32
    %dma_start3A_180 = tpu.memref_slice %arg4[%dma_start3A_169, %dma_start3A_178, %dma_start3A_179] : memref<4x2048x1024xf32, #tpu.memory_space<vmem>> -> memref<1x2048x1024xf32, #tpu.memory_space<vmem>>
    %dma_start3A_181 = tpu.memref_squeeze %dma_start3A_180 : memref<1x2048x1024xf32, #tpu.memory_space<vmem>> -> memref<2048x1024xf32, #tpu.memory_space<vmem>>
    tpu.enqueue_dma source(%dma_start3A_181 : memref<2048x1024xf32, #tpu.memory_space<vmem>>) target(%dma_start3A_177 : memref<2048x1024xf32, #tpu.memory_space<any>>) target_semaphore(%dma_start3A_173 : memref<!tpu.dma_semaphore, #tpu.memory_space<semaphore_mem>>)
    %dma_wait3A_182 = arith.constant 0 : i32
    %dma_wait3A_183 = arith.constant 0 : i32
    %dma_wait3A_184 = tpu.memref_slice %arg6[%dma_wait3A_183] : memref<4x!tpu.dma_semaphore, #tpu.memory_space<semaphore_mem>> -> memref<1x!tpu.dma_semaphore, #tpu.memory_space<semaphore_mem>>
    %dma_wait3A_185 = tpu.memref_squeeze %dma_wait3A_184 : memref<1x!tpu.dma_semaphore, #tpu.memory_space<semaphore_mem>> -> memref<!tpu.dma_semaphore, #tpu.memory_space<semaphore_mem>>
    %dma_wait3A_186 = arith.constant 0 : i32
    %dma_wait3A_187 = arith.constant 0 : i32
    %dma_wait3A_188 = tpu.memref_slice %arg2[%dma_wait3A_186, %dma_wait3A_187] : memref<32768x1024xf32, #tpu.memory_space<any>> -> memref<2048x1024xf32, #tpu.memory_space<any>>
    %dma_wait3A_189 = arith.constant 0 : i32
    %dma_wait3A_190 = arith.constant 0 : i32
    %dma_wait3A_191 = tpu.memref_slice %arg4[%dma_wait3A_182, %dma_wait3A_189, %dma_wait3A_190] : memref<4x2048x1024xf32, #tpu.memory_space<vmem>> -> memref<1x2048x1024xf32, #tpu.memory_space<vmem>>
    %dma_wait3A_192 = tpu.memref_squeeze %dma_wait3A_191 : memref<1x2048x1024xf32, #tpu.memory_space<vmem>> -> memref<2048x1024xf32, #tpu.memory_space<vmem>>
    tpu.wait_dma2 semaphore(%dma_wait3A_185 : memref<!tpu.dma_semaphore, #tpu.memory_space<semaphore_mem>>) src(%dma_wait3A_192 : memref<2048x1024xf32, #tpu.memory_space<vmem>>) dst(%dma_wait3A_188 : memref<2048x1024xf32, #tpu.memory_space<any>>)
    %dma_wait3A_193 = arith.constant 0 : i32
    %dma_wait3A_194 = arith.constant 0 : i32
    %dma_wait3A_195 = arith.constant 0 : i32
    %dma_wait3A_196 = tpu.memref_slice %arg7[%dma_wait3A_195] : memref<4x!tpu.dma_semaphore, #tpu.memory_space<semaphore_mem>> -> memref<1x!tpu.dma_semaphore, #tpu.memory_space<semaphore_mem>>
    %dma_wait3A_197 = tpu.memref_squeeze %dma_wait3A_196 : memref<1x!tpu.dma_semaphore, #tpu.memory_space<semaphore_mem>> -> memref<!tpu.dma_semaphore, #tpu.memory_space<semaphore_mem>>
    %dma_wait3A_198 = arith.constant 0 : i32
    %dma_wait3A_199 = arith.constant 0 : i32
    %dma_wait3A_200 = tpu.memref_slice %arg1[%dma_wait3A_194, %dma_wait3A_198, %dma_wait3A_199] : memref<4x8192x1024xf32, #tpu.memory_space<any>> -> memref<1x2048x1024xf32, #tpu.memory_space<any>>
    %dma_wait3A_201 = tpu.memref_squeeze %dma_wait3A_200 : memref<1x2048x1024xf32, #tpu.memory_space<any>> -> memref<2048x1024xf32, #tpu.memory_space<any>>
    %dma_wait3A_202 = arith.constant 0 : i32
    %dma_wait3A_203 = arith.constant 0 : i32
    %dma_wait3A_204 = tpu.memref_slice %arg4[%dma_wait3A_193, %dma_wait3A_202, %dma_wait3A_203] : memref<4x2048x1024xf32, #tpu.memory_space<vmem>> -> memref<1x2048x1024xf32, #tpu.memory_space<vmem>>
    %dma_wait3A_205 = tpu.memref_squeeze %dma_wait3A_204 : memref<1x2048x1024xf32, #tpu.memory_space<vmem>> -> memref<2048x1024xf32, #tpu.memory_space<vmem>>
    tpu.wait_dma2 semaphore(%dma_wait3A_197 : memref<!tpu.dma_semaphore, #tpu.memory_space<semaphore_mem>>) src(%dma_wait3A_205 : memref<2048x1024xf32, #tpu.memory_space<vmem>>) dst(%dma_wait3A_201 : memref<2048x1024xf32, #tpu.memory_space<any>>)
    %dma_start3A_206 = arith.constant 0 : i32
    %dma_start3A_207 = arith.constant 0 : i32
    %dma_start3A_208 = tpu.memref_slice %arg5[%dma_start3A_207] : memref<4x!tpu.dma_semaphore, #tpu.memory_space<semaphore_mem>> -> memref<1x!tpu.dma_semaphore, #tpu.memory_space<semaphore_mem>>
    %dma_start3A_209 = tpu.memref_squeeze %dma_start3A_208 : memref<1x!tpu.dma_semaphore, #tpu.memory_space<semaphore_mem>> -> memref<!tpu.dma_semaphore, #tpu.memory_space<semaphore_mem>>
    %dma_start3A_210 = arith.constant 0 : i32
    %dma_start3A_211 = arith.constant 0 : i32
    %dma_start3A_212 = tpu.memref_slice %arg4[%dma_start3A_206, %dma_start3A_210, %dma_start3A_211] : memref<4x2048x1024xf32, #tpu.memory_space<vmem>> -> memref<1x2048x1024xf32, #tpu.memory_space<vmem>>
    %dma_start3A_213 = tpu.memref_squeeze %dma_start3A_212 : memref<1x2048x1024xf32, #tpu.memory_space<vmem>> -> memref<2048x1024xf32, #tpu.memory_space<vmem>>
    %dma_start3A_214 = arith.constant 8192 : i32
    %dma_start3A_215 = arith.constant 0 : i32
    %dma_start3A_216 = tpu.memref_slice %arg0[%dma_start3A_214, %dma_start3A_215] : memref<32768x1024xf32, #tpu.memory_space<any>> -> memref<2048x1024xf32, #tpu.memory_space<any>>
    tpu.enqueue_dma source(%dma_start3A_216 : memref<2048x1024xf32, #tpu.memory_space<any>>) target(%dma_start3A_213 : memref<2048x1024xf32, #tpu.memory_space<vmem>>) target_semaphore(%dma_start3A_209 : memref<!tpu.dma_semaphore, #tpu.memory_space<semaphore_mem>>)
    %dma_wait3A_217 = arith.constant 1 : i32
    %dma_wait3A_218 = arith.constant 1 : i32
    %dma_wait3A_219 = tpu.memref_slice %arg6[%dma_wait3A_218] : memref<4x!tpu.dma_semaphore, #tpu.memory_space<semaphore_mem>> -> memref<1x!tpu.dma_semaphore, #tpu.memory_space<semaphore_mem>>
    %dma_wait3A_220 = tpu.memref_squeeze %dma_wait3A_219 : memref<1x!tpu.dma_semaphore, #tpu.memory_space<semaphore_mem>> -> memref<!tpu.dma_semaphore, #tpu.memory_space<semaphore_mem>>
    %dma_wait3A_221 = arith.constant 2048 : i32
    %dma_wait3A_222 = arith.constant 0 : i32
    %dma_wait3A_223 = tpu.memref_slice %arg2[%dma_wait3A_221, %dma_wait3A_222] : memref<32768x1024xf32, #tpu.memory_space<any>> -> memref<2048x1024xf32, #tpu.memory_space<any>>
    %dma_wait3A_224 = arith.constant 0 : i32
    %dma_wait3A_225 = arith.constant 0 : i32
    %dma_wait3A_226 = tpu.memref_slice %arg4[%dma_wait3A_217, %dma_wait3A_224, %dma_wait3A_225] : memref<4x2048x1024xf32, #tpu.memory_space<vmem>> -> memref<1x2048x1024xf32, #tpu.memory_space<vmem>>
    %dma_wait3A_227 = tpu.memref_squeeze %dma_wait3A_226 : memref<1x2048x1024xf32, #tpu.memory_space<vmem>> -> memref<2048x1024xf32, #tpu.memory_space<vmem>>
    tpu.wait_dma2 semaphore(%dma_wait3A_220 : memref<!tpu.dma_semaphore, #tpu.memory_space<semaphore_mem>>) src(%dma_wait3A_227 : memref<2048x1024xf32, #tpu.memory_space<vmem>>) dst(%dma_wait3A_223 : memref<2048x1024xf32, #tpu.memory_space<any>>)
    %dma_wait3A_228 = arith.constant 1 : i32
    %dma_wait3A_229 = arith.constant 0 : i32
    %dma_wait3A_230 = arith.constant 1 : i32
    %dma_wait3A_231 = tpu.memref_slice %arg7[%dma_wait3A_230] : memref<4x!tpu.dma_semaphore, #tpu.memory_space<semaphore_mem>> -> memref<1x!tpu.dma_semaphore, #tpu.memory_space<semaphore_mem>>
    %dma_wait3A_232 = tpu.memref_squeeze %dma_wait3A_231 : memref<1x!tpu.dma_semaphore, #tpu.memory_space<semaphore_mem>> -> memref<!tpu.dma_semaphore, #tpu.memory_space<semaphore_mem>>
    %dma_wait3A_233 = arith.constant 2048 : i32
    %dma_wait3A_234 = arith.constant 0 : i32
    %dma_wait3A_235 = tpu.memref_slice %arg1[%dma_wait3A_229, %dma_wait3A_233, %dma_wait3A_234] : memref<4x8192x1024xf32, #tpu.memory_space<any>> -> memref<1x2048x1024xf32, #tpu.memory_space<any>>
    %dma_wait3A_236 = tpu.memref_squeeze %dma_wait3A_235 : memref<1x2048x1024xf32, #tpu.memory_space<any>> -> memref<2048x1024xf32, #tpu.memory_space<any>>
    %dma_wait3A_237 = arith.constant 0 : i32
    %dma_wait3A_238 = arith.constant 0 : i32
    %dma_wait3A_239 = tpu.memref_slice %arg4[%dma_wait3A_228, %dma_wait3A_237, %dma_wait3A_238] : memref<4x2048x1024xf32, #tpu.memory_space<vmem>> -> memref<1x2048x1024xf32, #tpu.memory_space<vmem>>
    %dma_wait3A_240 = tpu.memref_squeeze %dma_wait3A_239 : memref<1x2048x1024xf32, #tpu.memory_space<vmem>> -> memref<2048x1024xf32, #tpu.memory_space<vmem>>
    tpu.wait_dma2 semaphore(%dma_wait3A_232 : memref<!tpu.dma_semaphore, #tpu.memory_space<semaphore_mem>>) src(%dma_wait3A_240 : memref<2048x1024xf32, #tpu.memory_space<vmem>>) dst(%dma_wait3A_236 : memref<2048x1024xf32, #tpu.memory_space<any>>)
    %dma_start3A_241 = arith.constant 1 : i32
    %dma_start3A_242 = arith.constant 1 : i32
    %dma_start3A_243 = tpu.memref_slice %arg5[%dma_start3A_242] : memref<4x!tpu.dma_semaphore, #tpu.memory_space<semaphore_mem>> -> memref<1x!tpu.dma_semaphore, #tpu.memory_space<semaphore_mem>>
    %dma_start3A_244 = tpu.memref_squeeze %dma_start3A_243 : memref<1x!tpu.dma_semaphore, #tpu.memory_space<semaphore_mem>> -> memref<!tpu.dma_semaphore, #tpu.memory_space<semaphore_mem>>
    %dma_start3A_245 = arith.constant 0 : i32
    %dma_start3A_246 = arith.constant 0 : i32
    %dma_start3A_247 = tpu.memref_slice %arg4[%dma_start3A_241, %dma_start3A_245, %dma_start3A_246] : memref<4x2048x1024xf32, #tpu.memory_space<vmem>> -> memref<1x2048x1024xf32, #tpu.memory_space<vmem>>
    %dma_start3A_248 = tpu.memref_squeeze %dma_start3A_247 : memref<1x2048x1024xf32, #tpu.memory_space<vmem>> -> memref<2048x1024xf32, #tpu.memory_space<vmem>>
    %dma_start3A_249 = arith.constant 10240 : i32
    %dma_start3A_250 = arith.constant 0 : i32
    %dma_start3A_251 = tpu.memref_slice %arg0[%dma_start3A_249, %dma_start3A_250] : memref<32768x1024xf32, #tpu.memory_space<any>> -> memref<2048x1024xf32, #tpu.memory_space<any>>
    tpu.enqueue_dma source(%dma_start3A_251 : memref<2048x1024xf32, #tpu.memory_space<any>>) target(%dma_start3A_248 : memref<2048x1024xf32, #tpu.memory_space<vmem>>) target_semaphore(%dma_start3A_244 : memref<!tpu.dma_semaphore, #tpu.memory_space<semaphore_mem>>)
    %dma_wait3A_252 = arith.constant 2 : i32
    %dma_wait3A_253 = arith.constant 2 : i32
    %dma_wait3A_254 = tpu.memref_slice %arg6[%dma_wait3A_253] : memref<4x!tpu.dma_semaphore, #tpu.memory_space<semaphore_mem>> -> memref<1x!tpu.dma_semaphore, #tpu.memory_space<semaphore_mem>>
    %dma_wait3A_255 = tpu.memref_squeeze %dma_wait3A_254 : memref<1x!tpu.dma_semaphore, #tpu.memory_space<semaphore_mem>> -> memref<!tpu.dma_semaphore, #tpu.memory_space<semaphore_mem>>
    %dma_wait3A_256 = arith.constant 4096 : i32
    %dma_wait3A_257 = arith.constant 0 : i32
    %dma_wait3A_258 = tpu.memref_slice %arg2[%dma_wait3A_256, %dma_wait3A_257] : memref<32768x1024xf32, #tpu.memory_space<any>> -> memref<2048x1024xf32, #tpu.memory_space<any>>
    %dma_wait3A_259 = arith.constant 0 : i32
    %dma_wait3A_260 = arith.constant 0 : i32
    %dma_wait3A_261 = tpu.memref_slice %arg4[%dma_wait3A_252, %dma_wait3A_259, %dma_wait3A_260] : memref<4x2048x1024xf32, #tpu.memory_space<vmem>> -> memref<1x2048x1024xf32, #tpu.memory_space<vmem>>
    %dma_wait3A_262 = tpu.memref_squeeze %dma_wait3A_261 : memref<1x2048x1024xf32, #tpu.memory_space<vmem>> -> memref<2048x1024xf32, #tpu.memory_space<vmem>>
    tpu.wait_dma2 semaphore(%dma_wait3A_255 : memref<!tpu.dma_semaphore, #tpu.memory_space<semaphore_mem>>) src(%dma_wait3A_262 : memref<2048x1024xf32, #tpu.memory_space<vmem>>) dst(%dma_wait3A_258 : memref<2048x1024xf32, #tpu.memory_space<any>>)
    %dma_wait3A_263 = arith.constant 2 : i32
    %dma_wait3A_264 = arith.constant 0 : i32
    %dma_wait3A_265 = arith.constant 2 : i32
    %dma_wait3A_266 = tpu.memref_slice %arg7[%dma_wait3A_265] : memref<4x!tpu.dma_semaphore, #tpu.memory_space<semaphore_mem>> -> memref<1x!tpu.dma_semaphore, #tpu.memory_space<semaphore_mem>>
    %dma_wait3A_267 = tpu.memref_squeeze %dma_wait3A_266 : memref<1x!tpu.dma_semaphore, #tpu.memory_space<semaphore_mem>> -> memref<!tpu.dma_semaphore, #tpu.memory_space<semaphore_mem>>
    %dma_wait3A_268 = arith.constant 4096 : i32
    %dma_wait3A_269 = arith.constant 0 : i32
    %dma_wait3A_270 = tpu.memref_slice %arg1[%dma_wait3A_264, %dma_wait3A_268, %dma_wait3A_269] : memref<4x8192x1024xf32, #tpu.memory_space<any>> -> memref<1x2048x1024xf32, #tpu.memory_space<any>>
    %dma_wait3A_271 = tpu.memref_squeeze %dma_wait3A_270 : memref<1x2048x1024xf32, #tpu.memory_space<any>> -> memref<2048x1024xf32, #tpu.memory_space<any>>
    %dma_wait3A_272 = arith.constant 0 : i32
    %dma_wait3A_273 = arith.constant 0 : i32
    %dma_wait3A_274 = tpu.memref_slice %arg4[%dma_wait3A_263, %dma_wait3A_272, %dma_wait3A_273] : memref<4x2048x1024xf32, #tpu.memory_space<vmem>> -> memref<1x2048x1024xf32, #tpu.memory_space<vmem>>
    %dma_wait3A_275 = tpu.memref_squeeze %dma_wait3A_274 : memref<1x2048x1024xf32, #tpu.memory_space<vmem>> -> memref<2048x1024xf32, #tpu.memory_space<vmem>>
    tpu.wait_dma2 semaphore(%dma_wait3A_267 : memref<!tpu.dma_semaphore, #tpu.memory_space<semaphore_mem>>) src(%dma_wait3A_275 : memref<2048x1024xf32, #tpu.memory_space<vmem>>) dst(%dma_wait3A_271 : memref<2048x1024xf32, #tpu.memory_space<any>>)
    %dma_start3A_276 = arith.constant 2 : i32
    %dma_start3A_277 = arith.constant 2 : i32
    %dma_start3A_278 = tpu.memref_slice %arg5[%dma_start3A_277] : memref<4x!tpu.dma_semaphore, #tpu.memory_space<semaphore_mem>> -> memref<1x!tpu.dma_semaphore, #tpu.memory_space<semaphore_mem>>
    %dma_start3A_279 = tpu.memref_squeeze %dma_start3A_278 : memref<1x!tpu.dma_semaphore, #tpu.memory_space<semaphore_mem>> -> memref<!tpu.dma_semaphore, #tpu.memory_space<semaphore_mem>>
    %dma_start3A_280 = arith.constant 0 : i32
    %dma_start3A_281 = arith.constant 0 : i32
    %dma_start3A_282 = tpu.memref_slice %arg4[%dma_start3A_276, %dma_start3A_280, %dma_start3A_281] : memref<4x2048x1024xf32, #tpu.memory_space<vmem>> -> memref<1x2048x1024xf32, #tpu.memory_space<vmem>>
    %dma_start3A_283 = tpu.memref_squeeze %dma_start3A_282 : memref<1x2048x1024xf32, #tpu.memory_space<vmem>> -> memref<2048x1024xf32, #tpu.memory_space<vmem>>
    %dma_start3A_284 = arith.constant 12288 : i32
    %dma_start3A_285 = arith.constant 0 : i32
    %dma_start3A_286 = tpu.memref_slice %arg0[%dma_start3A_284, %dma_start3A_285] : memref<32768x1024xf32, #tpu.memory_space<any>> -> memref<2048x1024xf32, #tpu.memory_space<any>>
    tpu.enqueue_dma source(%dma_start3A_286 : memref<2048x1024xf32, #tpu.memory_space<any>>) target(%dma_start3A_283 : memref<2048x1024xf32, #tpu.memory_space<vmem>>) target_semaphore(%dma_start3A_279 : memref<!tpu.dma_semaphore, #tpu.memory_space<semaphore_mem>>)
    %dma_wait3A_287 = arith.constant 3 : i32
    %dma_wait3A_288 = arith.constant 3 : i32
    %dma_wait3A_289 = tpu.memref_slice %arg6[%dma_wait3A_288] : memref<4x!tpu.dma_semaphore, #tpu.memory_space<semaphore_mem>> -> memref<1x!tpu.dma_semaphore, #tpu.memory_space<semaphore_mem>>
    %dma_wait3A_290 = tpu.memref_squeeze %dma_wait3A_289 : memref<1x!tpu.dma_semaphore, #tpu.memory_space<semaphore_mem>> -> memref<!tpu.dma_semaphore, #tpu.memory_space<semaphore_mem>>
    %dma_wait3A_291 = arith.constant 6144 : i32
    %dma_wait3A_292 = arith.constant 0 : i32
    %dma_wait3A_293 = tpu.memref_slice %arg2[%dma_wait3A_291, %dma_wait3A_292] : memref<32768x1024xf32, #tpu.memory_space<any>> -> memref<2048x1024xf32, #tpu.memory_space<any>>
    %dma_wait3A_294 = arith.constant 0 : i32
    %dma_wait3A_295 = arith.constant 0 : i32
    %dma_wait3A_296 = tpu.memref_slice %arg4[%dma_wait3A_287, %dma_wait3A_294, %dma_wait3A_295] : memref<4x2048x1024xf32, #tpu.memory_space<vmem>> -> memref<1x2048x1024xf32, #tpu.memory_space<vmem>>
    %dma_wait3A_297 = tpu.memref_squeeze %dma_wait3A_296 : memref<1x2048x1024xf32, #tpu.memory_space<vmem>> -> memref<2048x1024xf32, #tpu.memory_space<vmem>>
    tpu.wait_dma2 semaphore(%dma_wait3A_290 : memref<!tpu.dma_semaphore, #tpu.memory_space<semaphore_mem>>) src(%dma_wait3A_297 : memref<2048x1024xf32, #tpu.memory_space<vmem>>) dst(%dma_wait3A_293 : memref<2048x1024xf32, #tpu.memory_space<any>>)
    %dma_wait3A_298 = arith.constant 3 : i32
    %dma_wait3A_299 = arith.constant 0 : i32
    %dma_wait3A_300 = arith.constant 3 : i32
    %dma_wait3A_301 = tpu.memref_slice %arg7[%dma_wait3A_300] : memref<4x!tpu.dma_semaphore, #tpu.memory_space<semaphore_mem>> -> memref<1x!tpu.dma_semaphore, #tpu.memory_space<semaphore_mem>>
    %dma_wait3A_302 = tpu.memref_squeeze %dma_wait3A_301 : memref<1x!tpu.dma_semaphore, #tpu.memory_space<semaphore_mem>> -> memref<!tpu.dma_semaphore, #tpu.memory_space<semaphore_mem>>
    %dma_wait3A_303 = arith.constant 6144 : i32
    %dma_wait3A_304 = arith.constant 0 : i32
    %dma_wait3A_305 = tpu.memref_slice %arg1[%dma_wait3A_299, %dma_wait3A_303, %dma_wait3A_304] : memref<4x8192x1024xf32, #tpu.memory_space<any>> -> memref<1x2048x1024xf32, #tpu.memory_space<any>>
    %dma_wait3A_306 = tpu.memref_squeeze %dma_wait3A_305 : memref<1x2048x1024xf32, #tpu.memory_space<any>> -> memref<2048x1024xf32, #tpu.memory_space<any>>
    %dma_wait3A_307 = arith.constant 0 : i32
    %dma_wait3A_308 = arith.constant 0 : i32
    %dma_wait3A_309 = tpu.memref_slice %arg4[%dma_wait3A_298, %dma_wait3A_307, %dma_wait3A_308] : memref<4x2048x1024xf32, #tpu.memory_space<vmem>> -> memref<1x2048x1024xf32, #tpu.memory_space<vmem>>
    %dma_wait3A_310 = tpu.memref_squeeze %dma_wait3A_309 : memref<1x2048x1024xf32, #tpu.memory_space<vmem>> -> memref<2048x1024xf32, #tpu.memory_space<vmem>>
    tpu.wait_dma2 semaphore(%dma_wait3A_302 : memref<!tpu.dma_semaphore, #tpu.memory_space<semaphore_mem>>) src(%dma_wait3A_310 : memref<2048x1024xf32, #tpu.memory_space<vmem>>) dst(%dma_wait3A_306 : memref<2048x1024xf32, #tpu.memory_space<any>>)
    %dma_start3A_311 = arith.constant 3 : i32
    %dma_start3A_312 = arith.constant 3 : i32
    %dma_start3A_313 = tpu.memref_slice %arg5[%dma_start3A_312] : memref<4x!tpu.dma_semaphore, #tpu.memory_space<semaphore_mem>> -> memref<1x!tpu.dma_semaphore, #tpu.memory_space<semaphore_mem>>
    %dma_start3A_314 = tpu.memref_squeeze %dma_start3A_313 : memref<1x!tpu.dma_semaphore, #tpu.memory_space<semaphore_mem>> -> memref<!tpu.dma_semaphore, #tpu.memory_space<semaphore_mem>>
    %dma_start3A_315 = arith.constant 0 : i32
    %dma_start3A_316 = arith.constant 0 : i32
    %dma_start3A_317 = tpu.memref_slice %arg4[%dma_start3A_311, %dma_start3A_315, %dma_start3A_316] : memref<4x2048x1024xf32, #tpu.memory_space<vmem>> -> memref<1x2048x1024xf32, #tpu.memory_space<vmem>>
    %dma_start3A_318 = tpu.memref_squeeze %dma_start3A_317 : memref<1x2048x1024xf32, #tpu.memory_space<vmem>> -> memref<2048x1024xf32, #tpu.memory_space<vmem>>
    %dma_start3A_319 = arith.constant 14336 : i32
    %dma_start3A_320 = arith.constant 0 : i32
    %dma_start3A_321 = tpu.memref_slice %arg0[%dma_start3A_319, %dma_start3A_320] : memref<32768x1024xf32, #tpu.memory_space<any>> -> memref<2048x1024xf32, #tpu.memory_space<any>>
    tpu.enqueue_dma source(%dma_start3A_321 : memref<2048x1024xf32, #tpu.memory_space<any>>) target(%dma_start3A_318 : memref<2048x1024xf32, #tpu.memory_space<vmem>>) target_semaphore(%dma_start3A_314 : memref<!tpu.dma_semaphore, #tpu.memory_space<semaphore_mem>>)
    %dma_wait3A_322 = arith.constant 0 : i32
    %dma_wait3A_323 = arith.constant 0 : i32
    %dma_wait3A_324 = tpu.memref_slice %arg5[%dma_wait3A_323] : memref<4x!tpu.dma_semaphore, #tpu.memory_space<semaphore_mem>> -> memref<1x!tpu.dma_semaphore, #tpu.memory_space<semaphore_mem>>
    %dma_wait3A_325 = tpu.memref_squeeze %dma_wait3A_324 : memref<1x!tpu.dma_semaphore, #tpu.memory_space<semaphore_mem>> -> memref<!tpu.dma_semaphore, #tpu.memory_space<semaphore_mem>>
    %dma_wait3A_326 = arith.constant 0 : i32
    %dma_wait3A_327 = arith.constant 0 : i32
    %dma_wait3A_328 = tpu.memref_slice %arg4[%dma_wait3A_322, %dma_wait3A_326, %dma_wait3A_327] : memref<4x2048x1024xf32, #tpu.memory_space<vmem>> -> memref<1x2048x1024xf32, #tpu.memory_space<vmem>>
    %dma_wait3A_329 = tpu.memref_squeeze %dma_wait3A_328 : memref<1x2048x1024xf32, #tpu.memory_space<vmem>> -> memref<2048x1024xf32, #tpu.memory_space<vmem>>
    %dma_wait3A_330 = arith.constant 8192 : i32
    %dma_wait3A_331 = arith.constant 0 : i32
    %dma_wait3A_332 = tpu.memref_slice %arg0[%dma_wait3A_330, %dma_wait3A_331] : memref<32768x1024xf32, #tpu.memory_space<any>> -> memref<2048x1024xf32, #tpu.memory_space<any>>
    tpu.wait_dma2 semaphore(%dma_wait3A_325 : memref<!tpu.dma_semaphore, #tpu.memory_space<semaphore_mem>>) src(%dma_wait3A_332 : memref<2048x1024xf32, #tpu.memory_space<any>>) dst(%dma_wait3A_329 : memref<2048x1024xf32, #tpu.memory_space<vmem>>)
    %dma_start3A_333 = arith.constant 0 : i32
    %dma_start3A_334 = arith.constant 0 : i32
    %dma_start3A_335 = tpu.memref_slice %arg6[%dma_start3A_334] : memref<4x!tpu.dma_semaphore, #tpu.memory_space<semaphore_mem>> -> memref<1x!tpu.dma_semaphore, #tpu.memory_space<semaphore_mem>>
    %dma_start3A_336 = tpu.memref_squeeze %dma_start3A_335 : memref<1x!tpu.dma_semaphore, #tpu.memory_space<semaphore_mem>> -> memref<!tpu.dma_semaphore, #tpu.memory_space<semaphore_mem>>
    %dma_start3A_337 = arith.constant 8192 : i32
    %dma_start3A_338 = arith.constant 0 : i32
    %dma_start3A_339 = tpu.memref_slice %arg2[%dma_start3A_337, %dma_start3A_338] : memref<32768x1024xf32, #tpu.memory_space<any>> -> memref<2048x1024xf32, #tpu.memory_space<any>>
    %dma_start3A_340 = arith.constant 0 : i32
    %dma_start3A_341 = arith.constant 0 : i32
    %dma_start3A_342 = tpu.memref_slice %arg4[%dma_start3A_333, %dma_start3A_340, %dma_start3A_341] : memref<4x2048x1024xf32, #tpu.memory_space<vmem>> -> memref<1x2048x1024xf32, #tpu.memory_space<vmem>>
    %dma_start3A_343 = tpu.memref_squeeze %dma_start3A_342 : memref<1x2048x1024xf32, #tpu.memory_space<vmem>> -> memref<2048x1024xf32, #tpu.memory_space<vmem>>
    tpu.enqueue_dma source(%dma_start3A_343 : memref<2048x1024xf32, #tpu.memory_space<vmem>>) target(%dma_start3A_339 : memref<2048x1024xf32, #tpu.memory_space<any>>) target_semaphore(%dma_start3A_336 : memref<!tpu.dma_semaphore, #tpu.memory_space<semaphore_mem>>)
    %dma_start3A_344 = arith.constant 0 : i32
    %dma_start3A_345 = arith.constant 1 : i32
    %dma_start3A_346 = arith.constant 0 : i32
    %dma_start3A_347 = tpu.memref_slice %arg7[%dma_start3A_346] : memref<4x!tpu.dma_semaphore, #tpu.memory_space<semaphore_mem>> -> memref<1x!tpu.dma_semaphore, #tpu.memory_space<semaphore_mem>>
    %dma_start3A_348 = tpu.memref_squeeze %dma_start3A_347 : memref<1x!tpu.dma_semaphore, #tpu.memory_space<semaphore_mem>> -> memref<!tpu.dma_semaphore, #tpu.memory_space<semaphore_mem>>
    %dma_start3A_349 = arith.constant 0 : i32
    %dma_start3A_350 = arith.constant 0 : i32
    %dma_start3A_351 = tpu.memref_slice %arg1[%dma_start3A_345, %dma_start3A_349, %dma_start3A_350] : memref<4x8192x1024xf32, #tpu.memory_space<any>> -> memref<1x2048x1024xf32, #tpu.memory_space<any>>
    %dma_start3A_352 = tpu.memref_squeeze %dma_start3A_351 : memref<1x2048x1024xf32, #tpu.memory_space<any>> -> memref<2048x1024xf32, #tpu.memory_space<any>>
    %dma_start3A_353 = arith.constant 0 : i32
    %dma_start3A_354 = arith.constant 0 : i32
    %dma_start3A_355 = tpu.memref_slice %arg4[%dma_start3A_344, %dma_start3A_353, %dma_start3A_354] : memref<4x2048x1024xf32, #tpu.memory_space<vmem>> -> memref<1x2048x1024xf32, #tpu.memory_space<vmem>>
    %dma_start3A_356 = tpu.memref_squeeze %dma_start3A_355 : memref<1x2048x1024xf32, #tpu.memory_space<vmem>> -> memref<2048x1024xf32, #tpu.memory_space<vmem>>
    tpu.enqueue_dma source(%dma_start3A_356 : memref<2048x1024xf32, #tpu.memory_space<vmem>>) target(%dma_start3A_352 : memref<2048x1024xf32, #tpu.memory_space<any>>) target_semaphore(%dma_start3A_348 : memref<!tpu.dma_semaphore, #tpu.memory_space<semaphore_mem>>)
    %dma_wait3A_357 = arith.constant 1 : i32
    %dma_wait3A_358 = arith.constant 1 : i32
    %dma_wait3A_359 = tpu.memref_slice %arg5[%dma_wait3A_358] : memref<4x!tpu.dma_semaphore, #tpu.memory_space<semaphore_mem>> -> memref<1x!tpu.dma_semaphore, #tpu.memory_space<semaphore_mem>>
    %dma_wait3A_360 = tpu.memref_squeeze %dma_wait3A_359 : memref<1x!tpu.dma_semaphore, #tpu.memory_space<semaphore_mem>> -> memref<!tpu.dma_semaphore, #tpu.memory_space<semaphore_mem>>
    %dma_wait3A_361 = arith.constant 0 : i32
    %dma_wait3A_362 = arith.constant 0 : i32
    %dma_wait3A_363 = tpu.memref_slice %arg4[%dma_wait3A_357, %dma_wait3A_361, %dma_wait3A_362] : memref<4x2048x1024xf32, #tpu.memory_space<vmem>> -> memref<1x2048x1024xf32, #tpu.memory_space<vmem>>
    %dma_wait3A_364 = tpu.memref_squeeze %dma_wait3A_363 : memref<1x2048x1024xf32, #tpu.memory_space<vmem>> -> memref<2048x1024xf32, #tpu.memory_space<vmem>>
    %dma_wait3A_365 = arith.constant 10240 : i32
    %dma_wait3A_366 = arith.constant 0 : i32
    %dma_wait3A_367 = tpu.memref_slice %arg0[%dma_wait3A_365, %dma_wait3A_366] : memref<32768x1024xf32, #tpu.memory_space<any>> -> memref<2048x1024xf32, #tpu.memory_space<any>>
    tpu.wait_dma2 semaphore(%dma_wait3A_360 : memref<!tpu.dma_semaphore, #tpu.memory_space<semaphore_mem>>) src(%dma_wait3A_367 : memref<2048x1024xf32, #tpu.memory_space<any>>) dst(%dma_wait3A_364 : memref<2048x1024xf32, #tpu.memory_space<vmem>>)
    %dma_start3A_368 = arith.constant 1 : i32
    %dma_start3A_369 = arith.constant 1 : i32
    %dma_start3A_370 = tpu.memref_slice %arg6[%dma_start3A_369] : memref<4x!tpu.dma_semaphore, #tpu.memory_space<semaphore_mem>> -> memref<1x!tpu.dma_semaphore, #tpu.memory_space<semaphore_mem>>
    %dma_start3A_371 = tpu.memref_squeeze %dma_start3A_370 : memref<1x!tpu.dma_semaphore, #tpu.memory_space<semaphore_mem>> -> memref<!tpu.dma_semaphore, #tpu.memory_space<semaphore_mem>>
    %dma_start3A_372 = arith.constant 10240 : i32
    %dma_start3A_373 = arith.constant 0 : i32
    %dma_start3A_374 = tpu.memref_slice %arg2[%dma_start3A_372, %dma_start3A_373] : memref<32768x1024xf32, #tpu.memory_space<any>> -> memref<2048x1024xf32, #tpu.memory_space<any>>
    %dma_start3A_375 = arith.constant 0 : i32
    %dma_start3A_376 = arith.constant 0 : i32
    %dma_start3A_377 = tpu.memref_slice %arg4[%dma_start3A_368, %dma_start3A_375, %dma_start3A_376] : memref<4x2048x1024xf32, #tpu.memory_space<vmem>> -> memref<1x2048x1024xf32, #tpu.memory_space<vmem>>
    %dma_start3A_378 = tpu.memref_squeeze %dma_start3A_377 : memref<1x2048x1024xf32, #tpu.memory_space<vmem>> -> memref<2048x1024xf32, #tpu.memory_space<vmem>>
    tpu.enqueue_dma source(%dma_start3A_378 : memref<2048x1024xf32, #tpu.memory_space<vmem>>) target(%dma_start3A_374 : memref<2048x1024xf32, #tpu.memory_space<any>>) target_semaphore(%dma_start3A_371 : memref<!tpu.dma_semaphore, #tpu.memory_space<semaphore_mem>>)
    %dma_start3A_379 = arith.constant 1 : i32
    %dma_start3A_380 = arith.constant 1 : i32
    %dma_start3A_381 = arith.constant 1 : i32
    %dma_start3A_382 = tpu.memref_slice %arg7[%dma_start3A_381] : memref<4x!tpu.dma_semaphore, #tpu.memory_space<semaphore_mem>> -> memref<1x!tpu.dma_semaphore, #tpu.memory_space<semaphore_mem>>
    %dma_start3A_383 = tpu.memref_squeeze %dma_start3A_382 : memref<1x!tpu.dma_semaphore, #tpu.memory_space<semaphore_mem>> -> memref<!tpu.dma_semaphore, #tpu.memory_space<semaphore_mem>>
    %dma_start3A_384 = arith.constant 2048 : i32
    %dma_start3A_385 = arith.constant 0 : i32
    %dma_start3A_386 = tpu.memref_slice %arg1[%dma_start3A_380, %dma_start3A_384, %dma_start3A_385] : memref<4x8192x1024xf32, #tpu.memory_space<any>> -> memref<1x2048x1024xf32, #tpu.memory_space<any>>
    %dma_start3A_387 = tpu.memref_squeeze %dma_start3A_386 : memref<1x2048x1024xf32, #tpu.memory_space<any>> -> memref<2048x1024xf32, #tpu.memory_space<any>>
    %dma_start3A_388 = arith.constant 0 : i32
    %dma_start3A_389 = arith.constant 0 : i32
    %dma_start3A_390 = tpu.memref_slice %arg4[%dma_start3A_379, %dma_start3A_388, %dma_start3A_389] : memref<4x2048x1024xf32, #tpu.memory_space<vmem>> -> memref<1x2048x1024xf32, #tpu.memory_space<vmem>>
    %dma_start3A_391 = tpu.memref_squeeze %dma_start3A_390 : memref<1x2048x1024xf32, #tpu.memory_space<vmem>> -> memref<2048x1024xf32, #tpu.memory_space<vmem>>
    tpu.enqueue_dma source(%dma_start3A_391 : memref<2048x1024xf32, #tpu.memory_space<vmem>>) target(%dma_start3A_387 : memref<2048x1024xf32, #tpu.memory_space<any>>) target_semaphore(%dma_start3A_383 : memref<!tpu.dma_semaphore, #tpu.memory_space<semaphore_mem>>)
    %dma_wait3A_392 = arith.constant 2 : i32
    %dma_wait3A_393 = arith.constant 2 : i32
    %dma_wait3A_394 = tpu.memref_slice %arg5[%dma_wait3A_393] : memref<4x!tpu.dma_semaphore, #tpu.memory_space<semaphore_mem>> -> memref<1x!tpu.dma_semaphore, #tpu.memory_space<semaphore_mem>>
    %dma_wait3A_395 = tpu.memref_squeeze %dma_wait3A_394 : memref<1x!tpu.dma_semaphore, #tpu.memory_space<semaphore_mem>> -> memref<!tpu.dma_semaphore, #tpu.memory_space<semaphore_mem>>
    %dma_wait3A_396 = arith.constant 0 : i32
    %dma_wait3A_397 = arith.constant 0 : i32
    %dma_wait3A_398 = tpu.memref_slice %arg4[%dma_wait3A_392, %dma_wait3A_396, %dma_wait3A_397] : memref<4x2048x1024xf32, #tpu.memory_space<vmem>> -> memref<1x2048x1024xf32, #tpu.memory_space<vmem>>
    %dma_wait3A_399 = tpu.memref_squeeze %dma_wait3A_398 : memref<1x2048x1024xf32, #tpu.memory_space<vmem>> -> memref<2048x1024xf32, #tpu.memory_space<vmem>>
    %dma_wait3A_400 = arith.constant 12288 : i32
    %dma_wait3A_401 = arith.constant 0 : i32
    %dma_wait3A_402 = tpu.memref_slice %arg0[%dma_wait3A_400, %dma_wait3A_401] : memref<32768x1024xf32, #tpu.memory_space<any>> -> memref<2048x1024xf32, #tpu.memory_space<any>>
    tpu.wait_dma2 semaphore(%dma_wait3A_395 : memref<!tpu.dma_semaphore, #tpu.memory_space<semaphore_mem>>) src(%dma_wait3A_402 : memref<2048x1024xf32, #tpu.memory_space<any>>) dst(%dma_wait3A_399 : memref<2048x1024xf32, #tpu.memory_space<vmem>>)
    %dma_start3A_403 = arith.constant 2 : i32
    %dma_start3A_404 = arith.constant 2 : i32
    %dma_start3A_405 = tpu.memref_slice %arg6[%dma_start3A_404] : memref<4x!tpu.dma_semaphore, #tpu.memory_space<semaphore_mem>> -> memref<1x!tpu.dma_semaphore, #tpu.memory_space<semaphore_mem>>
    %dma_start3A_406 = tpu.memref_squeeze %dma_start3A_405 : memref<1x!tpu.dma_semaphore, #tpu.memory_space<semaphore_mem>> -> memref<!tpu.dma_semaphore, #tpu.memory_space<semaphore_mem>>
    %dma_start3A_407 = arith.constant 12288 : i32
    %dma_start3A_408 = arith.constant 0 : i32
    %dma_start3A_409 = tpu.memref_slice %arg2[%dma_start3A_407, %dma_start3A_408] : memref<32768x1024xf32, #tpu.memory_space<any>> -> memref<2048x1024xf32, #tpu.memory_space<any>>
    %dma_start3A_410 = arith.constant 0 : i32
    %dma_start3A_411 = arith.constant 0 : i32
    %dma_start3A_412 = tpu.memref_slice %arg4[%dma_start3A_403, %dma_start3A_410, %dma_start3A_411] : memref<4x2048x1024xf32, #tpu.memory_space<vmem>> -> memref<1x2048x1024xf32, #tpu.memory_space<vmem>>
    %dma_start3A_413 = tpu.memref_squeeze %dma_start3A_412 : memref<1x2048x1024xf32, #tpu.memory_space<vmem>> -> memref<2048x1024xf32, #tpu.memory_space<vmem>>
    tpu.enqueue_dma source(%dma_start3A_413 : memref<2048x1024xf32, #tpu.memory_space<vmem>>) target(%dma_start3A_409 : memref<2048x1024xf32, #tpu.memory_space<any>>) target_semaphore(%dma_start3A_406 : memref<!tpu.dma_semaphore, #tpu.memory_space<semaphore_mem>>)
    %dma_start3A_414 = arith.constant 2 : i32
    %dma_start3A_415 = arith.constant 1 : i32
    %dma_start3A_416 = arith.constant 2 : i32
    %dma_start3A_417 = tpu.memref_slice %arg7[%dma_start3A_416] : memref<4x!tpu.dma_semaphore, #tpu.memory_space<semaphore_mem>> -> memref<1x!tpu.dma_semaphore, #tpu.memory_space<semaphore_mem>>
    %dma_start3A_418 = tpu.memref_squeeze %dma_start3A_417 : memref<1x!tpu.dma_semaphore, #tpu.memory_space<semaphore_mem>> -> memref<!tpu.dma_semaphore, #tpu.memory_space<semaphore_mem>>
    %dma_start3A_419 = arith.constant 4096 : i32
    %dma_start3A_420 = arith.constant 0 : i32
    %dma_start3A_421 = tpu.memref_slice %arg1[%dma_start3A_415, %dma_start3A_419, %dma_start3A_420] : memref<4x8192x1024xf32, #tpu.memory_space<any>> -> memref<1x2048x1024xf32, #tpu.memory_space<any>>
    %dma_start3A_422 = tpu.memref_squeeze %dma_start3A_421 : memref<1x2048x1024xf32, #tpu.memory_space<any>> -> memref<2048x1024xf32, #tpu.memory_space<any>>
    %dma_start3A_423 = arith.constant 0 : i32
    %dma_start3A_424 = arith.constant 0 : i32
    %dma_start3A_425 = tpu.memref_slice %arg4[%dma_start3A_414, %dma_start3A_423, %dma_start3A_424] : memref<4x2048x1024xf32, #tpu.memory_space<vmem>> -> memref<1x2048x1024xf32, #tpu.memory_space<vmem>>
    %dma_start3A_426 = tpu.memref_squeeze %dma_start3A_425 : memref<1x2048x1024xf32, #tpu.memory_space<vmem>> -> memref<2048x1024xf32, #tpu.memory_space<vmem>>
    tpu.enqueue_dma source(%dma_start3A_426 : memref<2048x1024xf32, #tpu.memory_space<vmem>>) target(%dma_start3A_422 : memref<2048x1024xf32, #tpu.memory_space<any>>) target_semaphore(%dma_start3A_418 : memref<!tpu.dma_semaphore, #tpu.memory_space<semaphore_mem>>)
    %dma_wait3A_427 = arith.constant 3 : i32
    %dma_wait3A_428 = arith.constant 3 : i32
    %dma_wait3A_429 = tpu.memref_slice %arg5[%dma_wait3A_428] : memref<4x!tpu.dma_semaphore, #tpu.memory_space<semaphore_mem>> -> memref<1x!tpu.dma_semaphore, #tpu.memory_space<semaphore_mem>>
    %dma_wait3A_430 = tpu.memref_squeeze %dma_wait3A_429 : memref<1x!tpu.dma_semaphore, #tpu.memory_space<semaphore_mem>> -> memref<!tpu.dma_semaphore, #tpu.memory_space<semaphore_mem>>
    %dma_wait3A_431 = arith.constant 0 : i32
    %dma_wait3A_432 = arith.constant 0 : i32
    %dma_wait3A_433 = tpu.memref_slice %arg4[%dma_wait3A_427, %dma_wait3A_431, %dma_wait3A_432] : memref<4x2048x1024xf32, #tpu.memory_space<vmem>> -> memref<1x2048x1024xf32, #tpu.memory_space<vmem>>
    %dma_wait3A_434 = tpu.memref_squeeze %dma_wait3A_433 : memref<1x2048x1024xf32, #tpu.memory_space<vmem>> -> memref<2048x1024xf32, #tpu.memory_space<vmem>>
    %dma_wait3A_435 = arith.constant 14336 : i32
    %dma_wait3A_436 = arith.constant 0 : i32
    %dma_wait3A_437 = tpu.memref_slice %arg0[%dma_wait3A_435, %dma_wait3A_436] : memref<32768x1024xf32, #tpu.memory_space<any>> -> memref<2048x1024xf32, #tpu.memory_space<any>>
    tpu.wait_dma2 semaphore(%dma_wait3A_430 : memref<!tpu.dma_semaphore, #tpu.memory_space<semaphore_mem>>) src(%dma_wait3A_437 : memref<2048x1024xf32, #tpu.memory_space<any>>) dst(%dma_wait3A_434 : memref<2048x1024xf32, #tpu.memory_space<vmem>>)
    %dma_start3A_438 = arith.constant 3 : i32
    %dma_start3A_439 = arith.constant 3 : i32
    %dma_start3A_440 = tpu.memref_slice %arg6[%dma_start3A_439] : memref<4x!tpu.dma_semaphore, #tpu.memory_space<semaphore_mem>> -> memref<1x!tpu.dma_semaphore, #tpu.memory_space<semaphore_mem>>
    %dma_start3A_441 = tpu.memref_squeeze %dma_start3A_440 : memref<1x!tpu.dma_semaphore, #tpu.memory_space<semaphore_mem>> -> memref<!tpu.dma_semaphore, #tpu.memory_space<semaphore_mem>>
    %dma_start3A_442 = arith.constant 14336 : i32
    %dma_start3A_443 = arith.constant 0 : i32
    %dma_start3A_444 = tpu.memref_slice %arg2[%dma_start3A_442, %dma_start3A_443] : memref<32768x1024xf32, #tpu.memory_space<any>> -> memref<2048x1024xf32, #tpu.memory_space<any>>
    %dma_start3A_445 = arith.constant 0 : i32
    %dma_start3A_446 = arith.constant 0 : i32
    %dma_start3A_447 = tpu.memref_slice %arg4[%dma_start3A_438, %dma_start3A_445, %dma_start3A_446] : memref<4x2048x1024xf32, #tpu.memory_space<vmem>> -> memref<1x2048x1024xf32, #tpu.memory_space<vmem>>
    %dma_start3A_448 = tpu.memref_squeeze %dma_start3A_447 : memref<1x2048x1024xf32, #tpu.memory_space<vmem>> -> memref<2048x1024xf32, #tpu.memory_space<vmem>>
    tpu.enqueue_dma source(%dma_start3A_448 : memref<2048x1024xf32, #tpu.memory_space<vmem>>) target(%dma_start3A_444 : memref<2048x1024xf32, #tpu.memory_space<any>>) target_semaphore(%dma_start3A_441 : memref<!tpu.dma_semaphore, #tpu.memory_space<semaphore_mem>>)
    %dma_start3A_449 = arith.constant 3 : i32
    %dma_start3A_450 = arith.constant 1 : i32
    %dma_start3A_451 = arith.constant 3 : i32
    %dma_start3A_452 = tpu.memref_slice %arg7[%dma_start3A_451] : memref<4x!tpu.dma_semaphore, #tpu.memory_space<semaphore_mem>> -> memref<1x!tpu.dma_semaphore, #tpu.memory_space<semaphore_mem>>
    %dma_start3A_453 = tpu.memref_squeeze %dma_start3A_452 : memref<1x!tpu.dma_semaphore, #tpu.memory_space<semaphore_mem>> -> memref<!tpu.dma_semaphore, #tpu.memory_space<semaphore_mem>>
    %dma_start3A_454 = arith.constant 6144 : i32
    %dma_start3A_455 = arith.constant 0 : i32
    %dma_start3A_456 = tpu.memref_slice %arg1[%dma_start3A_450, %dma_start3A_454, %dma_start3A_455] : memref<4x8192x1024xf32, #tpu.memory_space<any>> -> memref<1x2048x1024xf32, #tpu.memory_space<any>>
    %dma_start3A_457 = tpu.memref_squeeze %dma_start3A_456 : memref<1x2048x1024xf32, #tpu.memory_space<any>> -> memref<2048x1024xf32, #tpu.memory_space<any>>
    %dma_start3A_458 = arith.constant 0 : i32
    %dma_start3A_459 = arith.constant 0 : i32
    %dma_start3A_460 = tpu.memref_slice %arg4[%dma_start3A_449, %dma_start3A_458, %dma_start3A_459] : memref<4x2048x1024xf32, #tpu.memory_space<vmem>> -> memref<1x2048x1024xf32, #tpu.memory_space<vmem>>
    %dma_start3A_461 = tpu.memref_squeeze %dma_start3A_460 : memref<1x2048x1024xf32, #tpu.memory_space<vmem>> -> memref<2048x1024xf32, #tpu.memory_space<vmem>>
    tpu.enqueue_dma source(%dma_start3A_461 : memref<2048x1024xf32, #tpu.memory_space<vmem>>) target(%dma_start3A_457 : memref<2048x1024xf32, #tpu.memory_space<any>>) target_semaphore(%dma_start3A_453 : memref<!tpu.dma_semaphore, #tpu.memory_space<semaphore_mem>>)
    %dma_wait3A_462 = arith.constant 0 : i32
    %dma_wait3A_463 = arith.constant 0 : i32
    %dma_wait3A_464 = tpu.memref_slice %arg6[%dma_wait3A_463] : memref<4x!tpu.dma_semaphore, #tpu.memory_space<semaphore_mem>> -> memref<1x!tpu.dma_semaphore, #tpu.memory_space<semaphore_mem>>
    %dma_wait3A_465 = tpu.memref_squeeze %dma_wait3A_464 : memref<1x!tpu.dma_semaphore, #tpu.memory_space<semaphore_mem>> -> memref<!tpu.dma_semaphore, #tpu.memory_space<semaphore_mem>>
    %dma_wait3A_466 = arith.constant 8192 : i32
    %dma_wait3A_467 = arith.constant 0 : i32
    %dma_wait3A_468 = tpu.memref_slice %arg2[%dma_wait3A_466, %dma_wait3A_467] : memref<32768x1024xf32, #tpu.memory_space<any>> -> memref<2048x1024xf32, #tpu.memory_space<any>>
    %dma_wait3A_469 = arith.constant 0 : i32
    %dma_wait3A_470 = arith.constant 0 : i32
    %dma_wait3A_471 = tpu.memref_slice %arg4[%dma_wait3A_462, %dma_wait3A_469, %dma_wait3A_470] : memref<4x2048x1024xf32, #tpu.memory_space<vmem>> -> memref<1x2048x1024xf32, #tpu.memory_space<vmem>>
    %dma_wait3A_472 = tpu.memref_squeeze %dma_wait3A_471 : memref<1x2048x1024xf32, #tpu.memory_space<vmem>> -> memref<2048x1024xf32, #tpu.memory_space<vmem>>
    tpu.wait_dma2 semaphore(%dma_wait3A_465 : memref<!tpu.dma_semaphore, #tpu.memory_space<semaphore_mem>>) src(%dma_wait3A_472 : memref<2048x1024xf32, #tpu.memory_space<vmem>>) dst(%dma_wait3A_468 : memref<2048x1024xf32, #tpu.memory_space<any>>)
    %dma_wait3A_473 = arith.constant 0 : i32
    %dma_wait3A_474 = arith.constant 1 : i32
    %dma_wait3A_475 = arith.constant 0 : i32
    %dma_wait3A_476 = tpu.memref_slice %arg7[%dma_wait3A_475] : memref<4x!tpu.dma_semaphore, #tpu.memory_space<semaphore_mem>> -> memref<1x!tpu.dma_semaphore, #tpu.memory_space<semaphore_mem>>
    %dma_wait3A_477 = tpu.memref_squeeze %dma_wait3A_476 : memref<1x!tpu.dma_semaphore, #tpu.memory_space<semaphore_mem>> -> memref<!tpu.dma_semaphore, #tpu.memory_space<semaphore_mem>>
    %dma_wait3A_478 = arith.constant 0 : i32
    %dma_wait3A_479 = arith.constant 0 : i32
    %dma_wait3A_480 = tpu.memref_slice %arg1[%dma_wait3A_474, %dma_wait3A_478, %dma_wait3A_479] : memref<4x8192x1024xf32, #tpu.memory_space<any>> -> memref<1x2048x1024xf32, #tpu.memory_space<any>>
    %dma_wait3A_481 = tpu.memref_squeeze %dma_wait3A_480 : memref<1x2048x1024xf32, #tpu.memory_space<any>> -> memref<2048x1024xf32, #tpu.memory_space<any>>
    %dma_wait3A_482 = arith.constant 0 : i32
    %dma_wait3A_483 = arith.constant 0 : i32
    %dma_wait3A_484 = tpu.memref_slice %arg4[%dma_wait3A_473, %dma_wait3A_482, %dma_wait3A_483] : memref<4x2048x1024xf32, #tpu.memory_space<vmem>> -> memref<1x2048x1024xf32, #tpu.memory_space<vmem>>
    %dma_wait3A_485 = tpu.memref_squeeze %dma_wait3A_484 : memref<1x2048x1024xf32, #tpu.memory_space<vmem>> -> memref<2048x1024xf32, #tpu.memory_space<vmem>>
    tpu.wait_dma2 semaphore(%dma_wait3A_477 : memref<!tpu.dma_semaphore, #tpu.memory_space<semaphore_mem>>) src(%dma_wait3A_485 : memref<2048x1024xf32, #tpu.memory_space<vmem>>) dst(%dma_wait3A_481 : memref<2048x1024xf32, #tpu.memory_space<any>>)
    %dma_start3A_486 = arith.constant 0 : i32
    %dma_start3A_487 = arith.constant 0 : i32
    %dma_start3A_488 = tpu.memref_slice %arg5[%dma_start3A_487] : memref<4x!tpu.dma_semaphore, #tpu.memory_space<semaphore_mem>> -> memref<1x!tpu.dma_semaphore, #tpu.memory_space<semaphore_mem>>
    %dma_start3A_489 = tpu.memref_squeeze %dma_start3A_488 : memref<1x!tpu.dma_semaphore, #tpu.memory_space<semaphore_mem>> -> memref<!tpu.dma_semaphore, #tpu.memory_space<semaphore_mem>>
    %dma_start3A_490 = arith.constant 0 : i32
    %dma_start3A_491 = arith.constant 0 : i32
    %dma_start3A_492 = tpu.memref_slice %arg4[%dma_start3A_486, %dma_start3A_490, %dma_start3A_491] : memref<4x2048x1024xf32, #tpu.memory_space<vmem>> -> memref<1x2048x1024xf32, #tpu.memory_space<vmem>>
    %dma_start3A_493 = tpu.memref_squeeze %dma_start3A_492 : memref<1x2048x1024xf32, #tpu.memory_space<vmem>> -> memref<2048x1024xf32, #tpu.memory_space<vmem>>
    %dma_start3A_494 = arith.constant 16384 : i32
    %dma_start3A_495 = arith.constant 0 : i32
    %dma_start3A_496 = tpu.memref_slice %arg0[%dma_start3A_494, %dma_start3A_495] : memref<32768x1024xf32, #tpu.memory_space<any>> -> memref<2048x1024xf32, #tpu.memory_space<any>>
    tpu.enqueue_dma source(%dma_start3A_496 : memref<2048x1024xf32, #tpu.memory_space<any>>) target(%dma_start3A_493 : memref<2048x1024xf32, #tpu.memory_space<vmem>>) target_semaphore(%dma_start3A_489 : memref<!tpu.dma_semaphore, #tpu.memory_space<semaphore_mem>>)
    %dma_wait3A_497 = arith.constant 1 : i32
    %dma_wait3A_498 = arith.constant 1 : i32
    %dma_wait3A_499 = tpu.memref_slice %arg6[%dma_wait3A_498] : memref<4x!tpu.dma_semaphore, #tpu.memory_space<semaphore_mem>> -> memref<1x!tpu.dma_semaphore, #tpu.memory_space<semaphore_mem>>
    %dma_wait3A_500 = tpu.memref_squeeze %dma_wait3A_499 : memref<1x!tpu.dma_semaphore, #tpu.memory_space<semaphore_mem>> -> memref<!tpu.dma_semaphore, #tpu.memory_space<semaphore_mem>>
    %dma_wait3A_501 = arith.constant 10240 : i32
    %dma_wait3A_502 = arith.constant 0 : i32
    %dma_wait3A_503 = tpu.memref_slice %arg2[%dma_wait3A_501, %dma_wait3A_502] : memref<32768x1024xf32, #tpu.memory_space<any>> -> memref<2048x1024xf32, #tpu.memory_space<any>>
    %dma_wait3A_504 = arith.constant 0 : i32
    %dma_wait3A_505 = arith.constant 0 : i32
    %dma_wait3A_506 = tpu.memref_slice %arg4[%dma_wait3A_497, %dma_wait3A_504, %dma_wait3A_505] : memref<4x2048x1024xf32, #tpu.memory_space<vmem>> -> memref<1x2048x1024xf32, #tpu.memory_space<vmem>>
    %dma_wait3A_507 = tpu.memref_squeeze %dma_wait3A_506 : memref<1x2048x1024xf32, #tpu.memory_space<vmem>> -> memref<2048x1024xf32, #tpu.memory_space<vmem>>
    tpu.wait_dma2 semaphore(%dma_wait3A_500 : memref<!tpu.dma_semaphore, #tpu.memory_space<semaphore_mem>>) src(%dma_wait3A_507 : memref<2048x1024xf32, #tpu.memory_space<vmem>>) dst(%dma_wait3A_503 : memref<2048x1024xf32, #tpu.memory_space<any>>)
    %dma_wait3A_508 = arith.constant 1 : i32
    %dma_wait3A_509 = arith.constant 1 : i32
    %dma_wait3A_510 = arith.constant 1 : i32
    %dma_wait3A_511 = tpu.memref_slice %arg7[%dma_wait3A_510] : memref<4x!tpu.dma_semaphore, #tpu.memory_space<semaphore_mem>> -> memref<1x!tpu.dma_semaphore, #tpu.memory_space<semaphore_mem>>
    %dma_wait3A_512 = tpu.memref_squeeze %dma_wait3A_511 : memref<1x!tpu.dma_semaphore, #tpu.memory_space<semaphore_mem>> -> memref<!tpu.dma_semaphore, #tpu.memory_space<semaphore_mem>>
    %dma_wait3A_513 = arith.constant 2048 : i32
    %dma_wait3A_514 = arith.constant 0 : i32
    %dma_wait3A_515 = tpu.memref_slice %arg1[%dma_wait3A_509, %dma_wait3A_513, %dma_wait3A_514] : memref<4x8192x1024xf32, #tpu.memory_space<any>> -> memref<1x2048x1024xf32, #tpu.memory_space<any>>
    %dma_wait3A_516 = tpu.memref_squeeze %dma_wait3A_515 : memref<1x2048x1024xf32, #tpu.memory_space<any>> -> memref<2048x1024xf32, #tpu.memory_space<any>>
    %dma_wait3A_517 = arith.constant 0 : i32
    %dma_wait3A_518 = arith.constant 0 : i32
    %dma_wait3A_519 = tpu.memref_slice %arg4[%dma_wait3A_508, %dma_wait3A_517, %dma_wait3A_518] : memref<4x2048x1024xf32, #tpu.memory_space<vmem>> -> memref<1x2048x1024xf32, #tpu.memory_space<vmem>>
    %dma_wait3A_520 = tpu.memref_squeeze %dma_wait3A_519 : memref<1x2048x1024xf32, #tpu.memory_space<vmem>> -> memref<2048x1024xf32, #tpu.memory_space<vmem>>
    tpu.wait_dma2 semaphore(%dma_wait3A_512 : memref<!tpu.dma_semaphore, #tpu.memory_space<semaphore_mem>>) src(%dma_wait3A_520 : memref<2048x1024xf32, #tpu.memory_space<vmem>>) dst(%dma_wait3A_516 : memref<2048x1024xf32, #tpu.memory_space<any>>)
    %dma_start3A_521 = arith.constant 1 : i32
    %dma_start3A_522 = arith.constant 1 : i32
    %dma_start3A_523 = tpu.memref_slice %arg5[%dma_start3A_522] : memref<4x!tpu.dma_semaphore, #tpu.memory_space<semaphore_mem>> -> memref<1x!tpu.dma_semaphore, #tpu.memory_space<semaphore_mem>>
    %dma_start3A_524 = tpu.memref_squeeze %dma_start3A_523 : memref<1x!tpu.dma_semaphore, #tpu.memory_space<semaphore_mem>> -> memref<!tpu.dma_semaphore, #tpu.memory_space<semaphore_mem>>
    %dma_start3A_525 = arith.constant 0 : i32
    %dma_start3A_526 = arith.constant 0 : i32
    %dma_start3A_527 = tpu.memref_slice %arg4[%dma_start3A_521, %dma_start3A_525, %dma_start3A_526] : memref<4x2048x1024xf32, #tpu.memory_space<vmem>> -> memref<1x2048x1024xf32, #tpu.memory_space<vmem>>
    %dma_start3A_528 = tpu.memref_squeeze %dma_start3A_527 : memref<1x2048x1024xf32, #tpu.memory_space<vmem>> -> memref<2048x1024xf32, #tpu.memory_space<vmem>>
    %dma_start3A_529 = arith.constant 18432 : i32
    %dma_start3A_530 = arith.constant 0 : i32
    %dma_start3A_531 = tpu.memref_slice %arg0[%dma_start3A_529, %dma_start3A_530] : memref<32768x1024xf32, #tpu.memory_space<any>> -> memref<2048x1024xf32, #tpu.memory_space<any>>
    tpu.enqueue_dma source(%dma_start3A_531 : memref<2048x1024xf32, #tpu.memory_space<any>>) target(%dma_start3A_528 : memref<2048x1024xf32, #tpu.memory_space<vmem>>) target_semaphore(%dma_start3A_524 : memref<!tpu.dma_semaphore, #tpu.memory_space<semaphore_mem>>)
    %dma_wait3A_532 = arith.constant 2 : i32
    %dma_wait3A_533 = arith.constant 2 : i32
    %dma_wait3A_534 = tpu.memref_slice %arg6[%dma_wait3A_533] : memref<4x!tpu.dma_semaphore, #tpu.memory_space<semaphore_mem>> -> memref<1x!tpu.dma_semaphore, #tpu.memory_space<semaphore_mem>>
    %dma_wait3A_535 = tpu.memref_squeeze %dma_wait3A_534 : memref<1x!tpu.dma_semaphore, #tpu.memory_space<semaphore_mem>> -> memref<!tpu.dma_semaphore, #tpu.memory_space<semaphore_mem>>
    %dma_wait3A_536 = arith.constant 12288 : i32
    %dma_wait3A_537 = arith.constant 0 : i32
    %dma_wait3A_538 = tpu.memref_slice %arg2[%dma_wait3A_536, %dma_wait3A_537] : memref<32768x1024xf32, #tpu.memory_space<any>> -> memref<2048x1024xf32, #tpu.memory_space<any>>
    %dma_wait3A_539 = arith.constant 0 : i32
    %dma_wait3A_540 = arith.constant 0 : i32
    %dma_wait3A_541 = tpu.memref_slice %arg4[%dma_wait3A_532, %dma_wait3A_539, %dma_wait3A_540] : memref<4x2048x1024xf32, #tpu.memory_space<vmem>> -> memref<1x2048x1024xf32, #tpu.memory_space<vmem>>
    %dma_wait3A_542 = tpu.memref_squeeze %dma_wait3A_541 : memref<1x2048x1024xf32, #tpu.memory_space<vmem>> -> memref<2048x1024xf32, #tpu.memory_space<vmem>>
    tpu.wait_dma2 semaphore(%dma_wait3A_535 : memref<!tpu.dma_semaphore, #tpu.memory_space<semaphore_mem>>) src(%dma_wait3A_542 : memref<2048x1024xf32, #tpu.memory_space<vmem>>) dst(%dma_wait3A_538 : memref<2048x1024xf32, #tpu.memory_space<any>>)
    %dma_wait3A_543 = arith.constant 2 : i32
    %dma_wait3A_544 = arith.constant 1 : i32
    %dma_wait3A_545 = arith.constant 2 : i32
    %dma_wait3A_546 = tpu.memref_slice %arg7[%dma_wait3A_545] : memref<4x!tpu.dma_semaphore, #tpu.memory_space<semaphore_mem>> -> memref<1x!tpu.dma_semaphore, #tpu.memory_space<semaphore_mem>>
    %dma_wait3A_547 = tpu.memref_squeeze %dma_wait3A_546 : memref<1x!tpu.dma_semaphore, #tpu.memory_space<semaphore_mem>> -> memref<!tpu.dma_semaphore, #tpu.memory_space<semaphore_mem>>
    %dma_wait3A_548 = arith.constant 4096 : i32
    %dma_wait3A_549 = arith.constant 0 : i32
    %dma_wait3A_550 = tpu.memref_slice %arg1[%dma_wait3A_544, %dma_wait3A_548, %dma_wait3A_549] : memref<4x8192x1024xf32, #tpu.memory_space<any>> -> memref<1x2048x1024xf32, #tpu.memory_space<any>>
    %dma_wait3A_551 = tpu.memref_squeeze %dma_wait3A_550 : memref<1x2048x1024xf32, #tpu.memory_space<any>> -> memref<2048x1024xf32, #tpu.memory_space<any>>
    %dma_wait3A_552 = arith.constant 0 : i32
    %dma_wait3A_553 = arith.constant 0 : i32
    %dma_wait3A_554 = tpu.memref_slice %arg4[%dma_wait3A_543, %dma_wait3A_552, %dma_wait3A_553] : memref<4x2048x1024xf32, #tpu.memory_space<vmem>> -> memref<1x2048x1024xf32, #tpu.memory_space<vmem>>
    %dma_wait3A_555 = tpu.memref_squeeze %dma_wait3A_554 : memref<1x2048x1024xf32, #tpu.memory_space<vmem>> -> memref<2048x1024xf32, #tpu.memory_space<vmem>>
    tpu.wait_dma2 semaphore(%dma_wait3A_547 : memref<!tpu.dma_semaphore, #tpu.memory_space<semaphore_mem>>) src(%dma_wait3A_555 : memref<2048x1024xf32, #tpu.memory_space<vmem>>) dst(%dma_wait3A_551 : memref<2048x1024xf32, #tpu.memory_space<any>>)
    %dma_start3A_556 = arith.constant 2 : i32
    %dma_start3A_557 = arith.constant 2 : i32
    %dma_start3A_558 = tpu.memref_slice %arg5[%dma_start3A_557] : memref<4x!tpu.dma_semaphore, #tpu.memory_space<semaphore_mem>> -> memref<1x!tpu.dma_semaphore, #tpu.memory_space<semaphore_mem>>
    %dma_start3A_559 = tpu.memref_squeeze %dma_start3A_558 : memref<1x!tpu.dma_semaphore, #tpu.memory_space<semaphore_mem>> -> memref<!tpu.dma_semaphore, #tpu.memory_space<semaphore_mem>>
    %dma_start3A_560 = arith.constant 0 : i32
    %dma_start3A_561 = arith.constant 0 : i32
    %dma_start3A_562 = tpu.memref_slice %arg4[%dma_start3A_556, %dma_start3A_560, %dma_start3A_561] : memref<4x2048x1024xf32, #tpu.memory_space<vmem>> -> memref<1x2048x1024xf32, #tpu.memory_space<vmem>>
    %dma_start3A_563 = tpu.memref_squeeze %dma_start3A_562 : memref<1x2048x1024xf32, #tpu.memory_space<vmem>> -> memref<2048x1024xf32, #tpu.memory_space<vmem>>
    %dma_start3A_564 = arith.constant 20480 : i32
    %dma_start3A_565 = arith.constant 0 : i32
    %dma_start3A_566 = tpu.memref_slice %arg0[%dma_start3A_564, %dma_start3A_565] : memref<32768x1024xf32, #tpu.memory_space<any>> -> memref<2048x1024xf32, #tpu.memory_space<any>>
    tpu.enqueue_dma source(%dma_start3A_566 : memref<2048x1024xf32, #tpu.memory_space<any>>) target(%dma_start3A_563 : memref<2048x1024xf32, #tpu.memory_space<vmem>>) target_semaphore(%dma_start3A_559 : memref<!tpu.dma_semaphore, #tpu.memory_space<semaphore_mem>>)
    %dma_wait3A_567 = arith.constant 3 : i32
    %dma_wait3A_568 = arith.constant 3 : i32
    %dma_wait3A_569 = tpu.memref_slice %arg6[%dma_wait3A_568] : memref<4x!tpu.dma_semaphore, #tpu.memory_space<semaphore_mem>> -> memref<1x!tpu.dma_semaphore, #tpu.memory_space<semaphore_mem>>
    %dma_wait3A_570 = tpu.memref_squeeze %dma_wait3A_569 : memref<1x!tpu.dma_semaphore, #tpu.memory_space<semaphore_mem>> -> memref<!tpu.dma_semaphore, #tpu.memory_space<semaphore_mem>>
    %dma_wait3A_571 = arith.constant 14336 : i32
    %dma_wait3A_572 = arith.constant 0 : i32
    %dma_wait3A_573 = tpu.memref_slice %arg2[%dma_wait3A_571, %dma_wait3A_572] : memref<32768x1024xf32, #tpu.memory_space<any>> -> memref<2048x1024xf32, #tpu.memory_space<any>>
    %dma_wait3A_574 = arith.constant 0 : i32
    %dma_wait3A_575 = arith.constant 0 : i32
    %dma_wait3A_576 = tpu.memref_slice %arg4[%dma_wait3A_567, %dma_wait3A_574, %dma_wait3A_575] : memref<4x2048x1024xf32, #tpu.memory_space<vmem>> -> memref<1x2048x1024xf32, #tpu.memory_space<vmem>>
    %dma_wait3A_577 = tpu.memref_squeeze %dma_wait3A_576 : memref<1x2048x1024xf32, #tpu.memory_space<vmem>> -> memref<2048x1024xf32, #tpu.memory_space<vmem>>
    tpu.wait_dma2 semaphore(%dma_wait3A_570 : memref<!tpu.dma_semaphore, #tpu.memory_space<semaphore_mem>>) src(%dma_wait3A_577 : memref<2048x1024xf32, #tpu.memory_space<vmem>>) dst(%dma_wait3A_573 : memref<2048x1024xf32, #tpu.memory_space<any>>)
    %dma_wait3A_578 = arith.constant 3 : i32
    %dma_wait3A_579 = arith.constant 1 : i32
    %dma_wait3A_580 = arith.constant 3 : i32
    %dma_wait3A_581 = tpu.memref_slice %arg7[%dma_wait3A_580] : memref<4x!tpu.dma_semaphore, #tpu.memory_space<semaphore_mem>> -> memref<1x!tpu.dma_semaphore, #tpu.memory_space<semaphore_mem>>
    %dma_wait3A_582 = tpu.memref_squeeze %dma_wait3A_581 : memref<1x!tpu.dma_semaphore, #tpu.memory_space<semaphore_mem>> -> memref<!tpu.dma_semaphore, #tpu.memory_space<semaphore_mem>>
    %dma_wait3A_583 = arith.constant 6144 : i32
    %dma_wait3A_584 = arith.constant 0 : i32
    %dma_wait3A_585 = tpu.memref_slice %arg1[%dma_wait3A_579, %dma_wait3A_583, %dma_wait3A_584] : memref<4x8192x1024xf32, #tpu.memory_space<any>> -> memref<1x2048x1024xf32, #tpu.memory_space<any>>
    %dma_wait3A_586 = tpu.memref_squeeze %dma_wait3A_585 : memref<1x2048x1024xf32, #tpu.memory_space<any>> -> memref<2048x1024xf32, #tpu.memory_space<any>>
    %dma_wait3A_587 = arith.constant 0 : i32
    %dma_wait3A_588 = arith.constant 0 : i32
    %dma_wait3A_589 = tpu.memref_slice %arg4[%dma_wait3A_578, %dma_wait3A_587, %dma_wait3A_588] : memref<4x2048x1024xf32, #tpu.memory_space<vmem>> -> memref<1x2048x1024xf32, #tpu.memory_space<vmem>>
    %dma_wait3A_590 = tpu.memref_squeeze %dma_wait3A_589 : memref<1x2048x1024xf32, #tpu.memory_space<vmem>> -> memref<2048x1024xf32, #tpu.memory_space<vmem>>
    tpu.wait_dma2 semaphore(%dma_wait3A_582 : memref<!tpu.dma_semaphore, #tpu.memory_space<semaphore_mem>>) src(%dma_wait3A_590 : memref<2048x1024xf32, #tpu.memory_space<vmem>>) dst(%dma_wait3A_586 : memref<2048x1024xf32, #tpu.memory_space<any>>)
    %dma_start3A_591 = arith.constant 3 : i32
    %dma_start3A_592 = arith.constant 3 : i32
    %dma_start3A_593 = tpu.memref_slice %arg5[%dma_start3A_592] : memref<4x!tpu.dma_semaphore, #tpu.memory_space<semaphore_mem>> -> memref<1x!tpu.dma_semaphore, #tpu.memory_space<semaphore_mem>>
    %dma_start3A_594 = tpu.memref_squeeze %dma_start3A_593 : memref<1x!tpu.dma_semaphore, #tpu.memory_space<semaphore_mem>> -> memref<!tpu.dma_semaphore, #tpu.memory_space<semaphore_mem>>
    %dma_start3A_595 = arith.constant 0 : i32
    %dma_start3A_596 = arith.constant 0 : i32
    %dma_start3A_597 = tpu.memref_slice %arg4[%dma_start3A_591, %dma_start3A_595, %dma_start3A_596] : memref<4x2048x1024xf32, #tpu.memory_space<vmem>> -> memref<1x2048x1024xf32, #tpu.memory_space<vmem>>
    %dma_start3A_598 = tpu.memref_squeeze %dma_start3A_597 : memref<1x2048x1024xf32, #tpu.memory_space<vmem>> -> memref<2048x1024xf32, #tpu.memory_space<vmem>>
    %dma_start3A_599 = arith.constant 22528 : i32
    %dma_start3A_600 = arith.constant 0 : i32
    %dma_start3A_601 = tpu.memref_slice %arg0[%dma_start3A_599, %dma_start3A_600] : memref<32768x1024xf32, #tpu.memory_space<any>> -> memref<2048x1024xf32, #tpu.memory_space<any>>
    tpu.enqueue_dma source(%dma_start3A_601 : memref<2048x1024xf32, #tpu.memory_space<any>>) target(%dma_start3A_598 : memref<2048x1024xf32, #tpu.memory_space<vmem>>) target_semaphore(%dma_start3A_594 : memref<!tpu.dma_semaphore, #tpu.memory_space<semaphore_mem>>)
    %dma_wait3A_602 = arith.constant 0 : i32
    %dma_wait3A_603 = arith.constant 0 : i32
    %dma_wait3A_604 = tpu.memref_slice %arg5[%dma_wait3A_603] : memref<4x!tpu.dma_semaphore, #tpu.memory_space<semaphore_mem>> -> memref<1x!tpu.dma_semaphore, #tpu.memory_space<semaphore_mem>>
    %dma_wait3A_605 = tpu.memref_squeeze %dma_wait3A_604 : memref<1x!tpu.dma_semaphore, #tpu.memory_space<semaphore_mem>> -> memref<!tpu.dma_semaphore, #tpu.memory_space<semaphore_mem>>
    %dma_wait3A_606 = arith.constant 0 : i32
    %dma_wait3A_607 = arith.constant 0 : i32
    %dma_wait3A_608 = tpu.memref_slice %arg4[%dma_wait3A_602, %dma_wait3A_606, %dma_wait3A_607] : memref<4x2048x1024xf32, #tpu.memory_space<vmem>> -> memref<1x2048x1024xf32, #tpu.memory_space<vmem>>
    %dma_wait3A_609 = tpu.memref_squeeze %dma_wait3A_608 : memref<1x2048x1024xf32, #tpu.memory_space<vmem>> -> memref<2048x1024xf32, #tpu.memory_space<vmem>>
    %dma_wait3A_610 = arith.constant 16384 : i32
    %dma_wait3A_611 = arith.constant 0 : i32
    %dma_wait3A_612 = tpu.memref_slice %arg0[%dma_wait3A_610, %dma_wait3A_611] : memref<32768x1024xf32, #tpu.memory_space<any>> -> memref<2048x1024xf32, #tpu.memory_space<any>>
    tpu.wait_dma2 semaphore(%dma_wait3A_605 : memref<!tpu.dma_semaphore, #tpu.memory_space<semaphore_mem>>) src(%dma_wait3A_612 : memref<2048x1024xf32, #tpu.memory_space<any>>) dst(%dma_wait3A_609 : memref<2048x1024xf32, #tpu.memory_space<vmem>>)
    %dma_start3A_613 = arith.constant 0 : i32
    %dma_start3A_614 = arith.constant 0 : i32
    %dma_start3A_615 = tpu.memref_slice %arg6[%dma_start3A_614] : memref<4x!tpu.dma_semaphore, #tpu.memory_space<semaphore_mem>> -> memref<1x!tpu.dma_semaphore, #tpu.memory_space<semaphore_mem>>
    %dma_start3A_616 = tpu.memref_squeeze %dma_start3A_615 : memref<1x!tpu.dma_semaphore, #tpu.memory_space<semaphore_mem>> -> memref<!tpu.dma_semaphore, #tpu.memory_space<semaphore_mem>>
    %dma_start3A_617 = arith.constant 16384 : i32
    %dma_start3A_618 = arith.constant 0 : i32
    %dma_start3A_619 = tpu.memref_slice %arg2[%dma_start3A_617, %dma_start3A_618] : memref<32768x1024xf32, #tpu.memory_space<any>> -> memref<2048x1024xf32, #tpu.memory_space<any>>
    %dma_start3A_620 = arith.constant 0 : i32
    %dma_start3A_621 = arith.constant 0 : i32
    %dma_start3A_622 = tpu.memref_slice %arg4[%dma_start3A_613, %dma_start3A_620, %dma_start3A_621] : memref<4x2048x1024xf32, #tpu.memory_space<vmem>> -> memref<1x2048x1024xf32, #tpu.memory_space<vmem>>
    %dma_start3A_623 = tpu.memref_squeeze %dma_start3A_622 : memref<1x2048x1024xf32, #tpu.memory_space<vmem>> -> memref<2048x1024xf32, #tpu.memory_space<vmem>>
    tpu.enqueue_dma source(%dma_start3A_623 : memref<2048x1024xf32, #tpu.memory_space<vmem>>) target(%dma_start3A_619 : memref<2048x1024xf32, #tpu.memory_space<any>>) target_semaphore(%dma_start3A_616 : memref<!tpu.dma_semaphore, #tpu.memory_space<semaphore_mem>>)
    %dma_start3A_624 = arith.constant 0 : i32
    %dma_start3A_625 = arith.constant 2 : i32
    %dma_start3A_626 = arith.constant 0 : i32
    %dma_start3A_627 = tpu.memref_slice %arg7[%dma_start3A_626] : memref<4x!tpu.dma_semaphore, #tpu.memory_space<semaphore_mem>> -> memref<1x!tpu.dma_semaphore, #tpu.memory_space<semaphore_mem>>
    %dma_start3A_628 = tpu.memref_squeeze %dma_start3A_627 : memref<1x!tpu.dma_semaphore, #tpu.memory_space<semaphore_mem>> -> memref<!tpu.dma_semaphore, #tpu.memory_space<semaphore_mem>>
    %dma_start3A_629 = arith.constant 0 : i32
    %dma_start3A_630 = arith.constant 0 : i32
    %dma_start3A_631 = tpu.memref_slice %arg1[%dma_start3A_625, %dma_start3A_629, %dma_start3A_630] : memref<4x8192x1024xf32, #tpu.memory_space<any>> -> memref<1x2048x1024xf32, #tpu.memory_space<any>>
    %dma_start3A_632 = tpu.memref_squeeze %dma_start3A_631 : memref<1x2048x1024xf32, #tpu.memory_space<any>> -> memref<2048x1024xf32, #tpu.memory_space<any>>
    %dma_start3A_633 = arith.constant 0 : i32
    %dma_start3A_634 = arith.constant 0 : i32
    %dma_start3A_635 = tpu.memref_slice %arg4[%dma_start3A_624, %dma_start3A_633, %dma_start3A_634] : memref<4x2048x1024xf32, #tpu.memory_space<vmem>> -> memref<1x2048x1024xf32, #tpu.memory_space<vmem>>
    %dma_start3A_636 = tpu.memref_squeeze %dma_start3A_635 : memref<1x2048x1024xf32, #tpu.memory_space<vmem>> -> memref<2048x1024xf32, #tpu.memory_space<vmem>>
    tpu.enqueue_dma source(%dma_start3A_636 : memref<2048x1024xf32, #tpu.memory_space<vmem>>) target(%dma_start3A_632 : memref<2048x1024xf32, #tpu.memory_space<any>>) target_semaphore(%dma_start3A_628 : memref<!tpu.dma_semaphore, #tpu.memory_space<semaphore_mem>>)
    %dma_wait3A_637 = arith.constant 1 : i32
    %dma_wait3A_638 = arith.constant 1 : i32
    %dma_wait3A_639 = tpu.memref_slice %arg5[%dma_wait3A_638] : memref<4x!tpu.dma_semaphore, #tpu.memory_space<semaphore_mem>> -> memref<1x!tpu.dma_semaphore, #tpu.memory_space<semaphore_mem>>
    %dma_wait3A_640 = tpu.memref_squeeze %dma_wait3A_639 : memref<1x!tpu.dma_semaphore, #tpu.memory_space<semaphore_mem>> -> memref<!tpu.dma_semaphore, #tpu.memory_space<semaphore_mem>>
    %dma_wait3A_641 = arith.constant 0 : i32
    %dma_wait3A_642 = arith.constant 0 : i32
    %dma_wait3A_643 = tpu.memref_slice %arg4[%dma_wait3A_637, %dma_wait3A_641, %dma_wait3A_642] : memref<4x2048x1024xf32, #tpu.memory_space<vmem>> -> memref<1x2048x1024xf32, #tpu.memory_space<vmem>>
    %dma_wait3A_644 = tpu.memref_squeeze %dma_wait3A_643 : memref<1x2048x1024xf32, #tpu.memory_space<vmem>> -> memref<2048x1024xf32, #tpu.memory_space<vmem>>
    %dma_wait3A_645 = arith.constant 18432 : i32
    %dma_wait3A_646 = arith.constant 0 : i32
    %dma_wait3A_647 = tpu.memref_slice %arg0[%dma_wait3A_645, %dma_wait3A_646] : memref<32768x1024xf32, #tpu.memory_space<any>> -> memref<2048x1024xf32, #tpu.memory_space<any>>
    tpu.wait_dma2 semaphore(%dma_wait3A_640 : memref<!tpu.dma_semaphore, #tpu.memory_space<semaphore_mem>>) src(%dma_wait3A_647 : memref<2048x1024xf32, #tpu.memory_space<any>>) dst(%dma_wait3A_644 : memref<2048x1024xf32, #tpu.memory_space<vmem>>)
    %dma_start3A_648 = arith.constant 1 : i32
    %dma_start3A_649 = arith.constant 1 : i32
    %dma_start3A_650 = tpu.memref_slice %arg6[%dma_start3A_649] : memref<4x!tpu.dma_semaphore, #tpu.memory_space<semaphore_mem>> -> memref<1x!tpu.dma_semaphore, #tpu.memory_space<semaphore_mem>>
    %dma_start3A_651 = tpu.memref_squeeze %dma_start3A_650 : memref<1x!tpu.dma_semaphore, #tpu.memory_space<semaphore_mem>> -> memref<!tpu.dma_semaphore, #tpu.memory_space<semaphore_mem>>
    %dma_start3A_652 = arith.constant 18432 : i32
    %dma_start3A_653 = arith.constant 0 : i32
    %dma_start3A_654 = tpu.memref_slice %arg2[%dma_start3A_652, %dma_start3A_653] : memref<32768x1024xf32, #tpu.memory_space<any>> -> memref<2048x1024xf32, #tpu.memory_space<any>>
    %dma_start3A_655 = arith.constant 0 : i32
    %dma_start3A_656 = arith.constant 0 : i32
    %dma_start3A_657 = tpu.memref_slice %arg4[%dma_start3A_648, %dma_start3A_655, %dma_start3A_656] : memref<4x2048x1024xf32, #tpu.memory_space<vmem>> -> memref<1x2048x1024xf32, #tpu.memory_space<vmem>>
    %dma_start3A_658 = tpu.memref_squeeze %dma_start3A_657 : memref<1x2048x1024xf32, #tpu.memory_space<vmem>> -> memref<2048x1024xf32, #tpu.memory_space<vmem>>
    tpu.enqueue_dma source(%dma_start3A_658 : memref<2048x1024xf32, #tpu.memory_space<vmem>>) target(%dma_start3A_654 : memref<2048x1024xf32, #tpu.memory_space<any>>) target_semaphore(%dma_start3A_651 : memref<!tpu.dma_semaphore, #tpu.memory_space<semaphore_mem>>)
    %dma_start3A_659 = arith.constant 1 : i32
    %dma_start3A_660 = arith.constant 2 : i32
    %dma_start3A_661 = arith.constant 1 : i32
    %dma_start3A_662 = tpu.memref_slice %arg7[%dma_start3A_661] : memref<4x!tpu.dma_semaphore, #tpu.memory_space<semaphore_mem>> -> memref<1x!tpu.dma_semaphore, #tpu.memory_space<semaphore_mem>>
    %dma_start3A_663 = tpu.memref_squeeze %dma_start3A_662 : memref<1x!tpu.dma_semaphore, #tpu.memory_space<semaphore_mem>> -> memref<!tpu.dma_semaphore, #tpu.memory_space<semaphore_mem>>
    %dma_start3A_664 = arith.constant 2048 : i32
    %dma_start3A_665 = arith.constant 0 : i32
    %dma_start3A_666 = tpu.memref_slice %arg1[%dma_start3A_660, %dma_start3A_664, %dma_start3A_665] : memref<4x8192x1024xf32, #tpu.memory_space<any>> -> memref<1x2048x1024xf32, #tpu.memory_space<any>>
    %dma_start3A_667 = tpu.memref_squeeze %dma_start3A_666 : memref<1x2048x1024xf32, #tpu.memory_space<any>> -> memref<2048x1024xf32, #tpu.memory_space<any>>
    %dma_start3A_668 = arith.constant 0 : i32
    %dma_start3A_669 = arith.constant 0 : i32
    %dma_start3A_670 = tpu.memref_slice %arg4[%dma_start3A_659, %dma_start3A_668, %dma_start3A_669] : memref<4x2048x1024xf32, #tpu.memory_space<vmem>> -> memref<1x2048x1024xf32, #tpu.memory_space<vmem>>
    %dma_start3A_671 = tpu.memref_squeeze %dma_start3A_670 : memref<1x2048x1024xf32, #tpu.memory_space<vmem>> -> memref<2048x1024xf32, #tpu.memory_space<vmem>>
    tpu.enqueue_dma source(%dma_start3A_671 : memref<2048x1024xf32, #tpu.memory_space<vmem>>) target(%dma_start3A_667 : memref<2048x1024xf32, #tpu.memory_space<any>>) target_semaphore(%dma_start3A_663 : memref<!tpu.dma_semaphore, #tpu.memory_space<semaphore_mem>>)
    %dma_wait3A_672 = arith.constant 2 : i32
    %dma_wait3A_673 = arith.constant 2 : i32
    %dma_wait3A_674 = tpu.memref_slice %arg5[%dma_wait3A_673] : memref<4x!tpu.dma_semaphore, #tpu.memory_space<semaphore_mem>> -> memref<1x!tpu.dma_semaphore, #tpu.memory_space<semaphore_mem>>
    %dma_wait3A_675 = tpu.memref_squeeze %dma_wait3A_674 : memref<1x!tpu.dma_semaphore, #tpu.memory_space<semaphore_mem>> -> memref<!tpu.dma_semaphore, #tpu.memory_space<semaphore_mem>>
    %dma_wait3A_676 = arith.constant 0 : i32
    %dma_wait3A_677 = arith.constant 0 : i32
    %dma_wait3A_678 = tpu.memref_slice %arg4[%dma_wait3A_672, %dma_wait3A_676, %dma_wait3A_677] : memref<4x2048x1024xf32, #tpu.memory_space<vmem>> -> memref<1x2048x1024xf32, #tpu.memory_space<vmem>>
    %dma_wait3A_679 = tpu.memref_squeeze %dma_wait3A_678 : memref<1x2048x1024xf32, #tpu.memory_space<vmem>> -> memref<2048x1024xf32, #tpu.memory_space<vmem>>
    %dma_wait3A_680 = arith.constant 20480 : i32
    %dma_wait3A_681 = arith.constant 0 : i32
    %dma_wait3A_682 = tpu.memref_slice %arg0[%dma_wait3A_680, %dma_wait3A_681] : memref<32768x1024xf32, #tpu.memory_space<any>> -> memref<2048x1024xf32, #tpu.memory_space<any>>
    tpu.wait_dma2 semaphore(%dma_wait3A_675 : memref<!tpu.dma_semaphore, #tpu.memory_space<semaphore_mem>>) src(%dma_wait3A_682 : memref<2048x1024xf32, #tpu.memory_space<any>>) dst(%dma_wait3A_679 : memref<2048x1024xf32, #tpu.memory_space<vmem>>)
    %dma_start3A_683 = arith.constant 2 : i32
    %dma_start3A_684 = arith.constant 2 : i32
    %dma_start3A_685 = tpu.memref_slice %arg6[%dma_start3A_684] : memref<4x!tpu.dma_semaphore, #tpu.memory_space<semaphore_mem>> -> memref<1x!tpu.dma_semaphore, #tpu.memory_space<semaphore_mem>>
    %dma_start3A_686 = tpu.memref_squeeze %dma_start3A_685 : memref<1x!tpu.dma_semaphore, #tpu.memory_space<semaphore_mem>> -> memref<!tpu.dma_semaphore, #tpu.memory_space<semaphore_mem>>
    %dma_start3A_687 = arith.constant 20480 : i32
    %dma_start3A_688 = arith.constant 0 : i32
    %dma_start3A_689 = tpu.memref_slice %arg2[%dma_start3A_687, %dma_start3A_688] : memref<32768x1024xf32, #tpu.memory_space<any>> -> memref<2048x1024xf32, #tpu.memory_space<any>>
    %dma_start3A_690 = arith.constant 0 : i32
    %dma_start3A_691 = arith.constant 0 : i32
    %dma_start3A_692 = tpu.memref_slice %arg4[%dma_start3A_683, %dma_start3A_690, %dma_start3A_691] : memref<4x2048x1024xf32, #tpu.memory_space<vmem>> -> memref<1x2048x1024xf32, #tpu.memory_space<vmem>>
    %dma_start3A_693 = tpu.memref_squeeze %dma_start3A_692 : memref<1x2048x1024xf32, #tpu.memory_space<vmem>> -> memref<2048x1024xf32, #tpu.memory_space<vmem>>
    tpu.enqueue_dma source(%dma_start3A_693 : memref<2048x1024xf32, #tpu.memory_space<vmem>>) target(%dma_start3A_689 : memref<2048x1024xf32, #tpu.memory_space<any>>) target_semaphore(%dma_start3A_686 : memref<!tpu.dma_semaphore, #tpu.memory_space<semaphore_mem>>)
    %dma_start3A_694 = arith.constant 2 : i32
    %dma_start3A_695 = arith.constant 2 : i32
    %dma_start3A_696 = arith.constant 2 : i32
    %dma_start3A_697 = tpu.memref_slice %arg7[%dma_start3A_696] : memref<4x!tpu.dma_semaphore, #tpu.memory_space<semaphore_mem>> -> memref<1x!tpu.dma_semaphore, #tpu.memory_space<semaphore_mem>>
    %dma_start3A_698 = tpu.memref_squeeze %dma_start3A_697 : memref<1x!tpu.dma_semaphore, #tpu.memory_space<semaphore_mem>> -> memref<!tpu.dma_semaphore, #tpu.memory_space<semaphore_mem>>
    %dma_start3A_699 = arith.constant 4096 : i32
    %dma_start3A_700 = arith.constant 0 : i32
    %dma_start3A_701 = tpu.memref_slice %arg1[%dma_start3A_695, %dma_start3A_699, %dma_start3A_700] : memref<4x8192x1024xf32, #tpu.memory_space<any>> -> memref<1x2048x1024xf32, #tpu.memory_space<any>>
    %dma_start3A_702 = tpu.memref_squeeze %dma_start3A_701 : memref<1x2048x1024xf32, #tpu.memory_space<any>> -> memref<2048x1024xf32, #tpu.memory_space<any>>
    %dma_start3A_703 = arith.constant 0 : i32
    %dma_start3A_704 = arith.constant 0 : i32
    %dma_start3A_705 = tpu.memref_slice %arg4[%dma_start3A_694, %dma_start3A_703, %dma_start3A_704] : memref<4x2048x1024xf32, #tpu.memory_space<vmem>> -> memref<1x2048x1024xf32, #tpu.memory_space<vmem>>
    %dma_start3A_706 = tpu.memref_squeeze %dma_start3A_705 : memref<1x2048x1024xf32, #tpu.memory_space<vmem>> -> memref<2048x1024xf32, #tpu.memory_space<vmem>>
    tpu.enqueue_dma source(%dma_start3A_706 : memref<2048x1024xf32, #tpu.memory_space<vmem>>) target(%dma_start3A_702 : memref<2048x1024xf32, #tpu.memory_space<any>>) target_semaphore(%dma_start3A_698 : memref<!tpu.dma_semaphore, #tpu.memory_space<semaphore_mem>>)
    %dma_wait3A_707 = arith.constant 3 : i32
    %dma_wait3A_708 = arith.constant 3 : i32
    %dma_wait3A_709 = tpu.memref_slice %arg5[%dma_wait3A_708] : memref<4x!tpu.dma_semaphore, #tpu.memory_space<semaphore_mem>> -> memref<1x!tpu.dma_semaphore, #tpu.memory_space<semaphore_mem>>
    %dma_wait3A_710 = tpu.memref_squeeze %dma_wait3A_709 : memref<1x!tpu.dma_semaphore, #tpu.memory_space<semaphore_mem>> -> memref<!tpu.dma_semaphore, #tpu.memory_space<semaphore_mem>>
    %dma_wait3A_711 = arith.constant 0 : i32
    %dma_wait3A_712 = arith.constant 0 : i32
    %dma_wait3A_713 = tpu.memref_slice %arg4[%dma_wait3A_707, %dma_wait3A_711, %dma_wait3A_712] : memref<4x2048x1024xf32, #tpu.memory_space<vmem>> -> memref<1x2048x1024xf32, #tpu.memory_space<vmem>>
    %dma_wait3A_714 = tpu.memref_squeeze %dma_wait3A_713 : memref<1x2048x1024xf32, #tpu.memory_space<vmem>> -> memref<2048x1024xf32, #tpu.memory_space<vmem>>
    %dma_wait3A_715 = arith.constant 22528 : i32
    %dma_wait3A_716 = arith.constant 0 : i32
    %dma_wait3A_717 = tpu.memref_slice %arg0[%dma_wait3A_715, %dma_wait3A_716] : memref<32768x1024xf32, #tpu.memory_space<any>> -> memref<2048x1024xf32, #tpu.memory_space<any>>
    tpu.wait_dma2 semaphore(%dma_wait3A_710 : memref<!tpu.dma_semaphore, #tpu.memory_space<semaphore_mem>>) src(%dma_wait3A_717 : memref<2048x1024xf32, #tpu.memory_space<any>>) dst(%dma_wait3A_714 : memref<2048x1024xf32, #tpu.memory_space<vmem>>)
    %dma_start3A_718 = arith.constant 3 : i32
    %dma_start3A_719 = arith.constant 3 : i32
    %dma_start3A_720 = tpu.memref_slice %arg6[%dma_start3A_719] : memref<4x!tpu.dma_semaphore, #tpu.memory_space<semaphore_mem>> -> memref<1x!tpu.dma_semaphore, #tpu.memory_space<semaphore_mem>>
    %dma_start3A_721 = tpu.memref_squeeze %dma_start3A_720 : memref<1x!tpu.dma_semaphore, #tpu.memory_space<semaphore_mem>> -> memref<!tpu.dma_semaphore, #tpu.memory_space<semaphore_mem>>
    %dma_start3A_722 = arith.constant 22528 : i32
    %dma_start3A_723 = arith.constant 0 : i32
    %dma_start3A_724 = tpu.memref_slice %arg2[%dma_start3A_722, %dma_start3A_723] : memref<32768x1024xf32, #tpu.memory_space<any>> -> memref<2048x1024xf32, #tpu.memory_space<any>>
    %dma_start3A_725 = arith.constant 0 : i32
    %dma_start3A_726 = arith.constant 0 : i32
    %dma_start3A_727 = tpu.memref_slice %arg4[%dma_start3A_718, %dma_start3A_725, %dma_start3A_726] : memref<4x2048x1024xf32, #tpu.memory_space<vmem>> -> memref<1x2048x1024xf32, #tpu.memory_space<vmem>>
    %dma_start3A_728 = tpu.memref_squeeze %dma_start3A_727 : memref<1x2048x1024xf32, #tpu.memory_space<vmem>> -> memref<2048x1024xf32, #tpu.memory_space<vmem>>
    tpu.enqueue_dma source(%dma_start3A_728 : memref<2048x1024xf32, #tpu.memory_space<vmem>>) target(%dma_start3A_724 : memref<2048x1024xf32, #tpu.memory_space<any>>) target_semaphore(%dma_start3A_721 : memref<!tpu.dma_semaphore, #tpu.memory_space<semaphore_mem>>)
    %dma_start3A_729 = arith.constant 3 : i32
    %dma_start3A_730 = arith.constant 2 : i32
    %dma_start3A_731 = arith.constant 3 : i32
    %dma_start3A_732 = tpu.memref_slice %arg7[%dma_start3A_731] : memref<4x!tpu.dma_semaphore, #tpu.memory_space<semaphore_mem>> -> memref<1x!tpu.dma_semaphore, #tpu.memory_space<semaphore_mem>>
    %dma_start3A_733 = tpu.memref_squeeze %dma_start3A_732 : memref<1x!tpu.dma_semaphore, #tpu.memory_space<semaphore_mem>> -> memref<!tpu.dma_semaphore, #tpu.memory_space<semaphore_mem>>
    %dma_start3A_734 = arith.constant 6144 : i32
    %dma_start3A_735 = arith.constant 0 : i32
    %dma_start3A_736 = tpu.memref_slice %arg1[%dma_start3A_730, %dma_start3A_734, %dma_start3A_735] : memref<4x8192x1024xf32, #tpu.memory_space<any>> -> memref<1x2048x1024xf32, #tpu.memory_space<any>>
    %dma_start3A_737 = tpu.memref_squeeze %dma_start3A_736 : memref<1x2048x1024xf32, #tpu.memory_space<any>> -> memref<2048x1024xf32, #tpu.memory_space<any>>
    %dma_start3A_738 = arith.constant 0 : i32
    %dma_start3A_739 = arith.constant 0 : i32
    %dma_start3A_740 = tpu.memref_slice %arg4[%dma_start3A_729, %dma_start3A_738, %dma_start3A_739] : memref<4x2048x1024xf32, #tpu.memory_space<vmem>> -> memref<1x2048x1024xf32, #tpu.memory_space<vmem>>
    %dma_start3A_741 = tpu.memref_squeeze %dma_start3A_740 : memref<1x2048x1024xf32, #tpu.memory_space<vmem>> -> memref<2048x1024xf32, #tpu.memory_space<vmem>>
    tpu.enqueue_dma source(%dma_start3A_741 : memref<2048x1024xf32, #tpu.memory_space<vmem>>) target(%dma_start3A_737 : memref<2048x1024xf32, #tpu.memory_space<any>>) target_semaphore(%dma_start3A_733 : memref<!tpu.dma_semaphore, #tpu.memory_space<semaphore_mem>>)
    %dma_wait3A_742 = arith.constant 0 : i32
    %dma_wait3A_743 = arith.constant 0 : i32
    %dma_wait3A_744 = tpu.memref_slice %arg6[%dma_wait3A_743] : memref<4x!tpu.dma_semaphore, #tpu.memory_space<semaphore_mem>> -> memref<1x!tpu.dma_semaphore, #tpu.memory_space<semaphore_mem>>
    %dma_wait3A_745 = tpu.memref_squeeze %dma_wait3A_744 : memref<1x!tpu.dma_semaphore, #tpu.memory_space<semaphore_mem>> -> memref<!tpu.dma_semaphore, #tpu.memory_space<semaphore_mem>>
    %dma_wait3A_746 = arith.constant 16384 : i32
    %dma_wait3A_747 = arith.constant 0 : i32
    %dma_wait3A_748 = tpu.memref_slice %arg2[%dma_wait3A_746, %dma_wait3A_747] : memref<32768x1024xf32, #tpu.memory_space<any>> -> memref<2048x1024xf32, #tpu.memory_space<any>>
    %dma_wait3A_749 = arith.constant 0 : i32
    %dma_wait3A_750 = arith.constant 0 : i32
    %dma_wait3A_751 = tpu.memref_slice %arg4[%dma_wait3A_742, %dma_wait3A_749, %dma_wait3A_750] : memref<4x2048x1024xf32, #tpu.memory_space<vmem>> -> memref<1x2048x1024xf32, #tpu.memory_space<vmem>>
    %dma_wait3A_752 = tpu.memref_squeeze %dma_wait3A_751 : memref<1x2048x1024xf32, #tpu.memory_space<vmem>> -> memref<2048x1024xf32, #tpu.memory_space<vmem>>
    tpu.wait_dma2 semaphore(%dma_wait3A_745 : memref<!tpu.dma_semaphore, #tpu.memory_space<semaphore_mem>>) src(%dma_wait3A_752 : memref<2048x1024xf32, #tpu.memory_space<vmem>>) dst(%dma_wait3A_748 : memref<2048x1024xf32, #tpu.memory_space<any>>)
    %dma_wait3A_753 = arith.constant 0 : i32
    %dma_wait3A_754 = arith.constant 2 : i32
    %dma_wait3A_755 = arith.constant 0 : i32
    %dma_wait3A_756 = tpu.memref_slice %arg7[%dma_wait3A_755] : memref<4x!tpu.dma_semaphore, #tpu.memory_space<semaphore_mem>> -> memref<1x!tpu.dma_semaphore, #tpu.memory_space<semaphore_mem>>
    %dma_wait3A_757 = tpu.memref_squeeze %dma_wait3A_756 : memref<1x!tpu.dma_semaphore, #tpu.memory_space<semaphore_mem>> -> memref<!tpu.dma_semaphore, #tpu.memory_space<semaphore_mem>>
    %dma_wait3A_758 = arith.constant 0 : i32
    %dma_wait3A_759 = arith.constant 0 : i32
    %dma_wait3A_760 = tpu.memref_slice %arg1[%dma_wait3A_754, %dma_wait3A_758, %dma_wait3A_759] : memref<4x8192x1024xf32, #tpu.memory_space<any>> -> memref<1x2048x1024xf32, #tpu.memory_space<any>>
    %dma_wait3A_761 = tpu.memref_squeeze %dma_wait3A_760 : memref<1x2048x1024xf32, #tpu.memory_space<any>> -> memref<2048x1024xf32, #tpu.memory_space<any>>
    %dma_wait3A_762 = arith.constant 0 : i32
    %dma_wait3A_763 = arith.constant 0 : i32
    %dma_wait3A_764 = tpu.memref_slice %arg4[%dma_wait3A_753, %dma_wait3A_762, %dma_wait3A_763] : memref<4x2048x1024xf32, #tpu.memory_space<vmem>> -> memref<1x2048x1024xf32, #tpu.memory_space<vmem>>
    %dma_wait3A_765 = tpu.memref_squeeze %dma_wait3A_764 : memref<1x2048x1024xf32, #tpu.memory_space<vmem>> -> memref<2048x1024xf32, #tpu.memory_space<vmem>>
    tpu.wait_dma2 semaphore(%dma_wait3A_757 : memref<!tpu.dma_semaphore, #tpu.memory_space<semaphore_mem>>) src(%dma_wait3A_765 : memref<2048x1024xf32, #tpu.memory_space<vmem>>) dst(%dma_wait3A_761 : memref<2048x1024xf32, #tpu.memory_space<any>>)
    %dma_wait3A_766 = arith.constant 1 : i32
    %dma_wait3A_767 = arith.constant 1 : i32
    %dma_wait3A_768 = tpu.memref_slice %arg6[%dma_wait3A_767] : memref<4x!tpu.dma_semaphore, #tpu.memory_space<semaphore_mem>> -> memref<1x!tpu.dma_semaphore, #tpu.memory_space<semaphore_mem>>
    %dma_wait3A_769 = tpu.memref_squeeze %dma_wait3A_768 : memref<1x!tpu.dma_semaphore, #tpu.memory_space<semaphore_mem>> -> memref<!tpu.dma_semaphore, #tpu.memory_space<semaphore_mem>>
    %dma_wait3A_770 = arith.constant 18432 : i32
    %dma_wait3A_771 = arith.constant 0 : i32
    %dma_wait3A_772 = tpu.memref_slice %arg2[%dma_wait3A_770, %dma_wait3A_771] : memref<32768x1024xf32, #tpu.memory_space<any>> -> memref<2048x1024xf32, #tpu.memory_space<any>>
    %dma_wait3A_773 = arith.constant 0 : i32
    %dma_wait3A_774 = arith.constant 0 : i32
    %dma_wait3A_775 = tpu.memref_slice %arg4[%dma_wait3A_766, %dma_wait3A_773, %dma_wait3A_774] : memref<4x2048x1024xf32, #tpu.memory_space<vmem>> -> memref<1x2048x1024xf32, #tpu.memory_space<vmem>>
    %dma_wait3A_776 = tpu.memref_squeeze %dma_wait3A_775 : memref<1x2048x1024xf32, #tpu.memory_space<vmem>> -> memref<2048x1024xf32, #tpu.memory_space<vmem>>
    tpu.wait_dma2 semaphore(%dma_wait3A_769 : memref<!tpu.dma_semaphore, #tpu.memory_space<semaphore_mem>>) src(%dma_wait3A_776 : memref<2048x1024xf32, #tpu.memory_space<vmem>>) dst(%dma_wait3A_772 : memref<2048x1024xf32, #tpu.memory_space<any>>)
    %dma_wait3A_777 = arith.constant 1 : i32
    %dma_wait3A_778 = arith.constant 2 : i32
    %dma_wait3A_779 = arith.constant 1 : i32
    %dma_wait3A_780 = tpu.memref_slice %arg7[%dma_wait3A_779] : memref<4x!tpu.dma_semaphore, #tpu.memory_space<semaphore_mem>> -> memref<1x!tpu.dma_semaphore, #tpu.memory_space<semaphore_mem>>
    %dma_wait3A_781 = tpu.memref_squeeze %dma_wait3A_780 : memref<1x!tpu.dma_semaphore, #tpu.memory_space<semaphore_mem>> -> memref<!tpu.dma_semaphore, #tpu.memory_space<semaphore_mem>>
    %dma_wait3A_782 = arith.constant 2048 : i32
    %dma_wait3A_783 = arith.constant 0 : i32
    %dma_wait3A_784 = tpu.memref_slice %arg1[%dma_wait3A_778, %dma_wait3A_782, %dma_wait3A_783] : memref<4x8192x1024xf32, #tpu.memory_space<any>> -> memref<1x2048x1024xf32, #tpu.memory_space<any>>
    %dma_wait3A_785 = tpu.memref_squeeze %dma_wait3A_784 : memref<1x2048x1024xf32, #tpu.memory_space<any>> -> memref<2048x1024xf32, #tpu.memory_space<any>>
    %dma_wait3A_786 = arith.constant 0 : i32
    %dma_wait3A_787 = arith.constant 0 : i32
    %dma_wait3A_788 = tpu.memref_slice %arg4[%dma_wait3A_777, %dma_wait3A_786, %dma_wait3A_787] : memref<4x2048x1024xf32, #tpu.memory_space<vmem>> -> memref<1x2048x1024xf32, #tpu.memory_space<vmem>>
    %dma_wait3A_789 = tpu.memref_squeeze %dma_wait3A_788 : memref<1x2048x1024xf32, #tpu.memory_space<vmem>> -> memref<2048x1024xf32, #tpu.memory_space<vmem>>
    tpu.wait_dma2 semaphore(%dma_wait3A_781 : memref<!tpu.dma_semaphore, #tpu.memory_space<semaphore_mem>>) src(%dma_wait3A_789 : memref<2048x1024xf32, #tpu.memory_space<vmem>>) dst(%dma_wait3A_785 : memref<2048x1024xf32, #tpu.memory_space<any>>)
    %dma_wait3A_790 = arith.constant 2 : i32
    %dma_wait3A_791 = arith.constant 2 : i32
    %dma_wait3A_792 = tpu.memref_slice %arg6[%dma_wait3A_791] : memref<4x!tpu.dma_semaphore, #tpu.memory_space<semaphore_mem>> -> memref<1x!tpu.dma_semaphore, #tpu.memory_space<semaphore_mem>>
    %dma_wait3A_793 = tpu.memref_squeeze %dma_wait3A_792 : memref<1x!tpu.dma_semaphore, #tpu.memory_space<semaphore_mem>> -> memref<!tpu.dma_semaphore, #tpu.memory_space<semaphore_mem>>
    %dma_wait3A_794 = arith.constant 20480 : i32
    %dma_wait3A_795 = arith.constant 0 : i32
    %dma_wait3A_796 = tpu.memref_slice %arg2[%dma_wait3A_794, %dma_wait3A_795] : memref<32768x1024xf32, #tpu.memory_space<any>> -> memref<2048x1024xf32, #tpu.memory_space<any>>
    %dma_wait3A_797 = arith.constant 0 : i32
    %dma_wait3A_798 = arith.constant 0 : i32
    %dma_wait3A_799 = tpu.memref_slice %arg4[%dma_wait3A_790, %dma_wait3A_797, %dma_wait3A_798] : memref<4x2048x1024xf32, #tpu.memory_space<vmem>> -> memref<1x2048x1024xf32, #tpu.memory_space<vmem>>
    %dma_wait3A_800 = tpu.memref_squeeze %dma_wait3A_799 : memref<1x2048x1024xf32, #tpu.memory_space<vmem>> -> memref<2048x1024xf32, #tpu.memory_space<vmem>>
    tpu.wait_dma2 semaphore(%dma_wait3A_793 : memref<!tpu.dma_semaphore, #tpu.memory_space<semaphore_mem>>) src(%dma_wait3A_800 : memref<2048x1024xf32, #tpu.memory_space<vmem>>) dst(%dma_wait3A_796 : memref<2048x1024xf32, #tpu.memory_space<any>>)
    %dma_wait3A_801 = arith.constant 2 : i32
    %dma_wait3A_802 = arith.constant 2 : i32
    %dma_wait3A_803 = arith.constant 2 : i32
    %dma_wait3A_804 = tpu.memref_slice %arg7[%dma_wait3A_803] : memref<4x!tpu.dma_semaphore, #tpu.memory_space<semaphore_mem>> -> memref<1x!tpu.dma_semaphore, #tpu.memory_space<semaphore_mem>>
    %dma_wait3A_805 = tpu.memref_squeeze %dma_wait3A_804 : memref<1x!tpu.dma_semaphore, #tpu.memory_space<semaphore_mem>> -> memref<!tpu.dma_semaphore, #tpu.memory_space<semaphore_mem>>
    %dma_wait3A_806 = arith.constant 4096 : i32
    %dma_wait3A_807 = arith.constant 0 : i32
    %dma_wait3A_808 = tpu.memref_slice %arg1[%dma_wait3A_802, %dma_wait3A_806, %dma_wait3A_807] : memref<4x8192x1024xf32, #tpu.memory_space<any>> -> memref<1x2048x1024xf32, #tpu.memory_space<any>>
    %dma_wait3A_809 = tpu.memref_squeeze %dma_wait3A_808 : memref<1x2048x1024xf32, #tpu.memory_space<any>> -> memref<2048x1024xf32, #tpu.memory_space<any>>
    %dma_wait3A_810 = arith.constant 0 : i32
    %dma_wait3A_811 = arith.constant 0 : i32
    %dma_wait3A_812 = tpu.memref_slice %arg4[%dma_wait3A_801, %dma_wait3A_810, %dma_wait3A_811] : memref<4x2048x1024xf32, #tpu.memory_space<vmem>> -> memref<1x2048x1024xf32, #tpu.memory_space<vmem>>
    %dma_wait3A_813 = tpu.memref_squeeze %dma_wait3A_812 : memref<1x2048x1024xf32, #tpu.memory_space<vmem>> -> memref<2048x1024xf32, #tpu.memory_space<vmem>>
    tpu.wait_dma2 semaphore(%dma_wait3A_805 : memref<!tpu.dma_semaphore, #tpu.memory_space<semaphore_mem>>) src(%dma_wait3A_813 : memref<2048x1024xf32, #tpu.memory_space<vmem>>) dst(%dma_wait3A_809 : memref<2048x1024xf32, #tpu.memory_space<any>>)
    %dma_wait3A_814 = arith.constant 3 : i32
    %dma_wait3A_815 = arith.constant 3 : i32
    %dma_wait3A_816 = tpu.memref_slice %arg6[%dma_wait3A_815] : memref<4x!tpu.dma_semaphore, #tpu.memory_space<semaphore_mem>> -> memref<1x!tpu.dma_semaphore, #tpu.memory_space<semaphore_mem>>
    %dma_wait3A_817 = tpu.memref_squeeze %dma_wait3A_816 : memref<1x!tpu.dma_semaphore, #tpu.memory_space<semaphore_mem>> -> memref<!tpu.dma_semaphore, #tpu.memory_space<semaphore_mem>>
    %dma_wait3A_818 = arith.constant 22528 : i32
    %dma_wait3A_819 = arith.constant 0 : i32
    %dma_wait3A_820 = tpu.memref_slice %arg2[%dma_wait3A_818, %dma_wait3A_819] : memref<32768x1024xf32, #tpu.memory_space<any>> -> memref<2048x1024xf32, #tpu.memory_space<any>>
    %dma_wait3A_821 = arith.constant 0 : i32
    %dma_wait3A_822 = arith.constant 0 : i32
    %dma_wait3A_823 = tpu.memref_slice %arg4[%dma_wait3A_814, %dma_wait3A_821, %dma_wait3A_822] : memref<4x2048x1024xf32, #tpu.memory_space<vmem>> -> memref<1x2048x1024xf32, #tpu.memory_space<vmem>>
    %dma_wait3A_824 = tpu.memref_squeeze %dma_wait3A_823 : memref<1x2048x1024xf32, #tpu.memory_space<vmem>> -> memref<2048x1024xf32, #tpu.memory_space<vmem>>
    tpu.wait_dma2 semaphore(%dma_wait3A_817 : memref<!tpu.dma_semaphore, #tpu.memory_space<semaphore_mem>>) src(%dma_wait3A_824 : memref<2048x1024xf32, #tpu.memory_space<vmem>>) dst(%dma_wait3A_820 : memref<2048x1024xf32, #tpu.memory_space<any>>)
    %dma_wait3A_825 = arith.constant 3 : i32
    %dma_wait3A_826 = arith.constant 2 : i32
    %dma_wait3A_827 = arith.constant 3 : i32
    %dma_wait3A_828 = tpu.memref_slice %arg7[%dma_wait3A_827] : memref<4x!tpu.dma_semaphore, #tpu.memory_space<semaphore_mem>> -> memref<1x!tpu.dma_semaphore, #tpu.memory_space<semaphore_mem>>
    %dma_wait3A_829 = tpu.memref_squeeze %dma_wait3A_828 : memref<1x!tpu.dma_semaphore, #tpu.memory_space<semaphore_mem>> -> memref<!tpu.dma_semaphore, #tpu.memory_space<semaphore_mem>>
    %dma_wait3A_830 = arith.constant 6144 : i32
    %dma_wait3A_831 = arith.constant 0 : i32
    %dma_wait3A_832 = tpu.memref_slice %arg1[%dma_wait3A_826, %dma_wait3A_830, %dma_wait3A_831] : memref<4x8192x1024xf32, #tpu.memory_space<any>> -> memref<1x2048x1024xf32, #tpu.memory_space<any>>
    %dma_wait3A_833 = tpu.memref_squeeze %dma_wait3A_832 : memref<1x2048x1024xf32, #tpu.memory_space<any>> -> memref<2048x1024xf32, #tpu.memory_space<any>>
    %dma_wait3A_834 = arith.constant 0 : i32
    %dma_wait3A_835 = arith.constant 0 : i32
    %dma_wait3A_836 = tpu.memref_slice %arg4[%dma_wait3A_825, %dma_wait3A_834, %dma_wait3A_835] : memref<4x2048x1024xf32, #tpu.memory_space<vmem>> -> memref<1x2048x1024xf32, #tpu.memory_space<vmem>>
    %dma_wait3A_837 = tpu.memref_squeeze %dma_wait3A_836 : memref<1x2048x1024xf32, #tpu.memory_space<vmem>> -> memref<2048x1024xf32, #tpu.memory_space<vmem>>
    tpu.wait_dma2 semaphore(%dma_wait3A_829 : memref<!tpu.dma_semaphore, #tpu.memory_space<semaphore_mem>>) src(%dma_wait3A_837 : memref<2048x1024xf32, #tpu.memory_space<vmem>>) dst(%dma_wait3A_833 : memref<2048x1024xf32, #tpu.memory_space<any>>)
    return
  }
}

</mosaic_0001>

<sc_bundles>
// kernel: kernel.6.cloned.1.call-start
scs
__scs_entry_jumppad:
0x0: {  	(pc) =	sbr.rel $0x88, $3  }
0x1: {  	(tag) =	ssettag $0x0;
	lr =	simm.s32 $0x1  }
0x2: {  	[smem:$0x3FA0] =	sst lr;
	_ =	strace $0xD0000000  }
0x3: {  	_ = 	snop  }
0x4: {  	_ = 	snop  }
0x5: {  	_ = 	snop  }
0x6: {  	_ = 	snop  }
0x7: {  	_ = 	snop  }
__scs_overlays_trampoline_lowered:
0x8: {  	[smem:$0x3FAF] =	sst s0  }
0x9: {  	[smem:$0x3FB0] =	sst s1  }
0xa: {  	[smem:$0x3FB1] =	sst s2  }
0xb: {  	[smem:$0x3FB2] =	sst s3  }
0xc: {  	[smem:$0x3FB3] =	sst s4  }
0xd: {  	[smem:$0x3FB4] =	sst s5  }
0xe: {  	[smem:$0x3FB5] =	sst s6  }
0xf: {  	[smem:$0x3FB6] =	sst s7  }
0x10: {  	[smem:$0x3FB7] =	sst s8  }
0x11: {  	[smem:$0x3FB8] =	sst s9;
	s0 =	simm.s32 @!p0 $0x0  }
0x12: {  	s1 =	sld [smem:$0x3F9E];
	s0 =	simm.s32 @p0 $0x1  }
0x13: {  	[smem:$0x3FB9] =	sst s0;
	s0 =	simm.s32 @!p1 $0x0  }
0x14: {  	s2 =	sld [smem:$0x3F9D];
	s0 =	simm.s32 @p1 $0x1  }
0x15: {  	[smem:$0x3FBA] =	sst s0;
	s0 =	simm.s32 @!p2 $0x0  }
0x16: {  	s3 =	sld [smem:$0x3FDB];
	s0 =	simm.s32 @p2 $0x1  }
0x17: {  	s4 =	simm.s32 $0x1BF5;
	[smem:$0x3FBC] =	sst s0  }
0x18: {  	s0 =	sld [smem:$0x3F9F];
	_ =	swait.ge [sflag:s4], $0x0  }
0x19: {  	s7 =	sld [smem:$0x3FA0]  }
0x1a: {  	s8 =	sadd.s32 $0xFFFFE003, lr  }
0x1b: {  	s9 =	sadd.s32 $0xFFFFFEF7, lr;
	s5 =	simm.s32 $0xFFFFFFFF;
	p2 =	slt.u32 s8, $0xFFFFF086  }
0x1c: {  	p1 =	slt.u32 s9, $0xF7A;
	s5 =	simm.s32 @!p2 $0x0  }
0x1d: {  	s5 =	simm.s32 @p1 $0x1;
	p0 =	seq.s32 s7, s2  }
0x1e: {  	s7 =	smul.u32 @!p0 $0xF7A, s2;
	p2 =	seq.s32 @!p0 s5, $0x0  }
0x1f: {  	s9 =	smul.u32 $0xF7A, s1;
	s8 =	simm.s32 @!p0 $0x1BF5;
	p2 =	por !p2, p0  }
0x20: {  	[sflag:s8] =	ssyncset.s32 @!p0 $0xFFFFF086;
	s6 =	sadd.s32 @!p0 s3, s7;
	s7 =	simm.s32 @!p0 $0x108  }
0x21: {  	s3 =	sadd.s32 s3, s9;
	s6 =	sadd.s32 @!p0 $0x88, s6;
	s7 =	simm.s32 @p2 $0x1082  }
0x22: {  	[simem:s7], [sflag:s8] =	dma.local @!p0 [hbm:s6], $0xF7A  }
0x23: {  	s9 =	sor.u32 $0xD0000000, s2;
	s6 =	simm.s32 $0x108;
	_ =	swait.ge @!p0 [sflag:s8], $0x0  }
0x24: {  	s3 =	sadd.s32 $0x88, s3;
	s6 =	simm.s32 @!p1 $0x1082;
	[sflag:s4] =	ssyncset.s32 $0xFFFFF086  }
0x25: {  	[simem:s6], [sflag:s4] =	dma.local [hbm:s3], $0xF7A  }
0x26: {  	[smem:$0x3FA0] =	sst s1;
	(tag) =	ssettag s2;
	_ =	strace s9  }
0x27: {  	s1 =	sld [smem:$0x3FB0]  }
0x28: {  	s2 =	sld [smem:$0x3FB1]  }
0x29: {  	s4 =	sld [smem:$0x3FB3]  }
0x2a: {  	p0 =	seq.s32 s5, $0x0;
	s5 =	sld [smem:$0x3FB4]  }
0x2b: {  	s6 =	sld [smem:$0x3FB5]  }
0x2c: {  	s7 =	sld [smem:$0x3FB6]  }
0x2d: {  	s3 =	simm.s32 $0x108;
	s8 =	sld [smem:$0x3FB7]  }
0x2e: {  	s3 =	simm.s32 @!p0 $0x1082;
	s9 =	sld [smem:$0x3FB8]  }
0x2f: {  	lr =	sadd.s32 s0, s3;
	s0 =	sld [smem:$0x3FAF]  }
0x30: {  	s3 =	sld [smem:$0x3FB2]  }
0x31: {  	[smem:$0x3FBB] =	sst s10  }
0x32: {  	s10 =	sld [smem:$0x3FB9];
	_ =	sdelay $0x3  }
0x33: {  	p0 =	seq.s32 s10, $0x1;
	s10 =	sld [smem:$0x3FBB];
	_ =	sdelay $0x3  }
0x34: {  	[smem:$0x3FBB] =	sst s10  }
0x35: {  	s10 =	sld [smem:$0x3FBA];
	_ =	sdelay $0x3  }
0x36: {  	p1 =	seq.s32 s10, $0x1;
	s10 =	sld [smem:$0x3FBB];
	_ =	sdelay $0x3  }
0x37: {  	[smem:$0x3FBB] =	sst s10  }
0x38: {  	s10 =	sld [smem:$0x3FBC]  }
0x39: {  	_ = 	snop;
	(pc) =	sbr.ind lr, $3  }
0x3a: {  	_ = 	snop  }
0x3b: {  	_ = 	snop  }
0x3c: {  	p2 =	seq.s32 s10, $0x1;
	s10 =	sld [smem:$0x3FBB]  }
0x3d: {  	_ =	shalt  }
0x3e: {  	_ =	shalt  }
0x3f: {  	_ =	shalt  }
0x40: {  	_ =	shalt  }
0x41: {  	_ =	shalt  }
0x42: {  	_ =	shalt  }
0x43: {  	_ =	shalt  }
0x44: {  	_ =	shalt  }
0x45: {  	_ =	shalt  }
0x46: {  	_ =	shalt  }
0x47: {  	_ =	shalt  }
0x48: {  	_ =	shalt  }
0x49: {  	_ =	shalt  }
0x4a: {  	_ =	shalt  }
0x4b: {  	_ =	shalt  }
0x4c: {  	_ =	shalt  }
0x4d: {  	_ =	shalt  }
0x4e: {  	_ =	shalt  }
0x4f: {  	_ =	shalt  }
0x50: {  	_ =	shalt  }
0x51: {  	_ =	shalt  }
0x52: {  	_ =	shalt  }
0x53: {  	_ =	shalt  }
0x54: {  	_ =	shalt  }
0x55: {  	_ =	shalt  }
0x56: {  	_ =	shalt  }
0x57: {  	_ =	shalt  }
0x58: {  	_ =	shalt  }
0x59: {  	_ =	shalt  }
0x5a: {  	_ =	shalt  }
0x5b: {  	_ =	shalt  }
0x5c: {  	_ =	shalt  }
0x5d: {  	_ =	shalt  }
0x5e: {  	_ =	shalt  }
0x5f: {  	_ =	shalt  }
0x60: {  	_ =	shalt  }
0x61: {  	_ =	shalt  }
0x62: {  	_ =	shalt  }
0x63: {  	_ =	shalt  }
0x64: {  	_ =	shalt  }
0x65: {  	_ =	shalt  }
0x66: {  	_ =	shalt  }
0x67: {  	_ =	shalt  }
0x68: {  	_ =	shalt  }
0x69: {  	_ =	shalt  }
0x6a: {  	_ =	shalt  }
0x6b: {  	_ =	shalt  }
0x6c: {  	_ =	shalt  }
0x6d: {  	_ =	shalt  }
0x6e: {  	_ =	shalt  }
0x6f: {  	_ =	shalt  }
0x70: {  	_ =	shalt  }
0x71: {  	_ =	shalt  }
0x72: {  	_ =	shalt  }
0x73: {  	_ =	shalt  }
0x74: {  	_ =	shalt  }
0x75: {  	_ =	shalt  }
0x76: {  	_ =	shalt  }
0x77: {  	_ =	shalt  }
0x78: {  	_ =	shalt  }
0x79: {  	_ =	shalt  }
0x7a: {  	_ =	shalt  }
0x7b: {  	_ =	shalt  }
0x7c: {  	_ =	shalt  }
0x7d: {  	_ =	shalt  }
0x7e: {  	_ =	shalt  }
0x7f: {  	_ =	shalt  }
0x80: {  	_ =	shalt  }
0x81: {  	_ =	shalt  }
0x82: {  	_ =	shalt  }
0x83: {  	_ =	shalt  }
0x84: {  	_ =	shalt  }
0x85: {  	_ =	shalt  }
0x86: {  	_ =	shalt  }
0x87: {  	_ =	shalt  }
.Lfunc_end0:
.L_simem_size_0:
called_computation_lowered:
.L_overlay_start_0:
0x88: {  	s2 =	sld [smem:$0x3FD9]  }
0x89: {  	s3 =	sld [smem:$0x3FFE];
	_ =	sdelay $0x1  }
0x8a: {  	s1 =	srdreg.scid  }
0x8b: {  	s0 =	sand.u32 $0x1, s1  }
0x8c: {  	s15 =	sshll.u32 s0, $0xA;
	s2 =	sadd.s32 s3, s2  }
0x8d: {  	s2 =	sadd.s32 s2, s15  }
0x8e: {  	[smem:$0x3FC7] =	sst s2  }
0x8f: {  	_ = 	snop  }
0x90: {  	s2 =	sld [smem:$0x3FD0];
	_ =	sdelay $0x2  }
0x91: {  	s4 =	simm.s32 $0xA;
	s5 =	simm.s32 $0x10;
	s16 =	sld [smem:$0x3FC9]  }
0x92: {  	[smem:s5], [sflag:s4] =	dma.local [hbm:s2], $0x1  }
0x93: {  	_ =	swait.eq [sflag:s4], $0x1  }
0x94: {  	[sflag:s4] =	ssyncset.done $0x0  }
0x95: {  	s17 =	sld [smem:$0x10];
	[sflag:s4] =	ssyncadd.s32 $0xFFFFFFFF  }
0x96: {  	s18 =	sld [smem:$0x11];
	(tm) =	ssettm $0x1  }
0x97: {  	s19 =	sld [smem:$0x3FFB];
	_ =	sdelay $0x3  }
0x98: {  	_ =	strace s19  }
0x99: {  	s5 =	sld [smem:$0x3FFC];
	_ =	sdelay $0x3  }
0x9a: {  	_ =	strace s5  }
0x9b: {  	s5 =	sld [smem:$0x3FFD];
	_ =	sdelay $0x3  }
0x9c: {  	_ =	strace s5  }
0x9d: {  	_ =	strace $0x8FFFFFFF  }
0x9e: {  	s20 =	sld [smem:$0x3FDB];
	_ =	sdelay $0x1  }
0x9f: {  	s6 =	simm.s32 $_scs_section_size  }
0xa0: {  	s7 =	simm.s32 $_size__tile_overlayer_lowered;
	s8 =	simm.s32 $_tile_overlayer_lowered  }
0xa1: {  	s23 =	simm.s32 $0x1BFF;
	s22 =	sshll.u32 s8, $0x1;
	s5 =	sadd.s32 s6, s20  }
0xa2: {  	s9 =	simm.s32 $0x0;
	s21 =	sshll.u32 s7, $0x1;
	s7 =	sadd.s32 s22, s5  }
0xa3: {  	[timem:s9], [sflag:s23] =	dma.local [hbm:s7], s21  }
0xa4: {  	_ =	swait.ge [sflag:s23], s21  }
0xa5: {  	s6 =	ssub.s32 $0x0, s21;
	[sflag:s23] =	ssyncset.done $0x0  }
0xa6: {  	[sflag:s23] =	ssyncadd.s32 s6;
	_ =	sdelay $0x1  }
0xa7: {  	s24 =	simm.s32 $0x1B8B  }
0xa8: {  	_ =	swait.ge [sflag:s24], $0x1  }
0xa9: {  	[sflag:s24] =	ssyncset.done $0x0  }
0xaa: {  	s25 =	simm.s32 $0x1B8E;
	[sflag:s24] =	ssyncadd.s32 $0xFFFFFFFF  }
0xab: {  	s26 =	simm.s32 $execute0_lowered;
	[smem:$0x3FD2] =	sst s25  }
0xac: {  	s6 =	sshll.u32 s26, $0x1;
	_ =	strace $0x80000046;
	[dreg:$0x1] =	wrdreg $0xFFFFFFFF  }
0xad: {  	s28 =	simm.s32 $_size_execute0_lowered;
	s5 =	sadd.s32 s5, s6;
	[dreg:$0x0] =	wrdreg $0x0  }
0xae: {  	s6 =	sshll.u32 s28, $0x1;
	[dreg:$0x2] =	wrdreg s5  }
0xaf: {  	[dreg:$0x3] =	wrdreg s6  }
0xb0: {  	[dreg:$0x4] =	wrdreg $0xC0  }
0xb1: {  	_ =	task [dreg:s9], $0x5FFFF  }
0xb2: {  	[dreg:$0x1] =	wrdreg $0xFFFFFFFF  }
0xb3: {  	[dreg:$0x0] =	wrdreg $0x60  }
0xb4: {  	[dreg:$0x2] =	wrdreg s16  }
0xb5: {  	[dreg:$0x3] =	wrdreg s17  }
0xb6: {  	[dreg:$0x4] =	wrdreg s18  }
0xb7: {  	[dreg:$0x5] =	wrdreg $0x9  }
0xb8: {  	_ =	task.clear_ibuf [dreg:s9], $0x6FFFF;
	_ =	strace $0x90000046  }
0xb9: {  	s29 =	simm.s32 $0x9;
	_ =	strace $0x80000048  }
0xba: {  	_ =	swait.ge [sflag:s29], $0x1  }
0xbb: {  	[sflag:s29] =	ssyncadd.s32 $0xFFFFFFFF  }
0xbc: {  	_ =	strace $0x90000048  }
0xbd: {  	_ =	sfence  }
0xbe: {  	s30 =	sld [smem:$0x0];
	_ =	sdelay $0x2  }
0xbf: {  	s31 =	sshll.u32 s1, $0xD;
	s1 =	sshrl.u32 s1, $0x2  }
0xc0: {  	s3 =	sand.u32 $0x4000, s31;
	s1 =	sadd.s32 s1, s30  }
0xc1: {  	s0 =	sor.u32 s3, s0;
	s1 =	sshll.u32 s1, $0x11  }
0xc2: {  	s0 =	sor.u32 s1, s0  }
0xc3: {  	s0 =	sadd.s32 $0x8F2B, s0  }
0xc4: {  	[sflag:s0] =	ssyncadd.remote.s32 $0x1  }
0xc5: {  	_ =	sfence.sel $0xFFFF  }
0xc6: {  	[dreg:$0x0] =	wrdreg $0xFFFFFFFF;
	(pc) =	sbr.abs _section_cstart, $3  }
0xc7: {  	[dreg:$0x1] =	wrdreg $0xFFFFFFFF  }
0xc8: {  	_ =	task.clear_ibuf [dreg:s9], $0x2FFFF;
	_ =	strace $0x9FFFFFFF  }
0xc9: {  	(tm) =	ssettm $0x7FFFFFFF  }
tec
execute0_lowered:
.L_overlay_start_1:
0x0: {  	(tag) =	ssettag $0x1  }
0x1: {  	s0 =	srdreg.scid  }
0x2: {  	s4 =	rddreg [dreg:$0x0];
	s2 =	stileid.u32;
	s6 =	sand.u32 $0x1, s0  }
0x3: {  	s1 =	rddreg [dreg:$0x1];
	s21 =	sshll.u32 s2, $0x10;
	s5 =	sshll.u32 s6, $0xF  }
0x4: {  	s3 =	rddreg [dreg:$0x2];
	s2 =	simm.s32 $0x0;
	s5 =	sor.u32 s5, s21  }
0x5: {  	[smem:$0x7FF] =	sst s2;
	s0 =	sor.u32 $0x300000, s5  }
0x6: {  	_ =	strace $0x80000047;
	s8 =	sor.u32 $0x300800, s5;
	s7 =	sadd.s32 s4, s0  }
0x7: {  	s9 =	sor.u32 $0x301000, s5;
	s22 =	sadd.s32 s4, s8;
	[dreg:$0x4] =	wrdreg s7  }
0x8: {  	s10 =	sor.u32 $0x301800, s5;
	s23 =	sadd.s32 s4, s9;
	[dreg:$0x5] =	wrdreg s22  }
0x9: {  	s24 =	sadd.s32 s4, s10;
	[dreg:$0x6] =	wrdreg s23  }
0xa: {  	s25 =	sadd.s32 s3, s0;
	[dreg:$0x7] =	wrdreg s24  }
0xb: {  	s0 =	sadd.s32 s1, s0;
	[dreg:$0x8] =	wrdreg s25  }
0xc: {  	s26 =	sadd.s32 s3, s8;
	[dreg:$0x9] =	wrdreg s0  }
0xd: {  	s11 =	sadd.s32 s1, s9;
	[dreg:$0xa] =	wrdreg s26  }
0xe: {  	s12 =	sadd.s32 s3, s10;
	[dreg:$0xd] =	wrdreg s11  }
0xf: {  	s14 =	sor.u32 $0x302000, s5;
	s13 =	sadd.s32 s1, s10;
	[dreg:$0xe] =	wrdreg s12  }
0x10: {  	s16 =	sor.u32 $0x302800, s5;
	s15 =	sadd.s32 s4, s14;
	[dreg:$0xf] =	wrdreg s13  }
0x11: {  	s18 =	sor.u32 $0x303000, s5;
	s17 =	sadd.s32 s4, s16;
	[dreg:$0x10] =	wrdreg s15  }
0x12: {  	s20 =	sor.u32 $0x303800, s5;
	s19 =	sadd.s32 s4, s18;
	[dreg:$0x11] =	wrdreg s17  }
0x13: {  	s21 =	sadd.s32 s4, s20;
	[dreg:$0x12] =	wrdreg s19  }
0x14: {  	s7 =	sadd.s32 s1, s8;
	[dreg:$0x13] =	wrdreg s21  }
0x15: {  	s8 =	sadd.s32 s3, s9;
	[dreg:$0xb] =	wrdreg s7  }
0x16: {  	s22 =	sadd.s32 s3, s14;
	[dreg:$0xc] =	wrdreg s8  }
0x17: {  	s23 =	sadd.s32 s1, s14;
	[dreg:$0x14] =	wrdreg s22  }
0x18: {  	s24 =	sadd.s32 s3, s16;
	[dreg:$0x15] =	wrdreg s23  }
0x19: {  	s25 =	sadd.s32 s1, s16;
	[dreg:$0x16] =	wrdreg s24  }
0x1a: {  	s26 =	sadd.s32 s3, s18;
	[dreg:$0x17] =	wrdreg s25  }
0x1b: {  	s10 =	sor.u32 $0x304000, s5;
	s9 =	sadd.s32 s1, s20;
	[dreg:$0x18] =	wrdreg s26  }
0x1c: {  	s11 =	sadd.s32 s4, s10;
	[dreg:$0x1b] =	wrdreg s9  }
0x1d: {  	s19 =	sadd.s32 s1, s10;
	[dreg:$0x1c] =	wrdreg s11  }
0x1e: {  	[smem:$0x7F8] =	sst s19  }
0x1f: {  	s29 =	simm.s32 $0x1;
	s7 =	sadd.s32 s1, s18;
	s0 =	rddreg [dreg:$0x4]  }
0x20: {  	s12 =	sor.u32 $0x304800, s5;
	s8 =	sadd.s32 s3, s20;
	[dreg:$0x19] =	wrdreg s7  }
0x21: {  	s14 =	sor.u32 $0x305000, s5;
	s13 =	sadd.s32 s4, s12;
	[dreg:$0x1a] =	wrdreg s8  }
0x22: {  	s16 =	sor.u32 $0x305800, s5;
	s15 =	sadd.s32 s4, s14;
	[dreg:$0x1d] =	wrdreg s13  }
0x23: {  	p0 =	por $0x0, $0x0;
	s17 =	sadd.s32 s4, s16;
	[dreg:$0x1e] =	wrdreg s15  }
0x24: {  	s6 =	ssub.s32 $0x2, s6;
	s18 =	sadd.s32 s3, s10;
	[dreg:$0x1f] =	wrdreg s17  }
0x25: {  	s20 =	sadd.s32 s3, s12;
	s21 =	sadd.s32 s1, s12;
	[smem:$0x7F7] =	sst s18  }
0x26: {  	s22 =	sadd.s32 s3, s14;
	s23 =	sadd.s32 s1, s14;
	[smem:$0x7F9] =	sst s20  }
0x27: {  	s24 =	sshrl.u32 s6, $0x1;
	s25 =	sadd.s32 s3, s16;
	[smem:$0x7FA] =	sst s21  }
0x28: {  	s11 =	sor.u32 $0x306000, s5;
	s31 =	sadd.s32 s1, s16;
	[smem:$0x7FB] =	sst s22  }
0x29: {  	s12 =	sor.u32 $0x306800, s5;
	[smem:$0x7FC] =	sst s23;
	s26 =	ssub.s32 s6, s24  }
0x2a: {  	[smem:$0x7FD] =	sst s25;
	s30 =	sadd.s32 s4, s11;
	s28 =	sadd.s32 s4, s12  }
0x2b: {  	s13 =	sor.u32 $0x307000, s5;
	s5 =	sor.u32 $0x307800, s5;
	s19 =	sadd.s32 s3, s11  }
0x2c: {  	s20 =	sadd.s32 s1, s11;
	s15 =	sadd.s32 s3, s12;
	s16 =	sadd.s32 s1, s12  }
0x2d: {  	s23 =	simm.s32 $0x4000;
	s18 =	simm.s32 $0x8000;
	s12 =	simm.s32 $0xC000  }
0x2e: {  	s24 =	simm.s32 $0x3;
	s21 =	simm.s32 $0x4;
	s14 =	smax.u32 s26, $0x1  }
0x2f: {  	s17 =	simm.s32 $0x5;
	s11 =	simm.s32 $0xA;
	p1 =	sne.s32 s14, $0x1  }
.Ltmp0:
0x30: {  	s8 =	simm.s32 $0x7;
	s25 =	sadd.s32 s4, s13;
	(pc) =	sbr.rel @!p1 .LBB2_3-.Ltmp0, $4  }
0x31: {  	s22 =	sadd.s32 s4, s5;
	s9 =	sadd.s32 s3, s13;
	s10 =	sadd.s32 s1, s13  }
0x32: {  	s6 =	sadd.s32 s3, s5;
	s7 =	sadd.s32 s1, s5;
	s26 =	simm.s32 $0x2  }
0x33: {  	s13 =	simm.s32 $0x9;
	s5 =	simm.s32 $0xB;
	s4 =	simm.s32 $0x8  }
0x34: {  	s3 =	simm.s32 $0xC;
	s1 =	sadd.s32 $0xFFFFFFFF, s14;
	s14 =	simm.s32 $0x6  }
0x35: {  	[smem:$0x7F5] =	sst s1  }
0x36: {  	[tilespmem:s2], [sflag:$0x1] =	stream.linear.gather [hbm4b:s0+s2], $0x4000, $0x38;
	[tilespmem:$0x10000] =	vst v63  }
0x37: {  	s1 =	rddreg [dreg:$0x5]  }
0x38: {  	[tilespmem:s23], [sflag:$0x2] =	stream.linear.gather [hbm4b:s1+s2], $0x4000, $0x38;
	[tilespmem:$0x10000] =	vst v63  }
0x39: {  	s0 =	rddreg [dreg:$0x6]  }
0x3a: {  	[tilespmem:s18], [sflag:$0x3] =	stream.linear.gather [hbm4b:s0+s2], $0x4000, $0x38;
	[tilespmem:$0x10000] =	vst v63  }
0x3b: {  	s1 =	rddreg [dreg:$0x7]  }
0x3c: {  	[tilespmem:s12], [sflag:$0x4] =	stream.linear.gather [hbm4b:s1+s2], $0x4000, $0x38;
	[tilespmem:$0x10000] =	vst v63  }
0x3d: {  	_ =	swait.ge [sflag:s29], $0x4000  }
0x3e: {  	[sflag:s29] =	ssyncset.done $0x0  }
0x3f: {  	s0 =	rddreg [dreg:$0x8];
	[sflag:s29] =	ssyncadd.s32 $0xFFFFC000  }
0x40: {  	[hbm4b:s0+s2] =	stream.linear.scatter [tilespmem:s2], [sflag:$0x5], $0x4000, $0x38;
	[tilespmem:$0x10000] =	vst v63  }
0x41: {  	s1 =	rddreg [dreg:$0x9]  }
0x42: {  	[hbm4b:s1+s2] =	stream.linear.scatter [tilespmem:s2], [sflag:$0x9], $0x4000, $0x38;
	[tilespmem:$0x10000] =	vst v63  }
0x43: {  	_ =	swait.ge [sflag:s26], $0x4000  }
0x44: {  	[sflag:s26] =	ssyncset.done $0x0  }
0x45: {  	s0 =	rddreg [dreg:$0xa];
	[sflag:s26] =	ssyncadd.s32 $0xFFFFC000  }
0x46: {  	[hbm4b:s0+s2] =	stream.linear.scatter [tilespmem:s23], [sflag:$0x6], $0x4000, $0x38;
	[tilespmem:$0x10000] =	vst v63  }
0x47: {  	s1 =	rddreg [dreg:$0xb]  }
0x48: {  	[hbm4b:s1+s2] =	stream.linear.scatter [tilespmem:s23], [sflag:$0xA], $0x4000, $0x38;
	[tilespmem:$0x10000] =	vst v63  }
0x49: {  	_ =	swait.ge [sflag:s24], $0x4000  }
0x4a: {  	[sflag:s24] =	ssyncset.done $0x0  }
0x4b: {  	s0 =	rddreg [dreg:$0xc];
	[sflag:s24] =	ssyncadd.s32 $0xFFFFC000  }
0x4c: {  	[hbm4b:s0+s2] =	stream.linear.scatter [tilespmem:s18], [sflag:$0x7], $0x4000, $0x38;
	[tilespmem:$0x10000] =	vst v63  }
0x4d: {  	s1 =	rddreg [dreg:$0xd]  }
0x4e: {  	[hbm4b:s1+s2] =	stream.linear.scatter [tilespmem:s18], [sflag:$0xB], $0x4000, $0x38;
	[tilespmem:$0x10000] =	vst v63  }
0x4f: {  	_ =	swait.ge [sflag:s21], $0x4000  }
0x50: {  	[sflag:s21] =	ssyncset.done $0x0  }
0x51: {  	s0 =	rddreg [dreg:$0xe];
	[sflag:s21] =	ssyncadd.s32 $0xFFFFC000  }
0x52: {  	[hbm4b:s0+s2] =	stream.linear.scatter [tilespmem:s12], [sflag:$0x8], $0x4000, $0x38;
	[tilespmem:$0x10000] =	vst v63  }
0x53: {  	s1 =	rddreg [dreg:$0xf]  }
0x54: {  	[hbm4b:s1+s2] =	stream.linear.scatter [tilespmem:s12], [sflag:$0xC], $0x4000, $0x38;
	[tilespmem:$0x10000] =	vst v63  }
0x55: {  	_ =	swait.ge [sflag:s17], $0x4000  }
0x56: {  	[sflag:s17] =	ssyncset.done $0x0  }
0x57: {  	[sflag:s17] =	ssyncadd.s32 $0xFFFFC000  }
0x58: {  	_ =	swait.ge [sflag:s13], $0x4000  }
0x59: {  	[sflag:s13] =	ssyncset.done $0x0  }
0x5a: {  	s1 =	rddreg [dreg:$0x10];
	[sflag:s13] =	ssyncadd.s32 $0xFFFFC000  }
0x5b: {  	[tilespmem:s2], [sflag:$0x1] =	stream.linear.gather [hbm4b:s1+s2], $0x4000, $0x38;
	[tilespmem:$0x10000] =	vst v63  }
0x5c: {  	_ =	swait.ge [sflag:s14], $0x4000  }
0x5d: {  	[sflag:s14] =	ssyncset.done $0x0  }
0x5e: {  	[sflag:s14] =	ssyncadd.s32 $0xFFFFC000  }
0x5f: {  	_ =	swait.ge [sflag:s11], $0x4000  }
0x60: {  	[sflag:s11] =	ssyncset.done $0x0  }
0x61: {  	s1 =	rddreg [dreg:$0x11];
	[sflag:s11] =	ssyncadd.s32 $0xFFFFC000  }
0x62: {  	[tilespmem:s23], [sflag:$0x2] =	stream.linear.gather [hbm4b:s1+s2], $0x4000, $0x38;
	[tilespmem:$0x10000] =	vst v63  }
0x63: {  	_ =	swait.ge [sflag:s8], $0x4000  }
0x64: {  	[sflag:s8] =	ssyncset.done $0x0  }
0x65: {  	[sflag:s8] =	ssyncadd.s32 $0xFFFFC000  }
0x66: {  	_ =	swait.ge [sflag:s5], $0x4000  }
0x67: {  	[sflag:s5] =	ssyncset.done $0x0  }
0x68: {  	s1 =	rddreg [dreg:$0x12];
	[sflag:s5] =	ssyncadd.s32 $0xFFFFC000  }
0x69: {  	[tilespmem:s18], [sflag:$0x3] =	stream.linear.gather [hbm4b:s1+s2], $0x4000, $0x38;
	[tilespmem:$0x10000] =	vst v63  }
0x6a: {  	_ =	swait.ge [sflag:s4], $0x4000  }
0x6b: {  	[sflag:s4] =	ssyncset.done $0x0  }
0x6c: {  	[sflag:s4] =	ssyncadd.s32 $0xFFFFC000  }
0x6d: {  	_ =	swait.ge [sflag:s3], $0x4000  }
0x6e: {  	[sflag:s3] =	ssyncset.done $0x0  }
0x6f: {  	s1 =	rddreg [dreg:$0x13];
	[sflag:s3] =	ssyncadd.s32 $0xFFFFC000  }
0x70: {  	[tilespmem:s12], [sflag:$0x4] =	stream.linear.gather [hbm4b:s1+s2], $0x4000, $0x38;
	[tilespmem:$0x10000] =	vst v63  }
0x71: {  	_ =	swait.ge [sflag:s29], $0x4000  }
0x72: {  	[sflag:s29] =	ssyncset.done $0x0  }
0x73: {  	s0 =	rddreg [dreg:$0x14];
	[sflag:s29] =	ssyncadd.s32 $0xFFFFC000  }
0x74: {  	[hbm4b:s0+s2] =	stream.linear.scatter [tilespmem:s2], [sflag:$0x5], $0x4000, $0x38;
	[tilespmem:$0x10000] =	vst v63  }
0x75: {  	s1 =	rddreg [dreg:$0x15]  }
0x76: {  	[hbm4b:s1+s2] =	stream.linear.scatter [tilespmem:s2], [sflag:$0x9], $0x4000, $0x38;
	[tilespmem:$0x10000] =	vst v63  }
0x77: {  	_ =	swait.ge [sflag:s26], $0x4000  }
0x78: {  	[sflag:s26] =	ssyncset.done $0x0  }
0x79: {  	s0 =	rddreg [dreg:$0x16];
	[sflag:s26] =	ssyncadd.s32 $0xFFFFC000  }
0x7a: {  	[hbm4b:s0+s2] =	stream.linear.scatter [tilespmem:s23], [sflag:$0x6], $0x4000, $0x38;
	[tilespmem:$0x10000] =	vst v63  }
0x7b: {  	s1 =	rddreg [dreg:$0x17]  }
0x7c: {  	[hbm4b:s1+s2] =	stream.linear.scatter [tilespmem:s23], [sflag:$0xA], $0x4000, $0x38;
	[tilespmem:$0x10000] =	vst v63  }
0x7d: {  	_ =	swait.ge [sflag:s24], $0x4000  }
0x7e: {  	[sflag:s24] =	ssyncset.done $0x0  }
0x7f: {  	s0 =	rddreg [dreg:$0x18];
	[sflag:s24] =	ssyncadd.s32 $0xFFFFC000  }
0x80: {  	[hbm4b:s0+s2] =	stream.linear.scatter [tilespmem:s18], [sflag:$0x7], $0x4000, $0x38;
	[tilespmem:$0x10000] =	vst v63  }
0x81: {  	s1 =	rddreg [dreg:$0x19]  }
0x82: {  	[hbm4b:s1+s2] =	stream.linear.scatter [tilespmem:s18], [sflag:$0xB], $0x4000, $0x38;
	[tilespmem:$0x10000] =	vst v63  }
0x83: {  	_ =	swait.ge [sflag:s21], $0x4000  }
0x84: {  	[sflag:s21] =	ssyncset.done $0x0  }
0x85: {  	s0 =	rddreg [dreg:$0x1a];
	[sflag:s21] =	ssyncadd.s32 $0xFFFFC000  }
0x86: {  	[hbm4b:s0+s2] =	stream.linear.scatter [tilespmem:s12], [sflag:$0x8], $0x4000, $0x38;
	[tilespmem:$0x10000] =	vst v63  }
0x87: {  	s1 =	rddreg [dreg:$0x1b]  }
0x88: {  	[hbm4b:s1+s2] =	stream.linear.scatter [tilespmem:s12], [sflag:$0xC], $0x4000, $0x38;
	[tilespmem:$0x10000] =	vst v63  }
0x89: {  	_ =	swait.ge [sflag:s17], $0x4000  }
0x8a: {  	[sflag:s17] =	ssyncset.done $0x0  }
0x8b: {  	[sflag:s17] =	ssyncadd.s32 $0xFFFFC000  }
0x8c: {  	_ =	swait.ge [sflag:s13], $0x4000  }
0x8d: {  	[sflag:s13] =	ssyncset.done $0x0  }
0x8e: {  	s1 =	rddreg [dreg:$0x1c];
	[sflag:s13] =	ssyncadd.s32 $0xFFFFC000  }
0x8f: {  	[tilespmem:s2], [sflag:$0x1] =	stream.linear.gather [hbm4b:s1+s2], $0x4000, $0x38;
	[tilespmem:$0x10000] =	vst v63  }
0x90: {  	_ =	swait.ge [sflag:s14], $0x4000  }
0x91: {  	[sflag:s14] =	ssyncset.done $0x0  }
0x92: {  	[sflag:s14] =	ssyncadd.s32 $0xFFFFC000  }
0x93: {  	_ =	swait.ge [sflag:s11], $0x4000  }
0x94: {  	[sflag:s11] =	ssyncset.done $0x0  }
0x95: {  	s1 =	rddreg [dreg:$0x1d];
	[sflag:s11] =	ssyncadd.s32 $0xFFFFC000  }
0x96: {  	[tilespmem:s23], [sflag:$0x2] =	stream.linear.gather [hbm4b:s1+s2], $0x4000, $0x38;
	[tilespmem:$0x10000] =	vst v63  }
0x97: {  	_ =	swait.ge [sflag:s8], $0x4000  }
0x98: {  	[sflag:s8] =	ssyncset.done $0x0  }
0x99: {  	[sflag:s8] =	ssyncadd.s32 $0xFFFFC000  }
0x9a: {  	_ =	swait.ge [sflag:s5], $0x4000  }
0x9b: {  	[sflag:s5] =	ssyncset.done $0x0  }
0x9c: {  	s1 =	rddreg [dreg:$0x1e];
	[sflag:s5] =	ssyncadd.s32 $0xFFFFC000  }
0x9d: {  	[tilespmem:s18], [sflag:$0x3] =	stream.linear.gather [hbm4b:s1+s2], $0x4000, $0x38;
	[tilespmem:$0x10000] =	vst v63  }
0x9e: {  	_ =	swait.ge [sflag:s4], $0x4000  }
0x9f: {  	[sflag:s4] =	ssyncset.done $0x0  }
0xa0: {  	[sflag:s4] =	ssyncadd.s32 $0xFFFFC000  }
0xa1: {  	_ =	swait.ge [sflag:s3], $0x4000  }
0xa2: {  	[sflag:s3] =	ssyncset.done $0x0  }
0xa3: {  	s1 =	rddreg [dreg:$0x1f];
	[sflag:s3] =	ssyncadd.s32 $0xFFFFC000  }
0xa4: {  	[tilespmem:s12], [sflag:$0x4] =	stream.linear.gather [hbm4b:s1+s2], $0x4000, $0x38;
	[tilespmem:$0x10000] =	vst v63  }
0xa5: {  	_ =	swait.ge [sflag:s29], $0x4000  }
0xa6: {  	s0 =	sld [smem:$0x7F7]  }
0xa7: {  	[sflag:s29] =	ssyncset.done $0x0  }
0xa8: {  	s1 =	sld [smem:$0x7F8];
	[sflag:s29] =	ssyncadd.s32 $0xFFFFC000  }
0xa9: {  	[hbm4b:s0+s2] =	stream.linear.scatter [tilespmem:s2], [sflag:$0x5], $0x4000, $0x38;
	[tilespmem:$0x10000] =	vst v63  }
0xaa: {  	_ = 	snop  }
0xab: {  	[hbm4b:s1+s2] =	stream.linear.scatter [tilespmem:s2], [sflag:$0x9], $0x4000, $0x38;
	[tilespmem:$0x10000] =	vst v63  }
0xac: {  	_ =	swait.ge [sflag:s26], $0x4000  }
0xad: {  	s0 =	sld [smem:$0x7F9]  }
0xae: {  	[sflag:s26] =	ssyncset.done $0x0  }
0xaf: {  	s1 =	sld [smem:$0x7FA];
	[sflag:s26] =	ssyncadd.s32 $0xFFFFC000  }
0xb0: {  	[hbm4b:s0+s2] =	stream.linear.scatter [tilespmem:s23], [sflag:$0x6], $0x4000, $0x38;
	[tilespmem:$0x10000] =	vst v63  }
0xb1: {  	_ = 	snop  }
0xb2: {  	[hbm4b:s1+s2] =	stream.linear.scatter [tilespmem:s23], [sflag:$0xA], $0x4000, $0x38;
	[tilespmem:$0x10000] =	vst v63  }
0xb3: {  	_ =	swait.ge [sflag:s24], $0x4000  }
0xb4: {  	s0 =	sld [smem:$0x7FB]  }
0xb5: {  	[sflag:s24] =	ssyncset.done $0x0  }
0xb6: {  	s1 =	sld [smem:$0x7FC];
	[sflag:s24] =	ssyncadd.s32 $0xFFFFC000  }
0xb7: {  	[hbm4b:s0+s2] =	stream.linear.scatter [tilespmem:s18], [sflag:$0x7], $0x4000, $0x38;
	[tilespmem:$0x10000] =	vst v63  }
0xb8: {  	_ = 	snop  }
0xb9: {  	[hbm4b:s1+s2] =	stream.linear.scatter [tilespmem:s18], [sflag:$0xB], $0x4000, $0x38;
	[tilespmem:$0x10000] =	vst v63  }
0xba: {  	_ =	swait.ge [sflag:s21], $0x4000  }
0xbb: {  	s1 =	sld [smem:$0x7FD]  }
0xbc: {  	[sflag:s21] =	ssyncset.done $0x0  }
0xbd: {  	[sflag:s21] =	ssyncadd.s32 $0xFFFFC000  }
0xbe: {  	[hbm4b:s1+s2] =	stream.linear.scatter [tilespmem:s12], [sflag:$0x8], $0x4000, $0x38;
	[tilespmem:$0x10000] =	vst v63  }
0xbf: {  	_ = 	snop  }
0xc0: {  	[hbm4b:s31+s2] =	stream.linear.scatter [tilespmem:s12], [sflag:$0xC], $0x4000, $0x38;
	[tilespmem:$0x10000] =	vst v63  }
0xc1: {  	_ =	swait.ge [sflag:s17], $0x4000  }
0xc2: {  	[sflag:s17] =	ssyncset.done $0x0  }
0xc3: {  	[sflag:s17] =	ssyncadd.s32 $0xFFFFC000  }
0xc4: {  	_ =	swait.ge [sflag:s13], $0x4000  }
0xc5: {  	[sflag:s13] =	ssyncset.done $0x0  }
0xc6: {  	[sflag:s13] =	ssyncadd.s32 $0xFFFFC000  }
0xc7: {  	[tilespmem:s2], [sflag:$0x1] =	stream.linear.gather [hbm4b:s30+s2], $0x4000, $0x38;
	[tilespmem:$0x10000] =	vst v63  }
0xc8: {  	_ =	swait.ge [sflag:s14], $0x4000  }
0xc9: {  	[sflag:s14] =	ssyncset.done $0x0  }
0xca: {  	[sflag:s14] =	ssyncadd.s32 $0xFFFFC000  }
0xcb: {  	_ =	swait.ge [sflag:s11], $0x4000  }
0xcc: {  	[sflag:s11] =	ssyncset.done $0x0  }
0xcd: {  	[sflag:s11] =	ssyncadd.s32 $0xFFFFC000  }
0xce: {  	[tilespmem:s23], [sflag:$0x2] =	stream.linear.gather [hbm4b:s28+s2], $0x4000, $0x38;
	[tilespmem:$0x10000] =	vst v63  }
0xcf: {  	_ =	swait.ge [sflag:s8], $0x4000  }
0xd0: {  	[sflag:s8] =	ssyncset.done $0x0  }
0xd1: {  	[sflag:s8] =	ssyncadd.s32 $0xFFFFC000  }
0xd2: {  	_ =	swait.ge [sflag:s5], $0x4000  }
0xd3: {  	[sflag:s5] =	ssyncset.done $0x0  }
0xd4: {  	[sflag:s5] =	ssyncadd.s32 $0xFFFFC000  }
0xd5: {  	[tilespmem:s18], [sflag:$0x3] =	stream.linear.gather [hbm4b:s25+s2], $0x4000, $0x38;
	[tilespmem:$0x10000] =	vst v63  }
0xd6: {  	_ =	swait.ge [sflag:s4], $0x4000  }
0xd7: {  	[sflag:s4] =	ssyncset.done $0x0  }
0xd8: {  	[sflag:s4] =	ssyncadd.s32 $0xFFFFC000  }
0xd9: {  	_ =	swait.ge [sflag:s3], $0x4000  }
0xda: {  	[sflag:s3] =	ssyncset.done $0x0  }
0xdb: {  	[sflag:s3] =	ssyncadd.s32 $0xFFFFC000  }
0xdc: {  	[tilespmem:s12], [sflag:$0x4] =	stream.linear.gather [hbm4b:s22+s2], $0x4000, $0x38;
	[tilespmem:$0x10000] =	vst v63  }
0xdd: {  	_ =	swait.ge [sflag:s29], $0x4000  }
0xde: {  	[sflag:s29] =	ssyncset.done $0x0  }
0xdf: {  	[sflag:s29] =	ssyncadd.s32 $0xFFFFC000  }
0xe0: {  	[hbm4b:s19+s2] =	stream.linear.scatter [tilespmem:s2], [sflag:$0x5], $0x4000, $0x38;
	[tilespmem:$0x10000] =	vst v63  }
0xe1: {  	_ = 	snop  }
0xe2: {  	[hbm4b:s20+s2] =	stream.linear.scatter [tilespmem:s2], [sflag:$0x9], $0x4000, $0x38;
	[tilespmem:$0x10000] =	vst v63  }
0xe3: {  	_ =	swait.ge [sflag:s26], $0x4000  }
0xe4: {  	[sflag:s26] =	ssyncset.done $0x0  }
0xe5: {  	[sflag:s26] =	ssyncadd.s32 $0xFFFFC000  }
0xe6: {  	[hbm4b:s15+s2] =	stream.linear.scatter [tilespmem:s23], [sflag:$0x6], $0x4000, $0x38;
	[tilespmem:$0x10000] =	vst v63  }
0xe7: {  	_ = 	snop  }
0xe8: {  	[hbm4b:s16+s2] =	stream.linear.scatter [tilespmem:s23], [sflag:$0xA], $0x4000, $0x38;
	[tilespmem:$0x10000] =	vst v63  }
0xe9: {  	_ =	swait.ge [sflag:s24], $0x4000  }
0xea: {  	[sflag:s24] =	ssyncset.done $0x0  }
0xeb: {  	[sflag:s24] =	ssyncadd.s32 $0xFFFFC000  }
0xec: {  	[hbm4b:s9+s2] =	stream.linear.scatter [tilespmem:s18], [sflag:$0x7], $0x4000, $0x38;
	[tilespmem:$0x10000] =	vst v63  }
0xed: {  	_ = 	snop  }
0xee: {  	[hbm4b:s10+s2] =	stream.linear.scatter [tilespmem:s18], [sflag:$0xB], $0x4000, $0x38;
	[tilespmem:$0x10000] =	vst v63  }
0xef: {  	_ =	swait.ge [sflag:s21], $0x4000  }
0xf0: {  	[sflag:s21] =	ssyncset.done $0x0  }
0xf1: {  	[sflag:s21] =	ssyncadd.s32 $0xFFFFC000  }
0xf2: {  	[hbm4b:s6+s2] =	stream.linear.scatter [tilespmem:s12], [sflag:$0x8], $0x4000, $0x38;
	[tilespmem:$0x10000] =	vst v63  }
0xf3: {  	_ = 	snop  }
0xf4: {  	[hbm4b:s7+s2] =	stream.linear.scatter [tilespmem:s12], [sflag:$0xC], $0x4000, $0x38;
	[tilespmem:$0x10000] =	vst v63  }
0xf5: {  	_ =	swait.ge [sflag:s17], $0x4000  }
0xf6: {  	[sflag:s17] =	ssyncset.done $0x0  }
0xf7: {  	[sflag:s17] =	ssyncadd.s32 $0xFFFFC000  }
0xf8: {  	_ =	swait.ge [sflag:s13], $0x4000  }
0xf9: {  	[sflag:s13] =	ssyncset.done $0x0  }
0xfa: {  	[sflag:s13] =	ssyncadd.s32 $0xFFFFC000  }
0xfb: {  	_ =	swait.ge [sflag:s14], $0x4000  }
0xfc: {  	[sflag:s14] =	ssyncset.done $0x0  }
0xfd: {  	[sflag:s14] =	ssyncadd.s32 $0xFFFFC000  }
0xfe: {  	_ =	swait.ge [sflag:s11], $0x4000  }
0xff: {  	[sflag:s11] =	ssyncset.done $0x0  }
0x100: {  	[sflag:s11] =	ssyncadd.s32 $0xFFFFC000  }
0x101: {  	_ =	swait.ge [sflag:s8], $0x4000  }
0x102: {  	[sflag:s8] =	ssyncset.done $0x0  }
0x103: {  	[sflag:s8] =	ssyncadd.s32 $0xFFFFC000  }
0x104: {  	_ =	swait.ge [sflag:s5], $0x4000  }
0x105: {  	[sflag:s5] =	ssyncset.done $0x0  }
0x106: {  	[sflag:s5] =	ssyncadd.s32 $0xFFFFC000  }
0x107: {  	_ =	swait.ge [sflag:s4], $0x4000  }
0x108: {  	s1 =	sld [smem:$0x7F5];
	_ =	sdelay $0x2  }
0x109: {  	p1 =	sne.s32 s1, $0x1  }
.Ltmp1:
0x10a: {  	[sflag:s4] =	ssyncset.done $0x0;
	(pc) =	sbr.rel @!p1 .LBB2_3-.Ltmp1, $4  }
0x10b: {  	[sflag:s4] =	ssyncadd.s32 $0xFFFFC000  }
0x10c: {  	_ =	swait.ge [sflag:s3], $0x4000  }
0x10d: {  	p0 =	por $0x1, $0x1;
	s0 =	rddreg [dreg:$0x4]  }
0x10e: {  	s1 =	sadd.s32 $0xFFFFFFFF, s1;
	[sflag:s3] =	ssyncset.done $0x0;
	[smem:$0x7F6] =	sst s31  }
.LBB2_2:
0x10f: {  	[sflag:s3] =	ssyncadd.s32 $0xFFFFC000;
	s31 =	smov.u32 s30  }
0x110: {  	s30 =	smov.u32 s28;
	s28 =	smov.u32 s25;
	s25 =	smov.u32 s22  }
0x111: {  	s22 =	smov.u32 s20;
	s20 =	smov.u32 s19;
	s19 =	smov.u32 s16  }
0x112: {  	s16 =	smov.u32 s15;
	s15 =	smov.u32 s10;
	s10 =	smov.u32 s9  }
0x113: {  	[tilespmem:s2], [sflag:$0x1] =	stream.linear.gather [hbm4b:s0+s2], $0x4000, $0x38;
	[tilespmem:$0x10000] =	vst v63  }
0x114: {  	s9 =	smov.u32 s7;
	s7 =	smov.u32 s6;
	s6 =	rddreg [dreg:$0x5]  }
0x115: {  	[tilespmem:s23], [sflag:$0x2] =	stream.linear.gather [hbm4b:s6+s2], $0x4000, $0x38;
	[tilespmem:$0x10000] =	vst v63  }
0x116: {  	s0 =	rddreg [dreg:$0x6]  }
0x117: {  	[tilespmem:s18], [sflag:$0x3] =	stream.linear.gather [hbm4b:s0+s2], $0x4000, $0x38;
	[tilespmem:$0x10000] =	vst v63  }
0x118: {  	s6 =	rddreg [dreg:$0x7]  }
0x119: {  	[tilespmem:s12], [sflag:$0x4] =	stream.linear.gather [hbm4b:s6+s2], $0x4000, $0x38;
	[tilespmem:$0x10000] =	vst v63  }
0x11a: {  	_ =	swait.ge [sflag:s29], $0x4000  }
0x11b: {  	[sflag:s29] =	ssyncset.done $0x0  }
0x11c: {  	s0 =	rddreg [dreg:$0x8];
	[sflag:s29] =	ssyncadd.s32 $0xFFFFC000  }
0x11d: {  	[hbm4b:s0+s2] =	stream.linear.scatter [tilespmem:s2], [sflag:$0x5], $0x4000, $0x38;
	[tilespmem:$0x10000] =	vst v63  }
0x11e: {  	s6 =	rddreg [dreg:$0x9]  }
0x11f: {  	[hbm4b:s6+s2] =	stream.linear.scatter [tilespmem:s2], [sflag:$0x9], $0x4000, $0x38;
	[tilespmem:$0x10000] =	vst v63  }
0x120: {  	_ =	swait.ge [sflag:s26], $0x4000  }
0x121: {  	[sflag:s26] =	ssyncset.done $0x0  }
0x122: {  	s0 =	rddreg [dreg:$0xa];
	[sflag:s26] =	ssyncadd.s32 $0xFFFFC000  }
0x123: {  	[hbm4b:s0+s2] =	stream.linear.scatter [tilespmem:s23], [sflag:$0x6], $0x4000, $0x38;
	[tilespmem:$0x10000] =	vst v63  }
0x124: {  	s6 =	rddreg [dreg:$0xb]  }
0x125: {  	[hbm4b:s6+s2] =	stream.linear.scatter [tilespmem:s23], [sflag:$0xA], $0x4000, $0x38;
	[tilespmem:$0x10000] =	vst v63  }
0x126: {  	_ =	swait.ge [sflag:s24], $0x4000  }
0x127: {  	[sflag:s24] =	ssyncset.done $0x0  }
0x128: {  	s0 =	rddreg [dreg:$0xc];
	[sflag:s24] =	ssyncadd.s32 $0xFFFFC000  }
0x129: {  	[hbm4b:s0+s2] =	stream.linear.scatter [tilespmem:s18], [sflag:$0x7], $0x4000, $0x38;
	[tilespmem:$0x10000] =	vst v63  }
0x12a: {  	s6 =	rddreg [dreg:$0xd]  }
0x12b: {  	[hbm4b:s6+s2] =	stream.linear.scatter [tilespmem:s18], [sflag:$0xB], $0x4000, $0x38;
	[tilespmem:$0x10000] =	vst v63  }
0x12c: {  	_ =	swait.ge [sflag:s21], $0x4000  }
0x12d: {  	[sflag:s21] =	ssyncset.done $0x0  }
0x12e: {  	s0 =	rddreg [dreg:$0xe];
	[sflag:s21] =	ssyncadd.s32 $0xFFFFC000  }
0x12f: {  	[hbm4b:s0+s2] =	stream.linear.scatter [tilespmem:s12], [sflag:$0x8], $0x4000, $0x38;
	[tilespmem:$0x10000] =	vst v63  }
0x130: {  	s6 =	rddreg [dreg:$0xf]  }
0x131: {  	[hbm4b:s6+s2] =	stream.linear.scatter [tilespmem:s12], [sflag:$0xC], $0x4000, $0x38;
	[tilespmem:$0x10000] =	vst v63  }
0x132: {  	_ =	swait.ge [sflag:s17], $0x4000  }
0x133: {  	[sflag:s17] =	ssyncset.done $0x0  }
0x134: {  	[sflag:s17] =	ssyncadd.s32 $0xFFFFC000  }
0x135: {  	_ =	swait.ge [sflag:s13], $0x4000  }
0x136: {  	[sflag:s13] =	ssyncset.done $0x0  }
0x137: {  	s6 =	rddreg [dreg:$0x10];
	[sflag:s13] =	ssyncadd.s32 $0xFFFFC000  }
0x138: {  	[tilespmem:s2], [sflag:$0x1] =	stream.linear.gather [hbm4b:s6+s2], $0x4000, $0x38;
	[tilespmem:$0x10000] =	vst v63  }
0x139: {  	_ =	swait.ge [sflag:s14], $0x4000  }
0x13a: {  	[sflag:s14] =	ssyncset.done $0x0  }
0x13b: {  	[sflag:s14] =	ssyncadd.s32 $0xFFFFC000  }
0x13c: {  	_ =	swait.ge [sflag:s11], $0x4000  }
0x13d: {  	[sflag:s11] =	ssyncset.done $0x0  }
0x13e: {  	s6 =	rddreg [dreg:$0x11];
	[sflag:s11] =	ssyncadd.s32 $0xFFFFC000  }
0x13f: {  	[tilespmem:s23], [sflag:$0x2] =	stream.linear.gather [hbm4b:s6+s2], $0x4000, $0x38;
	[tilespmem:$0x10000] =	vst v63  }
0x140: {  	_ =	swait.ge [sflag:s8], $0x4000  }
0x141: {  	[sflag:s8] =	ssyncset.done $0x0  }
0x142: {  	[sflag:s8] =	ssyncadd.s32 $0xFFFFC000  }
0x143: {  	_ =	swait.ge [sflag:s5], $0x4000  }
0x144: {  	[sflag:s5] =	ssyncset.done $0x0  }
0x145: {  	s6 =	rddreg [dreg:$0x12];
	[sflag:s5] =	ssyncadd.s32 $0xFFFFC000  }
0x146: {  	[tilespmem:s18], [sflag:$0x3] =	stream.linear.gather [hbm4b:s6+s2], $0x4000, $0x38;
	[tilespmem:$0x10000] =	vst v63  }
0x147: {  	_ =	swait.ge [sflag:s4], $0x4000  }
0x148: {  	[sflag:s4] =	ssyncset.done $0x0  }
0x149: {  	[sflag:s4] =	ssyncadd.s32 $0xFFFFC000  }
0x14a: {  	_ =	swait.ge [sflag:s3], $0x4000  }
0x14b: {  	[sflag:s3] =	ssyncset.done $0x0  }
0x14c: {  	s6 =	rddreg [dreg:$0x13];
	[sflag:s3] =	ssyncadd.s32 $0xFFFFC000  }
0x14d: {  	[tilespmem:s12], [sflag:$0x4] =	stream.linear.gather [hbm4b:s6+s2], $0x4000, $0x38;
	[tilespmem:$0x10000] =	vst v63  }
0x14e: {  	_ =	swait.ge [sflag:s29], $0x4000  }
0x14f: {  	[sflag:s29] =	ssyncset.done $0x0  }
0x150: {  	s0 =	rddreg [dreg:$0x14];
	[sflag:s29] =	ssyncadd.s32 $0xFFFFC000  }
0x151: {  	[hbm4b:s0+s2] =	stream.linear.scatter [tilespmem:s2], [sflag:$0x5], $0x4000, $0x38;
	[tilespmem:$0x10000] =	vst v63  }
0x152: {  	s6 =	rddreg [dreg:$0x15]  }
0x153: {  	[hbm4b:s6+s2] =	stream.linear.scatter [tilespmem:s2], [sflag:$0x9], $0x4000, $0x38;
	[tilespmem:$0x10000] =	vst v63  }
0x154: {  	_ =	swait.ge [sflag:s26], $0x4000  }
0x155: {  	[sflag:s26] =	ssyncset.done $0x0  }
0x156: {  	s0 =	rddreg [dreg:$0x16];
	[sflag:s26] =	ssyncadd.s32 $0xFFFFC000  }
0x157: {  	[hbm4b:s0+s2] =	stream.linear.scatter [tilespmem:s23], [sflag:$0x6], $0x4000, $0x38;
	[tilespmem:$0x10000] =	vst v63  }
0x158: {  	s6 =	rddreg [dreg:$0x17]  }
0x159: {  	[hbm4b:s6+s2] =	stream.linear.scatter [tilespmem:s23], [sflag:$0xA], $0x4000, $0x38;
	[tilespmem:$0x10000] =	vst v63  }
0x15a: {  	_ =	swait.ge [sflag:s24], $0x4000  }
0x15b: {  	[sflag:s24] =	ssyncset.done $0x0  }
0x15c: {  	s0 =	rddreg [dreg:$0x18];
	[sflag:s24] =	ssyncadd.s32 $0xFFFFC000  }
0x15d: {  	[hbm4b:s0+s2] =	stream.linear.scatter [tilespmem:s18], [sflag:$0x7], $0x4000, $0x38;
	[tilespmem:$0x10000] =	vst v63  }
0x15e: {  	s6 =	rddreg [dreg:$0x19]  }
0x15f: {  	[hbm4b:s6+s2] =	stream.linear.scatter [tilespmem:s18], [sflag:$0xB], $0x4000, $0x38;
	[tilespmem:$0x10000] =	vst v63  }
0x160: {  	_ =	swait.ge [sflag:s21], $0x4000  }
0x161: {  	[sflag:s21] =	ssyncset.done $0x0  }
0x162: {  	s0 =	rddreg [dreg:$0x1a];
	[sflag:s21] =	ssyncadd.s32 $0xFFFFC000  }
0x163: {  	[hbm4b:s0+s2] =	stream.linear.scatter [tilespmem:s12], [sflag:$0x8], $0x4000, $0x38;
	[tilespmem:$0x10000] =	vst v63  }
0x164: {  	s6 =	rddreg [dreg:$0x1b]  }
0x165: {  	[hbm4b:s6+s2] =	stream.linear.scatter [tilespmem:s12], [sflag:$0xC], $0x4000, $0x38;
	[tilespmem:$0x10000] =	vst v63  }
0x166: {  	_ =	swait.ge [sflag:s17], $0x4000  }
0x167: {  	[sflag:s17] =	ssyncset.done $0x0  }
0x168: {  	[sflag:s17] =	ssyncadd.s32 $0xFFFFC000  }
0x169: {  	_ =	swait.ge [sflag:s13], $0x4000  }
0x16a: {  	[sflag:s13] =	ssyncset.done $0x0  }
0x16b: {  	s6 =	rddreg [dreg:$0x1c];
	[sflag:s13] =	ssyncadd.s32 $0xFFFFC000  }
0x16c: {  	[tilespmem:s2], [sflag:$0x1] =	stream.linear.gather [hbm4b:s6+s2], $0x4000, $0x38;
	[tilespmem:$0x10000] =	vst v63  }
0x16d: {  	_ =	swait.ge [sflag:s14], $0x4000  }
0x16e: {  	[sflag:s14] =	ssyncset.done $0x0  }
0x16f: {  	[sflag:s14] =	ssyncadd.s32 $0xFFFFC000  }
0x170: {  	_ =	swait.ge [sflag:s11], $0x4000  }
0x171: {  	[sflag:s11] =	ssyncset.done $0x0  }
0x172: {  	s6 =	rddreg [dreg:$0x1d];
	[sflag:s11] =	ssyncadd.s32 $0xFFFFC000  }
0x173: {  	[tilespmem:s23], [sflag:$0x2] =	stream.linear.gather [hbm4b:s6+s2], $0x4000, $0x38;
	[tilespmem:$0x10000] =	vst v63  }
0x174: {  	_ =	swait.ge [sflag:s8], $0x4000  }
0x175: {  	[sflag:s8] =	ssyncset.done $0x0  }
0x176: {  	[sflag:s8] =	ssyncadd.s32 $0xFFFFC000  }
0x177: {  	_ =	swait.ge [sflag:s5], $0x4000  }
0x178: {  	[sflag:s5] =	ssyncset.done $0x0  }
0x179: {  	s6 =	rddreg [dreg:$0x1e];
	[sflag:s5] =	ssyncadd.s32 $0xFFFFC000  }
0x17a: {  	[tilespmem:s18], [sflag:$0x3] =	stream.linear.gather [hbm4b:s6+s2], $0x4000, $0x38;
	[tilespmem:$0x10000] =	vst v63  }
0x17b: {  	_ =	swait.ge [sflag:s4], $0x4000  }
0x17c: {  	[sflag:s4] =	ssyncset.done $0x0  }
0x17d: {  	[sflag:s4] =	ssyncadd.s32 $0xFFFFC000  }
0x17e: {  	_ =	swait.ge [sflag:s3], $0x4000  }
0x17f: {  	[sflag:s3] =	ssyncset.done $0x0  }
0x180: {  	s6 =	rddreg [dreg:$0x1f];
	[sflag:s3] =	ssyncadd.s32 $0xFFFFC000  }
0x181: {  	[tilespmem:s12], [sflag:$0x4] =	stream.linear.gather [hbm4b:s6+s2], $0x4000, $0x38;
	[tilespmem:$0x10000] =	vst v63  }
0x182: {  	_ =	swait.ge [sflag:s29], $0x4000  }
0x183: {  	s0 =	sld [smem:$0x7F7]  }
0x184: {  	[sflag:s29] =	ssyncset.done $0x0  }
0x185: {  	s6 =	sld [smem:$0x7F8];
	[sflag:s29] =	ssyncadd.s32 $0xFFFFC000  }
0x186: {  	[hbm4b:s0+s2] =	stream.linear.scatter [tilespmem:s2], [sflag:$0x5], $0x4000, $0x38;
	[tilespmem:$0x10000] =	vst v63  }
0x187: {  	_ = 	snop  }
0x188: {  	[hbm4b:s6+s2] =	stream.linear.scatter [tilespmem:s2], [sflag:$0x9], $0x4000, $0x38;
	[tilespmem:$0x10000] =	vst v63  }
0x189: {  	_ =	swait.ge [sflag:s26], $0x4000  }
0x18a: {  	s0 =	sld [smem:$0x7F9]  }
0x18b: {  	[sflag:s26] =	ssyncset.done $0x0  }
0x18c: {  	s6 =	sld [smem:$0x7FA];
	[sflag:s26] =	ssyncadd.s32 $0xFFFFC000  }
0x18d: {  	[hbm4b:s0+s2] =	stream.linear.scatter [tilespmem:s23], [sflag:$0x6], $0x4000, $0x38;
	[tilespmem:$0x10000] =	vst v63  }
0x18e: {  	_ = 	snop  }
0x18f: {  	[hbm4b:s6+s2] =	stream.linear.scatter [tilespmem:s23], [sflag:$0xA], $0x4000, $0x38;
	[tilespmem:$0x10000] =	vst v63  }
0x190: {  	_ =	swait.ge [sflag:s24], $0x4000  }
0x191: {  	s0 =	sld [smem:$0x7FB]  }
0x192: {  	[sflag:s24] =	ssyncset.done $0x0  }
0x193: {  	s6 =	sld [smem:$0x7FC];
	[sflag:s24] =	ssyncadd.s32 $0xFFFFC000  }
0x194: {  	[hbm4b:s0+s2] =	stream.linear.scatter [tilespmem:s18], [sflag:$0x7], $0x4000, $0x38;
	[tilespmem:$0x10000] =	vst v63  }
0x195: {  	_ = 	snop  }
0x196: {  	[hbm4b:s6+s2] =	stream.linear.scatter [tilespmem:s18], [sflag:$0xB], $0x4000, $0x38;
	[tilespmem:$0x10000] =	vst v63  }
0x197: {  	s6 =	smov.u32 s7;
	s7 =	smov.u32 s9  }
0x198: {  	s9 =	smov.u32 s10;
	s10 =	smov.u32 s15;
	s15 =	smov.u32 s16  }
0x199: {  	s16 =	smov.u32 s19;
	s19 =	smov.u32 s20;
	s20 =	smov.u32 s22  }
0x19a: {  	s22 =	smov.u32 s25;
	s25 =	smov.u32 s28;
	s28 =	smov.u32 s30  }
0x19b: {  	s30 =	smov.u32 s31;
	s31 =	sld [smem:$0x7F6];
	_ =	swait.ge [sflag:s21], $0x4000  }
0x19c: {  	s0 =	sld [smem:$0x7FD]  }
0x19d: {  	[sflag:s21] =	ssyncset.done $0x0  }
0x19e: {  	[sflag:s21] =	ssyncadd.s32 $0xFFFFC000  }
0x19f: {  	[hbm4b:s0+s2] =	stream.linear.scatter [tilespmem:s12], [sflag:$0x8], $0x4000, $0x38;
	[tilespmem:$0x10000] =	vst v63  }
0x1a0: {  	_ = 	snop  }
0x1a1: {  	[hbm4b:s31+s2] =	stream.linear.scatter [tilespmem:s12], [sflag:$0xC], $0x4000, $0x38;
	[tilespmem:$0x10000] =	vst v63  }
0x1a2: {  	_ =	swait.ge [sflag:s17], $0x4000  }
0x1a3: {  	[sflag:s17] =	ssyncset.done $0x0  }
0x1a4: {  	[sflag:s17] =	ssyncadd.s32 $0xFFFFC000  }
0x1a5: {  	_ =	swait.ge [sflag:s13], $0x4000  }
0x1a6: {  	[sflag:s13] =	ssyncset.done $0x0  }
0x1a7: {  	[sflag:s13] =	ssyncadd.s32 $0xFFFFC000  }
0x1a8: {  	[tilespmem:s2], [sflag:$0x1] =	stream.linear.gather [hbm4b:s30+s2], $0x4000, $0x38;
	[tilespmem:$0x10000] =	vst v63  }
0x1a9: {  	_ =	swait.ge [sflag:s14], $0x4000  }
0x1aa: {  	[sflag:s14] =	ssyncset.done $0x0  }
0x1ab: {  	[sflag:s14] =	ssyncadd.s32 $0xFFFFC000  }
0x1ac: {  	_ =	swait.ge [sflag:s11], $0x4000  }
0x1ad: {  	[sflag:s11] =	ssyncset.done $0x0  }
0x1ae: {  	[sflag:s11] =	ssyncadd.s32 $0xFFFFC000  }
0x1af: {  	[tilespmem:s23], [sflag:$0x2] =	stream.linear.gather [hbm4b:s28+s2], $0x4000, $0x38;
	[tilespmem:$0x10000] =	vst v63  }
0x1b0: {  	_ =	swait.ge [sflag:s8], $0x4000  }
0x1b1: {  	[sflag:s8] =	ssyncset.done $0x0  }
0x1b2: {  	[sflag:s8] =	ssyncadd.s32 $0xFFFFC000  }
0x1b3: {  	_ =	swait.ge [sflag:s5], $0x4000  }
0x1b4: {  	[sflag:s5] =	ssyncset.done $0x0  }
0x1b5: {  	[sflag:s5] =	ssyncadd.s32 $0xFFFFC000  }
0x1b6: {  	[tilespmem:s18], [sflag:$0x3] =	stream.linear.gather [hbm4b:s25+s2], $0x4000, $0x38;
	[tilespmem:$0x10000] =	vst v63  }
0x1b7: {  	_ =	swait.ge [sflag:s4], $0x4000  }
0x1b8: {  	[sflag:s4] =	ssyncset.done $0x0  }
0x1b9: {  	[sflag:s4] =	ssyncadd.s32 $0xFFFFC000  }
0x1ba: {  	_ =	swait.ge [sflag:s3], $0x4000  }
0x1bb: {  	[sflag:s3] =	ssyncset.done $0x0  }
0x1bc: {  	[sflag:s3] =	ssyncadd.s32 $0xFFFFC000  }
0x1bd: {  	[tilespmem:s12], [sflag:$0x4] =	stream.linear.gather [hbm4b:s22+s2], $0x4000, $0x38;
	[tilespmem:$0x10000] =	vst v63  }
0x1be: {  	_ =	swait.ge [sflag:s29], $0x4000  }
0x1bf: {  	[sflag:s29] =	ssyncset.done $0x0  }
0x1c0: {  	[sflag:s29] =	ssyncadd.s32 $0xFFFFC000  }
0x1c1: {  	[hbm4b:s19+s2] =	stream.linear.scatter [tilespmem:s2], [sflag:$0x5], $0x4000, $0x38;
	[tilespmem:$0x10000] =	vst v63  }
0x1c2: {  	_ = 	snop  }
0x1c3: {  	[hbm4b:s20+s2] =	stream.linear.scatter [tilespmem:s2], [sflag:$0x9], $0x4000, $0x38;
	[tilespmem:$0x10000] =	vst v63  }
0x1c4: {  	_ =	swait.ge [sflag:s26], $0x4000  }
0x1c5: {  	[sflag:s26] =	ssyncset.done $0x0  }
0x1c6: {  	[sflag:s26] =	ssyncadd.s32 $0xFFFFC000  }
0x1c7: {  	[hbm4b:s15+s2] =	stream.linear.scatter [tilespmem:s23], [sflag:$0x6], $0x4000, $0x38;
	[tilespmem:$0x10000] =	vst v63  }
0x1c8: {  	_ = 	snop  }
0x1c9: {  	[hbm4b:s16+s2] =	stream.linear.scatter [tilespmem:s23], [sflag:$0xA], $0x4000, $0x38;
	[tilespmem:$0x10000] =	vst v63  }
0x1ca: {  	_ =	swait.ge [sflag:s24], $0x4000  }
0x1cb: {  	[sflag:s24] =	ssyncset.done $0x0  }
0x1cc: {  	[sflag:s24] =	ssyncadd.s32 $0xFFFFC000  }
0x1cd: {  	[hbm4b:s9+s2] =	stream.linear.scatter [tilespmem:s18], [sflag:$0x7], $0x4000, $0x38;
	[tilespmem:$0x10000] =	vst v63  }
0x1ce: {  	_ = 	snop  }
0x1cf: {  	[hbm4b:s10+s2] =	stream.linear.scatter [tilespmem:s18], [sflag:$0xB], $0x4000, $0x38;
	[tilespmem:$0x10000] =	vst v63  }
0x1d0: {  	_ =	swait.ge [sflag:s21], $0x4000  }
0x1d1: {  	[sflag:s21] =	ssyncset.done $0x0  }
0x1d2: {  	[sflag:s21] =	ssyncadd.s32 $0xFFFFC000  }
0x1d3: {  	[hbm4b:s6+s2] =	stream.linear.scatter [tilespmem:s12], [sflag:$0x8], $0x4000, $0x38;
	[tilespmem:$0x10000] =	vst v63  }
0x1d4: {  	_ = 	snop  }
0x1d5: {  	[hbm4b:s7+s2] =	stream.linear.scatter [tilespmem:s12], [sflag:$0xC], $0x4000, $0x38;
	[tilespmem:$0x10000] =	vst v63  }
0x1d6: {  	_ =	swait.ge [sflag:s17], $0x4000  }
0x1d7: {  	[sflag:s17] =	ssyncset.done $0x0  }
0x1d8: {  	[sflag:s17] =	ssyncadd.s32 $0xFFFFC000  }
0x1d9: {  	_ =	swait.ge [sflag:s13], $0x4000  }
0x1da: {  	[sflag:s13] =	ssyncset.done $0x0  }
0x1db: {  	[sflag:s13] =	ssyncadd.s32 $0xFFFFC000  }
0x1dc: {  	_ =	swait.ge [sflag:s14], $0x4000  }
0x1dd: {  	[sflag:s14] =	ssyncset.done $0x0  }
0x1de: {  	[sflag:s14] =	ssyncadd.s32 $0xFFFFC000  }
0x1df: {  	_ =	swait.ge [sflag:s11], $0x4000  }
0x1e0: {  	[sflag:s11] =	ssyncset.done $0x0  }
0x1e1: {  	[sflag:s11] =	ssyncadd.s32 $0xFFFFC000  }
0x1e2: {  	_ =	swait.ge [sflag:s8], $0x4000  }
0x1e3: {  	[sflag:s8] =	ssyncset.done $0x0  }
0x1e4: {  	[sflag:s8] =	ssyncadd.s32 $0xFFFFC000  }
0x1e5: {  	_ =	swait.ge [sflag:s5], $0x4000  }
0x1e6: {  	[sflag:s5] =	ssyncset.done $0x0  }
0x1e7: {  	p1 =	sne.s32 s1, $0x1;
	[sflag:s5] =	ssyncadd.s32 $0xFFFFC000  }
.Ltmp2:
0x1e8: {  	_ =	swait.ge [sflag:s4], $0x4000;
	(pc) =	sbr.rel @p1 .LBB2_2-.Ltmp2, $4  }
0x1e9: {  	[sflag:s4] =	ssyncset.done $0x0  }
0x1ea: {  	[sflag:s4] =	ssyncadd.s32 $0xFFFFC000  }
0x1eb: {  	_ =	swait.ge [sflag:s3], $0x4000  }
0x1ec: {  	s1 =	sadd.s32 $0xFFFFFFFF, s1;
	s0 =	rddreg [dreg:$0x4];
	[sflag:s3] =	ssyncset.done $0x0  }
.LBB2_3:
0x1ed: {  	[sflag:s3] =	ssyncadd.s32 @p0 $0xFFFFC000  }
0x1ee: {  	[tilespmem:s2], [sflag:$0x1] =	stream.linear.gather [hbm4b:s0+s2], $0x4000, $0x38;
	[tilespmem:$0x10000] =	vst v63  }
0x1ef: {  	s1 =	rddreg [dreg:$0x5]  }
0x1f0: {  	[tilespmem:s23], [sflag:$0x2] =	stream.linear.gather [hbm4b:s1+s2], $0x4000, $0x38;
	[tilespmem:$0x10000] =	vst v63  }
0x1f1: {  	s0 =	rddreg [dreg:$0x6]  }
0x1f2: {  	[tilespmem:s18], [sflag:$0x3] =	stream.linear.gather [hbm4b:s0+s2], $0x4000, $0x38;
	[tilespmem:$0x10000] =	vst v63  }
0x1f3: {  	s1 =	rddreg [dreg:$0x7]  }
0x1f4: {  	[tilespmem:s12], [sflag:$0x4] =	stream.linear.gather [hbm4b:s1+s2], $0x4000, $0x38;
	[tilespmem:$0x10000] =	vst v63  }
0x1f5: {  	_ =	swait.ge [sflag:s29], $0x4000  }
0x1f6: {  	[sflag:s29] =	ssyncset.done $0x0  }
0x1f7: {  	s0 =	rddreg [dreg:$0x8];
	[sflag:s29] =	ssyncadd.s32 $0xFFFFC000  }
0x1f8: {  	[hbm4b:s0+s2] =	stream.linear.scatter [tilespmem:s2], [sflag:$0x5], $0x4000, $0x38;
	[tilespmem:$0x10000] =	vst v63  }
0x1f9: {  	s1 =	rddreg [dreg:$0x9]  }
0x1fa: {  	[hbm4b:s1+s2] =	stream.linear.scatter [tilespmem:s2], [sflag:$0x9], $0x4000, $0x38;
	[tilespmem:$0x10000] =	vst v63  }
0x1fb: {  	_ =	swait.ge [sflag:s26], $0x4000  }
0x1fc: {  	[sflag:s26] =	ssyncset.done $0x0  }
0x1fd: {  	s0 =	rddreg [dreg:$0xa];
	[sflag:s26] =	ssyncadd.s32 $0xFFFFC000  }
0x1fe: {  	[hbm4b:s0+s2] =	stream.linear.scatter [tilespmem:s23], [sflag:$0x6], $0x4000, $0x38;
	[tilespmem:$0x10000] =	vst v63  }
0x1ff: {  	s1 =	rddreg [dreg:$0xb]  }
0x200: {  	[hbm4b:s1+s2] =	stream.linear.scatter [tilespmem:s23], [sflag:$0xA], $0x4000, $0x38;
	[tilespmem:$0x10000] =	vst v63  }
0x201: {  	_ =	swait.ge [sflag:s24], $0x4000  }
0x202: {  	[sflag:s24] =	ssyncset.done $0x0  }
0x203: {  	s0 =	rddreg [dreg:$0xc];
	[sflag:s24] =	ssyncadd.s32 $0xFFFFC000  }
0x204: {  	[hbm4b:s0+s2] =	stream.linear.scatter [tilespmem:s18], [sflag:$0x7], $0x4000, $0x38;
	[tilespmem:$0x10000] =	vst v63  }
0x205: {  	s1 =	rddreg [dreg:$0xd]  }
0x206: {  	[hbm4b:s1+s2] =	stream.linear.scatter [tilespmem:s18], [sflag:$0xB], $0x4000, $0x38;
	[tilespmem:$0x10000] =	vst v63  }
0x207: {  	_ =	swait.ge [sflag:s21], $0x4000  }
0x208: {  	[sflag:s21] =	ssyncset.done $0x0  }
0x209: {  	s0 =	rddreg [dreg:$0xe];
	[sflag:s21] =	ssyncadd.s32 $0xFFFFC000  }
0x20a: {  	[hbm4b:s0+s2] =	stream.linear.scatter [tilespmem:s12], [sflag:$0x8], $0x4000, $0x38;
	[tilespmem:$0x10000] =	vst v63  }
0x20b: {  	s1 =	rddreg [dreg:$0xf]  }
0x20c: {  	[hbm4b:s1+s2] =	stream.linear.scatter [tilespmem:s12], [sflag:$0xC], $0x4000, $0x38;
	[tilespmem:$0x10000] =	vst v63  }
0x20d: {  	_ =	swait.ge [sflag:s17], $0x4000  }
0x20e: {  	[sflag:s17] =	ssyncset.done $0x0  }
0x20f: {  	[sflag:s17] =	ssyncadd.s32 $0xFFFFC000  }
0x210: {  	_ =	swait.ge [sflag:s13], $0x4000  }
0x211: {  	[sflag:s13] =	ssyncset.done $0x0  }
0x212: {  	s1 =	rddreg [dreg:$0x10];
	[sflag:s13] =	ssyncadd.s32 $0xFFFFC000  }
0x213: {  	[tilespmem:s2], [sflag:$0x1] =	stream.linear.gather [hbm4b:s1+s2], $0x4000, $0x38;
	[tilespmem:$0x10000] =	vst v63  }
0x214: {  	_ =	swait.ge [sflag:s14], $0x4000  }
0x215: {  	[sflag:s14] =	ssyncset.done $0x0  }
0x216: {  	[sflag:s14] =	ssyncadd.s32 $0xFFFFC000  }
0x217: {  	_ =	swait.ge [sflag:s11], $0x4000  }
0x218: {  	[sflag:s11] =	ssyncset.done $0x0  }
0x219: {  	s1 =	rddreg [dreg:$0x11];
	[sflag:s11] =	ssyncadd.s32 $0xFFFFC000  }
0x21a: {  	[tilespmem:s23], [sflag:$0x2] =	stream.linear.gather [hbm4b:s1+s2], $0x4000, $0x38;
	[tilespmem:$0x10000] =	vst v63  }
0x21b: {  	_ =	swait.ge [sflag:s8], $0x4000  }
0x21c: {  	[sflag:s8] =	ssyncset.done $0x0  }
0x21d: {  	[sflag:s8] =	ssyncadd.s32 $0xFFFFC000  }
0x21e: {  	_ =	swait.ge [sflag:s5], $0x4000  }
0x21f: {  	[sflag:s5] =	ssyncset.done $0x0  }
0x220: {  	s1 =	rddreg [dreg:$0x12];
	[sflag:s5] =	ssyncadd.s32 $0xFFFFC000  }
0x221: {  	[tilespmem:s18], [sflag:$0x3] =	stream.linear.gather [hbm4b:s1+s2], $0x4000, $0x38;
	[tilespmem:$0x10000] =	vst v63  }
0x222: {  	_ =	swait.ge [sflag:s4], $0x4000  }
0x223: {  	[sflag:s4] =	ssyncset.done $0x0  }
0x224: {  	[sflag:s4] =	ssyncadd.s32 $0xFFFFC000  }
0x225: {  	_ =	swait.ge [sflag:s3], $0x4000  }
0x226: {  	[sflag:s3] =	ssyncset.done $0x0  }
0x227: {  	s1 =	rddreg [dreg:$0x13];
	[sflag:s3] =	ssyncadd.s32 $0xFFFFC000  }
0x228: {  	[tilespmem:s12], [sflag:$0x4] =	stream.linear.gather [hbm4b:s1+s2], $0x4000, $0x38;
	[tilespmem:$0x10000] =	vst v63  }
0x229: {  	_ =	swait.ge [sflag:s29], $0x4000  }
0x22a: {  	[sflag:s29] =	ssyncset.done $0x0  }
0x22b: {  	s0 =	rddreg [dreg:$0x14];
	[sflag:s29] =	ssyncadd.s32 $0xFFFFC000  }
0x22c: {  	[hbm4b:s0+s2] =	stream.linear.scatter [tilespmem:s2], [sflag:$0x5], $0x4000, $0x38;
	[tilespmem:$0x10000] =	vst v63  }
0x22d: {  	s1 =	rddreg [dreg:$0x15]  }
0x22e: {  	[hbm4b:s1+s2] =	stream.linear.scatter [tilespmem:s2], [sflag:$0x9], $0x4000, $0x38;
	[tilespmem:$0x10000] =	vst v63  }
0x22f: {  	_ =	swait.ge [sflag:s26], $0x4000  }
0x230: {  	[sflag:s26] =	ssyncset.done $0x0  }
0x231: {  	s0 =	rddreg [dreg:$0x16];
	[sflag:s26] =	ssyncadd.s32 $0xFFFFC000  }
0x232: {  	[hbm4b:s0+s2] =	stream.linear.scatter [tilespmem:s23], [sflag:$0x6], $0x4000, $0x38;
	[tilespmem:$0x10000] =	vst v63  }
0x233: {  	s1 =	rddreg [dreg:$0x17]  }
0x234: {  	[hbm4b:s1+s2] =	stream.linear.scatter [tilespmem:s23], [sflag:$0xA], $0x4000, $0x38;
	[tilespmem:$0x10000] =	vst v63  }
0x235: {  	_ =	swait.ge [sflag:s24], $0x4000  }
0x236: {  	[sflag:s24] =	ssyncset.done $0x0  }
0x237: {  	s0 =	rddreg [dreg:$0x18];
	[sflag:s24] =	ssyncadd.s32 $0xFFFFC000  }
0x238: {  	[hbm4b:s0+s2] =	stream.linear.scatter [tilespmem:s18], [sflag:$0x7], $0x4000, $0x38;
	[tilespmem:$0x10000] =	vst v63  }
0x239: {  	s1 =	rddreg [dreg:$0x19]  }
0x23a: {  	[hbm4b:s1+s2] =	stream.linear.scatter [tilespmem:s18], [sflag:$0xB], $0x4000, $0x38;
	[tilespmem:$0x10000] =	vst v63  }
0x23b: {  	_ =	swait.ge [sflag:s21], $0x4000  }
0x23c: {  	[sflag:s21] =	ssyncset.done $0x0  }
0x23d: {  	s0 =	rddreg [dreg:$0x1a];
	[sflag:s21] =	ssyncadd.s32 $0xFFFFC000  }
0x23e: {  	[hbm4b:s0+s2] =	stream.linear.scatter [tilespmem:s12], [sflag:$0x8], $0x4000, $0x38;
	[tilespmem:$0x10000] =	vst v63  }
0x23f: {  	s1 =	rddreg [dreg:$0x1b]  }
0x240: {  	[hbm4b:s1+s2] =	stream.linear.scatter [tilespmem:s12], [sflag:$0xC], $0x4000, $0x38;
	[tilespmem:$0x10000] =	vst v63  }
0x241: {  	_ =	swait.ge [sflag:s17], $0x4000  }
0x242: {  	[sflag:s17] =	ssyncset.done $0x0  }
0x243: {  	[sflag:s17] =	ssyncadd.s32 $0xFFFFC000  }
0x244: {  	_ =	swait.ge [sflag:s13], $0x4000  }
0x245: {  	[sflag:s13] =	ssyncset.done $0x0  }
0x246: {  	s1 =	rddreg [dreg:$0x1c];
	[sflag:s13] =	ssyncadd.s32 $0xFFFFC000  }
0x247: {  	[tilespmem:s2], [sflag:$0x1] =	stream.linear.gather [hbm4b:s1+s2], $0x4000, $0x38;
	[tilespmem:$0x10000] =	vst v63  }
0x248: {  	_ =	swait.ge [sflag:s14], $0x4000  }
0x249: {  	[sflag:s14] =	ssyncset.done $0x0  }
0x24a: {  	[sflag:s14] =	ssyncadd.s32 $0xFFFFC000  }
0x24b: {  	_ =	swait.ge [sflag:s11], $0x4000  }
0x24c: {  	[sflag:s11] =	ssyncset.done $0x0  }
0x24d: {  	s1 =	rddreg [dreg:$0x1d];
	[sflag:s11] =	ssyncadd.s32 $0xFFFFC000  }
0x24e: {  	[tilespmem:s23], [sflag:$0x2] =	stream.linear.gather [hbm4b:s1+s2], $0x4000, $0x38;
	[tilespmem:$0x10000] =	vst v63  }
0x24f: {  	_ =	swait.ge [sflag:s8], $0x4000  }
0x250: {  	[sflag:s8] =	ssyncset.done $0x0  }
0x251: {  	[sflag:s8] =	ssyncadd.s32 $0xFFFFC000  }
0x252: {  	_ =	swait.ge [sflag:s5], $0x4000  }
0x253: {  	[sflag:s5] =	ssyncset.done $0x0  }
0x254: {  	s1 =	rddreg [dreg:$0x1e];
	[sflag:s5] =	ssyncadd.s32 $0xFFFFC000  }
0x255: {  	[tilespmem:s18], [sflag:$0x3] =	stream.linear.gather [hbm4b:s1+s2], $0x4000, $0x38;
	[tilespmem:$0x10000] =	vst v63  }
0x256: {  	_ =	swait.ge [sflag:s4], $0x4000  }
0x257: {  	[sflag:s4] =	ssyncset.done $0x0  }
0x258: {  	[sflag:s4] =	ssyncadd.s32 $0xFFFFC000  }
0x259: {  	_ =	swait.ge [sflag:s3], $0x4000  }
0x25a: {  	[sflag:s3] =	ssyncset.done $0x0  }
0x25b: {  	s1 =	rddreg [dreg:$0x1f];
	[sflag:s3] =	ssyncadd.s32 $0xFFFFC000  }
0x25c: {  	[tilespmem:s12], [sflag:$0x4] =	stream.linear.gather [hbm4b:s1+s2], $0x4000, $0x38;
	[tilespmem:$0x10000] =	vst v63  }
0x25d: {  	_ =	swait.ge [sflag:s29], $0x4000  }
0x25e: {  	s0 =	sld [smem:$0x7F7]  }
0x25f: {  	[sflag:s29] =	ssyncset.done $0x0  }
0x260: {  	s1 =	sld [smem:$0x7F8];
	[sflag:s29] =	ssyncadd.s32 $0xFFFFC000  }
0x261: {  	[hbm4b:s0+s2] =	stream.linear.scatter [tilespmem:s2], [sflag:$0x5], $0x4000, $0x38;
	[tilespmem:$0x10000] =	vst v63  }
0x262: {  	_ = 	snop  }
0x263: {  	[hbm4b:s1+s2] =	stream.linear.scatter [tilespmem:s2], [sflag:$0x9], $0x4000, $0x38;
	[tilespmem:$0x10000] =	vst v63  }
0x264: {  	_ =	swait.ge [sflag:s26], $0x4000  }
0x265: {  	s0 =	sld [smem:$0x7F9]  }
0x266: {  	[sflag:s26] =	ssyncset.done $0x0  }
0x267: {  	s1 =	sld [smem:$0x7FA];
	[sflag:s26] =	ssyncadd.s32 $0xFFFFC000  }
0x268: {  	[hbm4b:s0+s2] =	stream.linear.scatter [tilespmem:s23], [sflag:$0x6], $0x4000, $0x38;
	[tilespmem:$0x10000] =	vst v63  }
0x269: {  	_ = 	snop  }
0x26a: {  	[hbm4b:s1+s2] =	stream.linear.scatter [tilespmem:s23], [sflag:$0xA], $0x4000, $0x38;
	[tilespmem:$0x10000] =	vst v63  }
0x26b: {  	_ =	swait.ge [sflag:s24], $0x4000  }
0x26c: {  	s0 =	sld [smem:$0x7FB]  }
0x26d: {  	[sflag:s24] =	ssyncset.done $0x0  }
0x26e: {  	s1 =	sld [smem:$0x7FC];
	[sflag:s24] =	ssyncadd.s32 $0xFFFFC000  }
0x26f: {  	[hbm4b:s0+s2] =	stream.linear.scatter [tilespmem:s18], [sflag:$0x7], $0x4000, $0x38;
	[tilespmem:$0x10000] =	vst v63  }
0x270: {  	_ = 	snop  }
0x271: {  	[hbm4b:s1+s2] =	stream.linear.scatter [tilespmem:s18], [sflag:$0xB], $0x4000, $0x38;
	[tilespmem:$0x10000] =	vst v63  }
0x272: {  	_ =	swait.ge [sflag:s21], $0x4000  }
0x273: {  	s1 =	sld [smem:$0x7FD]  }
0x274: {  	[sflag:s21] =	ssyncset.done $0x0  }
0x275: {  	[sflag:s21] =	ssyncadd.s32 $0xFFFFC000  }
0x276: {  	[hbm4b:s1+s2] =	stream.linear.scatter [tilespmem:s12], [sflag:$0x8], $0x4000, $0x38;
	[tilespmem:$0x10000] =	vst v63  }
0x277: {  	_ = 	snop  }
0x278: {  	[hbm4b:s31+s2] =	stream.linear.scatter [tilespmem:s12], [sflag:$0xC], $0x4000, $0x38;
	[tilespmem:$0x10000] =	vst v63  }
0x279: {  	_ =	swait.ge [sflag:s17], $0x4000  }
0x27a: {  	[sflag:s17] =	ssyncset.done $0x0  }
0x27b: {  	[sflag:s17] =	ssyncadd.s32 $0xFFFFC000  }
0x27c: {  	_ =	swait.ge [sflag:s13], $0x4000  }
0x27d: {  	[sflag:s13] =	ssyncset.done $0x0  }
0x27e: {  	[sflag:s13] =	ssyncadd.s32 $0xFFFFC000  }
0x27f: {  	[tilespmem:s2], [sflag:$0x1] =	stream.linear.gather [hbm4b:s30+s2], $0x4000, $0x38;
	[tilespmem:$0x10000] =	vst v63  }
0x280: {  	_ =	swait.ge [sflag:s14], $0x4000  }
0x281: {  	[sflag:s14] =	ssyncset.done $0x0  }
0x282: {  	[sflag:s14] =	ssyncadd.s32 $0xFFFFC000  }
0x283: {  	_ =	swait.ge [sflag:s11], $0x4000  }
0x284: {  	[sflag:s11] =	ssyncset.done $0x0  }
0x285: {  	[sflag:s11] =	ssyncadd.s32 $0xFFFFC000  }
0x286: {  	[tilespmem:s23], [sflag:$0x2] =	stream.linear.gather [hbm4b:s28+s2], $0x4000, $0x38;
	[tilespmem:$0x10000] =	vst v63  }
0x287: {  	_ =	swait.ge [sflag:s8], $0x4000  }
0x288: {  	[sflag:s8] =	ssyncset.done $0x0  }
0x289: {  	[sflag:s8] =	ssyncadd.s32 $0xFFFFC000  }
0x28a: {  	_ =	swait.ge [sflag:s5], $0x4000  }
0x28b: {  	[sflag:s5] =	ssyncset.done $0x0  }
0x28c: {  	[sflag:s5] =	ssyncadd.s32 $0xFFFFC000  }
0x28d: {  	[tilespmem:s18], [sflag:$0x3] =	stream.linear.gather [hbm4b:s25+s2], $0x4000, $0x38;
	[tilespmem:$0x10000] =	vst v63  }
0x28e: {  	_ =	swait.ge [sflag:s4], $0x4000  }
0x28f: {  	[sflag:s4] =	ssyncset.done $0x0  }
0x290: {  	[sflag:s4] =	ssyncadd.s32 $0xFFFFC000  }
0x291: {  	_ =	swait.ge [sflag:s3], $0x4000  }
0x292: {  	[sflag:s3] =	ssyncset.done $0x0  }
0x293: {  	[sflag:s3] =	ssyncadd.s32 $0xFFFFC000  }
0x294: {  	[tilespmem:s12], [sflag:$0x4] =	stream.linear.gather [hbm4b:s22+s2], $0x4000, $0x38;
	[tilespmem:$0x10000] =	vst v63  }
0x295: {  	_ =	swait.ge [sflag:s29], $0x4000  }
0x296: {  	[sflag:s29] =	ssyncset.done $0x0  }
0x297: {  	[sflag:s29] =	ssyncadd.s32 $0xFFFFC000  }
0x298: {  	[hbm4b:s19+s2] =	stream.linear.scatter [tilespmem:s2], [sflag:$0x5], $0x4000, $0x38;
	[tilespmem:$0x10000] =	vst v63  }
0x299: {  	_ = 	snop  }
0x29a: {  	[hbm4b:s20+s2] =	stream.linear.scatter [tilespmem:s2], [sflag:$0x9], $0x4000, $0x38;
	[tilespmem:$0x10000] =	vst v63  }
0x29b: {  	_ =	swait.ge [sflag:s26], $0x4000  }
0x29c: {  	[sflag:s26] =	ssyncset.done $0x0  }
0x29d: {  	[sflag:s26] =	ssyncadd.s32 $0xFFFFC000  }
0x29e: {  	[hbm4b:s15+s2] =	stream.linear.scatter [tilespmem:s23], [sflag:$0x6], $0x4000, $0x38;
	[tilespmem:$0x10000] =	vst v63  }
0x29f: {  	_ = 	snop  }
0x2a0: {  	[hbm4b:s16+s2] =	stream.linear.scatter [tilespmem:s23], [sflag:$0xA], $0x4000, $0x38;
	[tilespmem:$0x10000] =	vst v63  }
0x2a1: {  	_ =	swait.ge [sflag:s24], $0x4000  }
0x2a2: {  	[sflag:s24] =	ssyncset.done $0x0  }
0x2a3: {  	[sflag:s24] =	ssyncadd.s32 $0xFFFFC000  }
0x2a4: {  	[hbm4b:s9+s2] =	stream.linear.scatter [tilespmem:s18], [sflag:$0x7], $0x4000, $0x38;
	[tilespmem:$0x10000] =	vst v63  }
0x2a5: {  	_ = 	snop  }
0x2a6: {  	[hbm4b:s10+s2] =	stream.linear.scatter [tilespmem:s18], [sflag:$0xB], $0x4000, $0x38;
	[tilespmem:$0x10000] =	vst v63  }
0x2a7: {  	_ =	swait.ge [sflag:s21], $0x4000  }
0x2a8: {  	[sflag:s21] =	ssyncset.done $0x0  }
0x2a9: {  	[sflag:s21] =	ssyncadd.s32 $0xFFFFC000  }
0x2aa: {  	[hbm4b:s6+s2] =	stream.linear.scatter [tilespmem:s12], [sflag:$0x8], $0x4000, $0x38;
	[tilespmem:$0x10000] =	vst v63  }
0x2ab: {  	_ = 	snop  }
0x2ac: {  	[hbm4b:s7+s2] =	stream.linear.scatter [tilespmem:s12], [sflag:$0xC], $0x4000, $0x38;
	[tilespmem:$0x10000] =	vst v63  }
0x2ad: {  	_ =	swait.ge [sflag:s17], $0x4000  }
0x2ae: {  	[sflag:s17] =	ssyncset.done $0x0  }
0x2af: {  	[sflag:s17] =	ssyncadd.s32 $0xFFFFC000  }
0x2b0: {  	_ =	swait.ge [sflag:s13], $0x4000  }
0x2b1: {  	[sflag:s13] =	ssyncset.done $0x0  }
0x2b2: {  	[sflag:s13] =	ssyncadd.s32 $0xFFFFC000  }
0x2b3: {  	_ =	swait.ge [sflag:s14], $0x4000  }
0x2b4: {  	[sflag:s14] =	ssyncset.done $0x0  }
0x2b5: {  	[sflag:s14] =	ssyncadd.s32 $0xFFFFC000  }
0x2b6: {  	_ =	swait.ge [sflag:s11], $0x4000  }
0x2b7: {  	[sflag:s11] =	ssyncset.done $0x0  }
0x2b8: {  	[sflag:s11] =	ssyncadd.s32 $0xFFFFC000  }
0x2b9: {  	_ =	swait.ge [sflag:s8], $0x4000  }
0x2ba: {  	[sflag:s8] =	ssyncset.done $0x0  }
0x2bb: {  	[sflag:s8] =	ssyncadd.s32 $0xFFFFC000  }
0x2bc: {  	_ =	swait.ge [sflag:s5], $0x4000  }
0x2bd: {  	[sflag:s5] =	ssyncset.done $0x0  }
0x2be: {  	[sflag:s5] =	ssyncadd.s32 $0xFFFFC000  }
0x2bf: {  	_ =	swait.ge [sflag:s4], $0x4000  }
0x2c0: {  	[sflag:s4] =	ssyncset.done $0x0  }
0x2c1: {  	[sflag:s4] =	ssyncadd.s32 $0xFFFFC000  }
0x2c2: {  	_ =	swait.ge [sflag:s3], $0x4000  }
0x2c3: {  	[sflag:s3] =	ssyncset.done $0x0  }
0x2c4: {  	[sflag:s3] =	ssyncadd.s32 $0xFFFFC000  }
0x2c5: {  	_ =	sfence.sel $0x180000  }
0x2c6: {  	[bflag:$0x0] =	sbarrier.arrive $0xFFFF  }
0x2c7: {  	_ =	strace $0x90000047  }
0x2c8: {  	s31 =	stileid.u32;
	[bflag:$0x2] =	sbarrier.arrive $0xFFFF  }
0x2c9: {  	p0 =	sne.s32 s31, $0x0;
	s0 =	rddreg [dreg:$0x3]  }
0x2ca: {  	s0 =	sadd.s32 @!p0 $0x100000, s0  }
0x2cb: {  	[sflag:s0] =	ssyncadd.tile.s32 @!p0 $0x1;
	_ =	shalt  }
.Lfunc_end2:
_tile_overlayer_lowered:
.L_overlay_start_2:
0x2cc: {  	(tag) =	ssettag $0x2  }
0x2cd: {  	s0 =	rddreg [dreg:$0x0];
	s2 =	stileid.u32  }
0x2ce: {  	s1 =	rddreg [dreg:$0x1];
	p0 =	sne.s32 s2, $0x0  }
0x2cf: {  	s3 =	rddreg [dreg:$0x2];
	[bflag:$0x3] =	sbarrier.arrive $0xFFFF;
	s2 =	simm.s32 @!p0 $0x1C0D  }
0x2d0: {  	[timem:s3], [sflag:s2] =	dma.local @!p0 [hbm:s0], s1  }
0x2d1: {  	s0 =	simm.s32 @!p0 $0xD  }
0x2d2: {  	_ =	swait.ge @!p0 [sflag:s0], s1  }
0x2d3: {  	s1 =	ssub.s32 @!p0 $0x0, s1;
	[sflag:s0] =	ssyncset.done @!p0 $0x0  }
0x2d4: {  	[sflag:s0] =	ssyncadd.s32 @!p0 s1  }
0x2d5: {  	[bflag:$0x3] =	sbarrier.arrive $0xFFFF  }
0x2d6: {  	_ =	shalt  }

</sc_bundles>
